<compile_context>
chip_gen: v7x
topology: tpu7x:2x2x1
jax: 0.10.2.dev20260603
libtpu: 0.0.44.dev20260713+nightly
codegen_flags: <defaults>
</compile_context>

<pallas_src>
import functools

import jax
import jax.numpy as jnp
from jax import lax
from jax.experimental import pallas as pl
from jax.experimental.pallas import tpu as pltpu
from jax.experimental.pallas import tpu_sc as plsc

N = 10000
D = 256
H = 256
HH = H // 2
E = 160000

NCORE = 2
NSUB = 16
E_B = 125
KB = 80
E_PAD = NSUB * KB * E_B
TOT_B = E_PAD // E_B

Z_ROWS = 632
N_PAD = NSUB * Z_ROWS
CB = 8
NCHUNK = KB // CB

BN = 2000


@functools.cache
def _make_seg_sum():
    mesh = plsc.VectorSubcoreMesh(
        core_axis_name="c", subcore_axis_name="s",
        num_cores=NCORE, num_subcores=NSUB,
    )

    @functools.partial(
        pl.kernel,
        out_type=jax.ShapeDtypeStruct((NCORE, N_PAD, HH), jnp.float32),
        mesh=mesh,
        scratch_types=[
            pltpu.VMEM((CB, E_B), jnp.int32),
            pltpu.VMEM((CB, E_B), jnp.int32),
            pltpu.VMEM((CB, E_B), jnp.int32),
            pltpu.VMEM((CB, E_B), jnp.int32),
            pltpu.VMEM((E_B, HH), jnp.float32),
            pltpu.VMEM((E_B, HH), jnp.float32),
            pltpu.VMEM_SHARED((N_PAD, HH), jnp.float32),
            pltpu.SemaphoreType.DMA,
            pltpu.SemaphoreType.DMA,
            pltpu.SemaphoreType.DMA,
        ],
    )
    def _seg_sum(src_hbm, dst_hbm, h_hbm, zeros_hbm, out_hbm,
                 src0, src1, dst0, dst1, rows_a, rows_b, agg_sh,
                 sem_a, sem_b, sem_i):
        c = lax.axis_index("c")
        s = lax.axis_index("s")
        pltpu.sync_copy(zeros_hbm, agg_sh.at[pl.ds(s * Z_ROWS, Z_ROWS)])
        pltpu.sync_copy(src_hbm.at[pl.ds(s * KB, CB)], src0)
        pltpu.sync_copy(dst_hbm.at[pl.ds(s * KB, CB)], dst0)
        plsc.subcore_barrier()

        pltpu.async_copy(h_hbm.at[c].at[src0.at[0]], rows_a, sem_a)
        pltpu.async_copy(h_hbm.at[c].at[src0.at[1]], rows_b, sem_b)

        rows = (rows_a, rows_b)
        sems = (sem_a, sem_b)

        def do_chunk(k, src_c, dst_c, src_n, dst_n, prefetch):
            @pl.when(prefetch)
            def _():
                base = (k + 1) * CB + s * KB
                pltpu.async_copy(src_hbm.at[pl.ds(base, CB)], src_n, sem_i)
                pltpu.async_copy(dst_hbm.at[pl.ds(base, CB)], dst_n, sem_i)

            for j in range(CB):
                rj, sj = rows[j % 2], sems[j % 2]
                pltpu.make_async_copy(h_hbm.at[c].at[src_c.at[j]],
                                      rj, sj).wait()
                if j + 2 < CB:
                    pltpu.async_copy(h_hbm.at[c].at[src_c.at[j + 2]], rj, sj)
                else:
                    @pl.when(prefetch)
                    def _():
                        if j == CB - 2:
                            pltpu.make_async_copy(
                                src_hbm.at[pl.ds(s * KB, CB)], src_n,
                                sem_i).wait()
                            pltpu.make_async_copy(
                                dst_hbm.at[pl.ds(s * KB, CB)], dst_n,
                                sem_i).wait()
                        pltpu.async_copy(h_hbm.at[c].at[src_n.at[j - (CB - 2)]],
                                         rj, sj)

                pltpu.sync_copy(rj, agg_sh.at[dst_c.at[j]], add=True)

        def superchunk(m, carry):
            do_chunk(2 * m, src0, dst0, src1, dst1, m >= 0)
            do_chunk(2 * m + 1, src1, dst1, src0, dst0, m < NCHUNK // 2 - 1)
            return carry

        lax.fori_loop(0, NCHUNK // 2, superchunk, 0)
        plsc.subcore_barrier()
        pltpu.sync_copy(agg_sh.at[pl.ds(s * Z_ROWS, Z_ROWS)],
                        out_hbm.at[c].at[pl.ds(s * Z_ROWS, Z_ROWS)])

    return _seg_sum


def _dense0_body(x_ref, wt_ref, b_ref, out_ref):
    h = jnp.dot(x_ref[...], wt_ref[...], preferred_element_type=jnp.float32)
    h = jnp.maximum(h + b_ref[...], 0.0)
    out_ref[0] = h[:, :HH]
    out_ref[1] = h[:, HH:]


def _pre_body(h_ref, m_ref, out_ref):
    t = jnp.dot(h_ref[0], m_ref[:HH, :], preferred_element_type=jnp.float32)
    t = t + jnp.dot(h_ref[1], m_ref[HH:, :], preferred_element_type=jnp.float32)
    out_ref[0] = t[:, :HH]
    out_ref[1] = t[:, HH:]


def _post_body(final, sc_ref, p_ref, a_ref, m_ref, b_ref, out_ref):
    scale = sc_ref[0, 0]
    t = jnp.dot(a_ref[0], m_ref[:HH, :], preferred_element_type=jnp.float32)
    t = t + jnp.dot(a_ref[1], m_ref[HH:, :], preferred_element_type=jnp.float32)
    t = t + b_ref[...]
    h0 = jnp.maximum(scale * p_ref[0] + t[:, :HH], 0.0)
    h1 = jnp.maximum(scale * p_ref[1] + t[:, HH:], 0.0)
    if final:
        out_ref[:, :HH] = h0
        out_ref[:, HH:] = h1
    else:
        out_ref[0] = h0
        out_ref[1] = h1


_W_SPEC = pl.BlockSpec((D, H), lambda i: (0, 0))
_B_SPEC = pl.BlockSpec((1, H), lambda i: (0, 0))
_H2_SPEC = pl.BlockSpec((NCORE, BN, HH), lambda i: (0, i, 0))

_dense0 = pl.pallas_call(
    _dense0_body,
    grid=(N // BN,),
    in_specs=[pl.BlockSpec((BN, D), lambda i: (i, 0)), _W_SPEC, _B_SPEC],
    out_specs=_H2_SPEC,
    out_shape=jax.ShapeDtypeStruct((NCORE, N, HH), jnp.float32),
)

_AGG_SPEC = pl.BlockSpec((NCORE, BN, HH), lambda i: (0, i, 0))

_pre = pl.pallas_call(
    _pre_body,
    grid=(N // BN,),
    in_specs=[_H2_SPEC, _W_SPEC],
    out_specs=_H2_SPEC,
    out_shape=jax.ShapeDtypeStruct((NCORE, N, HH), jnp.float32),
)

_post_specs = [
    pl.BlockSpec((1, 1), lambda i: (0, 0)),
    _H2_SPEC, _AGG_SPEC, _W_SPEC, _B_SPEC,
]

_post_mid = pl.pallas_call(
    functools.partial(_post_body, False),
    grid=(N // BN,),
    in_specs=_post_specs,
    out_specs=_H2_SPEC,
    out_shape=jax.ShapeDtypeStruct((NCORE, N, HH), jnp.float32),
)

_post_final = pl.pallas_call(
    functools.partial(_post_body, True),
    grid=(N // BN,),
    in_specs=_post_specs,
    out_specs=pl.BlockSpec((BN, H), lambda i: (i, 0)),
    out_shape=jax.ShapeDtypeStruct((N, H), jnp.float32),
)


def _fold_bn(W, b, g, bb, rm, rv):
    s = g * jax.lax.rsqrt(rv + 1e-5)
    return W * s[:, None], b * s + bb - rm * s


def kernel(x, edge_index, fc0_W, fc0_b, gin0_W, gin0_b, gin1_W, gin1_b, W_W, W_b,
           eps0, eps1, bn0_g, bn0_b, bn0_rm, bn0_rv, bn1_g, bn1_b, bn1_rm, bn1_rv,
           bn2_g, bn2_b, bn2_rm, bn2_rv):
    W0, b0 = _fold_bn(fc0_W, fc0_b, bn0_g, bn0_b, bn0_rm, bn0_rv)
    W1, b1 = _fold_bn(W_W, W_b, bn1_g, bn1_b, bn1_rm, bn1_rv)
    W2, b2 = _fold_bn(W_W, W_b, bn2_g, bn2_b, bn2_rm, bn2_rv)
    W0t, b0r = W0.T, b0.reshape(1, H)
    M1 = gin0_W.T @ W1.T
    M2 = gin1_W.T @ W2.T
    bb1 = (gin0_b @ W1.T + b1).reshape(1, H)
    bb2 = (gin1_b @ W2.T + b2).reshape(1, H)
    s0 = (1.0 + eps0).reshape(1, 1)
    s1 = (1.0 + eps1).reshape(1, 1)

    src, dst = edge_index[0], edge_index[1]
    if E_PAD > E:
        src = jnp.concatenate([src, jnp.zeros((E_PAD - E,), jnp.int32)])
        dst = jnp.concatenate([dst, jnp.full((E_PAD - E,), N, jnp.int32)])
    src2 = src.reshape(TOT_B, E_B)
    dst2 = dst.reshape(TOT_B, E_B)
    zeros = jnp.zeros((Z_ROWS, HH), jnp.float32)

    seg_sum = _make_seg_sum()
    h = _dense0(x, W0t, b0r)
    agg = seg_sum(src2, dst2, h, zeros)
    p = _pre(h, M1)
    h = _post_mid(s0, p, agg, M1, bb1)
    agg = seg_sum(src2, dst2, h, zeros)
    p = _pre(h, M2)
    return _post_final(s1, p, agg, M2, bb2)

# --- scband reference (transcript-rebuilt; emitter-appended) ---
"""Pipeline reference for scband-indi-gin-1623497638168 (READ-ONLY COPY).

The authoritative reference and input builder live on the scoring server;
editing this copy changes nothing except your own understanding.
"""

import jax, jax.numpy as jnp
import numpy as np

N = 10000
E = 160000
D = 256
H = 256


def setup_inputs(seed: int = 0) -> dict:
    key = jax.random.key(seed)
    ks = jax.random.split(key, 12)
    sd = 1.0 / np.sqrt(D)
    sh = 1.0 / np.sqrt(H)
    inp = {
        "x": jax.random.normal(ks[0], (N, D), dtype=jnp.float32),
        "edge_index": jax.random.randint(ks[1], (2, E), 0, N, dtype=jnp.int32),
        "fc0_W": jax.random.uniform(ks[2], (H, D), jnp.float32, -sd, sd),
        "fc0_b": jax.random.uniform(ks[3], (H,), jnp.float32, -sd, sd),
        "gin0_W": jax.random.uniform(ks[4], (H, H), jnp.float32, -sh, sh),
        "gin0_b": jax.random.uniform(ks[5], (H,), jnp.float32, -sh, sh),
        "gin1_W": jax.random.uniform(ks[6], (H, H), jnp.float32, -sh, sh),
        "gin1_b": jax.random.uniform(ks[7], (H,), jnp.float32, -sh, sh),
        "W_W": jax.random.uniform(ks[8], (H, H), jnp.float32, -sh, sh),
        "W_b": jax.random.uniform(ks[9], (H,), jnp.float32, -sh, sh),
        "eps0": jnp.zeros((), jnp.float32),
        "eps1": jnp.zeros((), jnp.float32),
        "bn0_g": jnp.ones((H,), jnp.float32), "bn0_b": jnp.zeros((H,), jnp.float32),
        "bn0_rm": jnp.zeros((H,), jnp.float32), "bn0_rv": jnp.ones((H,), jnp.float32),
        "bn1_g": jnp.ones((H,), jnp.float32), "bn1_b": jnp.zeros((H,), jnp.float32),
        "bn1_rm": jnp.zeros((H,), jnp.float32), "bn1_rv": jnp.ones((H,), jnp.float32),
        "bn2_g": jnp.ones((H,), jnp.float32), "bn2_b": jnp.zeros((H,), jnp.float32),
        "bn2_rm": jnp.zeros((H,), jnp.float32), "bn2_rv": jnp.ones((H,), jnp.float32),
    }
    return inp


def _bn(x, g, b, rm, rv):
    # eval-mode BatchNorm1d with running statistics
    return (x - rm) / jnp.sqrt(rv + 1e-5) * g + b


def reference(x, edge_index, fc0_W, fc0_b, gin0_W, gin0_b, gin1_W, gin1_b, W_W, W_b,
              eps0, eps1, bn0_g, bn0_b, bn0_rm, bn0_rv, bn1_g, bn1_b, bn1_rm, bn1_rv,
              bn2_g, bn2_b, bn2_rm, bn2_rv):
    src = edge_index[0]
    dst = edge_index[1]
    # input fc + bn + relu (dropout is identity in eval)
    h = x @ fc0_W.T + fc0_b
    h = _bn(h, bn0_g, bn0_b, bn0_rm, bn0_rv)
    h = jax.nn.relu(h)
    # GIN layer 0: out[i] = MLP((1+eps)*h[i] + sum_{j->i} h[j])
    agg = jax.ops.segment_sum(h[src], dst, num_segments=N)
    z = (1.0 + eps0) * h + agg
    z = z @ gin0_W.T + gin0_b
    z = z @ W_W.T + W_b
    z = _bn(z, bn1_g, bn1_b, bn1_rm, bn1_rv)
    h = jax.nn.relu(z)
    # GIN layer 1
    agg = jax.ops.segment_sum(h[src], dst, num_segments=N)
    z = (1.0 + eps1) * h + agg
    z = z @ gin1_W.T + gin1_b
    z = z @ W_W.T + W_b
    z = _bn(z, bn2_g, bn2_b, bn2_rm, bn2_rv)
    h = jax.nn.relu(z)
    return h

if __name__ == "__main__":
    import jax
    _d = setup_inputs()
    print(jax.jit(kernel)(*tuple(_d.values())))

</pallas_src>

<mosaic_0001>
#map = affine_map<(d0, d1) -> (0, 0)>
#map1 = affine_map<(d0, d1) -> (0, 0, 0)>
module attributes {stable_mosaic.version = 14 : i64} {
  func.func @_seg_sum(%arg0: i32, %arg1: i32, %arg2: memref<1280x125xi32, #tpu.memory_space<hbm>>, %arg3: memref<1280x125xi32, #tpu.memory_space<hbm>>, %arg4: memref<2x10000x128xf32, #tpu.memory_space<hbm>>, %arg5: memref<632x128xf32, #tpu.memory_space<hbm>>, %arg6: memref<2x10112x128xf32, #tpu.memory_space<hbm>>, %arg7: memref<8x125xi32, #tpu.memory_space<vmem>>, %arg8: memref<8x125xi32, #tpu.memory_space<vmem>>, %arg9: memref<8x125xi32, #tpu.memory_space<vmem>>, %arg10: memref<8x125xi32, #tpu.memory_space<vmem>>, %arg11: memref<125x128xf32, #tpu.memory_space<vmem>>, %arg12: memref<125x128xf32, #tpu.memory_space<vmem>>, %arg13: memref<10112x128xf32, #tpu.memory_space<vmem_shared>>, %arg14: memref<!tpu.dma_semaphore, #tpu.memory_space<semaphore_mem>>, %arg15: memref<!tpu.dma_semaphore, #tpu.memory_space<semaphore_mem>>, %arg16: memref<!tpu.dma_semaphore, #tpu.memory_space<semaphore_mem>>) attributes {dimension_semantics = [#tpu.dimension_semantics<core_parallel>, #tpu.dimension_semantics<subcore_parallel>], iteration_bounds = array<i64: 2, 16>, scalar_prefetch = 0 : i64, scratch_operands = 10 : i64, tpu.core_type = #tpu.core_type<sc_vector_subcore>, window_params = [{transform_indices = #map}, {transform_indices = #map}, {transform_indices = #map1}, {transform_indices = #map}, {transform_indices = #map1}]} {
    %mul3A = arith.constant 632 : i32
    %mul3A_0 = arith.muli %arg1, %mul3A : i32
    "tpu.region"() ({
      %run_scoped3A = tpu.sem_alloc : memref<!tpu.dma_semaphore, #tpu.memory_space<semaphore_mem>>
      %dma_start3A_36 = arith.constant 0 : i32
      %dma_start3A_37 = tpu.memref_slice %arg13[%mul3A_0, %dma_start3A_36] : memref<10112x128xf32, #tpu.memory_space<vmem_shared>> -> memref<632x128xf32, #tpu.memory_space<vmem_shared>>
      tpu.enqueue_dma source(%arg5 : memref<632x128xf32, #tpu.memory_space<hbm>>) target(%dma_start3A_37 : memref<632x128xf32, #tpu.memory_space<vmem_shared>>) target_semaphore(%run_scoped3A : memref<!tpu.dma_semaphore, #tpu.memory_space<semaphore_mem>>)
      %dma_wait3A = arith.constant 0 : i32
      %dma_wait3A_38 = tpu.memref_slice %arg13[%mul3A_0, %dma_wait3A] : memref<10112x128xf32, #tpu.memory_space<vmem_shared>> -> memref<632x128xf32, #tpu.memory_space<vmem_shared>>
      tpu.wait_dma2 semaphore(%run_scoped3A : memref<!tpu.dma_semaphore, #tpu.memory_space<semaphore_mem>>) src(%arg5 : memref<632x128xf32, #tpu.memory_space<hbm>>) dst(%dma_wait3A_38 : memref<632x128xf32, #tpu.memory_space<vmem_shared>>)
      tpu.yield
    }) : () -> ()
    %mul3A_1 = arith.constant 80 : i32
    %mul3A_2 = arith.muli %arg1, %mul3A_1 : i32
    "tpu.region"() ({
      %run_scoped3A = tpu.sem_alloc : memref<!tpu.dma_semaphore, #tpu.memory_space<semaphore_mem>>
      %dma_start3A_36 = arith.constant 0 : i32
      %dma_start3A_37 = tpu.memref_slice %arg2[%mul3A_2, %dma_start3A_36] : memref<1280x125xi32, #tpu.memory_space<hbm>> -> memref<8x125xi32, #tpu.memory_space<hbm>>
      %dma_start3A_38 = arith.constant 0 : i32
      %dma_start3A_39 = tpu.memref_slice %arg2[%mul3A_2, %dma_start3A_38] : memref<1280x125xi32, #tpu.memory_space<hbm>> -> memref<8x125xi32, #tpu.memory_space<hbm>>
      tpu.enqueue_dma source(%dma_start3A_39 : memref<8x125xi32, #tpu.memory_space<hbm>>) target(%arg7 : memref<8x125xi32, #tpu.memory_space<vmem>>) target_semaphore(%run_scoped3A : memref<!tpu.dma_semaphore, #tpu.memory_space<semaphore_mem>>)
      %dma_wait3A = arith.constant 0 : i32
      %dma_wait3A_40 = tpu.memref_slice %arg2[%mul3A_2, %dma_wait3A] : memref<1280x125xi32, #tpu.memory_space<hbm>> -> memref<8x125xi32, #tpu.memory_space<hbm>>
      %dma_wait3A_41 = arith.constant 0 : i32
      %dma_wait3A_42 = tpu.memref_slice %arg2[%mul3A_2, %dma_wait3A_41] : memref<1280x125xi32, #tpu.memory_space<hbm>> -> memref<8x125xi32, #tpu.memory_space<hbm>>
      tpu.wait_dma2 semaphore(%run_scoped3A : memref<!tpu.dma_semaphore, #tpu.memory_space<semaphore_mem>>) src(%dma_wait3A_42 : memref<8x125xi32, #tpu.memory_space<hbm>>) dst(%arg7 : memref<8x125xi32, #tpu.memory_space<vmem>>)
      tpu.yield
    }) : () -> ()
    %mul3A_3 = arith.constant 80 : i32
    %mul3A_4 = arith.muli %arg1, %mul3A_3 : i32
    "tpu.region"() ({
      %run_scoped3A = tpu.sem_alloc : memref<!tpu.dma_semaphore, #tpu.memory_space<semaphore_mem>>
      %dma_start3A_36 = arith.constant 0 : i32
      %dma_start3A_37 = tpu.memref_slice %arg3[%mul3A_4, %dma_start3A_36] : memref<1280x125xi32, #tpu.memory_space<hbm>> -> memref<8x125xi32, #tpu.memory_space<hbm>>
      %dma_start3A_38 = arith.constant 0 : i32
      %dma_start3A_39 = tpu.memref_slice %arg3[%mul3A_4, %dma_start3A_38] : memref<1280x125xi32, #tpu.memory_space<hbm>> -> memref<8x125xi32, #tpu.memory_space<hbm>>
      tpu.enqueue_dma source(%dma_start3A_39 : memref<8x125xi32, #tpu.memory_space<hbm>>) target(%arg9 : memref<8x125xi32, #tpu.memory_space<vmem>>) target_semaphore(%run_scoped3A : memref<!tpu.dma_semaphore, #tpu.memory_space<semaphore_mem>>)
      %dma_wait3A = arith.constant 0 : i32
      %dma_wait3A_40 = tpu.memref_slice %arg3[%mul3A_4, %dma_wait3A] : memref<1280x125xi32, #tpu.memory_space<hbm>> -> memref<8x125xi32, #tpu.memory_space<hbm>>
      %dma_wait3A_41 = arith.constant 0 : i32
      %dma_wait3A_42 = tpu.memref_slice %arg3[%mul3A_4, %dma_wait3A_41] : memref<1280x125xi32, #tpu.memory_space<hbm>> -> memref<8x125xi32, #tpu.memory_space<hbm>>
      tpu.wait_dma2 semaphore(%run_scoped3A : memref<!tpu.dma_semaphore, #tpu.memory_space<semaphore_mem>>) src(%dma_wait3A_42 : memref<8x125xi32, #tpu.memory_space<hbm>>) dst(%arg9 : memref<8x125xi32, #tpu.memory_space<vmem>>)
      tpu.yield
    }) : () -> ()
    %barrier3A = arith.constant 0 : index
    tpu.barrier barrier_id(%barrier3A)
    %dma_start3A = arith.constant 0 : i32
    %dma_start3A_5 = arith.constant 0 : i32
    %dma_start3A_6 = tpu.memref_slice %arg7[%dma_start3A, %dma_start3A_5] : memref<8x125xi32, #tpu.memory_space<vmem>> -> memref<1x125xi32, #tpu.memory_space<vmem>>
    %dma_start3A_7 = tpu.memref_squeeze %dma_start3A_6 : memref<1x125xi32, #tpu.memory_space<vmem>> -> memref<125xi32, #tpu.memory_space<vmem>>
    %dma_start3A_8 = arith.constant 0 : i32
    %dma_start3A_9 = arith.constant 0 : i32
    %dma_start3A_10 = tpu.memref_slice %arg4[%arg0, %dma_start3A_8, %dma_start3A_9] : memref<2x10000x128xf32, #tpu.memory_space<hbm>> -> memref<1x10000x128xf32, #tpu.memory_space<hbm>>
    %dma_start3A_11 = tpu.memref_squeeze %dma_start3A_10 : memref<1x10000x128xf32, #tpu.memory_space<hbm>> -> memref<10000x128xf32, #tpu.memory_space<hbm>>
    %dma_start3A_12 = arith.constant 0 : i32
    %dma_start3A_13 = arith.constant 0 : i32
    %dma_start3A_14 = tpu.memref_slice %dma_start3A_11[%dma_start3A_12, %dma_start3A_13] : memref<10000x128xf32, #tpu.memory_space<hbm>> -> memref<10000x128xf32, #tpu.memory_space<hbm>>
    tpu.enqueue_indirect_dma source(%dma_start3A_14 : memref<10000x128xf32, #tpu.memory_space<hbm>>) target(%arg11 : memref<125x128xf32, #tpu.memory_space<vmem>>) offsets(%dma_start3A_7 : memref<125xi32, #tpu.memory_space<vmem>>) semaphore(%arg14 : memref<!tpu.dma_semaphore, #tpu.memory_space<semaphore_mem>>)
    %dma_start3A_15 = arith.constant 1 : i32
    %dma_start3A_16 = arith.constant 0 : i32
    %dma_start3A_17 = tpu.memref_slice %arg7[%dma_start3A_15, %dma_start3A_16] : memref<8x125xi32, #tpu.memory_space<vmem>> -> memref<1x125xi32, #tpu.memory_space<vmem>>
    %dma_start3A_18 = tpu.memref_squeeze %dma_start3A_17 : memref<1x125xi32, #tpu.memory_space<vmem>> -> memref<125xi32, #tpu.memory_space<vmem>>
    %dma_start3A_19 = arith.constant 0 : i32
    %dma_start3A_20 = arith.constant 0 : i32
    %dma_start3A_21 = tpu.memref_slice %arg4[%arg0, %dma_start3A_19, %dma_start3A_20] : memref<2x10000x128xf32, #tpu.memory_space<hbm>> -> memref<1x10000x128xf32, #tpu.memory_space<hbm>>
    %dma_start3A_22 = tpu.memref_squeeze %dma_start3A_21 : memref<1x10000x128xf32, #tpu.memory_space<hbm>> -> memref<10000x128xf32, #tpu.memory_space<hbm>>
    %dma_start3A_23 = arith.constant 0 : i32
    %dma_start3A_24 = arith.constant 0 : i32
    %dma_start3A_25 = tpu.memref_slice %dma_start3A_22[%dma_start3A_23, %dma_start3A_24] : memref<10000x128xf32, #tpu.memory_space<hbm>> -> memref<10000x128xf32, #tpu.memory_space<hbm>>
    tpu.enqueue_indirect_dma source(%dma_start3A_25 : memref<10000x128xf32, #tpu.memory_space<hbm>>) target(%arg12 : memref<125x128xf32, #tpu.memory_space<vmem>>) offsets(%dma_start3A_18 : memref<125xi32, #tpu.memory_space<vmem>>) semaphore(%arg15 : memref<!tpu.dma_semaphore, #tpu.memory_space<semaphore_mem>>)
    %scan3A = arith.constant 0 : i32
    %scan3A_26 = arith.constant 0 : i32
    %scan3A_27 = arith.constant 5 : i32
    %scan3A_28 = arith.addi %scan3A_26, %scan3A_27 : i32
    %scan3A_29 = arith.constant 1 : i32
    scf.for %scan3A_36 = %scan3A_26 to %scan3A_28 step %scan3A_29  : i32 {
      %mul3A_37 = arith.constant 2 : i32
      %mul3A_38 = arith.muli %mul3A_37, %scan3A_36 : i32
      %ge3A = arith.constant 0 : i32
      %ge3A_39 = arith.cmpi sge, %scan3A_36, %ge3A : i32
      %convert_element_type3A = arith.extui %ge3A_39 : i1 to i32
      %cond3A = arith.constant 0 : i32
      %cond3A_40 = arith.cmpi ne, %convert_element_type3A, %cond3A : i32
      scf.if %cond3A_40 {
        %add3A_382 = arith.constant 1 : i32
        %add3A_383 = arith.addi %mul3A_38, %add3A_382 : i32
        %mul3A_384 = arith.constant 8 : i32
        %mul3A_385 = arith.muli %add3A_383, %mul3A_384 : i32
        %mul3A_386 = arith.constant 80 : i32
        %mul3A_387 = arith.muli %arg1, %mul3A_386 : i32
        %add3A_388 = arith.addi %mul3A_385, %mul3A_387 : i32
        %dma_start3A_389 = arith.constant 0 : i32
        %dma_start3A_390 = tpu.memref_slice %arg2[%add3A_388, %dma_start3A_389] : memref<1280x125xi32, #tpu.memory_space<hbm>> -> memref<8x125xi32, #tpu.memory_space<hbm>>
        %dma_start3A_391 = arith.constant 0 : i32
        %dma_start3A_392 = tpu.memref_slice %arg2[%add3A_388, %dma_start3A_391] : memref<1280x125xi32, #tpu.memory_space<hbm>> -> memref<8x125xi32, #tpu.memory_space<hbm>>
        tpu.enqueue_dma source(%dma_start3A_392 : memref<8x125xi32, #tpu.memory_space<hbm>>) target(%arg8 : memref<8x125xi32, #tpu.memory_space<vmem>>) target_semaphore(%arg16 : memref<!tpu.dma_semaphore, #tpu.memory_space<semaphore_mem>>)
        %dma_start3A_393 = arith.constant 0 : i32
        %dma_start3A_394 = tpu.memref_slice %arg3[%add3A_388, %dma_start3A_393] : memref<1280x125xi32, #tpu.memory_space<hbm>> -> memref<8x125xi32, #tpu.memory_space<hbm>>
        %dma_start3A_395 = arith.constant 0 : i32
        %dma_start3A_396 = tpu.memref_slice %arg3[%add3A_388, %dma_start3A_395] : memref<1280x125xi32, #tpu.memory_space<hbm>> -> memref<8x125xi32, #tpu.memory_space<hbm>>
        tpu.enqueue_dma source(%dma_start3A_396 : memref<8x125xi32, #tpu.memory_space<hbm>>) target(%arg10 : memref<8x125xi32, #tpu.memory_space<vmem>>) target_semaphore(%arg16 : memref<!tpu.dma_semaphore, #tpu.memory_space<semaphore_mem>>)
      } else {
      }
      %dma_wait3A = arith.constant 0 : i32
      %dma_wait3A_41 = arith.constant 0 : i32
      %dma_wait3A_42 = tpu.memref_slice %arg7[%dma_wait3A, %dma_wait3A_41] : memref<8x125xi32, #tpu.memory_space<vmem>> -> memref<1x125xi32, #tpu.memory_space<vmem>>
      %dma_wait3A_43 = tpu.memref_squeeze %dma_wait3A_42 : memref<1x125xi32, #tpu.memory_space<vmem>> -> memref<125xi32, #tpu.memory_space<vmem>>
      %dma_wait3A_44 = arith.constant 0 : i32
      %dma_wait3A_45 = arith.constant 0 : i32
      %dma_wait3A_46 = tpu.memref_slice %arg4[%arg0, %dma_wait3A_44, %dma_wait3A_45] : memref<2x10000x128xf32, #tpu.memory_space<hbm>> -> memref<1x10000x128xf32, #tpu.memory_space<hbm>>
      %dma_wait3A_47 = tpu.memref_squeeze %dma_wait3A_46 : memref<1x10000x128xf32, #tpu.memory_space<hbm>> -> memref<10000x128xf32, #tpu.memory_space<hbm>>
      %dma_wait3A_48 = arith.constant 0 : i32
      %dma_wait3A_49 = arith.constant 0 : i32
      %dma_wait3A_50 = tpu.memref_slice %dma_wait3A_47[%dma_wait3A_48, %dma_wait3A_49] : memref<10000x128xf32, #tpu.memory_space<hbm>> -> memref<10000x128xf32, #tpu.memory_space<hbm>>
      tpu.wait_indirect_dma semaphore(%arg14 : memref<!tpu.dma_semaphore, #tpu.memory_space<semaphore_mem>>) src(%dma_wait3A_50 : memref<10000x128xf32, #tpu.memory_space<hbm>>) dst(%arg11 : memref<125x128xf32, #tpu.memory_space<vmem>>)
      %dma_start3A_51 = arith.constant 2 : i32
      %dma_start3A_52 = arith.constant 0 : i32
      %dma_start3A_53 = tpu.memref_slice %arg7[%dma_start3A_51, %dma_start3A_52] : memref<8x125xi32, #tpu.memory_space<vmem>> -> memref<1x125xi32, #tpu.memory_space<vmem>>
      %dma_start3A_54 = tpu.memref_squeeze %dma_start3A_53 : memref<1x125xi32, #tpu.memory_space<vmem>> -> memref<125xi32, #tpu.memory_space<vmem>>
      %dma_start3A_55 = arith.constant 0 : i32
      %dma_start3A_56 = arith.constant 0 : i32
      %dma_start3A_57 = tpu.memref_slice %arg4[%arg0, %dma_start3A_55, %dma_start3A_56] : memref<2x10000x128xf32, #tpu.memory_space<hbm>> -> memref<1x10000x128xf32, #tpu.memory_space<hbm>>
      %dma_start3A_58 = tpu.memref_squeeze %dma_start3A_57 : memref<1x10000x128xf32, #tpu.memory_space<hbm>> -> memref<10000x128xf32, #tpu.memory_space<hbm>>
      %dma_start3A_59 = arith.constant 0 : i32
      %dma_start3A_60 = arith.constant 0 : i32
      %dma_start3A_61 = tpu.memref_slice %dma_start3A_58[%dma_start3A_59, %dma_start3A_60] : memref<10000x128xf32, #tpu.memory_space<hbm>> -> memref<10000x128xf32, #tpu.memory_space<hbm>>
      tpu.enqueue_indirect_dma source(%dma_start3A_61 : memref<10000x128xf32, #tpu.memory_space<hbm>>) target(%arg11 : memref<125x128xf32, #tpu.memory_space<vmem>>) offsets(%dma_start3A_54 : memref<125xi32, #tpu.memory_space<vmem>>) semaphore(%arg14 : memref<!tpu.dma_semaphore, #tpu.memory_space<semaphore_mem>>)
      %run_scoped3A = arith.constant 0 : i32
      "tpu.region"() ({
        %run_scoped3A_382 = tpu.sem_alloc : memref<!tpu.dma_semaphore, #tpu.memory_space<semaphore_mem>>
        %dma_start3A_383 = arith.constant 0 : i32
        %dma_start3A_384 = tpu.memref_slice %arg9[%run_scoped3A, %dma_start3A_383] : memref<8x125xi32, #tpu.memory_space<vmem>> -> memref<1x125xi32, #tpu.memory_space<vmem>>
        %dma_start3A_385 = tpu.memref_squeeze %dma_start3A_384 : memref<1x125xi32, #tpu.memory_space<vmem>> -> memref<125xi32, #tpu.memory_space<vmem>>
        %dma_start3A_386 = arith.constant 0 : i32
        %dma_start3A_387 = arith.constant 0 : i32
        %dma_start3A_388 = tpu.memref_slice %arg13[%dma_start3A_386, %dma_start3A_387] : memref<10112x128xf32, #tpu.memory_space<vmem_shared>> -> memref<10112x128xf32, #tpu.memory_space<vmem_shared>>
        tpu.enqueue_indirect_dma source(%arg11 : memref<125x128xf32, #tpu.memory_space<vmem>>) target(%dma_start3A_388 : memref<10112x128xf32, #tpu.memory_space<vmem_shared>>) offsets(%dma_start3A_385 : memref<125xi32, #tpu.memory_space<vmem>>) semaphore(%run_scoped3A_382 : memref<!tpu.dma_semaphore, #tpu.memory_space<semaphore_mem>>) {add = true}
        %dma_wait3A_389 = arith.constant 0 : i32
        %dma_wait3A_390 = tpu.memref_slice %arg9[%run_scoped3A, %dma_wait3A_389] : memref<8x125xi32, #tpu.memory_space<vmem>> -> memref<1x125xi32, #tpu.memory_space<vmem>>
        %dma_wait3A_391 = tpu.memref_squeeze %dma_wait3A_390 : memref<1x125xi32, #tpu.memory_space<vmem>> -> memref<125xi32, #tpu.memory_space<vmem>>
        %dma_wait3A_392 = arith.constant 0 : i32
        %dma_wait3A_393 = arith.constant 0 : i32
        %dma_wait3A_394 = tpu.memref_slice %arg13[%dma_wait3A_392, %dma_wait3A_393] : memref<10112x128xf32, #tpu.memory_space<vmem_shared>> -> memref<10112x128xf32, #tpu.memory_space<vmem_shared>>
        tpu.wait_indirect_dma semaphore(%run_scoped3A_382 : memref<!tpu.dma_semaphore, #tpu.memory_space<semaphore_mem>>) src(%arg11 : memref<125x128xf32, #tpu.memory_space<vmem>>) dst(%dma_wait3A_394 : memref<10112x128xf32, #tpu.memory_space<vmem_shared>>)
        tpu.yield
      }) : () -> ()
      %dma_wait3A_62 = arith.constant 1 : i32
      %dma_wait3A_63 = arith.constant 0 : i32
      %dma_wait3A_64 = tpu.memref_slice %arg7[%dma_wait3A_62, %dma_wait3A_63] : memref<8x125xi32, #tpu.memory_space<vmem>> -> memref<1x125xi32, #tpu.memory_space<vmem>>
      %dma_wait3A_65 = tpu.memref_squeeze %dma_wait3A_64 : memref<1x125xi32, #tpu.memory_space<vmem>> -> memref<125xi32, #tpu.memory_space<vmem>>
      %dma_wait3A_66 = arith.constant 0 : i32
      %dma_wait3A_67 = arith.constant 0 : i32
      %dma_wait3A_68 = tpu.memref_slice %arg4[%arg0, %dma_wait3A_66, %dma_wait3A_67] : memref<2x10000x128xf32, #tpu.memory_space<hbm>> -> memref<1x10000x128xf32, #tpu.memory_space<hbm>>
      %dma_wait3A_69 = tpu.memref_squeeze %dma_wait3A_68 : memref<1x10000x128xf32, #tpu.memory_space<hbm>> -> memref<10000x128xf32, #tpu.memory_space<hbm>>
      %dma_wait3A_70 = arith.constant 0 : i32
      %dma_wait3A_71 = arith.constant 0 : i32
      %dma_wait3A_72 = tpu.memref_slice %dma_wait3A_69[%dma_wait3A_70, %dma_wait3A_71] : memref<10000x128xf32, #tpu.memory_space<hbm>> -> memref<10000x128xf32, #tpu.memory_space<hbm>>
      tpu.wait_indirect_dma semaphore(%arg15 : memref<!tpu.dma_semaphore, #tpu.memory_space<semaphore_mem>>) src(%dma_wait3A_72 : memref<10000x128xf32, #tpu.memory_space<hbm>>) dst(%arg12 : memref<125x128xf32, #tpu.memory_space<vmem>>)
      %dma_start3A_73 = arith.constant 3 : i32
      %dma_start3A_74 = arith.constant 0 : i32
      %dma_start3A_75 = tpu.memref_slice %arg7[%dma_start3A_73, %dma_start3A_74] : memref<8x125xi32, #tpu.memory_space<vmem>> -> memref<1x125xi32, #tpu.memory_space<vmem>>
      %dma_start3A_76 = tpu.memref_squeeze %dma_start3A_75 : memref<1x125xi32, #tpu.memory_space<vmem>> -> memref<125xi32, #tpu.memory_space<vmem>>
      %dma_start3A_77 = arith.constant 0 : i32
      %dma_start3A_78 = arith.constant 0 : i32
      %dma_start3A_79 = tpu.memref_slice %arg4[%arg0, %dma_start3A_77, %dma_start3A_78] : memref<2x10000x128xf32, #tpu.memory_space<hbm>> -> memref<1x10000x128xf32, #tpu.memory_space<hbm>>
      %dma_start3A_80 = tpu.memref_squeeze %dma_start3A_79 : memref<1x10000x128xf32, #tpu.memory_space<hbm>> -> memref<10000x128xf32, #tpu.memory_space<hbm>>
      %dma_start3A_81 = arith.constant 0 : i32
      %dma_start3A_82 = arith.constant 0 : i32
      %dma_start3A_83 = tpu.memref_slice %dma_start3A_80[%dma_start3A_81, %dma_start3A_82] : memref<10000x128xf32, #tpu.memory_space<hbm>> -> memref<10000x128xf32, #tpu.memory_space<hbm>>
      tpu.enqueue_indirect_dma source(%dma_start3A_83 : memref<10000x128xf32, #tpu.memory_space<hbm>>) target(%arg12 : memref<125x128xf32, #tpu.memory_space<vmem>>) offsets(%dma_start3A_76 : memref<125xi32, #tpu.memory_space<vmem>>) semaphore(%arg15 : memref<!tpu.dma_semaphore, #tpu.memory_space<semaphore_mem>>)
      %run_scoped3A_84 = arith.constant 1 : i32
      "tpu.region"() ({
        %run_scoped3A_382 = tpu.sem_alloc : memref<!tpu.dma_semaphore, #tpu.memory_space<semaphore_mem>>
        %dma_start3A_383 = arith.constant 0 : i32
        %dma_start3A_384 = tpu.memref_slice %arg9[%run_scoped3A_84, %dma_start3A_383] : memref<8x125xi32, #tpu.memory_space<vmem>> -> memref<1x125xi32, #tpu.memory_space<vmem>>
        %dma_start3A_385 = tpu.memref_squeeze %dma_start3A_384 : memref<1x125xi32, #tpu.memory_space<vmem>> -> memref<125xi32, #tpu.memory_space<vmem>>
        %dma_start3A_386 = arith.constant 0 : i32
        %dma_start3A_387 = arith.constant 0 : i32
        %dma_start3A_388 = tpu.memref_slice %arg13[%dma_start3A_386, %dma_start3A_387] : memref<10112x128xf32, #tpu.memory_space<vmem_shared>> -> memref<10112x128xf32, #tpu.memory_space<vmem_shared>>
        tpu.enqueue_indirect_dma source(%arg12 : memref<125x128xf32, #tpu.memory_space<vmem>>) target(%dma_start3A_388 : memref<10112x128xf32, #tpu.memory_space<vmem_shared>>) offsets(%dma_start3A_385 : memref<125xi32, #tpu.memory_space<vmem>>) semaphore(%run_scoped3A_382 : memref<!tpu.dma_semaphore, #tpu.memory_space<semaphore_mem>>) {add = true}
        %dma_wait3A_389 = arith.constant 0 : i32
        %dma_wait3A_390 = tpu.memref_slice %arg9[%run_scoped3A_84, %dma_wait3A_389] : memref<8x125xi32, #tpu.memory_space<vmem>> -> memref<1x125xi32, #tpu.memory_space<vmem>>
        %dma_wait3A_391 = tpu.memref_squeeze %dma_wait3A_390 : memref<1x125xi32, #tpu.memory_space<vmem>> -> memref<125xi32, #tpu.memory_space<vmem>>
        %dma_wait3A_392 = arith.constant 0 : i32
        %dma_wait3A_393 = arith.constant 0 : i32
        %dma_wait3A_394 = tpu.memref_slice %arg13[%dma_wait3A_392, %dma_wait3A_393] : memref<10112x128xf32, #tpu.memory_space<vmem_shared>> -> memref<10112x128xf32, #tpu.memory_space<vmem_shared>>
        tpu.wait_indirect_dma semaphore(%run_scoped3A_382 : memref<!tpu.dma_semaphore, #tpu.memory_space<semaphore_mem>>) src(%arg12 : memref<125x128xf32, #tpu.memory_space<vmem>>) dst(%dma_wait3A_394 : memref<10112x128xf32, #tpu.memory_space<vmem_shared>>)
        tpu.yield
      }) : () -> ()
      %dma_wait3A_85 = arith.constant 2 : i32
      %dma_wait3A_86 = arith.constant 0 : i32
      %dma_wait3A_87 = tpu.memref_slice %arg7[%dma_wait3A_85, %dma_wait3A_86] : memref<8x125xi32, #tpu.memory_space<vmem>> -> memref<1x125xi32, #tpu.memory_space<vmem>>
      %dma_wait3A_88 = tpu.memref_squeeze %dma_wait3A_87 : memref<1x125xi32, #tpu.memory_space<vmem>> -> memref<125xi32, #tpu.memory_space<vmem>>
      %dma_wait3A_89 = arith.constant 0 : i32
      %dma_wait3A_90 = arith.constant 0 : i32
      %dma_wait3A_91 = tpu.memref_slice %arg4[%arg0, %dma_wait3A_89, %dma_wait3A_90] : memref<2x10000x128xf32, #tpu.memory_space<hbm>> -> memref<1x10000x128xf32, #tpu.memory_space<hbm>>
      %dma_wait3A_92 = tpu.memref_squeeze %dma_wait3A_91 : memref<1x10000x128xf32, #tpu.memory_space<hbm>> -> memref<10000x128xf32, #tpu.memory_space<hbm>>
      %dma_wait3A_93 = arith.constant 0 : i32
      %dma_wait3A_94 = arith.constant 0 : i32
      %dma_wait3A_95 = tpu.memref_slice %dma_wait3A_92[%dma_wait3A_93, %dma_wait3A_94] : memref<10000x128xf32, #tpu.memory_space<hbm>> -> memref<10000x128xf32, #tpu.memory_space<hbm>>
      tpu.wait_indirect_dma semaphore(%arg14 : memref<!tpu.dma_semaphore, #tpu.memory_space<semaphore_mem>>) src(%dma_wait3A_95 : memref<10000x128xf32, #tpu.memory_space<hbm>>) dst(%arg11 : memref<125x128xf32, #tpu.memory_space<vmem>>)
      %dma_start3A_96 = arith.constant 4 : i32
      %dma_start3A_97 = arith.constant 0 : i32
      %dma_start3A_98 = tpu.memref_slice %arg7[%dma_start3A_96, %dma_start3A_97] : memref<8x125xi32, #tpu.memory_space<vmem>> -> memref<1x125xi32, #tpu.memory_space<vmem>>
      %dma_start3A_99 = tpu.memref_squeeze %dma_start3A_98 : memref<1x125xi32, #tpu.memory_space<vmem>> -> memref<125xi32, #tpu.memory_space<vmem>>
      %dma_start3A_100 = arith.constant 0 : i32
      %dma_start3A_101 = arith.constant 0 : i32
      %dma_start3A_102 = tpu.memref_slice %arg4[%arg0, %dma_start3A_100, %dma_start3A_101] : memref<2x10000x128xf32, #tpu.memory_space<hbm>> -> memref<1x10000x128xf32, #tpu.memory_space<hbm>>
      %dma_start3A_103 = tpu.memref_squeeze %dma_start3A_102 : memref<1x10000x128xf32, #tpu.memory_space<hbm>> -> memref<10000x128xf32, #tpu.memory_space<hbm>>
      %dma_start3A_104 = arith.constant 0 : i32
      %dma_start3A_105 = arith.constant 0 : i32
      %dma_start3A_106 = tpu.memref_slice %dma_start3A_103[%dma_start3A_104, %dma_start3A_105] : memref<10000x128xf32, #tpu.memory_space<hbm>> -> memref<10000x128xf32, #tpu.memory_space<hbm>>
      tpu.enqueue_indirect_dma source(%dma_start3A_106 : memref<10000x128xf32, #tpu.memory_space<hbm>>) target(%arg11 : memref<125x128xf32, #tpu.memory_space<vmem>>) offsets(%dma_start3A_99 : memref<125xi32, #tpu.memory_space<vmem>>) semaphore(%arg14 : memref<!tpu.dma_semaphore, #tpu.memory_space<semaphore_mem>>)
      %run_scoped3A_107 = arith.constant 2 : i32
      "tpu.region"() ({
        %run_scoped3A_382 = tpu.sem_alloc : memref<!tpu.dma_semaphore, #tpu.memory_space<semaphore_mem>>
        %dma_start3A_383 = arith.constant 0 : i32
        %dma_start3A_384 = tpu.memref_slice %arg9[%run_scoped3A_107, %dma_start3A_383] : memref<8x125xi32, #tpu.memory_space<vmem>> -> memref<1x125xi32, #tpu.memory_space<vmem>>
        %dma_start3A_385 = tpu.memref_squeeze %dma_start3A_384 : memref<1x125xi32, #tpu.memory_space<vmem>> -> memref<125xi32, #tpu.memory_space<vmem>>
        %dma_start3A_386 = arith.constant 0 : i32
        %dma_start3A_387 = arith.constant 0 : i32
        %dma_start3A_388 = tpu.memref_slice %arg13[%dma_start3A_386, %dma_start3A_387] : memref<10112x128xf32, #tpu.memory_space<vmem_shared>> -> memref<10112x128xf32, #tpu.memory_space<vmem_shared>>
        tpu.enqueue_indirect_dma source(%arg11 : memref<125x128xf32, #tpu.memory_space<vmem>>) target(%dma_start3A_388 : memref<10112x128xf32, #tpu.memory_space<vmem_shared>>) offsets(%dma_start3A_385 : memref<125xi32, #tpu.memory_space<vmem>>) semaphore(%run_scoped3A_382 : memref<!tpu.dma_semaphore, #tpu.memory_space<semaphore_mem>>) {add = true}
        %dma_wait3A_389 = arith.constant 0 : i32
        %dma_wait3A_390 = tpu.memref_slice %arg9[%run_scoped3A_107, %dma_wait3A_389] : memref<8x125xi32, #tpu.memory_space<vmem>> -> memref<1x125xi32, #tpu.memory_space<vmem>>
        %dma_wait3A_391 = tpu.memref_squeeze %dma_wait3A_390 : memref<1x125xi32, #tpu.memory_space<vmem>> -> memref<125xi32, #tpu.memory_space<vmem>>
        %dma_wait3A_392 = arith.constant 0 : i32
        %dma_wait3A_393 = arith.constant 0 : i32
        %dma_wait3A_394 = tpu.memref_slice %arg13[%dma_wait3A_392, %dma_wait3A_393] : memref<10112x128xf32, #tpu.memory_space<vmem_shared>> -> memref<10112x128xf32, #tpu.memory_space<vmem_shared>>
        tpu.wait_indirect_dma semaphore(%run_scoped3A_382 : memref<!tpu.dma_semaphore, #tpu.memory_space<semaphore_mem>>) src(%arg11 : memref<125x128xf32, #tpu.memory_space<vmem>>) dst(%dma_wait3A_394 : memref<10112x128xf32, #tpu.memory_space<vmem_shared>>)
        tpu.yield
      }) : () -> ()
      %dma_wait3A_108 = arith.constant 3 : i32
      %dma_wait3A_109 = arith.constant 0 : i32
      %dma_wait3A_110 = tpu.memref_slice %arg7[%dma_wait3A_108, %dma_wait3A_109] : memref<8x125xi32, #tpu.memory_space<vmem>> -> memref<1x125xi32, #tpu.memory_space<vmem>>
      %dma_wait3A_111 = tpu.memref_squeeze %dma_wait3A_110 : memref<1x125xi32, #tpu.memory_space<vmem>> -> memref<125xi32, #tpu.memory_space<vmem>>
      %dma_wait3A_112 = arith.constant 0 : i32
      %dma_wait3A_113 = arith.constant 0 : i32
      %dma_wait3A_114 = tpu.memref_slice %arg4[%arg0, %dma_wait3A_112, %dma_wait3A_113] : memref<2x10000x128xf32, #tpu.memory_space<hbm>> -> memref<1x10000x128xf32, #tpu.memory_space<hbm>>
      %dma_wait3A_115 = tpu.memref_squeeze %dma_wait3A_114 : memref<1x10000x128xf32, #tpu.memory_space<hbm>> -> memref<10000x128xf32, #tpu.memory_space<hbm>>
      %dma_wait3A_116 = arith.constant 0 : i32
      %dma_wait3A_117 = arith.constant 0 : i32
      %dma_wait3A_118 = tpu.memref_slice %dma_wait3A_115[%dma_wait3A_116, %dma_wait3A_117] : memref<10000x128xf32, #tpu.memory_space<hbm>> -> memref<10000x128xf32, #tpu.memory_space<hbm>>
      tpu.wait_indirect_dma semaphore(%arg15 : memref<!tpu.dma_semaphore, #tpu.memory_space<semaphore_mem>>) src(%dma_wait3A_118 : memref<10000x128xf32, #tpu.memory_space<hbm>>) dst(%arg12 : memref<125x128xf32, #tpu.memory_space<vmem>>)
      %dma_start3A_119 = arith.constant 5 : i32
      %dma_start3A_120 = arith.constant 0 : i32
      %dma_start3A_121 = tpu.memref_slice %arg7[%dma_start3A_119, %dma_start3A_120] : memref<8x125xi32, #tpu.memory_space<vmem>> -> memref<1x125xi32, #tpu.memory_space<vmem>>
      %dma_start3A_122 = tpu.memref_squeeze %dma_start3A_121 : memref<1x125xi32, #tpu.memory_space<vmem>> -> memref<125xi32, #tpu.memory_space<vmem>>
      %dma_start3A_123 = arith.constant 0 : i32
      %dma_start3A_124 = arith.constant 0 : i32
      %dma_start3A_125 = tpu.memref_slice %arg4[%arg0, %dma_start3A_123, %dma_start3A_124] : memref<2x10000x128xf32, #tpu.memory_space<hbm>> -> memref<1x10000x128xf32, #tpu.memory_space<hbm>>
      %dma_start3A_126 = tpu.memref_squeeze %dma_start3A_125 : memref<1x10000x128xf32, #tpu.memory_space<hbm>> -> memref<10000x128xf32, #tpu.memory_space<hbm>>
      %dma_start3A_127 = arith.constant 0 : i32
      %dma_start3A_128 = arith.constant 0 : i32
      %dma_start3A_129 = tpu.memref_slice %dma_start3A_126[%dma_start3A_127, %dma_start3A_128] : memref<10000x128xf32, #tpu.memory_space<hbm>> -> memref<10000x128xf32, #tpu.memory_space<hbm>>
      tpu.enqueue_indirect_dma source(%dma_start3A_129 : memref<10000x128xf32, #tpu.memory_space<hbm>>) target(%arg12 : memref<125x128xf32, #tpu.memory_space<vmem>>) offsets(%dma_start3A_122 : memref<125xi32, #tpu.memory_space<vmem>>) semaphore(%arg15 : memref<!tpu.dma_semaphore, #tpu.memory_space<semaphore_mem>>)
      %run_scoped3A_130 = arith.constant 3 : i32
      "tpu.region"() ({
        %run_scoped3A_382 = tpu.sem_alloc : memref<!tpu.dma_semaphore, #tpu.memory_space<semaphore_mem>>
        %dma_start3A_383 = arith.constant 0 : i32
        %dma_start3A_384 = tpu.memref_slice %arg9[%run_scoped3A_130, %dma_start3A_383] : memref<8x125xi32, #tpu.memory_space<vmem>> -> memref<1x125xi32, #tpu.memory_space<vmem>>
        %dma_start3A_385 = tpu.memref_squeeze %dma_start3A_384 : memref<1x125xi32, #tpu.memory_space<vmem>> -> memref<125xi32, #tpu.memory_space<vmem>>
        %dma_start3A_386 = arith.constant 0 : i32
        %dma_start3A_387 = arith.constant 0 : i32
        %dma_start3A_388 = tpu.memref_slice %arg13[%dma_start3A_386, %dma_start3A_387] : memref<10112x128xf32, #tpu.memory_space<vmem_shared>> -> memref<10112x128xf32, #tpu.memory_space<vmem_shared>>
        tpu.enqueue_indirect_dma source(%arg12 : memref<125x128xf32, #tpu.memory_space<vmem>>) target(%dma_start3A_388 : memref<10112x128xf32, #tpu.memory_space<vmem_shared>>) offsets(%dma_start3A_385 : memref<125xi32, #tpu.memory_space<vmem>>) semaphore(%run_scoped3A_382 : memref<!tpu.dma_semaphore, #tpu.memory_space<semaphore_mem>>) {add = true}
        %dma_wait3A_389 = arith.constant 0 : i32
        %dma_wait3A_390 = tpu.memref_slice %arg9[%run_scoped3A_130, %dma_wait3A_389] : memref<8x125xi32, #tpu.memory_space<vmem>> -> memref<1x125xi32, #tpu.memory_space<vmem>>
        %dma_wait3A_391 = tpu.memref_squeeze %dma_wait3A_390 : memref<1x125xi32, #tpu.memory_space<vmem>> -> memref<125xi32, #tpu.memory_space<vmem>>
        %dma_wait3A_392 = arith.constant 0 : i32
        %dma_wait3A_393 = arith.constant 0 : i32
        %dma_wait3A_394 = tpu.memref_slice %arg13[%dma_wait3A_392, %dma_wait3A_393] : memref<10112x128xf32, #tpu.memory_space<vmem_shared>> -> memref<10112x128xf32, #tpu.memory_space<vmem_shared>>
        tpu.wait_indirect_dma semaphore(%run_scoped3A_382 : memref<!tpu.dma_semaphore, #tpu.memory_space<semaphore_mem>>) src(%arg12 : memref<125x128xf32, #tpu.memory_space<vmem>>) dst(%dma_wait3A_394 : memref<10112x128xf32, #tpu.memory_space<vmem_shared>>)
        tpu.yield
      }) : () -> ()
      %dma_wait3A_131 = arith.constant 4 : i32
      %dma_wait3A_132 = arith.constant 0 : i32
      %dma_wait3A_133 = tpu.memref_slice %arg7[%dma_wait3A_131, %dma_wait3A_132] : memref<8x125xi32, #tpu.memory_space<vmem>> -> memref<1x125xi32, #tpu.memory_space<vmem>>
      %dma_wait3A_134 = tpu.memref_squeeze %dma_wait3A_133 : memref<1x125xi32, #tpu.memory_space<vmem>> -> memref<125xi32, #tpu.memory_space<vmem>>
      %dma_wait3A_135 = arith.constant 0 : i32
      %dma_wait3A_136 = arith.constant 0 : i32
      %dma_wait3A_137 = tpu.memref_slice %arg4[%arg0, %dma_wait3A_135, %dma_wait3A_136] : memref<2x10000x128xf32, #tpu.memory_space<hbm>> -> memref<1x10000x128xf32, #tpu.memory_space<hbm>>
      %dma_wait3A_138 = tpu.memref_squeeze %dma_wait3A_137 : memref<1x10000x128xf32, #tpu.memory_space<hbm>> -> memref<10000x128xf32, #tpu.memory_space<hbm>>
      %dma_wait3A_139 = arith.constant 0 : i32
      %dma_wait3A_140 = arith.constant 0 : i32
      %dma_wait3A_141 = tpu.memref_slice %dma_wait3A_138[%dma_wait3A_139, %dma_wait3A_140] : memref<10000x128xf32, #tpu.memory_space<hbm>> -> memref<10000x128xf32, #tpu.memory_space<hbm>>
      tpu.wait_indirect_dma semaphore(%arg14 : memref<!tpu.dma_semaphore, #tpu.memory_space<semaphore_mem>>) src(%dma_wait3A_141 : memref<10000x128xf32, #tpu.memory_space<hbm>>) dst(%arg11 : memref<125x128xf32, #tpu.memory_space<vmem>>)
      %dma_start3A_142 = arith.constant 6 : i32
      %dma_start3A_143 = arith.constant 0 : i32
      %dma_start3A_144 = tpu.memref_slice %arg7[%dma_start3A_142, %dma_start3A_143] : memref<8x125xi32, #tpu.memory_space<vmem>> -> memref<1x125xi32, #tpu.memory_space<vmem>>
      %dma_start3A_145 = tpu.memref_squeeze %dma_start3A_144 : memref<1x125xi32, #tpu.memory_space<vmem>> -> memref<125xi32, #tpu.memory_space<vmem>>
      %dma_start3A_146 = arith.constant 0 : i32
      %dma_start3A_147 = arith.constant 0 : i32
      %dma_start3A_148 = tpu.memref_slice %arg4[%arg0, %dma_start3A_146, %dma_start3A_147] : memref<2x10000x128xf32, #tpu.memory_space<hbm>> -> memref<1x10000x128xf32, #tpu.memory_space<hbm>>
      %dma_start3A_149 = tpu.memref_squeeze %dma_start3A_148 : memref<1x10000x128xf32, #tpu.memory_space<hbm>> -> memref<10000x128xf32, #tpu.memory_space<hbm>>
      %dma_start3A_150 = arith.constant 0 : i32
      %dma_start3A_151 = arith.constant 0 : i32
      %dma_start3A_152 = tpu.memref_slice %dma_start3A_149[%dma_start3A_150, %dma_start3A_151] : memref<10000x128xf32, #tpu.memory_space<hbm>> -> memref<10000x128xf32, #tpu.memory_space<hbm>>
      tpu.enqueue_indirect_dma source(%dma_start3A_152 : memref<10000x128xf32, #tpu.memory_space<hbm>>) target(%arg11 : memref<125x128xf32, #tpu.memory_space<vmem>>) offsets(%dma_start3A_145 : memref<125xi32, #tpu.memory_space<vmem>>) semaphore(%arg14 : memref<!tpu.dma_semaphore, #tpu.memory_space<semaphore_mem>>)
      %run_scoped3A_153 = arith.constant 4 : i32
      "tpu.region"() ({
        %run_scoped3A_382 = tpu.sem_alloc : memref<!tpu.dma_semaphore, #tpu.memory_space<semaphore_mem>>
        %dma_start3A_383 = arith.constant 0 : i32
        %dma_start3A_384 = tpu.memref_slice %arg9[%run_scoped3A_153, %dma_start3A_383] : memref<8x125xi32, #tpu.memory_space<vmem>> -> memref<1x125xi32, #tpu.memory_space<vmem>>
        %dma_start3A_385 = tpu.memref_squeeze %dma_start3A_384 : memref<1x125xi32, #tpu.memory_space<vmem>> -> memref<125xi32, #tpu.memory_space<vmem>>
        %dma_start3A_386 = arith.constant 0 : i32
        %dma_start3A_387 = arith.constant 0 : i32
        %dma_start3A_388 = tpu.memref_slice %arg13[%dma_start3A_386, %dma_start3A_387] : memref<10112x128xf32, #tpu.memory_space<vmem_shared>> -> memref<10112x128xf32, #tpu.memory_space<vmem_shared>>
        tpu.enqueue_indirect_dma source(%arg11 : memref<125x128xf32, #tpu.memory_space<vmem>>) target(%dma_start3A_388 : memref<10112x128xf32, #tpu.memory_space<vmem_shared>>) offsets(%dma_start3A_385 : memref<125xi32, #tpu.memory_space<vmem>>) semaphore(%run_scoped3A_382 : memref<!tpu.dma_semaphore, #tpu.memory_space<semaphore_mem>>) {add = true}
        %dma_wait3A_389 = arith.constant 0 : i32
        %dma_wait3A_390 = tpu.memref_slice %arg9[%run_scoped3A_153, %dma_wait3A_389] : memref<8x125xi32, #tpu.memory_space<vmem>> -> memref<1x125xi32, #tpu.memory_space<vmem>>
        %dma_wait3A_391 = tpu.memref_squeeze %dma_wait3A_390 : memref<1x125xi32, #tpu.memory_space<vmem>> -> memref<125xi32, #tpu.memory_space<vmem>>
        %dma_wait3A_392 = arith.constant 0 : i32
        %dma_wait3A_393 = arith.constant 0 : i32
        %dma_wait3A_394 = tpu.memref_slice %arg13[%dma_wait3A_392, %dma_wait3A_393] : memref<10112x128xf32, #tpu.memory_space<vmem_shared>> -> memref<10112x128xf32, #tpu.memory_space<vmem_shared>>
        tpu.wait_indirect_dma semaphore(%run_scoped3A_382 : memref<!tpu.dma_semaphore, #tpu.memory_space<semaphore_mem>>) src(%arg11 : memref<125x128xf32, #tpu.memory_space<vmem>>) dst(%dma_wait3A_394 : memref<10112x128xf32, #tpu.memory_space<vmem_shared>>)
        tpu.yield
      }) : () -> ()
      %dma_wait3A_154 = arith.constant 5 : i32
      %dma_wait3A_155 = arith.constant 0 : i32
      %dma_wait3A_156 = tpu.memref_slice %arg7[%dma_wait3A_154, %dma_wait3A_155] : memref<8x125xi32, #tpu.memory_space<vmem>> -> memref<1x125xi32, #tpu.memory_space<vmem>>
      %dma_wait3A_157 = tpu.memref_squeeze %dma_wait3A_156 : memref<1x125xi32, #tpu.memory_space<vmem>> -> memref<125xi32, #tpu.memory_space<vmem>>
      %dma_wait3A_158 = arith.constant 0 : i32
      %dma_wait3A_159 = arith.constant 0 : i32
      %dma_wait3A_160 = tpu.memref_slice %arg4[%arg0, %dma_wait3A_158, %dma_wait3A_159] : memref<2x10000x128xf32, #tpu.memory_space<hbm>> -> memref<1x10000x128xf32, #tpu.memory_space<hbm>>
      %dma_wait3A_161 = tpu.memref_squeeze %dma_wait3A_160 : memref<1x10000x128xf32, #tpu.memory_space<hbm>> -> memref<10000x128xf32, #tpu.memory_space<hbm>>
      %dma_wait3A_162 = arith.constant 0 : i32
      %dma_wait3A_163 = arith.constant 0 : i32
      %dma_wait3A_164 = tpu.memref_slice %dma_wait3A_161[%dma_wait3A_162, %dma_wait3A_163] : memref<10000x128xf32, #tpu.memory_space<hbm>> -> memref<10000x128xf32, #tpu.memory_space<hbm>>
      tpu.wait_indirect_dma semaphore(%arg15 : memref<!tpu.dma_semaphore, #tpu.memory_space<semaphore_mem>>) src(%dma_wait3A_164 : memref<10000x128xf32, #tpu.memory_space<hbm>>) dst(%arg12 : memref<125x128xf32, #tpu.memory_space<vmem>>)
      %dma_start3A_165 = arith.constant 7 : i32
      %dma_start3A_166 = arith.constant 0 : i32
      %dma_start3A_167 = tpu.memref_slice %arg7[%dma_start3A_165, %dma_start3A_166] : memref<8x125xi32, #tpu.memory_space<vmem>> -> memref<1x125xi32, #tpu.memory_space<vmem>>
      %dma_start3A_168 = tpu.memref_squeeze %dma_start3A_167 : memref<1x125xi32, #tpu.memory_space<vmem>> -> memref<125xi32, #tpu.memory_space<vmem>>
      %dma_start3A_169 = arith.constant 0 : i32
      %dma_start3A_170 = arith.constant 0 : i32
      %dma_start3A_171 = tpu.memref_slice %arg4[%arg0, %dma_start3A_169, %dma_start3A_170] : memref<2x10000x128xf32, #tpu.memory_space<hbm>> -> memref<1x10000x128xf32, #tpu.memory_space<hbm>>
      %dma_start3A_172 = tpu.memref_squeeze %dma_start3A_171 : memref<1x10000x128xf32, #tpu.memory_space<hbm>> -> memref<10000x128xf32, #tpu.memory_space<hbm>>
      %dma_start3A_173 = arith.constant 0 : i32
      %dma_start3A_174 = arith.constant 0 : i32
      %dma_start3A_175 = tpu.memref_slice %dma_start3A_172[%dma_start3A_173, %dma_start3A_174] : memref<10000x128xf32, #tpu.memory_space<hbm>> -> memref<10000x128xf32, #tpu.memory_space<hbm>>
      tpu.enqueue_indirect_dma source(%dma_start3A_175 : memref<10000x128xf32, #tpu.memory_space<hbm>>) target(%arg12 : memref<125x128xf32, #tpu.memory_space<vmem>>) offsets(%dma_start3A_168 : memref<125xi32, #tpu.memory_space<vmem>>) semaphore(%arg15 : memref<!tpu.dma_semaphore, #tpu.memory_space<semaphore_mem>>)
      %run_scoped3A_176 = arith.constant 5 : i32
      "tpu.region"() ({
        %run_scoped3A_382 = tpu.sem_alloc : memref<!tpu.dma_semaphore, #tpu.memory_space<semaphore_mem>>
        %dma_start3A_383 = arith.constant 0 : i32
        %dma_start3A_384 = tpu.memref_slice %arg9[%run_scoped3A_176, %dma_start3A_383] : memref<8x125xi32, #tpu.memory_space<vmem>> -> memref<1x125xi32, #tpu.memory_space<vmem>>
        %dma_start3A_385 = tpu.memref_squeeze %dma_start3A_384 : memref<1x125xi32, #tpu.memory_space<vmem>> -> memref<125xi32, #tpu.memory_space<vmem>>
        %dma_start3A_386 = arith.constant 0 : i32
        %dma_start3A_387 = arith.constant 0 : i32
        %dma_start3A_388 = tpu.memref_slice %arg13[%dma_start3A_386, %dma_start3A_387] : memref<10112x128xf32, #tpu.memory_space<vmem_shared>> -> memref<10112x128xf32, #tpu.memory_space<vmem_shared>>
        tpu.enqueue_indirect_dma source(%arg12 : memref<125x128xf32, #tpu.memory_space<vmem>>) target(%dma_start3A_388 : memref<10112x128xf32, #tpu.memory_space<vmem_shared>>) offsets(%dma_start3A_385 : memref<125xi32, #tpu.memory_space<vmem>>) semaphore(%run_scoped3A_382 : memref<!tpu.dma_semaphore, #tpu.memory_space<semaphore_mem>>) {add = true}
        %dma_wait3A_389 = arith.constant 0 : i32
        %dma_wait3A_390 = tpu.memref_slice %arg9[%run_scoped3A_176, %dma_wait3A_389] : memref<8x125xi32, #tpu.memory_space<vmem>> -> memref<1x125xi32, #tpu.memory_space<vmem>>
        %dma_wait3A_391 = tpu.memref_squeeze %dma_wait3A_390 : memref<1x125xi32, #tpu.memory_space<vmem>> -> memref<125xi32, #tpu.memory_space<vmem>>
        %dma_wait3A_392 = arith.constant 0 : i32
        %dma_wait3A_393 = arith.constant 0 : i32
        %dma_wait3A_394 = tpu.memref_slice %arg13[%dma_wait3A_392, %dma_wait3A_393] : memref<10112x128xf32, #tpu.memory_space<vmem_shared>> -> memref<10112x128xf32, #tpu.memory_space<vmem_shared>>
        tpu.wait_indirect_dma semaphore(%run_scoped3A_382 : memref<!tpu.dma_semaphore, #tpu.memory_space<semaphore_mem>>) src(%arg12 : memref<125x128xf32, #tpu.memory_space<vmem>>) dst(%dma_wait3A_394 : memref<10112x128xf32, #tpu.memory_space<vmem_shared>>)
        tpu.yield
      }) : () -> ()
      %dma_wait3A_177 = arith.constant 6 : i32
      %dma_wait3A_178 = arith.constant 0 : i32
      %dma_wait3A_179 = tpu.memref_slice %arg7[%dma_wait3A_177, %dma_wait3A_178] : memref<8x125xi32, #tpu.memory_space<vmem>> -> memref<1x125xi32, #tpu.memory_space<vmem>>
      %dma_wait3A_180 = tpu.memref_squeeze %dma_wait3A_179 : memref<1x125xi32, #tpu.memory_space<vmem>> -> memref<125xi32, #tpu.memory_space<vmem>>
      %dma_wait3A_181 = arith.constant 0 : i32
      %dma_wait3A_182 = arith.constant 0 : i32
      %dma_wait3A_183 = tpu.memref_slice %arg4[%arg0, %dma_wait3A_181, %dma_wait3A_182] : memref<2x10000x128xf32, #tpu.memory_space<hbm>> -> memref<1x10000x128xf32, #tpu.memory_space<hbm>>
      %dma_wait3A_184 = tpu.memref_squeeze %dma_wait3A_183 : memref<1x10000x128xf32, #tpu.memory_space<hbm>> -> memref<10000x128xf32, #tpu.memory_space<hbm>>
      %dma_wait3A_185 = arith.constant 0 : i32
      %dma_wait3A_186 = arith.constant 0 : i32
      %dma_wait3A_187 = tpu.memref_slice %dma_wait3A_184[%dma_wait3A_185, %dma_wait3A_186] : memref<10000x128xf32, #tpu.memory_space<hbm>> -> memref<10000x128xf32, #tpu.memory_space<hbm>>
      tpu.wait_indirect_dma semaphore(%arg14 : memref<!tpu.dma_semaphore, #tpu.memory_space<semaphore_mem>>) src(%dma_wait3A_187 : memref<10000x128xf32, #tpu.memory_space<hbm>>) dst(%arg11 : memref<125x128xf32, #tpu.memory_space<vmem>>)
      %convert_element_type3A_188 = arith.extui %ge3A_39 : i1 to i32
      %cond3A_189 = arith.constant 0 : i32
      %cond3A_190 = arith.cmpi ne, %convert_element_type3A_188, %cond3A_189 : i32
      scf.if %cond3A_190 {
        %mul3A_382 = arith.constant 80 : i32
        %mul3A_383 = arith.muli %arg1, %mul3A_382 : i32
        %dma_wait3A_384 = arith.constant 0 : i32
        %dma_wait3A_385 = tpu.memref_slice %arg2[%mul3A_383, %dma_wait3A_384] : memref<1280x125xi32, #tpu.memory_space<hbm>> -> memref<8x125xi32, #tpu.memory_space<hbm>>
        %dma_wait3A_386 = arith.constant 0 : i32
        %dma_wait3A_387 = tpu.memref_slice %arg2[%mul3A_383, %dma_wait3A_386] : memref<1280x125xi32, #tpu.memory_space<hbm>> -> memref<8x125xi32, #tpu.memory_space<hbm>>
        tpu.wait_dma2 semaphore(%arg16 : memref<!tpu.dma_semaphore, #tpu.memory_space<semaphore_mem>>) src(%dma_wait3A_387 : memref<8x125xi32, #tpu.memory_space<hbm>>) dst(%arg8 : memref<8x125xi32, #tpu.memory_space<vmem>>)
        %mul3A_388 = arith.constant 80 : i32
        %mul3A_389 = arith.muli %arg1, %mul3A_388 : i32
        %dma_wait3A_390 = arith.constant 0 : i32
        %dma_wait3A_391 = tpu.memref_slice %arg3[%mul3A_389, %dma_wait3A_390] : memref<1280x125xi32, #tpu.memory_space<hbm>> -> memref<8x125xi32, #tpu.memory_space<hbm>>
        %dma_wait3A_392 = arith.constant 0 : i32
        %dma_wait3A_393 = tpu.memref_slice %arg3[%mul3A_389, %dma_wait3A_392] : memref<1280x125xi32, #tpu.memory_space<hbm>> -> memref<8x125xi32, #tpu.memory_space<hbm>>
        tpu.wait_dma2 semaphore(%arg16 : memref<!tpu.dma_semaphore, #tpu.memory_space<semaphore_mem>>) src(%dma_wait3A_393 : memref<8x125xi32, #tpu.memory_space<hbm>>) dst(%arg10 : memref<8x125xi32, #tpu.memory_space<vmem>>)
        %dma_start3A_394 = arith.constant 0 : i32
        %dma_start3A_395 = arith.constant 0 : i32
        %dma_start3A_396 = tpu.memref_slice %arg8[%dma_start3A_394, %dma_start3A_395] : memref<8x125xi32, #tpu.memory_space<vmem>> -> memref<1x125xi32, #tpu.memory_space<vmem>>
        %dma_start3A_397 = tpu.memref_squeeze %dma_start3A_396 : memref<1x125xi32, #tpu.memory_space<vmem>> -> memref<125xi32, #tpu.memory_space<vmem>>
        %dma_start3A_398 = arith.constant 0 : i32
        %dma_start3A_399 = arith.constant 0 : i32
        %dma_start3A_400 = tpu.memref_slice %arg4[%arg0, %dma_start3A_398, %dma_start3A_399] : memref<2x10000x128xf32, #tpu.memory_space<hbm>> -> memref<1x10000x128xf32, #tpu.memory_space<hbm>>
        %dma_start3A_401 = tpu.memref_squeeze %dma_start3A_400 : memref<1x10000x128xf32, #tpu.memory_space<hbm>> -> memref<10000x128xf32, #tpu.memory_space<hbm>>
        %dma_start3A_402 = arith.constant 0 : i32
        %dma_start3A_403 = arith.constant 0 : i32
        %dma_start3A_404 = tpu.memref_slice %dma_start3A_401[%dma_start3A_402, %dma_start3A_403] : memref<10000x128xf32, #tpu.memory_space<hbm>> -> memref<10000x128xf32, #tpu.memory_space<hbm>>
        tpu.enqueue_indirect_dma source(%dma_start3A_404 : memref<10000x128xf32, #tpu.memory_space<hbm>>) target(%arg11 : memref<125x128xf32, #tpu.memory_space<vmem>>) offsets(%dma_start3A_397 : memref<125xi32, #tpu.memory_space<vmem>>) semaphore(%arg14 : memref<!tpu.dma_semaphore, #tpu.memory_space<semaphore_mem>>)
      } else {
      }
      %run_scoped3A_191 = arith.constant 6 : i32
      "tpu.region"() ({
        %run_scoped3A_382 = tpu.sem_alloc : memref<!tpu.dma_semaphore, #tpu.memory_space<semaphore_mem>>
        %dma_start3A_383 = arith.constant 0 : i32
        %dma_start3A_384 = tpu.memref_slice %arg9[%run_scoped3A_191, %dma_start3A_383] : memref<8x125xi32, #tpu.memory_space<vmem>> -> memref<1x125xi32, #tpu.memory_space<vmem>>
        %dma_start3A_385 = tpu.memref_squeeze %dma_start3A_384 : memref<1x125xi32, #tpu.memory_space<vmem>> -> memref<125xi32, #tpu.memory_space<vmem>>
        %dma_start3A_386 = arith.constant 0 : i32
        %dma_start3A_387 = arith.constant 0 : i32
        %dma_start3A_388 = tpu.memref_slice %arg13[%dma_start3A_386, %dma_start3A_387] : memref<10112x128xf32, #tpu.memory_space<vmem_shared>> -> memref<10112x128xf32, #tpu.memory_space<vmem_shared>>
        tpu.enqueue_indirect_dma source(%arg11 : memref<125x128xf32, #tpu.memory_space<vmem>>) target(%dma_start3A_388 : memref<10112x128xf32, #tpu.memory_space<vmem_shared>>) offsets(%dma_start3A_385 : memref<125xi32, #tpu.memory_space<vmem>>) semaphore(%run_scoped3A_382 : memref<!tpu.dma_semaphore, #tpu.memory_space<semaphore_mem>>) {add = true}
        %dma_wait3A_389 = arith.constant 0 : i32
        %dma_wait3A_390 = tpu.memref_slice %arg9[%run_scoped3A_191, %dma_wait3A_389] : memref<8x125xi32, #tpu.memory_space<vmem>> -> memref<1x125xi32, #tpu.memory_space<vmem>>
        %dma_wait3A_391 = tpu.memref_squeeze %dma_wait3A_390 : memref<1x125xi32, #tpu.memory_space<vmem>> -> memref<125xi32, #tpu.memory_space<vmem>>
        %dma_wait3A_392 = arith.constant 0 : i32
        %dma_wait3A_393 = arith.constant 0 : i32
        %dma_wait3A_394 = tpu.memref_slice %arg13[%dma_wait3A_392, %dma_wait3A_393] : memref<10112x128xf32, #tpu.memory_space<vmem_shared>> -> memref<10112x128xf32, #tpu.memory_space<vmem_shared>>
        tpu.wait_indirect_dma semaphore(%run_scoped3A_382 : memref<!tpu.dma_semaphore, #tpu.memory_space<semaphore_mem>>) src(%arg11 : memref<125x128xf32, #tpu.memory_space<vmem>>) dst(%dma_wait3A_394 : memref<10112x128xf32, #tpu.memory_space<vmem_shared>>)
        tpu.yield
      }) : () -> ()
      %dma_wait3A_192 = arith.constant 7 : i32
      %dma_wait3A_193 = arith.constant 0 : i32
      %dma_wait3A_194 = tpu.memref_slice %arg7[%dma_wait3A_192, %dma_wait3A_193] : memref<8x125xi32, #tpu.memory_space<vmem>> -> memref<1x125xi32, #tpu.memory_space<vmem>>
      %dma_wait3A_195 = tpu.memref_squeeze %dma_wait3A_194 : memref<1x125xi32, #tpu.memory_space<vmem>> -> memref<125xi32, #tpu.memory_space<vmem>>
      %dma_wait3A_196 = arith.constant 0 : i32
      %dma_wait3A_197 = arith.constant 0 : i32
      %dma_wait3A_198 = tpu.memref_slice %arg4[%arg0, %dma_wait3A_196, %dma_wait3A_197] : memref<2x10000x128xf32, #tpu.memory_space<hbm>> -> memref<1x10000x128xf32, #tpu.memory_space<hbm>>
      %dma_wait3A_199 = tpu.memref_squeeze %dma_wait3A_198 : memref<1x10000x128xf32, #tpu.memory_space<hbm>> -> memref<10000x128xf32, #tpu.memory_space<hbm>>
      %dma_wait3A_200 = arith.constant 0 : i32
      %dma_wait3A_201 = arith.constant 0 : i32
      %dma_wait3A_202 = tpu.memref_slice %dma_wait3A_199[%dma_wait3A_200, %dma_wait3A_201] : memref<10000x128xf32, #tpu.memory_space<hbm>> -> memref<10000x128xf32, #tpu.memory_space<hbm>>
      tpu.wait_indirect_dma semaphore(%arg15 : memref<!tpu.dma_semaphore, #tpu.memory_space<semaphore_mem>>) src(%dma_wait3A_202 : memref<10000x128xf32, #tpu.memory_space<hbm>>) dst(%arg12 : memref<125x128xf32, #tpu.memory_space<vmem>>)
      %convert_element_type3A_203 = arith.extui %ge3A_39 : i1 to i32
      %cond3A_204 = arith.constant 0 : i32
      %cond3A_205 = arith.cmpi ne, %convert_element_type3A_203, %cond3A_204 : i32
      scf.if %cond3A_205 {
        %dma_start3A_382 = arith.constant 1 : i32
        %dma_start3A_383 = arith.constant 0 : i32
        %dma_start3A_384 = tpu.memref_slice %arg8[%dma_start3A_382, %dma_start3A_383] : memref<8x125xi32, #tpu.memory_space<vmem>> -> memref<1x125xi32, #tpu.memory_space<vmem>>
        %dma_start3A_385 = tpu.memref_squeeze %dma_start3A_384 : memref<1x125xi32, #tpu.memory_space<vmem>> -> memref<125xi32, #tpu.memory_space<vmem>>
        %dma_start3A_386 = arith.constant 0 : i32
        %dma_start3A_387 = arith.constant 0 : i32
        %dma_start3A_388 = tpu.memref_slice %arg4[%arg0, %dma_start3A_386, %dma_start3A_387] : memref<2x10000x128xf32, #tpu.memory_space<hbm>> -> memref<1x10000x128xf32, #tpu.memory_space<hbm>>
        %dma_start3A_389 = tpu.memref_squeeze %dma_start3A_388 : memref<1x10000x128xf32, #tpu.memory_space<hbm>> -> memref<10000x128xf32, #tpu.memory_space<hbm>>
        %dma_start3A_390 = arith.constant 0 : i32
        %dma_start3A_391 = arith.constant 0 : i32
        %dma_start3A_392 = tpu.memref_slice %dma_start3A_389[%dma_start3A_390, %dma_start3A_391] : memref<10000x128xf32, #tpu.memory_space<hbm>> -> memref<10000x128xf32, #tpu.memory_space<hbm>>
        tpu.enqueue_indirect_dma source(%dma_start3A_392 : memref<10000x128xf32, #tpu.memory_space<hbm>>) target(%arg12 : memref<125x128xf32, #tpu.memory_space<vmem>>) offsets(%dma_start3A_385 : memref<125xi32, #tpu.memory_space<vmem>>) semaphore(%arg15 : memref<!tpu.dma_semaphore, #tpu.memory_space<semaphore_mem>>)
      } else {
      }
      %run_scoped3A_206 = arith.constant 7 : i32
      "tpu.region"() ({
        %run_scoped3A_382 = tpu.sem_alloc : memref<!tpu.dma_semaphore, #tpu.memory_space<semaphore_mem>>
        %dma_start3A_383 = arith.constant 0 : i32
        %dma_start3A_384 = tpu.memref_slice %arg9[%run_scoped3A_206, %dma_start3A_383] : memref<8x125xi32, #tpu.memory_space<vmem>> -> memref<1x125xi32, #tpu.memory_space<vmem>>
        %dma_start3A_385 = tpu.memref_squeeze %dma_start3A_384 : memref<1x125xi32, #tpu.memory_space<vmem>> -> memref<125xi32, #tpu.memory_space<vmem>>
        %dma_start3A_386 = arith.constant 0 : i32
        %dma_start3A_387 = arith.constant 0 : i32
        %dma_start3A_388 = tpu.memref_slice %arg13[%dma_start3A_386, %dma_start3A_387] : memref<10112x128xf32, #tpu.memory_space<vmem_shared>> -> memref<10112x128xf32, #tpu.memory_space<vmem_shared>>
        tpu.enqueue_indirect_dma source(%arg12 : memref<125x128xf32, #tpu.memory_space<vmem>>) target(%dma_start3A_388 : memref<10112x128xf32, #tpu.memory_space<vmem_shared>>) offsets(%dma_start3A_385 : memref<125xi32, #tpu.memory_space<vmem>>) semaphore(%run_scoped3A_382 : memref<!tpu.dma_semaphore, #tpu.memory_space<semaphore_mem>>) {add = true}
        %dma_wait3A_389 = arith.constant 0 : i32
        %dma_wait3A_390 = tpu.memref_slice %arg9[%run_scoped3A_206, %dma_wait3A_389] : memref<8x125xi32, #tpu.memory_space<vmem>> -> memref<1x125xi32, #tpu.memory_space<vmem>>
        %dma_wait3A_391 = tpu.memref_squeeze %dma_wait3A_390 : memref<1x125xi32, #tpu.memory_space<vmem>> -> memref<125xi32, #tpu.memory_space<vmem>>
        %dma_wait3A_392 = arith.constant 0 : i32
        %dma_wait3A_393 = arith.constant 0 : i32
        %dma_wait3A_394 = tpu.memref_slice %arg13[%dma_wait3A_392, %dma_wait3A_393] : memref<10112x128xf32, #tpu.memory_space<vmem_shared>> -> memref<10112x128xf32, #tpu.memory_space<vmem_shared>>
        tpu.wait_indirect_dma semaphore(%run_scoped3A_382 : memref<!tpu.dma_semaphore, #tpu.memory_space<semaphore_mem>>) src(%arg12 : memref<125x128xf32, #tpu.memory_space<vmem>>) dst(%dma_wait3A_394 : memref<10112x128xf32, #tpu.memory_space<vmem_shared>>)
        tpu.yield
      }) : () -> ()
      %mul3A_207 = arith.constant 2 : i32
      %mul3A_208 = arith.muli %mul3A_207, %scan3A_36 : i32
      %add3A = arith.constant 1 : i32
      %add3A_209 = arith.addi %mul3A_208, %add3A : i32
      %lt3A = arith.constant 4 : i32
      %lt3A_210 = arith.cmpi slt, %scan3A_36, %lt3A : i32
      %convert_element_type3A_211 = arith.extui %lt3A_210 : i1 to i32
      %cond3A_212 = arith.constant 0 : i32
      %cond3A_213 = arith.cmpi ne, %convert_element_type3A_211, %cond3A_212 : i32
      scf.if %cond3A_213 {
        %add3A_382 = arith.constant 1 : i32
        %add3A_383 = arith.addi %add3A_209, %add3A_382 : i32
        %mul3A_384 = arith.constant 8 : i32
        %mul3A_385 = arith.muli %add3A_383, %mul3A_384 : i32
        %mul3A_386 = arith.constant 80 : i32
        %mul3A_387 = arith.muli %arg1, %mul3A_386 : i32
        %add3A_388 = arith.addi %mul3A_385, %mul3A_387 : i32
        %dma_start3A_389 = arith.constant 0 : i32
        %dma_start3A_390 = tpu.memref_slice %arg2[%add3A_388, %dma_start3A_389] : memref<1280x125xi32, #tpu.memory_space<hbm>> -> memref<8x125xi32, #tpu.memory_space<hbm>>
        %dma_start3A_391 = arith.constant 0 : i32
        %dma_start3A_392 = tpu.memref_slice %arg2[%add3A_388, %dma_start3A_391] : memref<1280x125xi32, #tpu.memory_space<hbm>> -> memref<8x125xi32, #tpu.memory_space<hbm>>
        tpu.enqueue_dma source(%dma_start3A_392 : memref<8x125xi32, #tpu.memory_space<hbm>>) target(%arg7 : memref<8x125xi32, #tpu.memory_space<vmem>>) target_semaphore(%arg16 : memref<!tpu.dma_semaphore, #tpu.memory_space<semaphore_mem>>)
        %dma_start3A_393 = arith.constant 0 : i32
        %dma_start3A_394 = tpu.memref_slice %arg3[%add3A_388, %dma_start3A_393] : memref<1280x125xi32, #tpu.memory_space<hbm>> -> memref<8x125xi32, #tpu.memory_space<hbm>>
        %dma_start3A_395 = arith.constant 0 : i32
        %dma_start3A_396 = tpu.memref_slice %arg3[%add3A_388, %dma_start3A_395] : memref<1280x125xi32, #tpu.memory_space<hbm>> -> memref<8x125xi32, #tpu.memory_space<hbm>>
        tpu.enqueue_dma source(%dma_start3A_396 : memref<8x125xi32, #tpu.memory_space<hbm>>) target(%arg9 : memref<8x125xi32, #tpu.memory_space<vmem>>) target_semaphore(%arg16 : memref<!tpu.dma_semaphore, #tpu.memory_space<semaphore_mem>>)
      } else {
      }
      %dma_wait3A_214 = arith.constant 0 : i32
      %dma_wait3A_215 = arith.constant 0 : i32
      %dma_wait3A_216 = tpu.memref_slice %arg8[%dma_wait3A_214, %dma_wait3A_215] : memref<8x125xi32, #tpu.memory_space<vmem>> -> memref<1x125xi32, #tpu.memory_space<vmem>>
      %dma_wait3A_217 = tpu.memref_squeeze %dma_wait3A_216 : memref<1x125xi32, #tpu.memory_space<vmem>> -> memref<125xi32, #tpu.memory_space<vmem>>
      %dma_wait3A_218 = arith.constant 0 : i32
      %dma_wait3A_219 = arith.constant 0 : i32
      %dma_wait3A_220 = tpu.memref_slice %arg4[%arg0, %dma_wait3A_218, %dma_wait3A_219] : memref<2x10000x128xf32, #tpu.memory_space<hbm>> -> memref<1x10000x128xf32, #tpu.memory_space<hbm>>
      %dma_wait3A_221 = tpu.memref_squeeze %dma_wait3A_220 : memref<1x10000x128xf32, #tpu.memory_space<hbm>> -> memref<10000x128xf32, #tpu.memory_space<hbm>>
      %dma_wait3A_222 = arith.constant 0 : i32
      %dma_wait3A_223 = arith.constant 0 : i32
      %dma_wait3A_224 = tpu.memref_slice %dma_wait3A_221[%dma_wait3A_222, %dma_wait3A_223] : memref<10000x128xf32, #tpu.memory_space<hbm>> -> memref<10000x128xf32, #tpu.memory_space<hbm>>
      tpu.wait_indirect_dma semaphore(%arg14 : memref<!tpu.dma_semaphore, #tpu.memory_space<semaphore_mem>>) src(%dma_wait3A_224 : memref<10000x128xf32, #tpu.memory_space<hbm>>) dst(%arg11 : memref<125x128xf32, #tpu.memory_space<vmem>>)
      %dma_start3A_225 = arith.constant 2 : i32
      %dma_start3A_226 = arith.constant 0 : i32
      %dma_start3A_227 = tpu.memref_slice %arg8[%dma_start3A_225, %dma_start3A_226] : memref<8x125xi32, #tpu.memory_space<vmem>> -> memref<1x125xi32, #tpu.memory_space<vmem>>
      %dma_start3A_228 = tpu.memref_squeeze %dma_start3A_227 : memref<1x125xi32, #tpu.memory_space<vmem>> -> memref<125xi32, #tpu.memory_space<vmem>>
      %dma_start3A_229 = arith.constant 0 : i32
      %dma_start3A_230 = arith.constant 0 : i32
      %dma_start3A_231 = tpu.memref_slice %arg4[%arg0, %dma_start3A_229, %dma_start3A_230] : memref<2x10000x128xf32, #tpu.memory_space<hbm>> -> memref<1x10000x128xf32, #tpu.memory_space<hbm>>
      %dma_start3A_232 = tpu.memref_squeeze %dma_start3A_231 : memref<1x10000x128xf32, #tpu.memory_space<hbm>> -> memref<10000x128xf32, #tpu.memory_space<hbm>>
      %dma_start3A_233 = arith.constant 0 : i32
      %dma_start3A_234 = arith.constant 0 : i32
      %dma_start3A_235 = tpu.memref_slice %dma_start3A_232[%dma_start3A_233, %dma_start3A_234] : memref<10000x128xf32, #tpu.memory_space<hbm>> -> memref<10000x128xf32, #tpu.memory_space<hbm>>
      tpu.enqueue_indirect_dma source(%dma_start3A_235 : memref<10000x128xf32, #tpu.memory_space<hbm>>) target(%arg11 : memref<125x128xf32, #tpu.memory_space<vmem>>) offsets(%dma_start3A_228 : memref<125xi32, #tpu.memory_space<vmem>>) semaphore(%arg14 : memref<!tpu.dma_semaphore, #tpu.memory_space<semaphore_mem>>)
      %run_scoped3A_236 = arith.constant 0 : i32
      "tpu.region"() ({
        %run_scoped3A_382 = tpu.sem_alloc : memref<!tpu.dma_semaphore, #tpu.memory_space<semaphore_mem>>
        %dma_start3A_383 = arith.constant 0 : i32
        %dma_start3A_384 = tpu.memref_slice %arg10[%run_scoped3A_236, %dma_start3A_383] : memref<8x125xi32, #tpu.memory_space<vmem>> -> memref<1x125xi32, #tpu.memory_space<vmem>>
        %dma_start3A_385 = tpu.memref_squeeze %dma_start3A_384 : memref<1x125xi32, #tpu.memory_space<vmem>> -> memref<125xi32, #tpu.memory_space<vmem>>
        %dma_start3A_386 = arith.constant 0 : i32
        %dma_start3A_387 = arith.constant 0 : i32
        %dma_start3A_388 = tpu.memref_slice %arg13[%dma_start3A_386, %dma_start3A_387] : memref<10112x128xf32, #tpu.memory_space<vmem_shared>> -> memref<10112x128xf32, #tpu.memory_space<vmem_shared>>
        tpu.enqueue_indirect_dma source(%arg11 : memref<125x128xf32, #tpu.memory_space<vmem>>) target(%dma_start3A_388 : memref<10112x128xf32, #tpu.memory_space<vmem_shared>>) offsets(%dma_start3A_385 : memref<125xi32, #tpu.memory_space<vmem>>) semaphore(%run_scoped3A_382 : memref<!tpu.dma_semaphore, #tpu.memory_space<semaphore_mem>>) {add = true}
        %dma_wait3A_389 = arith.constant 0 : i32
        %dma_wait3A_390 = tpu.memref_slice %arg10[%run_scoped3A_236, %dma_wait3A_389] : memref<8x125xi32, #tpu.memory_space<vmem>> -> memref<1x125xi32, #tpu.memory_space<vmem>>
        %dma_wait3A_391 = tpu.memref_squeeze %dma_wait3A_390 : memref<1x125xi32, #tpu.memory_space<vmem>> -> memref<125xi32, #tpu.memory_space<vmem>>
        %dma_wait3A_392 = arith.constant 0 : i32
        %dma_wait3A_393 = arith.constant 0 : i32
        %dma_wait3A_394 = tpu.memref_slice %arg13[%dma_wait3A_392, %dma_wait3A_393] : memref<10112x128xf32, #tpu.memory_space<vmem_shared>> -> memref<10112x128xf32, #tpu.memory_space<vmem_shared>>
        tpu.wait_indirect_dma semaphore(%run_scoped3A_382 : memref<!tpu.dma_semaphore, #tpu.memory_space<semaphore_mem>>) src(%arg11 : memref<125x128xf32, #tpu.memory_space<vmem>>) dst(%dma_wait3A_394 : memref<10112x128xf32, #tpu.memory_space<vmem_shared>>)
        tpu.yield
      }) : () -> ()
      %dma_wait3A_237 = arith.constant 1 : i32
      %dma_wait3A_238 = arith.constant 0 : i32
      %dma_wait3A_239 = tpu.memref_slice %arg8[%dma_wait3A_237, %dma_wait3A_238] : memref<8x125xi32, #tpu.memory_space<vmem>> -> memref<1x125xi32, #tpu.memory_space<vmem>>
      %dma_wait3A_240 = tpu.memref_squeeze %dma_wait3A_239 : memref<1x125xi32, #tpu.memory_space<vmem>> -> memref<125xi32, #tpu.memory_space<vmem>>
      %dma_wait3A_241 = arith.constant 0 : i32
      %dma_wait3A_242 = arith.constant 0 : i32
      %dma_wait3A_243 = tpu.memref_slice %arg4[%arg0, %dma_wait3A_241, %dma_wait3A_242] : memref<2x10000x128xf32, #tpu.memory_space<hbm>> -> memref<1x10000x128xf32, #tpu.memory_space<hbm>>
      %dma_wait3A_244 = tpu.memref_squeeze %dma_wait3A_243 : memref<1x10000x128xf32, #tpu.memory_space<hbm>> -> memref<10000x128xf32, #tpu.memory_space<hbm>>
      %dma_wait3A_245 = arith.constant 0 : i32
      %dma_wait3A_246 = arith.constant 0 : i32
      %dma_wait3A_247 = tpu.memref_slice %dma_wait3A_244[%dma_wait3A_245, %dma_wait3A_246] : memref<10000x128xf32, #tpu.memory_space<hbm>> -> memref<10000x128xf32, #tpu.memory_space<hbm>>
      tpu.wait_indirect_dma semaphore(%arg15 : memref<!tpu.dma_semaphore, #tpu.memory_space<semaphore_mem>>) src(%dma_wait3A_247 : memref<10000x128xf32, #tpu.memory_space<hbm>>) dst(%arg12 : memref<125x128xf32, #tpu.memory_space<vmem>>)
      %dma_start3A_248 = arith.constant 3 : i32
      %dma_start3A_249 = arith.constant 0 : i32
      %dma_start3A_250 = tpu.memref_slice %arg8[%dma_start3A_248, %dma_start3A_249] : memref<8x125xi32, #tpu.memory_space<vmem>> -> memref<1x125xi32, #tpu.memory_space<vmem>>
      %dma_start3A_251 = tpu.memref_squeeze %dma_start3A_250 : memref<1x125xi32, #tpu.memory_space<vmem>> -> memref<125xi32, #tpu.memory_space<vmem>>
      %dma_start3A_252 = arith.constant 0 : i32
      %dma_start3A_253 = arith.constant 0 : i32
      %dma_start3A_254 = tpu.memref_slice %arg4[%arg0, %dma_start3A_252, %dma_start3A_253] : memref<2x10000x128xf32, #tpu.memory_space<hbm>> -> memref<1x10000x128xf32, #tpu.memory_space<hbm>>
      %dma_start3A_255 = tpu.memref_squeeze %dma_start3A_254 : memref<1x10000x128xf32, #tpu.memory_space<hbm>> -> memref<10000x128xf32, #tpu.memory_space<hbm>>
      %dma_start3A_256 = arith.constant 0 : i32
      %dma_start3A_257 = arith.constant 0 : i32
      %dma_start3A_258 = tpu.memref_slice %dma_start3A_255[%dma_start3A_256, %dma_start3A_257] : memref<10000x128xf32, #tpu.memory_space<hbm>> -> memref<10000x128xf32, #tpu.memory_space<hbm>>
      tpu.enqueue_indirect_dma source(%dma_start3A_258 : memref<10000x128xf32, #tpu.memory_space<hbm>>) target(%arg12 : memref<125x128xf32, #tpu.memory_space<vmem>>) offsets(%dma_start3A_251 : memref<125xi32, #tpu.memory_space<vmem>>) semaphore(%arg15 : memref<!tpu.dma_semaphore, #tpu.memory_space<semaphore_mem>>)
      %run_scoped3A_259 = arith.constant 1 : i32
      "tpu.region"() ({
        %run_scoped3A_382 = tpu.sem_alloc : memref<!tpu.dma_semaphore, #tpu.memory_space<semaphore_mem>>
        %dma_start3A_383 = arith.constant 0 : i32
        %dma_start3A_384 = tpu.memref_slice %arg10[%run_scoped3A_259, %dma_start3A_383] : memref<8x125xi32, #tpu.memory_space<vmem>> -> memref<1x125xi32, #tpu.memory_space<vmem>>
        %dma_start3A_385 = tpu.memref_squeeze %dma_start3A_384 : memref<1x125xi32, #tpu.memory_space<vmem>> -> memref<125xi32, #tpu.memory_space<vmem>>
        %dma_start3A_386 = arith.constant 0 : i32
        %dma_start3A_387 = arith.constant 0 : i32
        %dma_start3A_388 = tpu.memref_slice %arg13[%dma_start3A_386, %dma_start3A_387] : memref<10112x128xf32, #tpu.memory_space<vmem_shared>> -> memref<10112x128xf32, #tpu.memory_space<vmem_shared>>
        tpu.enqueue_indirect_dma source(%arg12 : memref<125x128xf32, #tpu.memory_space<vmem>>) target(%dma_start3A_388 : memref<10112x128xf32, #tpu.memory_space<vmem_shared>>) offsets(%dma_start3A_385 : memref<125xi32, #tpu.memory_space<vmem>>) semaphore(%run_scoped3A_382 : memref<!tpu.dma_semaphore, #tpu.memory_space<semaphore_mem>>) {add = true}
        %dma_wait3A_389 = arith.constant 0 : i32
        %dma_wait3A_390 = tpu.memref_slice %arg10[%run_scoped3A_259, %dma_wait3A_389] : memref<8x125xi32, #tpu.memory_space<vmem>> -> memref<1x125xi32, #tpu.memory_space<vmem>>
        %dma_wait3A_391 = tpu.memref_squeeze %dma_wait3A_390 : memref<1x125xi32, #tpu.memory_space<vmem>> -> memref<125xi32, #tpu.memory_space<vmem>>
        %dma_wait3A_392 = arith.constant 0 : i32
        %dma_wait3A_393 = arith.constant 0 : i32
        %dma_wait3A_394 = tpu.memref_slice %arg13[%dma_wait3A_392, %dma_wait3A_393] : memref<10112x128xf32, #tpu.memory_space<vmem_shared>> -> memref<10112x128xf32, #tpu.memory_space<vmem_shared>>
        tpu.wait_indirect_dma semaphore(%run_scoped3A_382 : memref<!tpu.dma_semaphore, #tpu.memory_space<semaphore_mem>>) src(%arg12 : memref<125x128xf32, #tpu.memory_space<vmem>>) dst(%dma_wait3A_394 : memref<10112x128xf32, #tpu.memory_space<vmem_shared>>)
        tpu.yield
      }) : () -> ()
      %dma_wait3A_260 = arith.constant 2 : i32
      %dma_wait3A_261 = arith.constant 0 : i32
      %dma_wait3A_262 = tpu.memref_slice %arg8[%dma_wait3A_260, %dma_wait3A_261] : memref<8x125xi32, #tpu.memory_space<vmem>> -> memref<1x125xi32, #tpu.memory_space<vmem>>
      %dma_wait3A_263 = tpu.memref_squeeze %dma_wait3A_262 : memref<1x125xi32, #tpu.memory_space<vmem>> -> memref<125xi32, #tpu.memory_space<vmem>>
      %dma_wait3A_264 = arith.constant 0 : i32
      %dma_wait3A_265 = arith.constant 0 : i32
      %dma_wait3A_266 = tpu.memref_slice %arg4[%arg0, %dma_wait3A_264, %dma_wait3A_265] : memref<2x10000x128xf32, #tpu.memory_space<hbm>> -> memref<1x10000x128xf32, #tpu.memory_space<hbm>>
      %dma_wait3A_267 = tpu.memref_squeeze %dma_wait3A_266 : memref<1x10000x128xf32, #tpu.memory_space<hbm>> -> memref<10000x128xf32, #tpu.memory_space<hbm>>
      %dma_wait3A_268 = arith.constant 0 : i32
      %dma_wait3A_269 = arith.constant 0 : i32
      %dma_wait3A_270 = tpu.memref_slice %dma_wait3A_267[%dma_wait3A_268, %dma_wait3A_269] : memref<10000x128xf32, #tpu.memory_space<hbm>> -> memref<10000x128xf32, #tpu.memory_space<hbm>>
      tpu.wait_indirect_dma semaphore(%arg14 : memref<!tpu.dma_semaphore, #tpu.memory_space<semaphore_mem>>) src(%dma_wait3A_270 : memref<10000x128xf32, #tpu.memory_space<hbm>>) dst(%arg11 : memref<125x128xf32, #tpu.memory_space<vmem>>)
      %dma_start3A_271 = arith.constant 4 : i32
      %dma_start3A_272 = arith.constant 0 : i32
      %dma_start3A_273 = tpu.memref_slice %arg8[%dma_start3A_271, %dma_start3A_272] : memref<8x125xi32, #tpu.memory_space<vmem>> -> memref<1x125xi32, #tpu.memory_space<vmem>>
      %dma_start3A_274 = tpu.memref_squeeze %dma_start3A_273 : memref<1x125xi32, #tpu.memory_space<vmem>> -> memref<125xi32, #tpu.memory_space<vmem>>
      %dma_start3A_275 = arith.constant 0 : i32
      %dma_start3A_276 = arith.constant 0 : i32
      %dma_start3A_277 = tpu.memref_slice %arg4[%arg0, %dma_start3A_275, %dma_start3A_276] : memref<2x10000x128xf32, #tpu.memory_space<hbm>> -> memref<1x10000x128xf32, #tpu.memory_space<hbm>>
      %dma_start3A_278 = tpu.memref_squeeze %dma_start3A_277 : memref<1x10000x128xf32, #tpu.memory_space<hbm>> -> memref<10000x128xf32, #tpu.memory_space<hbm>>
      %dma_start3A_279 = arith.constant 0 : i32
      %dma_start3A_280 = arith.constant 0 : i32
      %dma_start3A_281 = tpu.memref_slice %dma_start3A_278[%dma_start3A_279, %dma_start3A_280] : memref<10000x128xf32, #tpu.memory_space<hbm>> -> memref<10000x128xf32, #tpu.memory_space<hbm>>
      tpu.enqueue_indirect_dma source(%dma_start3A_281 : memref<10000x128xf32, #tpu.memory_space<hbm>>) target(%arg11 : memref<125x128xf32, #tpu.memory_space<vmem>>) offsets(%dma_start3A_274 : memref<125xi32, #tpu.memory_space<vmem>>) semaphore(%arg14 : memref<!tpu.dma_semaphore, #tpu.memory_space<semaphore_mem>>)
      %run_scoped3A_282 = arith.constant 2 : i32
      "tpu.region"() ({
        %run_scoped3A_382 = tpu.sem_alloc : memref<!tpu.dma_semaphore, #tpu.memory_space<semaphore_mem>>
        %dma_start3A_383 = arith.constant 0 : i32
        %dma_start3A_384 = tpu.memref_slice %arg10[%run_scoped3A_282, %dma_start3A_383] : memref<8x125xi32, #tpu.memory_space<vmem>> -> memref<1x125xi32, #tpu.memory_space<vmem>>
        %dma_start3A_385 = tpu.memref_squeeze %dma_start3A_384 : memref<1x125xi32, #tpu.memory_space<vmem>> -> memref<125xi32, #tpu.memory_space<vmem>>
        %dma_start3A_386 = arith.constant 0 : i32
        %dma_start3A_387 = arith.constant 0 : i32
        %dma_start3A_388 = tpu.memref_slice %arg13[%dma_start3A_386, %dma_start3A_387] : memref<10112x128xf32, #tpu.memory_space<vmem_shared>> -> memref<10112x128xf32, #tpu.memory_space<vmem_shared>>
        tpu.enqueue_indirect_dma source(%arg11 : memref<125x128xf32, #tpu.memory_space<vmem>>) target(%dma_start3A_388 : memref<10112x128xf32, #tpu.memory_space<vmem_shared>>) offsets(%dma_start3A_385 : memref<125xi32, #tpu.memory_space<vmem>>) semaphore(%run_scoped3A_382 : memref<!tpu.dma_semaphore, #tpu.memory_space<semaphore_mem>>) {add = true}
        %dma_wait3A_389 = arith.constant 0 : i32
        %dma_wait3A_390 = tpu.memref_slice %arg10[%run_scoped3A_282, %dma_wait3A_389] : memref<8x125xi32, #tpu.memory_space<vmem>> -> memref<1x125xi32, #tpu.memory_space<vmem>>
        %dma_wait3A_391 = tpu.memref_squeeze %dma_wait3A_390 : memref<1x125xi32, #tpu.memory_space<vmem>> -> memref<125xi32, #tpu.memory_space<vmem>>
        %dma_wait3A_392 = arith.constant 0 : i32
        %dma_wait3A_393 = arith.constant 0 : i32
        %dma_wait3A_394 = tpu.memref_slice %arg13[%dma_wait3A_392, %dma_wait3A_393] : memref<10112x128xf32, #tpu.memory_space<vmem_shared>> -> memref<10112x128xf32, #tpu.memory_space<vmem_shared>>
        tpu.wait_indirect_dma semaphore(%run_scoped3A_382 : memref<!tpu.dma_semaphore, #tpu.memory_space<semaphore_mem>>) src(%arg11 : memref<125x128xf32, #tpu.memory_space<vmem>>) dst(%dma_wait3A_394 : memref<10112x128xf32, #tpu.memory_space<vmem_shared>>)
        tpu.yield
      }) : () -> ()
      %dma_wait3A_283 = arith.constant 3 : i32
      %dma_wait3A_284 = arith.constant 0 : i32
      %dma_wait3A_285 = tpu.memref_slice %arg8[%dma_wait3A_283, %dma_wait3A_284] : memref<8x125xi32, #tpu.memory_space<vmem>> -> memref<1x125xi32, #tpu.memory_space<vmem>>
      %dma_wait3A_286 = tpu.memref_squeeze %dma_wait3A_285 : memref<1x125xi32, #tpu.memory_space<vmem>> -> memref<125xi32, #tpu.memory_space<vmem>>
      %dma_wait3A_287 = arith.constant 0 : i32
      %dma_wait3A_288 = arith.constant 0 : i32
      %dma_wait3A_289 = tpu.memref_slice %arg4[%arg0, %dma_wait3A_287, %dma_wait3A_288] : memref<2x10000x128xf32, #tpu.memory_space<hbm>> -> memref<1x10000x128xf32, #tpu.memory_space<hbm>>
      %dma_wait3A_290 = tpu.memref_squeeze %dma_wait3A_289 : memref<1x10000x128xf32, #tpu.memory_space<hbm>> -> memref<10000x128xf32, #tpu.memory_space<hbm>>
      %dma_wait3A_291 = arith.constant 0 : i32
      %dma_wait3A_292 = arith.constant 0 : i32
      %dma_wait3A_293 = tpu.memref_slice %dma_wait3A_290[%dma_wait3A_291, %dma_wait3A_292] : memref<10000x128xf32, #tpu.memory_space<hbm>> -> memref<10000x128xf32, #tpu.memory_space<hbm>>
      tpu.wait_indirect_dma semaphore(%arg15 : memref<!tpu.dma_semaphore, #tpu.memory_space<semaphore_mem>>) src(%dma_wait3A_293 : memref<10000x128xf32, #tpu.memory_space<hbm>>) dst(%arg12 : memref<125x128xf32, #tpu.memory_space<vmem>>)
      %dma_start3A_294 = arith.constant 5 : i32
      %dma_start3A_295 = arith.constant 0 : i32
      %dma_start3A_296 = tpu.memref_slice %arg8[%dma_start3A_294, %dma_start3A_295] : memref<8x125xi32, #tpu.memory_space<vmem>> -> memref<1x125xi32, #tpu.memory_space<vmem>>
      %dma_start3A_297 = tpu.memref_squeeze %dma_start3A_296 : memref<1x125xi32, #tpu.memory_space<vmem>> -> memref<125xi32, #tpu.memory_space<vmem>>
      %dma_start3A_298 = arith.constant 0 : i32
      %dma_start3A_299 = arith.constant 0 : i32
      %dma_start3A_300 = tpu.memref_slice %arg4[%arg0, %dma_start3A_298, %dma_start3A_299] : memref<2x10000x128xf32, #tpu.memory_space<hbm>> -> memref<1x10000x128xf32, #tpu.memory_space<hbm>>
      %dma_start3A_301 = tpu.memref_squeeze %dma_start3A_300 : memref<1x10000x128xf32, #tpu.memory_space<hbm>> -> memref<10000x128xf32, #tpu.memory_space<hbm>>
      %dma_start3A_302 = arith.constant 0 : i32
      %dma_start3A_303 = arith.constant 0 : i32
      %dma_start3A_304 = tpu.memref_slice %dma_start3A_301[%dma_start3A_302, %dma_start3A_303] : memref<10000x128xf32, #tpu.memory_space<hbm>> -> memref<10000x128xf32, #tpu.memory_space<hbm>>
      tpu.enqueue_indirect_dma source(%dma_start3A_304 : memref<10000x128xf32, #tpu.memory_space<hbm>>) target(%arg12 : memref<125x128xf32, #tpu.memory_space<vmem>>) offsets(%dma_start3A_297 : memref<125xi32, #tpu.memory_space<vmem>>) semaphore(%arg15 : memref<!tpu.dma_semaphore, #tpu.memory_space<semaphore_mem>>)
      %run_scoped3A_305 = arith.constant 3 : i32
      "tpu.region"() ({
        %run_scoped3A_382 = tpu.sem_alloc : memref<!tpu.dma_semaphore, #tpu.memory_space<semaphore_mem>>
        %dma_start3A_383 = arith.constant 0 : i32
        %dma_start3A_384 = tpu.memref_slice %arg10[%run_scoped3A_305, %dma_start3A_383] : memref<8x125xi32, #tpu.memory_space<vmem>> -> memref<1x125xi32, #tpu.memory_space<vmem>>
        %dma_start3A_385 = tpu.memref_squeeze %dma_start3A_384 : memref<1x125xi32, #tpu.memory_space<vmem>> -> memref<125xi32, #tpu.memory_space<vmem>>
        %dma_start3A_386 = arith.constant 0 : i32
        %dma_start3A_387 = arith.constant 0 : i32
        %dma_start3A_388 = tpu.memref_slice %arg13[%dma_start3A_386, %dma_start3A_387] : memref<10112x128xf32, #tpu.memory_space<vmem_shared>> -> memref<10112x128xf32, #tpu.memory_space<vmem_shared>>
        tpu.enqueue_indirect_dma source(%arg12 : memref<125x128xf32, #tpu.memory_space<vmem>>) target(%dma_start3A_388 : memref<10112x128xf32, #tpu.memory_space<vmem_shared>>) offsets(%dma_start3A_385 : memref<125xi32, #tpu.memory_space<vmem>>) semaphore(%run_scoped3A_382 : memref<!tpu.dma_semaphore, #tpu.memory_space<semaphore_mem>>) {add = true}
        %dma_wait3A_389 = arith.constant 0 : i32
        %dma_wait3A_390 = tpu.memref_slice %arg10[%run_scoped3A_305, %dma_wait3A_389] : memref<8x125xi32, #tpu.memory_space<vmem>> -> memref<1x125xi32, #tpu.memory_space<vmem>>
        %dma_wait3A_391 = tpu.memref_squeeze %dma_wait3A_390 : memref<1x125xi32, #tpu.memory_space<vmem>> -> memref<125xi32, #tpu.memory_space<vmem>>
        %dma_wait3A_392 = arith.constant 0 : i32
        %dma_wait3A_393 = arith.constant 0 : i32
        %dma_wait3A_394 = tpu.memref_slice %arg13[%dma_wait3A_392, %dma_wait3A_393] : memref<10112x128xf32, #tpu.memory_space<vmem_shared>> -> memref<10112x128xf32, #tpu.memory_space<vmem_shared>>
        tpu.wait_indirect_dma semaphore(%run_scoped3A_382 : memref<!tpu.dma_semaphore, #tpu.memory_space<semaphore_mem>>) src(%arg12 : memref<125x128xf32, #tpu.memory_space<vmem>>) dst(%dma_wait3A_394 : memref<10112x128xf32, #tpu.memory_space<vmem_shared>>)
        tpu.yield
      }) : () -> ()
      %dma_wait3A_306 = arith.constant 4 : i32
      %dma_wait3A_307 = arith.constant 0 : i32
      %dma_wait3A_308 = tpu.memref_slice %arg8[%dma_wait3A_306, %dma_wait3A_307] : memref<8x125xi32, #tpu.memory_space<vmem>> -> memref<1x125xi32, #tpu.memory_space<vmem>>
      %dma_wait3A_309 = tpu.memref_squeeze %dma_wait3A_308 : memref<1x125xi32, #tpu.memory_space<vmem>> -> memref<125xi32, #tpu.memory_space<vmem>>
      %dma_wait3A_310 = arith.constant 0 : i32
      %dma_wait3A_311 = arith.constant 0 : i32
      %dma_wait3A_312 = tpu.memref_slice %arg4[%arg0, %dma_wait3A_310, %dma_wait3A_311] : memref<2x10000x128xf32, #tpu.memory_space<hbm>> -> memref<1x10000x128xf32, #tpu.memory_space<hbm>>
      %dma_wait3A_313 = tpu.memref_squeeze %dma_wait3A_312 : memref<1x10000x128xf32, #tpu.memory_space<hbm>> -> memref<10000x128xf32, #tpu.memory_space<hbm>>
      %dma_wait3A_314 = arith.constant 0 : i32
      %dma_wait3A_315 = arith.constant 0 : i32
      %dma_wait3A_316 = tpu.memref_slice %dma_wait3A_313[%dma_wait3A_314, %dma_wait3A_315] : memref<10000x128xf32, #tpu.memory_space<hbm>> -> memref<10000x128xf32, #tpu.memory_space<hbm>>
      tpu.wait_indirect_dma semaphore(%arg14 : memref<!tpu.dma_semaphore, #tpu.memory_space<semaphore_mem>>) src(%dma_wait3A_316 : memref<10000x128xf32, #tpu.memory_space<hbm>>) dst(%arg11 : memref<125x128xf32, #tpu.memory_space<vmem>>)
      %dma_start3A_317 = arith.constant 6 : i32
      %dma_start3A_318 = arith.constant 0 : i32
      %dma_start3A_319 = tpu.memref_slice %arg8[%dma_start3A_317, %dma_start3A_318] : memref<8x125xi32, #tpu.memory_space<vmem>> -> memref<1x125xi32, #tpu.memory_space<vmem>>
      %dma_start3A_320 = tpu.memref_squeeze %dma_start3A_319 : memref<1x125xi32, #tpu.memory_space<vmem>> -> memref<125xi32, #tpu.memory_space<vmem>>
      %dma_start3A_321 = arith.constant 0 : i32
      %dma_start3A_322 = arith.constant 0 : i32
      %dma_start3A_323 = tpu.memref_slice %arg4[%arg0, %dma_start3A_321, %dma_start3A_322] : memref<2x10000x128xf32, #tpu.memory_space<hbm>> -> memref<1x10000x128xf32, #tpu.memory_space<hbm>>
      %dma_start3A_324 = tpu.memref_squeeze %dma_start3A_323 : memref<1x10000x128xf32, #tpu.memory_space<hbm>> -> memref<10000x128xf32, #tpu.memory_space<hbm>>
      %dma_start3A_325 = arith.constant 0 : i32
      %dma_start3A_326 = arith.constant 0 : i32
      %dma_start3A_327 = tpu.memref_slice %dma_start3A_324[%dma_start3A_325, %dma_start3A_326] : memref<10000x128xf32, #tpu.memory_space<hbm>> -> memref<10000x128xf32, #tpu.memory_space<hbm>>
      tpu.enqueue_indirect_dma source(%dma_start3A_327 : memref<10000x128xf32, #tpu.memory_space<hbm>>) target(%arg11 : memref<125x128xf32, #tpu.memory_space<vmem>>) offsets(%dma_start3A_320 : memref<125xi32, #tpu.memory_space<vmem>>) semaphore(%arg14 : memref<!tpu.dma_semaphore, #tpu.memory_space<semaphore_mem>>)
      %run_scoped3A_328 = arith.constant 4 : i32
      "tpu.region"() ({
        %run_scoped3A_382 = tpu.sem_alloc : memref<!tpu.dma_semaphore, #tpu.memory_space<semaphore_mem>>
        %dma_start3A_383 = arith.constant 0 : i32
        %dma_start3A_384 = tpu.memref_slice %arg10[%run_scoped3A_328, %dma_start3A_383] : memref<8x125xi32, #tpu.memory_space<vmem>> -> memref<1x125xi32, #tpu.memory_space<vmem>>
        %dma_start3A_385 = tpu.memref_squeeze %dma_start3A_384 : memref<1x125xi32, #tpu.memory_space<vmem>> -> memref<125xi32, #tpu.memory_space<vmem>>
        %dma_start3A_386 = arith.constant 0 : i32
        %dma_start3A_387 = arith.constant 0 : i32
        %dma_start3A_388 = tpu.memref_slice %arg13[%dma_start3A_386, %dma_start3A_387] : memref<10112x128xf32, #tpu.memory_space<vmem_shared>> -> memref<10112x128xf32, #tpu.memory_space<vmem_shared>>
        tpu.enqueue_indirect_dma source(%arg11 : memref<125x128xf32, #tpu.memory_space<vmem>>) target(%dma_start3A_388 : memref<10112x128xf32, #tpu.memory_space<vmem_shared>>) offsets(%dma_start3A_385 : memref<125xi32, #tpu.memory_space<vmem>>) semaphore(%run_scoped3A_382 : memref<!tpu.dma_semaphore, #tpu.memory_space<semaphore_mem>>) {add = true}
        %dma_wait3A_389 = arith.constant 0 : i32
        %dma_wait3A_390 = tpu.memref_slice %arg10[%run_scoped3A_328, %dma_wait3A_389] : memref<8x125xi32, #tpu.memory_space<vmem>> -> memref<1x125xi32, #tpu.memory_space<vmem>>
        %dma_wait3A_391 = tpu.memref_squeeze %dma_wait3A_390 : memref<1x125xi32, #tpu.memory_space<vmem>> -> memref<125xi32, #tpu.memory_space<vmem>>
        %dma_wait3A_392 = arith.constant 0 : i32
        %dma_wait3A_393 = arith.constant 0 : i32
        %dma_wait3A_394 = tpu.memref_slice %arg13[%dma_wait3A_392, %dma_wait3A_393] : memref<10112x128xf32, #tpu.memory_space<vmem_shared>> -> memref<10112x128xf32, #tpu.memory_space<vmem_shared>>
        tpu.wait_indirect_dma semaphore(%run_scoped3A_382 : memref<!tpu.dma_semaphore, #tpu.memory_space<semaphore_mem>>) src(%arg11 : memref<125x128xf32, #tpu.memory_space<vmem>>) dst(%dma_wait3A_394 : memref<10112x128xf32, #tpu.memory_space<vmem_shared>>)
        tpu.yield
      }) : () -> ()
      %dma_wait3A_329 = arith.constant 5 : i32
      %dma_wait3A_330 = arith.constant 0 : i32
      %dma_wait3A_331 = tpu.memref_slice %arg8[%dma_wait3A_329, %dma_wait3A_330] : memref<8x125xi32, #tpu.memory_space<vmem>> -> memref<1x125xi32, #tpu.memory_space<vmem>>
      %dma_wait3A_332 = tpu.memref_squeeze %dma_wait3A_331 : memref<1x125xi32, #tpu.memory_space<vmem>> -> memref<125xi32, #tpu.memory_space<vmem>>
      %dma_wait3A_333 = arith.constant 0 : i32
      %dma_wait3A_334 = arith.constant 0 : i32
      %dma_wait3A_335 = tpu.memref_slice %arg4[%arg0, %dma_wait3A_333, %dma_wait3A_334] : memref<2x10000x128xf32, #tpu.memory_space<hbm>> -> memref<1x10000x128xf32, #tpu.memory_space<hbm>>
      %dma_wait3A_336 = tpu.memref_squeeze %dma_wait3A_335 : memref<1x10000x128xf32, #tpu.memory_space<hbm>> -> memref<10000x128xf32, #tpu.memory_space<hbm>>
      %dma_wait3A_337 = arith.constant 0 : i32
      %dma_wait3A_338 = arith.constant 0 : i32
      %dma_wait3A_339 = tpu.memref_slice %dma_wait3A_336[%dma_wait3A_337, %dma_wait3A_338] : memref<10000x128xf32, #tpu.memory_space<hbm>> -> memref<10000x128xf32, #tpu.memory_space<hbm>>
      tpu.wait_indirect_dma semaphore(%arg15 : memref<!tpu.dma_semaphore, #tpu.memory_space<semaphore_mem>>) src(%dma_wait3A_339 : memref<10000x128xf32, #tpu.memory_space<hbm>>) dst(%arg12 : memref<125x128xf32, #tpu.memory_space<vmem>>)
      %dma_start3A_340 = arith.constant 7 : i32
      %dma_start3A_341 = arith.constant 0 : i32
      %dma_start3A_342 = tpu.memref_slice %arg8[%dma_start3A_340, %dma_start3A_341] : memref<8x125xi32, #tpu.memory_space<vmem>> -> memref<1x125xi32, #tpu.memory_space<vmem>>
      %dma_start3A_343 = tpu.memref_squeeze %dma_start3A_342 : memref<1x125xi32, #tpu.memory_space<vmem>> -> memref<125xi32, #tpu.memory_space<vmem>>
      %dma_start3A_344 = arith.constant 0 : i32
      %dma_start3A_345 = arith.constant 0 : i32
      %dma_start3A_346 = tpu.memref_slice %arg4[%arg0, %dma_start3A_344, %dma_start3A_345] : memref<2x10000x128xf32, #tpu.memory_space<hbm>> -> memref<1x10000x128xf32, #tpu.memory_space<hbm>>
      %dma_start3A_347 = tpu.memref_squeeze %dma_start3A_346 : memref<1x10000x128xf32, #tpu.memory_space<hbm>> -> memref<10000x128xf32, #tpu.memory_space<hbm>>
      %dma_start3A_348 = arith.constant 0 : i32
      %dma_start3A_349 = arith.constant 0 : i32
      %dma_start3A_350 = tpu.memref_slice %dma_start3A_347[%dma_start3A_348, %dma_start3A_349] : memref<10000x128xf32, #tpu.memory_space<hbm>> -> memref<10000x128xf32, #tpu.memory_space<hbm>>
      tpu.enqueue_indirect_dma source(%dma_start3A_350 : memref<10000x128xf32, #tpu.memory_space<hbm>>) target(%arg12 : memref<125x128xf32, #tpu.memory_space<vmem>>) offsets(%dma_start3A_343 : memref<125xi32, #tpu.memory_space<vmem>>) semaphore(%arg15 : memref<!tpu.dma_semaphore, #tpu.memory_space<semaphore_mem>>)
      %run_scoped3A_351 = arith.constant 5 : i32
      "tpu.region"() ({
        %run_scoped3A_382 = tpu.sem_alloc : memref<!tpu.dma_semaphore, #tpu.memory_space<semaphore_mem>>
        %dma_start3A_383 = arith.constant 0 : i32
        %dma_start3A_384 = tpu.memref_slice %arg10[%run_scoped3A_351, %dma_start3A_383] : memref<8x125xi32, #tpu.memory_space<vmem>> -> memref<1x125xi32, #tpu.memory_space<vmem>>
        %dma_start3A_385 = tpu.memref_squeeze %dma_start3A_384 : memref<1x125xi32, #tpu.memory_space<vmem>> -> memref<125xi32, #tpu.memory_space<vmem>>
        %dma_start3A_386 = arith.constant 0 : i32
        %dma_start3A_387 = arith.constant 0 : i32
        %dma_start3A_388 = tpu.memref_slice %arg13[%dma_start3A_386, %dma_start3A_387] : memref<10112x128xf32, #tpu.memory_space<vmem_shared>> -> memref<10112x128xf32, #tpu.memory_space<vmem_shared>>
        tpu.enqueue_indirect_dma source(%arg12 : memref<125x128xf32, #tpu.memory_space<vmem>>) target(%dma_start3A_388 : memref<10112x128xf32, #tpu.memory_space<vmem_shared>>) offsets(%dma_start3A_385 : memref<125xi32, #tpu.memory_space<vmem>>) semaphore(%run_scoped3A_382 : memref<!tpu.dma_semaphore, #tpu.memory_space<semaphore_mem>>) {add = true}
        %dma_wait3A_389 = arith.constant 0 : i32
        %dma_wait3A_390 = tpu.memref_slice %arg10[%run_scoped3A_351, %dma_wait3A_389] : memref<8x125xi32, #tpu.memory_space<vmem>> -> memref<1x125xi32, #tpu.memory_space<vmem>>
        %dma_wait3A_391 = tpu.memref_squeeze %dma_wait3A_390 : memref<1x125xi32, #tpu.memory_space<vmem>> -> memref<125xi32, #tpu.memory_space<vmem>>
        %dma_wait3A_392 = arith.constant 0 : i32
        %dma_wait3A_393 = arith.constant 0 : i32
        %dma_wait3A_394 = tpu.memref_slice %arg13[%dma_wait3A_392, %dma_wait3A_393] : memref<10112x128xf32, #tpu.memory_space<vmem_shared>> -> memref<10112x128xf32, #tpu.memory_space<vmem_shared>>
        tpu.wait_indirect_dma semaphore(%run_scoped3A_382 : memref<!tpu.dma_semaphore, #tpu.memory_space<semaphore_mem>>) src(%arg12 : memref<125x128xf32, #tpu.memory_space<vmem>>) dst(%dma_wait3A_394 : memref<10112x128xf32, #tpu.memory_space<vmem_shared>>)
        tpu.yield
      }) : () -> ()
      %dma_wait3A_352 = arith.constant 6 : i32
      %dma_wait3A_353 = arith.constant 0 : i32
      %dma_wait3A_354 = tpu.memref_slice %arg8[%dma_wait3A_352, %dma_wait3A_353] : memref<8x125xi32, #tpu.memory_space<vmem>> -> memref<1x125xi32, #tpu.memory_space<vmem>>
      %dma_wait3A_355 = tpu.memref_squeeze %dma_wait3A_354 : memref<1x125xi32, #tpu.memory_space<vmem>> -> memref<125xi32, #tpu.memory_space<vmem>>
      %dma_wait3A_356 = arith.constant 0 : i32
      %dma_wait3A_357 = arith.constant 0 : i32
      %dma_wait3A_358 = tpu.memref_slice %arg4[%arg0, %dma_wait3A_356, %dma_wait3A_357] : memref<2x10000x128xf32, #tpu.memory_space<hbm>> -> memref<1x10000x128xf32, #tpu.memory_space<hbm>>
      %dma_wait3A_359 = tpu.memref_squeeze %dma_wait3A_358 : memref<1x10000x128xf32, #tpu.memory_space<hbm>> -> memref<10000x128xf32, #tpu.memory_space<hbm>>
      %dma_wait3A_360 = arith.constant 0 : i32
      %dma_wait3A_361 = arith.constant 0 : i32
      %dma_wait3A_362 = tpu.memref_slice %dma_wait3A_359[%dma_wait3A_360, %dma_wait3A_361] : memref<10000x128xf32, #tpu.memory_space<hbm>> -> memref<10000x128xf32, #tpu.memory_space<hbm>>
      tpu.wait_indirect_dma semaphore(%arg14 : memref<!tpu.dma_semaphore, #tpu.memory_space<semaphore_mem>>) src(%dma_wait3A_362 : memref<10000x128xf32, #tpu.memory_space<hbm>>) dst(%arg11 : memref<125x128xf32, #tpu.memory_space<vmem>>)
      %convert_element_type3A_363 = arith.extui %lt3A_210 : i1 to i32
      %cond3A_364 = arith.constant 0 : i32
      %cond3A_365 = arith.cmpi ne, %convert_element_type3A_363, %cond3A_364 : i32
      scf.if %cond3A_365 {
        %mul3A_382 = arith.constant 80 : i32
        %mul3A_383 = arith.muli %arg1, %mul3A_382 : i32
        %dma_wait3A_384 = arith.constant 0 : i32
        %dma_wait3A_385 = tpu.memref_slice %arg2[%mul3A_383, %dma_wait3A_384] : memref<1280x125xi32, #tpu.memory_space<hbm>> -> memref<8x125xi32, #tpu.memory_space<hbm>>
        %dma_wait3A_386 = arith.constant 0 : i32
        %dma_wait3A_387 = tpu.memref_slice %arg2[%mul3A_383, %dma_wait3A_386] : memref<1280x125xi32, #tpu.memory_space<hbm>> -> memref<8x125xi32, #tpu.memory_space<hbm>>
        tpu.wait_dma2 semaphore(%arg16 : memref<!tpu.dma_semaphore, #tpu.memory_space<semaphore_mem>>) src(%dma_wait3A_387 : memref<8x125xi32, #tpu.memory_space<hbm>>) dst(%arg7 : memref<8x125xi32, #tpu.memory_space<vmem>>)
        %mul3A_388 = arith.constant 80 : i32
        %mul3A_389 = arith.muli %arg1, %mul3A_388 : i32
        %dma_wait3A_390 = arith.constant 0 : i32
        %dma_wait3A_391 = tpu.memref_slice %arg3[%mul3A_389, %dma_wait3A_390] : memref<1280x125xi32, #tpu.memory_space<hbm>> -> memref<8x125xi32, #tpu.memory_space<hbm>>
        %dma_wait3A_392 = arith.constant 0 : i32
        %dma_wait3A_393 = tpu.memref_slice %arg3[%mul3A_389, %dma_wait3A_392] : memref<1280x125xi32, #tpu.memory_space<hbm>> -> memref<8x125xi32, #tpu.memory_space<hbm>>
        tpu.wait_dma2 semaphore(%arg16 : memref<!tpu.dma_semaphore, #tpu.memory_space<semaphore_mem>>) src(%dma_wait3A_393 : memref<8x125xi32, #tpu.memory_space<hbm>>) dst(%arg9 : memref<8x125xi32, #tpu.memory_space<vmem>>)
        %dma_start3A_394 = arith.constant 0 : i32
        %dma_start3A_395 = arith.constant 0 : i32
        %dma_start3A_396 = tpu.memref_slice %arg7[%dma_start3A_394, %dma_start3A_395] : memref<8x125xi32, #tpu.memory_space<vmem>> -> memref<1x125xi32, #tpu.memory_space<vmem>>
        %dma_start3A_397 = tpu.memref_squeeze %dma_start3A_396 : memref<1x125xi32, #tpu.memory_space<vmem>> -> memref<125xi32, #tpu.memory_space<vmem>>
        %dma_start3A_398 = arith.constant 0 : i32
        %dma_start3A_399 = arith.constant 0 : i32
        %dma_start3A_400 = tpu.memref_slice %arg4[%arg0, %dma_start3A_398, %dma_start3A_399] : memref<2x10000x128xf32, #tpu.memory_space<hbm>> -> memref<1x10000x128xf32, #tpu.memory_space<hbm>>
        %dma_start3A_401 = tpu.memref_squeeze %dma_start3A_400 : memref<1x10000x128xf32, #tpu.memory_space<hbm>> -> memref<10000x128xf32, #tpu.memory_space<hbm>>
        %dma_start3A_402 = arith.constant 0 : i32
        %dma_start3A_403 = arith.constant 0 : i32
        %dma_start3A_404 = tpu.memref_slice %dma_start3A_401[%dma_start3A_402, %dma_start3A_403] : memref<10000x128xf32, #tpu.memory_space<hbm>> -> memref<10000x128xf32, #tpu.memory_space<hbm>>
        tpu.enqueue_indirect_dma source(%dma_start3A_404 : memref<10000x128xf32, #tpu.memory_space<hbm>>) target(%arg11 : memref<125x128xf32, #tpu.memory_space<vmem>>) offsets(%dma_start3A_397 : memref<125xi32, #tpu.memory_space<vmem>>) semaphore(%arg14 : memref<!tpu.dma_semaphore, #tpu.memory_space<semaphore_mem>>)
      } else {
      }
      %run_scoped3A_366 = arith.constant 6 : i32
      "tpu.region"() ({
        %run_scoped3A_382 = tpu.sem_alloc : memref<!tpu.dma_semaphore, #tpu.memory_space<semaphore_mem>>
        %dma_start3A_383 = arith.constant 0 : i32
        %dma_start3A_384 = tpu.memref_slice %arg10[%run_scoped3A_366, %dma_start3A_383] : memref<8x125xi32, #tpu.memory_space<vmem>> -> memref<1x125xi32, #tpu.memory_space<vmem>>
        %dma_start3A_385 = tpu.memref_squeeze %dma_start3A_384 : memref<1x125xi32, #tpu.memory_space<vmem>> -> memref<125xi32, #tpu.memory_space<vmem>>
        %dma_start3A_386 = arith.constant 0 : i32
        %dma_start3A_387 = arith.constant 0 : i32
        %dma_start3A_388 = tpu.memref_slice %arg13[%dma_start3A_386, %dma_start3A_387] : memref<10112x128xf32, #tpu.memory_space<vmem_shared>> -> memref<10112x128xf32, #tpu.memory_space<vmem_shared>>
        tpu.enqueue_indirect_dma source(%arg11 : memref<125x128xf32, #tpu.memory_space<vmem>>) target(%dma_start3A_388 : memref<10112x128xf32, #tpu.memory_space<vmem_shared>>) offsets(%dma_start3A_385 : memref<125xi32, #tpu.memory_space<vmem>>) semaphore(%run_scoped3A_382 : memref<!tpu.dma_semaphore, #tpu.memory_space<semaphore_mem>>) {add = true}
        %dma_wait3A_389 = arith.constant 0 : i32
        %dma_wait3A_390 = tpu.memref_slice %arg10[%run_scoped3A_366, %dma_wait3A_389] : memref<8x125xi32, #tpu.memory_space<vmem>> -> memref<1x125xi32, #tpu.memory_space<vmem>>
        %dma_wait3A_391 = tpu.memref_squeeze %dma_wait3A_390 : memref<1x125xi32, #tpu.memory_space<vmem>> -> memref<125xi32, #tpu.memory_space<vmem>>
        %dma_wait3A_392 = arith.constant 0 : i32
        %dma_wait3A_393 = arith.constant 0 : i32
        %dma_wait3A_394 = tpu.memref_slice %arg13[%dma_wait3A_392, %dma_wait3A_393] : memref<10112x128xf32, #tpu.memory_space<vmem_shared>> -> memref<10112x128xf32, #tpu.memory_space<vmem_shared>>
        tpu.wait_indirect_dma semaphore(%run_scoped3A_382 : memref<!tpu.dma_semaphore, #tpu.memory_space<semaphore_mem>>) src(%arg11 : memref<125x128xf32, #tpu.memory_space<vmem>>) dst(%dma_wait3A_394 : memref<10112x128xf32, #tpu.memory_space<vmem_shared>>)
        tpu.yield
      }) : () -> ()
      %dma_wait3A_367 = arith.constant 7 : i32
      %dma_wait3A_368 = arith.constant 0 : i32
      %dma_wait3A_369 = tpu.memref_slice %arg8[%dma_wait3A_367, %dma_wait3A_368] : memref<8x125xi32, #tpu.memory_space<vmem>> -> memref<1x125xi32, #tpu.memory_space<vmem>>
      %dma_wait3A_370 = tpu.memref_squeeze %dma_wait3A_369 : memref<1x125xi32, #tpu.memory_space<vmem>> -> memref<125xi32, #tpu.memory_space<vmem>>
      %dma_wait3A_371 = arith.constant 0 : i32
      %dma_wait3A_372 = arith.constant 0 : i32
      %dma_wait3A_373 = tpu.memref_slice %arg4[%arg0, %dma_wait3A_371, %dma_wait3A_372] : memref<2x10000x128xf32, #tpu.memory_space<hbm>> -> memref<1x10000x128xf32, #tpu.memory_space<hbm>>
      %dma_wait3A_374 = tpu.memref_squeeze %dma_wait3A_373 : memref<1x10000x128xf32, #tpu.memory_space<hbm>> -> memref<10000x128xf32, #tpu.memory_space<hbm>>
      %dma_wait3A_375 = arith.constant 0 : i32
      %dma_wait3A_376 = arith.constant 0 : i32
      %dma_wait3A_377 = tpu.memref_slice %dma_wait3A_374[%dma_wait3A_375, %dma_wait3A_376] : memref<10000x128xf32, #tpu.memory_space<hbm>> -> memref<10000x128xf32, #tpu.memory_space<hbm>>
      tpu.wait_indirect_dma semaphore(%arg15 : memref<!tpu.dma_semaphore, #tpu.memory_space<semaphore_mem>>) src(%dma_wait3A_377 : memref<10000x128xf32, #tpu.memory_space<hbm>>) dst(%arg12 : memref<125x128xf32, #tpu.memory_space<vmem>>)
      %convert_element_type3A_378 = arith.extui %lt3A_210 : i1 to i32
      %cond3A_379 = arith.constant 0 : i32
      %cond3A_380 = arith.cmpi ne, %convert_element_type3A_378, %cond3A_379 : i32
      scf.if %cond3A_380 {
        %dma_start3A_382 = arith.constant 1 : i32
        %dma_start3A_383 = arith.constant 0 : i32
        %dma_start3A_384 = tpu.memref_slice %arg7[%dma_start3A_382, %dma_start3A_383] : memref<8x125xi32, #tpu.memory_space<vmem>> -> memref<1x125xi32, #tpu.memory_space<vmem>>
        %dma_start3A_385 = tpu.memref_squeeze %dma_start3A_384 : memref<1x125xi32, #tpu.memory_space<vmem>> -> memref<125xi32, #tpu.memory_space<vmem>>
        %dma_start3A_386 = arith.constant 0 : i32
        %dma_start3A_387 = arith.constant 0 : i32
        %dma_start3A_388 = tpu.memref_slice %arg4[%arg0, %dma_start3A_386, %dma_start3A_387] : memref<2x10000x128xf32, #tpu.memory_space<hbm>> -> memref<1x10000x128xf32, #tpu.memory_space<hbm>>
        %dma_start3A_389 = tpu.memref_squeeze %dma_start3A_388 : memref<1x10000x128xf32, #tpu.memory_space<hbm>> -> memref<10000x128xf32, #tpu.memory_space<hbm>>
        %dma_start3A_390 = arith.constant 0 : i32
        %dma_start3A_391 = arith.constant 0 : i32
        %dma_start3A_392 = tpu.memref_slice %dma_start3A_389[%dma_start3A_390, %dma_start3A_391] : memref<10000x128xf32, #tpu.memory_space<hbm>> -> memref<10000x128xf32, #tpu.memory_space<hbm>>
        tpu.enqueue_indirect_dma source(%dma_start3A_392 : memref<10000x128xf32, #tpu.memory_space<hbm>>) target(%arg12 : memref<125x128xf32, #tpu.memory_space<vmem>>) offsets(%dma_start3A_385 : memref<125xi32, #tpu.memory_space<vmem>>) semaphore(%arg15 : memref<!tpu.dma_semaphore, #tpu.memory_space<semaphore_mem>>)
      } else {
      }
      %run_scoped3A_381 = arith.constant 7 : i32
      "tpu.region"() ({
        %run_scoped3A_382 = tpu.sem_alloc : memref<!tpu.dma_semaphore, #tpu.memory_space<semaphore_mem>>
        %dma_start3A_383 = arith.constant 0 : i32
        %dma_start3A_384 = tpu.memref_slice %arg10[%run_scoped3A_381, %dma_start3A_383] : memref<8x125xi32, #tpu.memory_space<vmem>> -> memref<1x125xi32, #tpu.memory_space<vmem>>
        %dma_start3A_385 = tpu.memref_squeeze %dma_start3A_384 : memref<1x125xi32, #tpu.memory_space<vmem>> -> memref<125xi32, #tpu.memory_space<vmem>>
        %dma_start3A_386 = arith.constant 0 : i32
        %dma_start3A_387 = arith.constant 0 : i32
        %dma_start3A_388 = tpu.memref_slice %arg13[%dma_start3A_386, %dma_start3A_387] : memref<10112x128xf32, #tpu.memory_space<vmem_shared>> -> memref<10112x128xf32, #tpu.memory_space<vmem_shared>>
        tpu.enqueue_indirect_dma source(%arg12 : memref<125x128xf32, #tpu.memory_space<vmem>>) target(%dma_start3A_388 : memref<10112x128xf32, #tpu.memory_space<vmem_shared>>) offsets(%dma_start3A_385 : memref<125xi32, #tpu.memory_space<vmem>>) semaphore(%run_scoped3A_382 : memref<!tpu.dma_semaphore, #tpu.memory_space<semaphore_mem>>) {add = true}
        %dma_wait3A_389 = arith.constant 0 : i32
        %dma_wait3A_390 = tpu.memref_slice %arg10[%run_scoped3A_381, %dma_wait3A_389] : memref<8x125xi32, #tpu.memory_space<vmem>> -> memref<1x125xi32, #tpu.memory_space<vmem>>
        %dma_wait3A_391 = tpu.memref_squeeze %dma_wait3A_390 : memref<1x125xi32, #tpu.memory_space<vmem>> -> memref<125xi32, #tpu.memory_space<vmem>>
        %dma_wait3A_392 = arith.constant 0 : i32
        %dma_wait3A_393 = arith.constant 0 : i32
        %dma_wait3A_394 = tpu.memref_slice %arg13[%dma_wait3A_392, %dma_wait3A_393] : memref<10112x128xf32, #tpu.memory_space<vmem_shared>> -> memref<10112x128xf32, #tpu.memory_space<vmem_shared>>
        tpu.wait_indirect_dma semaphore(%run_scoped3A_382 : memref<!tpu.dma_semaphore, #tpu.memory_space<semaphore_mem>>) src(%arg12 : memref<125x128xf32, #tpu.memory_space<vmem>>) dst(%dma_wait3A_394 : memref<10112x128xf32, #tpu.memory_space<vmem_shared>>)
        tpu.yield
      }) : () -> ()
    }
    %scan3A_30 = arith.constant 5 : i32
    %barrier3A_31 = arith.constant 0 : index
    tpu.barrier barrier_id(%barrier3A_31)
    %mul3A_32 = arith.constant 632 : i32
    %mul3A_33 = arith.muli %arg1, %mul3A_32 : i32
    %mul3A_34 = arith.constant 632 : i32
    %mul3A_35 = arith.muli %arg1, %mul3A_34 : i32
    "tpu.region"() ({
      %run_scoped3A = tpu.sem_alloc : memref<!tpu.dma_semaphore, #tpu.memory_space<semaphore_mem>>
      %dma_start3A_36 = arith.constant 0 : i32
      %dma_start3A_37 = arith.constant 0 : i32
      %dma_start3A_38 = tpu.memref_slice %arg6[%arg0, %dma_start3A_36, %dma_start3A_37] : memref<2x10112x128xf32, #tpu.memory_space<hbm>> -> memref<1x10112x128xf32, #tpu.memory_space<hbm>>
      %dma_start3A_39 = tpu.memref_squeeze %dma_start3A_38 : memref<1x10112x128xf32, #tpu.memory_space<hbm>> -> memref<10112x128xf32, #tpu.memory_space<hbm>>
      %dma_start3A_40 = arith.constant 0 : i32
      %dma_start3A_41 = tpu.memref_slice %dma_start3A_39[%mul3A_35, %dma_start3A_40] : memref<10112x128xf32, #tpu.memory_space<hbm>> -> memref<632x128xf32, #tpu.memory_space<hbm>>
      %dma_start3A_42 = arith.constant 0 : i32
      %dma_start3A_43 = tpu.memref_slice %arg13[%mul3A_33, %dma_start3A_42] : memref<10112x128xf32, #tpu.memory_space<vmem_shared>> -> memref<632x128xf32, #tpu.memory_space<vmem_shared>>
      tpu.enqueue_dma source(%dma_start3A_43 : memref<632x128xf32, #tpu.memory_space<vmem_shared>>) target(%dma_start3A_41 : memref<632x128xf32, #tpu.memory_space<hbm>>) target_semaphore(%run_scoped3A : memref<!tpu.dma_semaphore, #tpu.memory_space<semaphore_mem>>)
      %dma_wait3A = arith.constant 0 : i32
      %dma_wait3A_44 = arith.constant 0 : i32
      %dma_wait3A_45 = tpu.memref_slice %arg6[%arg0, %dma_wait3A, %dma_wait3A_44] : memref<2x10112x128xf32, #tpu.memory_space<hbm>> -> memref<1x10112x128xf32, #tpu.memory_space<hbm>>
      %dma_wait3A_46 = tpu.memref_squeeze %dma_wait3A_45 : memref<1x10112x128xf32, #tpu.memory_space<hbm>> -> memref<10112x128xf32, #tpu.memory_space<hbm>>
      %dma_wait3A_47 = arith.constant 0 : i32
      %dma_wait3A_48 = tpu.memref_slice %dma_wait3A_46[%mul3A_35, %dma_wait3A_47] : memref<10112x128xf32, #tpu.memory_space<hbm>> -> memref<632x128xf32, #tpu.memory_space<hbm>>
      %dma_wait3A_49 = arith.constant 0 : i32
      %dma_wait3A_50 = tpu.memref_slice %arg13[%mul3A_33, %dma_wait3A_49] : memref<10112x128xf32, #tpu.memory_space<vmem_shared>> -> memref<632x128xf32, #tpu.memory_space<vmem_shared>>
      tpu.wait_dma2 semaphore(%run_scoped3A : memref<!tpu.dma_semaphore, #tpu.memory_space<semaphore_mem>>) src(%dma_wait3A_50 : memref<632x128xf32, #tpu.memory_space<vmem_shared>>) dst(%dma_wait3A_48 : memref<632x128xf32, #tpu.memory_space<hbm>>)
      tpu.yield
    }) : () -> ()
    return
  }
}

#map = affine_map<(d0, d1) -> (0, 0)>
#map1 = affine_map<(d0, d1) -> (0, 0, 0)>
module attributes {stable_mosaic.version = 14 : i64} {
  func.func @_seg_sum(%arg0: i32, %arg1: i32, %arg2: memref<1280x125xi32, #tpu.memory_space<hbm>>, %arg3: memref<1280x125xi32, #tpu.memory_space<hbm>>, %arg4: memref<2x10000x128xf32, #tpu.memory_space<hbm>>, %arg5: memref<632x128xf32, #tpu.memory_space<hbm>>, %arg6: memref<2x10112x128xf32, #tpu.memory_space<hbm>>, %arg7: memref<8x125xi32, #tpu.memory_space<vmem>>, %arg8: memref<8x125xi32, #tpu.memory_space<vmem>>, %arg9: memref<8x125xi32, #tpu.memory_space<vmem>>, %arg10: memref<8x125xi32, #tpu.memory_space<vmem>>, %arg11: memref<125x128xf32, #tpu.memory_space<vmem>>, %arg12: memref<125x128xf32, #tpu.memory_space<vmem>>, %arg13: memref<10112x128xf32, #tpu.memory_space<vmem_shared>>, %arg14: memref<!tpu.dma_semaphore, #tpu.memory_space<semaphore_mem>>, %arg15: memref<!tpu.dma_semaphore, #tpu.memory_space<semaphore_mem>>, %arg16: memref<!tpu.dma_semaphore, #tpu.memory_space<semaphore_mem>>) attributes {dimension_semantics = [#tpu.dimension_semantics<core_parallel>, #tpu.dimension_semantics<subcore_parallel>], iteration_bounds = array<i64: 2, 16>, scalar_prefetch = 0 : i64, scratch_operands = 10 : i64, tpu.core_type = #tpu.core_type<sc_vector_subcore>, window_params = [{transform_indices = #map}, {transform_indices = #map}, {transform_indices = #map1}, {transform_indices = #map}, {transform_indices = #map1}]} {
    %mul3A = arith.constant 632 : i32
    %mul3A_0 = arith.muli %arg1, %mul3A : i32
    "tpu.region"() ({
      %run_scoped3A = tpu.sem_alloc : memref<!tpu.dma_semaphore, #tpu.memory_space<semaphore_mem>>
      %dma_start3A_36 = arith.constant 0 : i32
      %dma_start3A_37 = tpu.memref_slice %arg13[%mul3A_0, %dma_start3A_36] : memref<10112x128xf32, #tpu.memory_space<vmem_shared>> -> memref<632x128xf32, #tpu.memory_space<vmem_shared>>
      tpu.enqueue_dma source(%arg5 : memref<632x128xf32, #tpu.memory_space<hbm>>) target(%dma_start3A_37 : memref<632x128xf32, #tpu.memory_space<vmem_shared>>) target_semaphore(%run_scoped3A : memref<!tpu.dma_semaphore, #tpu.memory_space<semaphore_mem>>)
      %dma_wait3A = arith.constant 0 : i32
      %dma_wait3A_38 = tpu.memref_slice %arg13[%mul3A_0, %dma_wait3A] : memref<10112x128xf32, #tpu.memory_space<vmem_shared>> -> memref<632x128xf32, #tpu.memory_space<vmem_shared>>
      tpu.wait_dma2 semaphore(%run_scoped3A : memref<!tpu.dma_semaphore, #tpu.memory_space<semaphore_mem>>) src(%arg5 : memref<632x128xf32, #tpu.memory_space<hbm>>) dst(%dma_wait3A_38 : memref<632x128xf32, #tpu.memory_space<vmem_shared>>)
      tpu.yield
    }) : () -> ()
    %mul3A_1 = arith.constant 80 : i32
    %mul3A_2 = arith.muli %arg1, %mul3A_1 : i32
    "tpu.region"() ({
      %run_scoped3A = tpu.sem_alloc : memref<!tpu.dma_semaphore, #tpu.memory_space<semaphore_mem>>
      %dma_start3A_36 = arith.constant 0 : i32
      %dma_start3A_37 = tpu.memref_slice %arg2[%mul3A_2, %dma_start3A_36] : memref<1280x125xi32, #tpu.memory_space<hbm>> -> memref<8x125xi32, #tpu.memory_space<hbm>>
      %dma_start3A_38 = arith.constant 0 : i32
      %dma_start3A_39 = tpu.memref_slice %arg2[%mul3A_2, %dma_start3A_38] : memref<1280x125xi32, #tpu.memory_space<hbm>> -> memref<8x125xi32, #tpu.memory_space<hbm>>
      tpu.enqueue_dma source(%dma_start3A_39 : memref<8x125xi32, #tpu.memory_space<hbm>>) target(%arg7 : memref<8x125xi32, #tpu.memory_space<vmem>>) target_semaphore(%run_scoped3A : memref<!tpu.dma_semaphore, #tpu.memory_space<semaphore_mem>>)
      %dma_wait3A = arith.constant 0 : i32
      %dma_wait3A_40 = tpu.memref_slice %arg2[%mul3A_2, %dma_wait3A] : memref<1280x125xi32, #tpu.memory_space<hbm>> -> memref<8x125xi32, #tpu.memory_space<hbm>>
      %dma_wait3A_41 = arith.constant 0 : i32
      %dma_wait3A_42 = tpu.memref_slice %arg2[%mul3A_2, %dma_wait3A_41] : memref<1280x125xi32, #tpu.memory_space<hbm>> -> memref<8x125xi32, #tpu.memory_space<hbm>>
      tpu.wait_dma2 semaphore(%run_scoped3A : memref<!tpu.dma_semaphore, #tpu.memory_space<semaphore_mem>>) src(%dma_wait3A_42 : memref<8x125xi32, #tpu.memory_space<hbm>>) dst(%arg7 : memref<8x125xi32, #tpu.memory_space<vmem>>)
      tpu.yield
    }) : () -> ()
    %mul3A_3 = arith.constant 80 : i32
    %mul3A_4 = arith.muli %arg1, %mul3A_3 : i32
    "tpu.region"() ({
      %run_scoped3A = tpu.sem_alloc : memref<!tpu.dma_semaphore, #tpu.memory_space<semaphore_mem>>
      %dma_start3A_36 = arith.constant 0 : i32
      %dma_start3A_37 = tpu.memref_slice %arg3[%mul3A_4, %dma_start3A_36] : memref<1280x125xi32, #tpu.memory_space<hbm>> -> memref<8x125xi32, #tpu.memory_space<hbm>>
      %dma_start3A_38 = arith.constant 0 : i32
      %dma_start3A_39 = tpu.memref_slice %arg3[%mul3A_4, %dma_start3A_38] : memref<1280x125xi32, #tpu.memory_space<hbm>> -> memref<8x125xi32, #tpu.memory_space<hbm>>
      tpu.enqueue_dma source(%dma_start3A_39 : memref<8x125xi32, #tpu.memory_space<hbm>>) target(%arg9 : memref<8x125xi32, #tpu.memory_space<vmem>>) target_semaphore(%run_scoped3A : memref<!tpu.dma_semaphore, #tpu.memory_space<semaphore_mem>>)
      %dma_wait3A = arith.constant 0 : i32
      %dma_wait3A_40 = tpu.memref_slice %arg3[%mul3A_4, %dma_wait3A] : memref<1280x125xi32, #tpu.memory_space<hbm>> -> memref<8x125xi32, #tpu.memory_space<hbm>>
      %dma_wait3A_41 = arith.constant 0 : i32
      %dma_wait3A_42 = tpu.memref_slice %arg3[%mul3A_4, %dma_wait3A_41] : memref<1280x125xi32, #tpu.memory_space<hbm>> -> memref<8x125xi32, #tpu.memory_space<hbm>>
      tpu.wait_dma2 semaphore(%run_scoped3A : memref<!tpu.dma_semaphore, #tpu.memory_space<semaphore_mem>>) src(%dma_wait3A_42 : memref<8x125xi32, #tpu.memory_space<hbm>>) dst(%arg9 : memref<8x125xi32, #tpu.memory_space<vmem>>)
      tpu.yield
    }) : () -> ()
    %barrier3A = arith.constant 0 : index
    tpu.barrier barrier_id(%barrier3A)
    %dma_start3A = arith.constant 0 : i32
    %dma_start3A_5 = arith.constant 0 : i32
    %dma_start3A_6 = tpu.memref_slice %arg7[%dma_start3A, %dma_start3A_5] : memref<8x125xi32, #tpu.memory_space<vmem>> -> memref<1x125xi32, #tpu.memory_space<vmem>>
    %dma_start3A_7 = tpu.memref_squeeze %dma_start3A_6 : memref<1x125xi32, #tpu.memory_space<vmem>> -> memref<125xi32, #tpu.memory_space<vmem>>
    %dma_start3A_8 = arith.constant 0 : i32
    %dma_start3A_9 = arith.constant 0 : i32
    %dma_start3A_10 = tpu.memref_slice %arg4[%arg0, %dma_start3A_8, %dma_start3A_9] : memref<2x10000x128xf32, #tpu.memory_space<hbm>> -> memref<1x10000x128xf32, #tpu.memory_space<hbm>>
    %dma_start3A_11 = tpu.memref_squeeze %dma_start3A_10 : memref<1x10000x128xf32, #tpu.memory_space<hbm>> -> memref<10000x128xf32, #tpu.memory_space<hbm>>
    %dma_start3A_12 = arith.constant 0 : i32
    %dma_start3A_13 = arith.constant 0 : i32
    %dma_start3A_14 = tpu.memref_slice %dma_start3A_11[%dma_start3A_12, %dma_start3A_13] : memref<10000x128xf32, #tpu.memory_space<hbm>> -> memref<10000x128xf32, #tpu.memory_space<hbm>>
    tpu.enqueue_indirect_dma source(%dma_start3A_14 : memref<10000x128xf32, #tpu.memory_space<hbm>>) target(%arg11 : memref<125x128xf32, #tpu.memory_space<vmem>>) offsets(%dma_start3A_7 : memref<125xi32, #tpu.memory_space<vmem>>) semaphore(%arg14 : memref<!tpu.dma_semaphore, #tpu.memory_space<semaphore_mem>>)
    %dma_start3A_15 = arith.constant 1 : i32
    %dma_start3A_16 = arith.constant 0 : i32
    %dma_start3A_17 = tpu.memref_slice %arg7[%dma_start3A_15, %dma_start3A_16] : memref<8x125xi32, #tpu.memory_space<vmem>> -> memref<1x125xi32, #tpu.memory_space<vmem>>
    %dma_start3A_18 = tpu.memref_squeeze %dma_start3A_17 : memref<1x125xi32, #tpu.memory_space<vmem>> -> memref<125xi32, #tpu.memory_space<vmem>>
    %dma_start3A_19 = arith.constant 0 : i32
    %dma_start3A_20 = arith.constant 0 : i32
    %dma_start3A_21 = tpu.memref_slice %arg4[%arg0, %dma_start3A_19, %dma_start3A_20] : memref<2x10000x128xf32, #tpu.memory_space<hbm>> -> memref<1x10000x128xf32, #tpu.memory_space<hbm>>
    %dma_start3A_22 = tpu.memref_squeeze %dma_start3A_21 : memref<1x10000x128xf32, #tpu.memory_space<hbm>> -> memref<10000x128xf32, #tpu.memory_space<hbm>>
    %dma_start3A_23 = arith.constant 0 : i32
    %dma_start3A_24 = arith.constant 0 : i32
    %dma_start3A_25 = tpu.memref_slice %dma_start3A_22[%dma_start3A_23, %dma_start3A_24] : memref<10000x128xf32, #tpu.memory_space<hbm>> -> memref<10000x128xf32, #tpu.memory_space<hbm>>
    tpu.enqueue_indirect_dma source(%dma_start3A_25 : memref<10000x128xf32, #tpu.memory_space<hbm>>) target(%arg12 : memref<125x128xf32, #tpu.memory_space<vmem>>) offsets(%dma_start3A_18 : memref<125xi32, #tpu.memory_space<vmem>>) semaphore(%arg15 : memref<!tpu.dma_semaphore, #tpu.memory_space<semaphore_mem>>)
    %scan3A = arith.constant 0 : i32
    %scan3A_26 = arith.constant 0 : i32
    %scan3A_27 = arith.constant 5 : i32
    %scan3A_28 = arith.addi %scan3A_26, %scan3A_27 : i32
    %scan3A_29 = arith.constant 1 : i32
    scf.for %scan3A_36 = %scan3A_26 to %scan3A_28 step %scan3A_29  : i32 {
      %mul3A_37 = arith.constant 2 : i32
      %mul3A_38 = arith.muli %mul3A_37, %scan3A_36 : i32
      %ge3A = arith.constant 0 : i32
      %ge3A_39 = arith.cmpi sge, %scan3A_36, %ge3A : i32
      %convert_element_type3A = arith.extui %ge3A_39 : i1 to i32
      %cond3A = arith.constant 0 : i32
      %cond3A_40 = arith.cmpi ne, %convert_element_type3A, %cond3A : i32
      scf.if %cond3A_40 {
        %add3A_382 = arith.constant 1 : i32
        %add3A_383 = arith.addi %mul3A_38, %add3A_382 : i32
        %mul3A_384 = arith.constant 8 : i32
        %mul3A_385 = arith.muli %add3A_383, %mul3A_384 : i32
        %mul3A_386 = arith.constant 80 : i32
        %mul3A_387 = arith.muli %arg1, %mul3A_386 : i32
        %add3A_388 = arith.addi %mul3A_385, %mul3A_387 : i32
        %dma_start3A_389 = arith.constant 0 : i32
        %dma_start3A_390 = tpu.memref_slice %arg2[%add3A_388, %dma_start3A_389] : memref<1280x125xi32, #tpu.memory_space<hbm>> -> memref<8x125xi32, #tpu.memory_space<hbm>>
        %dma_start3A_391 = arith.constant 0 : i32
        %dma_start3A_392 = tpu.memref_slice %arg2[%add3A_388, %dma_start3A_391] : memref<1280x125xi32, #tpu.memory_space<hbm>> -> memref<8x125xi32, #tpu.memory_space<hbm>>
        tpu.enqueue_dma source(%dma_start3A_392 : memref<8x125xi32, #tpu.memory_space<hbm>>) target(%arg8 : memref<8x125xi32, #tpu.memory_space<vmem>>) target_semaphore(%arg16 : memref<!tpu.dma_semaphore, #tpu.memory_space<semaphore_mem>>)
        %dma_start3A_393 = arith.constant 0 : i32
        %dma_start3A_394 = tpu.memref_slice %arg3[%add3A_388, %dma_start3A_393] : memref<1280x125xi32, #tpu.memory_space<hbm>> -> memref<8x125xi32, #tpu.memory_space<hbm>>
        %dma_start3A_395 = arith.constant 0 : i32
        %dma_start3A_396 = tpu.memref_slice %arg3[%add3A_388, %dma_start3A_395] : memref<1280x125xi32, #tpu.memory_space<hbm>> -> memref<8x125xi32, #tpu.memory_space<hbm>>
        tpu.enqueue_dma source(%dma_start3A_396 : memref<8x125xi32, #tpu.memory_space<hbm>>) target(%arg10 : memref<8x125xi32, #tpu.memory_space<vmem>>) target_semaphore(%arg16 : memref<!tpu.dma_semaphore, #tpu.memory_space<semaphore_mem>>)
      } else {
      }
      %dma_wait3A = arith.constant 0 : i32
      %dma_wait3A_41 = arith.constant 0 : i32
      %dma_wait3A_42 = tpu.memref_slice %arg7[%dma_wait3A, %dma_wait3A_41] : memref<8x125xi32, #tpu.memory_space<vmem>> -> memref<1x125xi32, #tpu.memory_space<vmem>>
      %dma_wait3A_43 = tpu.memref_squeeze %dma_wait3A_42 : memref<1x125xi32, #tpu.memory_space<vmem>> -> memref<125xi32, #tpu.memory_space<vmem>>
      %dma_wait3A_44 = arith.constant 0 : i32
      %dma_wait3A_45 = arith.constant 0 : i32
      %dma_wait3A_46 = tpu.memref_slice %arg4[%arg0, %dma_wait3A_44, %dma_wait3A_45] : memref<2x10000x128xf32, #tpu.memory_space<hbm>> -> memref<1x10000x128xf32, #tpu.memory_space<hbm>>
      %dma_wait3A_47 = tpu.memref_squeeze %dma_wait3A_46 : memref<1x10000x128xf32, #tpu.memory_space<hbm>> -> memref<10000x128xf32, #tpu.memory_space<hbm>>
      %dma_wait3A_48 = arith.constant 0 : i32
      %dma_wait3A_49 = arith.constant 0 : i32
      %dma_wait3A_50 = tpu.memref_slice %dma_wait3A_47[%dma_wait3A_48, %dma_wait3A_49] : memref<10000x128xf32, #tpu.memory_space<hbm>> -> memref<10000x128xf32, #tpu.memory_space<hbm>>
      tpu.wait_indirect_dma semaphore(%arg14 : memref<!tpu.dma_semaphore, #tpu.memory_space<semaphore_mem>>) src(%dma_wait3A_50 : memref<10000x128xf32, #tpu.memory_space<hbm>>) dst(%arg11 : memref<125x128xf32, #tpu.memory_space<vmem>>)
      %dma_start3A_51 = arith.constant 2 : i32
      %dma_start3A_52 = arith.constant 0 : i32
      %dma_start3A_53 = tpu.memref_slice %arg7[%dma_start3A_51, %dma_start3A_52] : memref<8x125xi32, #tpu.memory_space<vmem>> -> memref<1x125xi32, #tpu.memory_space<vmem>>
      %dma_start3A_54 = tpu.memref_squeeze %dma_start3A_53 : memref<1x125xi32, #tpu.memory_space<vmem>> -> memref<125xi32, #tpu.memory_space<vmem>>
      %dma_start3A_55 = arith.constant 0 : i32
      %dma_start3A_56 = arith.constant 0 : i32
      %dma_start3A_57 = tpu.memref_slice %arg4[%arg0, %dma_start3A_55, %dma_start3A_56] : memref<2x10000x128xf32, #tpu.memory_space<hbm>> -> memref<1x10000x128xf32, #tpu.memory_space<hbm>>
      %dma_start3A_58 = tpu.memref_squeeze %dma_start3A_57 : memref<1x10000x128xf32, #tpu.memory_space<hbm>> -> memref<10000x128xf32, #tpu.memory_space<hbm>>
      %dma_start3A_59 = arith.constant 0 : i32
      %dma_start3A_60 = arith.constant 0 : i32
      %dma_start3A_61 = tpu.memref_slice %dma_start3A_58[%dma_start3A_59, %dma_start3A_60] : memref<10000x128xf32, #tpu.memory_space<hbm>> -> memref<10000x128xf32, #tpu.memory_space<hbm>>
      tpu.enqueue_indirect_dma source(%dma_start3A_61 : memref<10000x128xf32, #tpu.memory_space<hbm>>) target(%arg11 : memref<125x128xf32, #tpu.memory_space<vmem>>) offsets(%dma_start3A_54 : memref<125xi32, #tpu.memory_space<vmem>>) semaphore(%arg14 : memref<!tpu.dma_semaphore, #tpu.memory_space<semaphore_mem>>)
      %run_scoped3A = arith.constant 0 : i32
      "tpu.region"() ({
        %run_scoped3A_382 = tpu.sem_alloc : memref<!tpu.dma_semaphore, #tpu.memory_space<semaphore_mem>>
        %dma_start3A_383 = arith.constant 0 : i32
        %dma_start3A_384 = tpu.memref_slice %arg9[%run_scoped3A, %dma_start3A_383] : memref<8x125xi32, #tpu.memory_space<vmem>> -> memref<1x125xi32, #tpu.memory_space<vmem>>
        %dma_start3A_385 = tpu.memref_squeeze %dma_start3A_384 : memref<1x125xi32, #tpu.memory_space<vmem>> -> memref<125xi32, #tpu.memory_space<vmem>>
        %dma_start3A_386 = arith.constant 0 : i32
        %dma_start3A_387 = arith.constant 0 : i32
        %dma_start3A_388 = tpu.memref_slice %arg13[%dma_start3A_386, %dma_start3A_387] : memref<10112x128xf32, #tpu.memory_space<vmem_shared>> -> memref<10112x128xf32, #tpu.memory_space<vmem_shared>>
        tpu.enqueue_indirect_dma source(%arg11 : memref<125x128xf32, #tpu.memory_space<vmem>>) target(%dma_start3A_388 : memref<10112x128xf32, #tpu.memory_space<vmem_shared>>) offsets(%dma_start3A_385 : memref<125xi32, #tpu.memory_space<vmem>>) semaphore(%run_scoped3A_382 : memref<!tpu.dma_semaphore, #tpu.memory_space<semaphore_mem>>) {add = true}
        %dma_wait3A_389 = arith.constant 0 : i32
        %dma_wait3A_390 = tpu.memref_slice %arg9[%run_scoped3A, %dma_wait3A_389] : memref<8x125xi32, #tpu.memory_space<vmem>> -> memref<1x125xi32, #tpu.memory_space<vmem>>
        %dma_wait3A_391 = tpu.memref_squeeze %dma_wait3A_390 : memref<1x125xi32, #tpu.memory_space<vmem>> -> memref<125xi32, #tpu.memory_space<vmem>>
        %dma_wait3A_392 = arith.constant 0 : i32
        %dma_wait3A_393 = arith.constant 0 : i32
        %dma_wait3A_394 = tpu.memref_slice %arg13[%dma_wait3A_392, %dma_wait3A_393] : memref<10112x128xf32, #tpu.memory_space<vmem_shared>> -> memref<10112x128xf32, #tpu.memory_space<vmem_shared>>
        tpu.wait_indirect_dma semaphore(%run_scoped3A_382 : memref<!tpu.dma_semaphore, #tpu.memory_space<semaphore_mem>>) src(%arg11 : memref<125x128xf32, #tpu.memory_space<vmem>>) dst(%dma_wait3A_394 : memref<10112x128xf32, #tpu.memory_space<vmem_shared>>)
        tpu.yield
      }) : () -> ()
      %dma_wait3A_62 = arith.constant 1 : i32
      %dma_wait3A_63 = arith.constant 0 : i32
      %dma_wait3A_64 = tpu.memref_slice %arg7[%dma_wait3A_62, %dma_wait3A_63] : memref<8x125xi32, #tpu.memory_space<vmem>> -> memref<1x125xi32, #tpu.memory_space<vmem>>
      %dma_wait3A_65 = tpu.memref_squeeze %dma_wait3A_64 : memref<1x125xi32, #tpu.memory_space<vmem>> -> memref<125xi32, #tpu.memory_space<vmem>>
      %dma_wait3A_66 = arith.constant 0 : i32
      %dma_wait3A_67 = arith.constant 0 : i32
      %dma_wait3A_68 = tpu.memref_slice %arg4[%arg0, %dma_wait3A_66, %dma_wait3A_67] : memref<2x10000x128xf32, #tpu.memory_space<hbm>> -> memref<1x10000x128xf32, #tpu.memory_space<hbm>>
      %dma_wait3A_69 = tpu.memref_squeeze %dma_wait3A_68 : memref<1x10000x128xf32, #tpu.memory_space<hbm>> -> memref<10000x128xf32, #tpu.memory_space<hbm>>
      %dma_wait3A_70 = arith.constant 0 : i32
      %dma_wait3A_71 = arith.constant 0 : i32
      %dma_wait3A_72 = tpu.memref_slice %dma_wait3A_69[%dma_wait3A_70, %dma_wait3A_71] : memref<10000x128xf32, #tpu.memory_space<hbm>> -> memref<10000x128xf32, #tpu.memory_space<hbm>>
      tpu.wait_indirect_dma semaphore(%arg15 : memref<!tpu.dma_semaphore, #tpu.memory_space<semaphore_mem>>) src(%dma_wait3A_72 : memref<10000x128xf32, #tpu.memory_space<hbm>>) dst(%arg12 : memref<125x128xf32, #tpu.memory_space<vmem>>)
      %dma_start3A_73 = arith.constant 3 : i32
      %dma_start3A_74 = arith.constant 0 : i32
      %dma_start3A_75 = tpu.memref_slice %arg7[%dma_start3A_73, %dma_start3A_74] : memref<8x125xi32, #tpu.memory_space<vmem>> -> memref<1x125xi32, #tpu.memory_space<vmem>>
      %dma_start3A_76 = tpu.memref_squeeze %dma_start3A_75 : memref<1x125xi32, #tpu.memory_space<vmem>> -> memref<125xi32, #tpu.memory_space<vmem>>
      %dma_start3A_77 = arith.constant 0 : i32
      %dma_start3A_78 = arith.constant 0 : i32
      %dma_start3A_79 = tpu.memref_slice %arg4[%arg0, %dma_start3A_77, %dma_start3A_78] : memref<2x10000x128xf32, #tpu.memory_space<hbm>> -> memref<1x10000x128xf32, #tpu.memory_space<hbm>>
      %dma_start3A_80 = tpu.memref_squeeze %dma_start3A_79 : memref<1x10000x128xf32, #tpu.memory_space<hbm>> -> memref<10000x128xf32, #tpu.memory_space<hbm>>
      %dma_start3A_81 = arith.constant 0 : i32
      %dma_start3A_82 = arith.constant 0 : i32
      %dma_start3A_83 = tpu.memref_slice %dma_start3A_80[%dma_start3A_81, %dma_start3A_82] : memref<10000x128xf32, #tpu.memory_space<hbm>> -> memref<10000x128xf32, #tpu.memory_space<hbm>>
      tpu.enqueue_indirect_dma source(%dma_start3A_83 : memref<10000x128xf32, #tpu.memory_space<hbm>>) target(%arg12 : memref<125x128xf32, #tpu.memory_space<vmem>>) offsets(%dma_start3A_76 : memref<125xi32, #tpu.memory_space<vmem>>) semaphore(%arg15 : memref<!tpu.dma_semaphore, #tpu.memory_space<semaphore_mem>>)
      %run_scoped3A_84 = arith.constant 1 : i32
      "tpu.region"() ({
        %run_scoped3A_382 = tpu.sem_alloc : memref<!tpu.dma_semaphore, #tpu.memory_space<semaphore_mem>>
        %dma_start3A_383 = arith.constant 0 : i32
        %dma_start3A_384 = tpu.memref_slice %arg9[%run_scoped3A_84, %dma_start3A_383] : memref<8x125xi32, #tpu.memory_space<vmem>> -> memref<1x125xi32, #tpu.memory_space<vmem>>
        %dma_start3A_385 = tpu.memref_squeeze %dma_start3A_384 : memref<1x125xi32, #tpu.memory_space<vmem>> -> memref<125xi32, #tpu.memory_space<vmem>>
        %dma_start3A_386 = arith.constant 0 : i32
        %dma_start3A_387 = arith.constant 0 : i32
        %dma_start3A_388 = tpu.memref_slice %arg13[%dma_start3A_386, %dma_start3A_387] : memref<10112x128xf32, #tpu.memory_space<vmem_shared>> -> memref<10112x128xf32, #tpu.memory_space<vmem_shared>>
        tpu.enqueue_indirect_dma source(%arg12 : memref<125x128xf32, #tpu.memory_space<vmem>>) target(%dma_start3A_388 : memref<10112x128xf32, #tpu.memory_space<vmem_shared>>) offsets(%dma_start3A_385 : memref<125xi32, #tpu.memory_space<vmem>>) semaphore(%run_scoped3A_382 : memref<!tpu.dma_semaphore, #tpu.memory_space<semaphore_mem>>) {add = true}
        %dma_wait3A_389 = arith.constant 0 : i32
        %dma_wait3A_390 = tpu.memref_slice %arg9[%run_scoped3A_84, %dma_wait3A_389] : memref<8x125xi32, #tpu.memory_space<vmem>> -> memref<1x125xi32, #tpu.memory_space<vmem>>
        %dma_wait3A_391 = tpu.memref_squeeze %dma_wait3A_390 : memref<1x125xi32, #tpu.memory_space<vmem>> -> memref<125xi32, #tpu.memory_space<vmem>>
        %dma_wait3A_392 = arith.constant 0 : i32
        %dma_wait3A_393 = arith.constant 0 : i32
        %dma_wait3A_394 = tpu.memref_slice %arg13[%dma_wait3A_392, %dma_wait3A_393] : memref<10112x128xf32, #tpu.memory_space<vmem_shared>> -> memref<10112x128xf32, #tpu.memory_space<vmem_shared>>
        tpu.wait_indirect_dma semaphore(%run_scoped3A_382 : memref<!tpu.dma_semaphore, #tpu.memory_space<semaphore_mem>>) src(%arg12 : memref<125x128xf32, #tpu.memory_space<vmem>>) dst(%dma_wait3A_394 : memref<10112x128xf32, #tpu.memory_space<vmem_shared>>)
        tpu.yield
      }) : () -> ()
      %dma_wait3A_85 = arith.constant 2 : i32
      %dma_wait3A_86 = arith.constant 0 : i32
      %dma_wait3A_87 = tpu.memref_slice %arg7[%dma_wait3A_85, %dma_wait3A_86] : memref<8x125xi32, #tpu.memory_space<vmem>> -> memref<1x125xi32, #tpu.memory_space<vmem>>
      %dma_wait3A_88 = tpu.memref_squeeze %dma_wait3A_87 : memref<1x125xi32, #tpu.memory_space<vmem>> -> memref<125xi32, #tpu.memory_space<vmem>>
      %dma_wait3A_89 = arith.constant 0 : i32
      %dma_wait3A_90 = arith.constant 0 : i32
      %dma_wait3A_91 = tpu.memref_slice %arg4[%arg0, %dma_wait3A_89, %dma_wait3A_90] : memref<2x10000x128xf32, #tpu.memory_space<hbm>> -> memref<1x10000x128xf32, #tpu.memory_space<hbm>>
      %dma_wait3A_92 = tpu.memref_squeeze %dma_wait3A_91 : memref<1x10000x128xf32, #tpu.memory_space<hbm>> -> memref<10000x128xf32, #tpu.memory_space<hbm>>
      %dma_wait3A_93 = arith.constant 0 : i32
      %dma_wait3A_94 = arith.constant 0 : i32
      %dma_wait3A_95 = tpu.memref_slice %dma_wait3A_92[%dma_wait3A_93, %dma_wait3A_94] : memref<10000x128xf32, #tpu.memory_space<hbm>> -> memref<10000x128xf32, #tpu.memory_space<hbm>>
      tpu.wait_indirect_dma semaphore(%arg14 : memref<!tpu.dma_semaphore, #tpu.memory_space<semaphore_mem>>) src(%dma_wait3A_95 : memref<10000x128xf32, #tpu.memory_space<hbm>>) dst(%arg11 : memref<125x128xf32, #tpu.memory_space<vmem>>)
      %dma_start3A_96 = arith.constant 4 : i32
      %dma_start3A_97 = arith.constant 0 : i32
      %dma_start3A_98 = tpu.memref_slice %arg7[%dma_start3A_96, %dma_start3A_97] : memref<8x125xi32, #tpu.memory_space<vmem>> -> memref<1x125xi32, #tpu.memory_space<vmem>>
      %dma_start3A_99 = tpu.memref_squeeze %dma_start3A_98 : memref<1x125xi32, #tpu.memory_space<vmem>> -> memref<125xi32, #tpu.memory_space<vmem>>
      %dma_start3A_100 = arith.constant 0 : i32
      %dma_start3A_101 = arith.constant 0 : i32
      %dma_start3A_102 = tpu.memref_slice %arg4[%arg0, %dma_start3A_100, %dma_start3A_101] : memref<2x10000x128xf32, #tpu.memory_space<hbm>> -> memref<1x10000x128xf32, #tpu.memory_space<hbm>>
      %dma_start3A_103 = tpu.memref_squeeze %dma_start3A_102 : memref<1x10000x128xf32, #tpu.memory_space<hbm>> -> memref<10000x128xf32, #tpu.memory_space<hbm>>
      %dma_start3A_104 = arith.constant 0 : i32
      %dma_start3A_105 = arith.constant 0 : i32
      %dma_start3A_106 = tpu.memref_slice %dma_start3A_103[%dma_start3A_104, %dma_start3A_105] : memref<10000x128xf32, #tpu.memory_space<hbm>> -> memref<10000x128xf32, #tpu.memory_space<hbm>>
      tpu.enqueue_indirect_dma source(%dma_start3A_106 : memref<10000x128xf32, #tpu.memory_space<hbm>>) target(%arg11 : memref<125x128xf32, #tpu.memory_space<vmem>>) offsets(%dma_start3A_99 : memref<125xi32, #tpu.memory_space<vmem>>) semaphore(%arg14 : memref<!tpu.dma_semaphore, #tpu.memory_space<semaphore_mem>>)
      %run_scoped3A_107 = arith.constant 2 : i32
      "tpu.region"() ({
        %run_scoped3A_382 = tpu.sem_alloc : memref<!tpu.dma_semaphore, #tpu.memory_space<semaphore_mem>>
        %dma_start3A_383 = arith.constant 0 : i32
        %dma_start3A_384 = tpu.memref_slice %arg9[%run_scoped3A_107, %dma_start3A_383] : memref<8x125xi32, #tpu.memory_space<vmem>> -> memref<1x125xi32, #tpu.memory_space<vmem>>
        %dma_start3A_385 = tpu.memref_squeeze %dma_start3A_384 : memref<1x125xi32, #tpu.memory_space<vmem>> -> memref<125xi32, #tpu.memory_space<vmem>>
        %dma_start3A_386 = arith.constant 0 : i32
        %dma_start3A_387 = arith.constant 0 : i32
        %dma_start3A_388 = tpu.memref_slice %arg13[%dma_start3A_386, %dma_start3A_387] : memref<10112x128xf32, #tpu.memory_space<vmem_shared>> -> memref<10112x128xf32, #tpu.memory_space<vmem_shared>>
        tpu.enqueue_indirect_dma source(%arg11 : memref<125x128xf32, #tpu.memory_space<vmem>>) target(%dma_start3A_388 : memref<10112x128xf32, #tpu.memory_space<vmem_shared>>) offsets(%dma_start3A_385 : memref<125xi32, #tpu.memory_space<vmem>>) semaphore(%run_scoped3A_382 : memref<!tpu.dma_semaphore, #tpu.memory_space<semaphore_mem>>) {add = true}
        %dma_wait3A_389 = arith.constant 0 : i32
        %dma_wait3A_390 = tpu.memref_slice %arg9[%run_scoped3A_107, %dma_wait3A_389] : memref<8x125xi32, #tpu.memory_space<vmem>> -> memref<1x125xi32, #tpu.memory_space<vmem>>
        %dma_wait3A_391 = tpu.memref_squeeze %dma_wait3A_390 : memref<1x125xi32, #tpu.memory_space<vmem>> -> memref<125xi32, #tpu.memory_space<vmem>>
        %dma_wait3A_392 = arith.constant 0 : i32
        %dma_wait3A_393 = arith.constant 0 : i32
        %dma_wait3A_394 = tpu.memref_slice %arg13[%dma_wait3A_392, %dma_wait3A_393] : memref<10112x128xf32, #tpu.memory_space<vmem_shared>> -> memref<10112x128xf32, #tpu.memory_space<vmem_shared>>
        tpu.wait_indirect_dma semaphore(%run_scoped3A_382 : memref<!tpu.dma_semaphore, #tpu.memory_space<semaphore_mem>>) src(%arg11 : memref<125x128xf32, #tpu.memory_space<vmem>>) dst(%dma_wait3A_394 : memref<10112x128xf32, #tpu.memory_space<vmem_shared>>)
        tpu.yield
      }) : () -> ()
      %dma_wait3A_108 = arith.constant 3 : i32
      %dma_wait3A_109 = arith.constant 0 : i32
      %dma_wait3A_110 = tpu.memref_slice %arg7[%dma_wait3A_108, %dma_wait3A_109] : memref<8x125xi32, #tpu.memory_space<vmem>> -> memref<1x125xi32, #tpu.memory_space<vmem>>
      %dma_wait3A_111 = tpu.memref_squeeze %dma_wait3A_110 : memref<1x125xi32, #tpu.memory_space<vmem>> -> memref<125xi32, #tpu.memory_space<vmem>>
      %dma_wait3A_112 = arith.constant 0 : i32
      %dma_wait3A_113 = arith.constant 0 : i32
      %dma_wait3A_114 = tpu.memref_slice %arg4[%arg0, %dma_wait3A_112, %dma_wait3A_113] : memref<2x10000x128xf32, #tpu.memory_space<hbm>> -> memref<1x10000x128xf32, #tpu.memory_space<hbm>>
      %dma_wait3A_115 = tpu.memref_squeeze %dma_wait3A_114 : memref<1x10000x128xf32, #tpu.memory_space<hbm>> -> memref<10000x128xf32, #tpu.memory_space<hbm>>
      %dma_wait3A_116 = arith.constant 0 : i32
      %dma_wait3A_117 = arith.constant 0 : i32
      %dma_wait3A_118 = tpu.memref_slice %dma_wait3A_115[%dma_wait3A_116, %dma_wait3A_117] : memref<10000x128xf32, #tpu.memory_space<hbm>> -> memref<10000x128xf32, #tpu.memory_space<hbm>>
      tpu.wait_indirect_dma semaphore(%arg15 : memref<!tpu.dma_semaphore, #tpu.memory_space<semaphore_mem>>) src(%dma_wait3A_118 : memref<10000x128xf32, #tpu.memory_space<hbm>>) dst(%arg12 : memref<125x128xf32, #tpu.memory_space<vmem>>)
      %dma_start3A_119 = arith.constant 5 : i32
      %dma_start3A_120 = arith.constant 0 : i32
      %dma_start3A_121 = tpu.memref_slice %arg7[%dma_start3A_119, %dma_start3A_120] : memref<8x125xi32, #tpu.memory_space<vmem>> -> memref<1x125xi32, #tpu.memory_space<vmem>>
      %dma_start3A_122 = tpu.memref_squeeze %dma_start3A_121 : memref<1x125xi32, #tpu.memory_space<vmem>> -> memref<125xi32, #tpu.memory_space<vmem>>
      %dma_start3A_123 = arith.constant 0 : i32
      %dma_start3A_124 = arith.constant 0 : i32
      %dma_start3A_125 = tpu.memref_slice %arg4[%arg0, %dma_start3A_123, %dma_start3A_124] : memref<2x10000x128xf32, #tpu.memory_space<hbm>> -> memref<1x10000x128xf32, #tpu.memory_space<hbm>>
      %dma_start3A_126 = tpu.memref_squeeze %dma_start3A_125 : memref<1x10000x128xf32, #tpu.memory_space<hbm>> -> memref<10000x128xf32, #tpu.memory_space<hbm>>
      %dma_start3A_127 = arith.constant 0 : i32
      %dma_start3A_128 = arith.constant 0 : i32
      %dma_start3A_129 = tpu.memref_slice %dma_start3A_126[%dma_start3A_127, %dma_start3A_128] : memref<10000x128xf32, #tpu.memory_space<hbm>> -> memref<10000x128xf32, #tpu.memory_space<hbm>>
      tpu.enqueue_indirect_dma source(%dma_start3A_129 : memref<10000x128xf32, #tpu.memory_space<hbm>>) target(%arg12 : memref<125x128xf32, #tpu.memory_space<vmem>>) offsets(%dma_start3A_122 : memref<125xi32, #tpu.memory_space<vmem>>) semaphore(%arg15 : memref<!tpu.dma_semaphore, #tpu.memory_space<semaphore_mem>>)
      %run_scoped3A_130 = arith.constant 3 : i32
      "tpu.region"() ({
        %run_scoped3A_382 = tpu.sem_alloc : memref<!tpu.dma_semaphore, #tpu.memory_space<semaphore_mem>>
        %dma_start3A_383 = arith.constant 0 : i32
        %dma_start3A_384 = tpu.memref_slice %arg9[%run_scoped3A_130, %dma_start3A_383] : memref<8x125xi32, #tpu.memory_space<vmem>> -> memref<1x125xi32, #tpu.memory_space<vmem>>
        %dma_start3A_385 = tpu.memref_squeeze %dma_start3A_384 : memref<1x125xi32, #tpu.memory_space<vmem>> -> memref<125xi32, #tpu.memory_space<vmem>>
        %dma_start3A_386 = arith.constant 0 : i32
        %dma_start3A_387 = arith.constant 0 : i32
        %dma_start3A_388 = tpu.memref_slice %arg13[%dma_start3A_386, %dma_start3A_387] : memref<10112x128xf32, #tpu.memory_space<vmem_shared>> -> memref<10112x128xf32, #tpu.memory_space<vmem_shared>>
        tpu.enqueue_indirect_dma source(%arg12 : memref<125x128xf32, #tpu.memory_space<vmem>>) target(%dma_start3A_388 : memref<10112x128xf32, #tpu.memory_space<vmem_shared>>) offsets(%dma_start3A_385 : memref<125xi32, #tpu.memory_space<vmem>>) semaphore(%run_scoped3A_382 : memref<!tpu.dma_semaphore, #tpu.memory_space<semaphore_mem>>) {add = true}
        %dma_wait3A_389 = arith.constant 0 : i32
        %dma_wait3A_390 = tpu.memref_slice %arg9[%run_scoped3A_130, %dma_wait3A_389] : memref<8x125xi32, #tpu.memory_space<vmem>> -> memref<1x125xi32, #tpu.memory_space<vmem>>
        %dma_wait3A_391 = tpu.memref_squeeze %dma_wait3A_390 : memref<1x125xi32, #tpu.memory_space<vmem>> -> memref<125xi32, #tpu.memory_space<vmem>>
        %dma_wait3A_392 = arith.constant 0 : i32
        %dma_wait3A_393 = arith.constant 0 : i32
        %dma_wait3A_394 = tpu.memref_slice %arg13[%dma_wait3A_392, %dma_wait3A_393] : memref<10112x128xf32, #tpu.memory_space<vmem_shared>> -> memref<10112x128xf32, #tpu.memory_space<vmem_shared>>
        tpu.wait_indirect_dma semaphore(%run_scoped3A_382 : memref<!tpu.dma_semaphore, #tpu.memory_space<semaphore_mem>>) src(%arg12 : memref<125x128xf32, #tpu.memory_space<vmem>>) dst(%dma_wait3A_394 : memref<10112x128xf32, #tpu.memory_space<vmem_shared>>)
        tpu.yield
      }) : () -> ()
      %dma_wait3A_131 = arith.constant 4 : i32
      %dma_wait3A_132 = arith.constant 0 : i32
      %dma_wait3A_133 = tpu.memref_slice %arg7[%dma_wait3A_131, %dma_wait3A_132] : memref<8x125xi32, #tpu.memory_space<vmem>> -> memref<1x125xi32, #tpu.memory_space<vmem>>
      %dma_wait3A_134 = tpu.memref_squeeze %dma_wait3A_133 : memref<1x125xi32, #tpu.memory_space<vmem>> -> memref<125xi32, #tpu.memory_space<vmem>>
      %dma_wait3A_135 = arith.constant 0 : i32
      %dma_wait3A_136 = arith.constant 0 : i32
      %dma_wait3A_137 = tpu.memref_slice %arg4[%arg0, %dma_wait3A_135, %dma_wait3A_136] : memref<2x10000x128xf32, #tpu.memory_space<hbm>> -> memref<1x10000x128xf32, #tpu.memory_space<hbm>>
      %dma_wait3A_138 = tpu.memref_squeeze %dma_wait3A_137 : memref<1x10000x128xf32, #tpu.memory_space<hbm>> -> memref<10000x128xf32, #tpu.memory_space<hbm>>
      %dma_wait3A_139 = arith.constant 0 : i32
      %dma_wait3A_140 = arith.constant 0 : i32
      %dma_wait3A_141 = tpu.memref_slice %dma_wait3A_138[%dma_wait3A_139, %dma_wait3A_140] : memref<10000x128xf32, #tpu.memory_space<hbm>> -> memref<10000x128xf32, #tpu.memory_space<hbm>>
      tpu.wait_indirect_dma semaphore(%arg14 : memref<!tpu.dma_semaphore, #tpu.memory_space<semaphore_mem>>) src(%dma_wait3A_141 : memref<10000x128xf32, #tpu.memory_space<hbm>>) dst(%arg11 : memref<125x128xf32, #tpu.memory_space<vmem>>)
      %dma_start3A_142 = arith.constant 6 : i32
      %dma_start3A_143 = arith.constant 0 : i32
      %dma_start3A_144 = tpu.memref_slice %arg7[%dma_start3A_142, %dma_start3A_143] : memref<8x125xi32, #tpu.memory_space<vmem>> -> memref<1x125xi32, #tpu.memory_space<vmem>>
      %dma_start3A_145 = tpu.memref_squeeze %dma_start3A_144 : memref<1x125xi32, #tpu.memory_space<vmem>> -> memref<125xi32, #tpu.memory_space<vmem>>
      %dma_start3A_146 = arith.constant 0 : i32
      %dma_start3A_147 = arith.constant 0 : i32
      %dma_start3A_148 = tpu.memref_slice %arg4[%arg0, %dma_start3A_146, %dma_start3A_147] : memref<2x10000x128xf32, #tpu.memory_space<hbm>> -> memref<1x10000x128xf32, #tpu.memory_space<hbm>>
      %dma_start3A_149 = tpu.memref_squeeze %dma_start3A_148 : memref<1x10000x128xf32, #tpu.memory_space<hbm>> -> memref<10000x128xf32, #tpu.memory_space<hbm>>
      %dma_start3A_150 = arith.constant 0 : i32
      %dma_start3A_151 = arith.constant 0 : i32
      %dma_start3A_152 = tpu.memref_slice %dma_start3A_149[%dma_start3A_150, %dma_start3A_151] : memref<10000x128xf32, #tpu.memory_space<hbm>> -> memref<10000x128xf32, #tpu.memory_space<hbm>>
      tpu.enqueue_indirect_dma source(%dma_start3A_152 : memref<10000x128xf32, #tpu.memory_space<hbm>>) target(%arg11 : memref<125x128xf32, #tpu.memory_space<vmem>>) offsets(%dma_start3A_145 : memref<125xi32, #tpu.memory_space<vmem>>) semaphore(%arg14 : memref<!tpu.dma_semaphore, #tpu.memory_space<semaphore_mem>>)
      %run_scoped3A_153 = arith.constant 4 : i32
      "tpu.region"() ({
        %run_scoped3A_382 = tpu.sem_alloc : memref<!tpu.dma_semaphore, #tpu.memory_space<semaphore_mem>>
        %dma_start3A_383 = arith.constant 0 : i32
        %dma_start3A_384 = tpu.memref_slice %arg9[%run_scoped3A_153, %dma_start3A_383] : memref<8x125xi32, #tpu.memory_space<vmem>> -> memref<1x125xi32, #tpu.memory_space<vmem>>
        %dma_start3A_385 = tpu.memref_squeeze %dma_start3A_384 : memref<1x125xi32, #tpu.memory_space<vmem>> -> memref<125xi32, #tpu.memory_space<vmem>>
        %dma_start3A_386 = arith.constant 0 : i32
        %dma_start3A_387 = arith.constant 0 : i32
        %dma_start3A_388 = tpu.memref_slice %arg13[%dma_start3A_386, %dma_start3A_387] : memref<10112x128xf32, #tpu.memory_space<vmem_shared>> -> memref<10112x128xf32, #tpu.memory_space<vmem_shared>>
        tpu.enqueue_indirect_dma source(%arg11 : memref<125x128xf32, #tpu.memory_space<vmem>>) target(%dma_start3A_388 : memref<10112x128xf32, #tpu.memory_space<vmem_shared>>) offsets(%dma_start3A_385 : memref<125xi32, #tpu.memory_space<vmem>>) semaphore(%run_scoped3A_382 : memref<!tpu.dma_semaphore, #tpu.memory_space<semaphore_mem>>) {add = true}
        %dma_wait3A_389 = arith.constant 0 : i32
        %dma_wait3A_390 = tpu.memref_slice %arg9[%run_scoped3A_153, %dma_wait3A_389] : memref<8x125xi32, #tpu.memory_space<vmem>> -> memref<1x125xi32, #tpu.memory_space<vmem>>
        %dma_wait3A_391 = tpu.memref_squeeze %dma_wait3A_390 : memref<1x125xi32, #tpu.memory_space<vmem>> -> memref<125xi32, #tpu.memory_space<vmem>>
        %dma_wait3A_392 = arith.constant 0 : i32
        %dma_wait3A_393 = arith.constant 0 : i32
        %dma_wait3A_394 = tpu.memref_slice %arg13[%dma_wait3A_392, %dma_wait3A_393] : memref<10112x128xf32, #tpu.memory_space<vmem_shared>> -> memref<10112x128xf32, #tpu.memory_space<vmem_shared>>
        tpu.wait_indirect_dma semaphore(%run_scoped3A_382 : memref<!tpu.dma_semaphore, #tpu.memory_space<semaphore_mem>>) src(%arg11 : memref<125x128xf32, #tpu.memory_space<vmem>>) dst(%dma_wait3A_394 : memref<10112x128xf32, #tpu.memory_space<vmem_shared>>)
        tpu.yield
      }) : () -> ()
      %dma_wait3A_154 = arith.constant 5 : i32
      %dma_wait3A_155 = arith.constant 0 : i32
      %dma_wait3A_156 = tpu.memref_slice %arg7[%dma_wait3A_154, %dma_wait3A_155] : memref<8x125xi32, #tpu.memory_space<vmem>> -> memref<1x125xi32, #tpu.memory_space<vmem>>
      %dma_wait3A_157 = tpu.memref_squeeze %dma_wait3A_156 : memref<1x125xi32, #tpu.memory_space<vmem>> -> memref<125xi32, #tpu.memory_space<vmem>>
      %dma_wait3A_158 = arith.constant 0 : i32
      %dma_wait3A_159 = arith.constant 0 : i32
      %dma_wait3A_160 = tpu.memref_slice %arg4[%arg0, %dma_wait3A_158, %dma_wait3A_159] : memref<2x10000x128xf32, #tpu.memory_space<hbm>> -> memref<1x10000x128xf32, #tpu.memory_space<hbm>>
      %dma_wait3A_161 = tpu.memref_squeeze %dma_wait3A_160 : memref<1x10000x128xf32, #tpu.memory_space<hbm>> -> memref<10000x128xf32, #tpu.memory_space<hbm>>
      %dma_wait3A_162 = arith.constant 0 : i32
      %dma_wait3A_163 = arith.constant 0 : i32
      %dma_wait3A_164 = tpu.memref_slice %dma_wait3A_161[%dma_wait3A_162, %dma_wait3A_163] : memref<10000x128xf32, #tpu.memory_space<hbm>> -> memref<10000x128xf32, #tpu.memory_space<hbm>>
      tpu.wait_indirect_dma semaphore(%arg15 : memref<!tpu.dma_semaphore, #tpu.memory_space<semaphore_mem>>) src(%dma_wait3A_164 : memref<10000x128xf32, #tpu.memory_space<hbm>>) dst(%arg12 : memref<125x128xf32, #tpu.memory_space<vmem>>)
      %dma_start3A_165 = arith.constant 7 : i32
      %dma_start3A_166 = arith.constant 0 : i32
      %dma_start3A_167 = tpu.memref_slice %arg7[%dma_start3A_165, %dma_start3A_166] : memref<8x125xi32, #tpu.memory_space<vmem>> -> memref<1x125xi32, #tpu.memory_space<vmem>>
      %dma_start3A_168 = tpu.memref_squeeze %dma_start3A_167 : memref<1x125xi32, #tpu.memory_space<vmem>> -> memref<125xi32, #tpu.memory_space<vmem>>
      %dma_start3A_169 = arith.constant 0 : i32
      %dma_start3A_170 = arith.constant 0 : i32
      %dma_start3A_171 = tpu.memref_slice %arg4[%arg0, %dma_start3A_169, %dma_start3A_170] : memref<2x10000x128xf32, #tpu.memory_space<hbm>> -> memref<1x10000x128xf32, #tpu.memory_space<hbm>>
      %dma_start3A_172 = tpu.memref_squeeze %dma_start3A_171 : memref<1x10000x128xf32, #tpu.memory_space<hbm>> -> memref<10000x128xf32, #tpu.memory_space<hbm>>
      %dma_start3A_173 = arith.constant 0 : i32
      %dma_start3A_174 = arith.constant 0 : i32
      %dma_start3A_175 = tpu.memref_slice %dma_start3A_172[%dma_start3A_173, %dma_start3A_174] : memref<10000x128xf32, #tpu.memory_space<hbm>> -> memref<10000x128xf32, #tpu.memory_space<hbm>>
      tpu.enqueue_indirect_dma source(%dma_start3A_175 : memref<10000x128xf32, #tpu.memory_space<hbm>>) target(%arg12 : memref<125x128xf32, #tpu.memory_space<vmem>>) offsets(%dma_start3A_168 : memref<125xi32, #tpu.memory_space<vmem>>) semaphore(%arg15 : memref<!tpu.dma_semaphore, #tpu.memory_space<semaphore_mem>>)
      %run_scoped3A_176 = arith.constant 5 : i32
      "tpu.region"() ({
        %run_scoped3A_382 = tpu.sem_alloc : memref<!tpu.dma_semaphore, #tpu.memory_space<semaphore_mem>>
        %dma_start3A_383 = arith.constant 0 : i32
        %dma_start3A_384 = tpu.memref_slice %arg9[%run_scoped3A_176, %dma_start3A_383] : memref<8x125xi32, #tpu.memory_space<vmem>> -> memref<1x125xi32, #tpu.memory_space<vmem>>
        %dma_start3A_385 = tpu.memref_squeeze %dma_start3A_384 : memref<1x125xi32, #tpu.memory_space<vmem>> -> memref<125xi32, #tpu.memory_space<vmem>>
        %dma_start3A_386 = arith.constant 0 : i32
        %dma_start3A_387 = arith.constant 0 : i32
        %dma_start3A_388 = tpu.memref_slice %arg13[%dma_start3A_386, %dma_start3A_387] : memref<10112x128xf32, #tpu.memory_space<vmem_shared>> -> memref<10112x128xf32, #tpu.memory_space<vmem_shared>>
        tpu.enqueue_indirect_dma source(%arg12 : memref<125x128xf32, #tpu.memory_space<vmem>>) target(%dma_start3A_388 : memref<10112x128xf32, #tpu.memory_space<vmem_shared>>) offsets(%dma_start3A_385 : memref<125xi32, #tpu.memory_space<vmem>>) semaphore(%run_scoped3A_382 : memref<!tpu.dma_semaphore, #tpu.memory_space<semaphore_mem>>) {add = true}
        %dma_wait3A_389 = arith.constant 0 : i32
        %dma_wait3A_390 = tpu.memref_slice %arg9[%run_scoped3A_176, %dma_wait3A_389] : memref<8x125xi32, #tpu.memory_space<vmem>> -> memref<1x125xi32, #tpu.memory_space<vmem>>
        %dma_wait3A_391 = tpu.memref_squeeze %dma_wait3A_390 : memref<1x125xi32, #tpu.memory_space<vmem>> -> memref<125xi32, #tpu.memory_space<vmem>>
        %dma_wait3A_392 = arith.constant 0 : i32
        %dma_wait3A_393 = arith.constant 0 : i32
        %dma_wait3A_394 = tpu.memref_slice %arg13[%dma_wait3A_392, %dma_wait3A_393] : memref<10112x128xf32, #tpu.memory_space<vmem_shared>> -> memref<10112x128xf32, #tpu.memory_space<vmem_shared>>
        tpu.wait_indirect_dma semaphore(%run_scoped3A_382 : memref<!tpu.dma_semaphore, #tpu.memory_space<semaphore_mem>>) src(%arg12 : memref<125x128xf32, #tpu.memory_space<vmem>>) dst(%dma_wait3A_394 : memref<10112x128xf32, #tpu.memory_space<vmem_shared>>)
        tpu.yield
      }) : () -> ()
      %dma_wait3A_177 = arith.constant 6 : i32
      %dma_wait3A_178 = arith.constant 0 : i32
      %dma_wait3A_179 = tpu.memref_slice %arg7[%dma_wait3A_177, %dma_wait3A_178] : memref<8x125xi32, #tpu.memory_space<vmem>> -> memref<1x125xi32, #tpu.memory_space<vmem>>
      %dma_wait3A_180 = tpu.memref_squeeze %dma_wait3A_179 : memref<1x125xi32, #tpu.memory_space<vmem>> -> memref<125xi32, #tpu.memory_space<vmem>>
      %dma_wait3A_181 = arith.constant 0 : i32
      %dma_wait3A_182 = arith.constant 0 : i32
      %dma_wait3A_183 = tpu.memref_slice %arg4[%arg0, %dma_wait3A_181, %dma_wait3A_182] : memref<2x10000x128xf32, #tpu.memory_space<hbm>> -> memref<1x10000x128xf32, #tpu.memory_space<hbm>>
      %dma_wait3A_184 = tpu.memref_squeeze %dma_wait3A_183 : memref<1x10000x128xf32, #tpu.memory_space<hbm>> -> memref<10000x128xf32, #tpu.memory_space<hbm>>
      %dma_wait3A_185 = arith.constant 0 : i32
      %dma_wait3A_186 = arith.constant 0 : i32
      %dma_wait3A_187 = tpu.memref_slice %dma_wait3A_184[%dma_wait3A_185, %dma_wait3A_186] : memref<10000x128xf32, #tpu.memory_space<hbm>> -> memref<10000x128xf32, #tpu.memory_space<hbm>>
      tpu.wait_indirect_dma semaphore(%arg14 : memref<!tpu.dma_semaphore, #tpu.memory_space<semaphore_mem>>) src(%dma_wait3A_187 : memref<10000x128xf32, #tpu.memory_space<hbm>>) dst(%arg11 : memref<125x128xf32, #tpu.memory_space<vmem>>)
      %convert_element_type3A_188 = arith.extui %ge3A_39 : i1 to i32
      %cond3A_189 = arith.constant 0 : i32
      %cond3A_190 = arith.cmpi ne, %convert_element_type3A_188, %cond3A_189 : i32
      scf.if %cond3A_190 {
        %mul3A_382 = arith.constant 80 : i32
        %mul3A_383 = arith.muli %arg1, %mul3A_382 : i32
        %dma_wait3A_384 = arith.constant 0 : i32
        %dma_wait3A_385 = tpu.memref_slice %arg2[%mul3A_383, %dma_wait3A_384] : memref<1280x125xi32, #tpu.memory_space<hbm>> -> memref<8x125xi32, #tpu.memory_space<hbm>>
        %dma_wait3A_386 = arith.constant 0 : i32
        %dma_wait3A_387 = tpu.memref_slice %arg2[%mul3A_383, %dma_wait3A_386] : memref<1280x125xi32, #tpu.memory_space<hbm>> -> memref<8x125xi32, #tpu.memory_space<hbm>>
        tpu.wait_dma2 semaphore(%arg16 : memref<!tpu.dma_semaphore, #tpu.memory_space<semaphore_mem>>) src(%dma_wait3A_387 : memref<8x125xi32, #tpu.memory_space<hbm>>) dst(%arg8 : memref<8x125xi32, #tpu.memory_space<vmem>>)
        %mul3A_388 = arith.constant 80 : i32
        %mul3A_389 = arith.muli %arg1, %mul3A_388 : i32
        %dma_wait3A_390 = arith.constant 0 : i32
        %dma_wait3A_391 = tpu.memref_slice %arg3[%mul3A_389, %dma_wait3A_390] : memref<1280x125xi32, #tpu.memory_space<hbm>> -> memref<8x125xi32, #tpu.memory_space<hbm>>
        %dma_wait3A_392 = arith.constant 0 : i32
        %dma_wait3A_393 = tpu.memref_slice %arg3[%mul3A_389, %dma_wait3A_392] : memref<1280x125xi32, #tpu.memory_space<hbm>> -> memref<8x125xi32, #tpu.memory_space<hbm>>
        tpu.wait_dma2 semaphore(%arg16 : memref<!tpu.dma_semaphore, #tpu.memory_space<semaphore_mem>>) src(%dma_wait3A_393 : memref<8x125xi32, #tpu.memory_space<hbm>>) dst(%arg10 : memref<8x125xi32, #tpu.memory_space<vmem>>)
        %dma_start3A_394 = arith.constant 0 : i32
        %dma_start3A_395 = arith.constant 0 : i32
        %dma_start3A_396 = tpu.memref_slice %arg8[%dma_start3A_394, %dma_start3A_395] : memref<8x125xi32, #tpu.memory_space<vmem>> -> memref<1x125xi32, #tpu.memory_space<vmem>>
        %dma_start3A_397 = tpu.memref_squeeze %dma_start3A_396 : memref<1x125xi32, #tpu.memory_space<vmem>> -> memref<125xi32, #tpu.memory_space<vmem>>
        %dma_start3A_398 = arith.constant 0 : i32
        %dma_start3A_399 = arith.constant 0 : i32
        %dma_start3A_400 = tpu.memref_slice %arg4[%arg0, %dma_start3A_398, %dma_start3A_399] : memref<2x10000x128xf32, #tpu.memory_space<hbm>> -> memref<1x10000x128xf32, #tpu.memory_space<hbm>>
        %dma_start3A_401 = tpu.memref_squeeze %dma_start3A_400 : memref<1x10000x128xf32, #tpu.memory_space<hbm>> -> memref<10000x128xf32, #tpu.memory_space<hbm>>
        %dma_start3A_402 = arith.constant 0 : i32
        %dma_start3A_403 = arith.constant 0 : i32
        %dma_start3A_404 = tpu.memref_slice %dma_start3A_401[%dma_start3A_402, %dma_start3A_403] : memref<10000x128xf32, #tpu.memory_space<hbm>> -> memref<10000x128xf32, #tpu.memory_space<hbm>>
        tpu.enqueue_indirect_dma source(%dma_start3A_404 : memref<10000x128xf32, #tpu.memory_space<hbm>>) target(%arg11 : memref<125x128xf32, #tpu.memory_space<vmem>>) offsets(%dma_start3A_397 : memref<125xi32, #tpu.memory_space<vmem>>) semaphore(%arg14 : memref<!tpu.dma_semaphore, #tpu.memory_space<semaphore_mem>>)
      } else {
      }
      %run_scoped3A_191 = arith.constant 6 : i32
      "tpu.region"() ({
        %run_scoped3A_382 = tpu.sem_alloc : memref<!tpu.dma_semaphore, #tpu.memory_space<semaphore_mem>>
        %dma_start3A_383 = arith.constant 0 : i32
        %dma_start3A_384 = tpu.memref_slice %arg9[%run_scoped3A_191, %dma_start3A_383] : memref<8x125xi32, #tpu.memory_space<vmem>> -> memref<1x125xi32, #tpu.memory_space<vmem>>
        %dma_start3A_385 = tpu.memref_squeeze %dma_start3A_384 : memref<1x125xi32, #tpu.memory_space<vmem>> -> memref<125xi32, #tpu.memory_space<vmem>>
        %dma_start3A_386 = arith.constant 0 : i32
        %dma_start3A_387 = arith.constant 0 : i32
        %dma_start3A_388 = tpu.memref_slice %arg13[%dma_start3A_386, %dma_start3A_387] : memref<10112x128xf32, #tpu.memory_space<vmem_shared>> -> memref<10112x128xf32, #tpu.memory_space<vmem_shared>>
        tpu.enqueue_indirect_dma source(%arg11 : memref<125x128xf32, #tpu.memory_space<vmem>>) target(%dma_start3A_388 : memref<10112x128xf32, #tpu.memory_space<vmem_shared>>) offsets(%dma_start3A_385 : memref<125xi32, #tpu.memory_space<vmem>>) semaphore(%run_scoped3A_382 : memref<!tpu.dma_semaphore, #tpu.memory_space<semaphore_mem>>) {add = true}
        %dma_wait3A_389 = arith.constant 0 : i32
        %dma_wait3A_390 = tpu.memref_slice %arg9[%run_scoped3A_191, %dma_wait3A_389] : memref<8x125xi32, #tpu.memory_space<vmem>> -> memref<1x125xi32, #tpu.memory_space<vmem>>
        %dma_wait3A_391 = tpu.memref_squeeze %dma_wait3A_390 : memref<1x125xi32, #tpu.memory_space<vmem>> -> memref<125xi32, #tpu.memory_space<vmem>>
        %dma_wait3A_392 = arith.constant 0 : i32
        %dma_wait3A_393 = arith.constant 0 : i32
        %dma_wait3A_394 = tpu.memref_slice %arg13[%dma_wait3A_392, %dma_wait3A_393] : memref<10112x128xf32, #tpu.memory_space<vmem_shared>> -> memref<10112x128xf32, #tpu.memory_space<vmem_shared>>
        tpu.wait_indirect_dma semaphore(%run_scoped3A_382 : memref<!tpu.dma_semaphore, #tpu.memory_space<semaphore_mem>>) src(%arg11 : memref<125x128xf32, #tpu.memory_space<vmem>>) dst(%dma_wait3A_394 : memref<10112x128xf32, #tpu.memory_space<vmem_shared>>)
        tpu.yield
      }) : () -> ()
      %dma_wait3A_192 = arith.constant 7 : i32
      %dma_wait3A_193 = arith.constant 0 : i32
      %dma_wait3A_194 = tpu.memref_slice %arg7[%dma_wait3A_192, %dma_wait3A_193] : memref<8x125xi32, #tpu.memory_space<vmem>> -> memref<1x125xi32, #tpu.memory_space<vmem>>
      %dma_wait3A_195 = tpu.memref_squeeze %dma_wait3A_194 : memref<1x125xi32, #tpu.memory_space<vmem>> -> memref<125xi32, #tpu.memory_space<vmem>>
      %dma_wait3A_196 = arith.constant 0 : i32
      %dma_wait3A_197 = arith.constant 0 : i32
      %dma_wait3A_198 = tpu.memref_slice %arg4[%arg0, %dma_wait3A_196, %dma_wait3A_197] : memref<2x10000x128xf32, #tpu.memory_space<hbm>> -> memref<1x10000x128xf32, #tpu.memory_space<hbm>>
      %dma_wait3A_199 = tpu.memref_squeeze %dma_wait3A_198 : memref<1x10000x128xf32, #tpu.memory_space<hbm>> -> memref<10000x128xf32, #tpu.memory_space<hbm>>
      %dma_wait3A_200 = arith.constant 0 : i32
      %dma_wait3A_201 = arith.constant 0 : i32
      %dma_wait3A_202 = tpu.memref_slice %dma_wait3A_199[%dma_wait3A_200, %dma_wait3A_201] : memref<10000x128xf32, #tpu.memory_space<hbm>> -> memref<10000x128xf32, #tpu.memory_space<hbm>>
      tpu.wait_indirect_dma semaphore(%arg15 : memref<!tpu.dma_semaphore, #tpu.memory_space<semaphore_mem>>) src(%dma_wait3A_202 : memref<10000x128xf32, #tpu.memory_space<hbm>>) dst(%arg12 : memref<125x128xf32, #tpu.memory_space<vmem>>)
      %convert_element_type3A_203 = arith.extui %ge3A_39 : i1 to i32
      %cond3A_204 = arith.constant 0 : i32
      %cond3A_205 = arith.cmpi ne, %convert_element_type3A_203, %cond3A_204 : i32
      scf.if %cond3A_205 {
        %dma_start3A_382 = arith.constant 1 : i32
        %dma_start3A_383 = arith.constant 0 : i32
        %dma_start3A_384 = tpu.memref_slice %arg8[%dma_start3A_382, %dma_start3A_383] : memref<8x125xi32, #tpu.memory_space<vmem>> -> memref<1x125xi32, #tpu.memory_space<vmem>>
        %dma_start3A_385 = tpu.memref_squeeze %dma_start3A_384 : memref<1x125xi32, #tpu.memory_space<vmem>> -> memref<125xi32, #tpu.memory_space<vmem>>
        %dma_start3A_386 = arith.constant 0 : i32
        %dma_start3A_387 = arith.constant 0 : i32
        %dma_start3A_388 = tpu.memref_slice %arg4[%arg0, %dma_start3A_386, %dma_start3A_387] : memref<2x10000x128xf32, #tpu.memory_space<hbm>> -> memref<1x10000x128xf32, #tpu.memory_space<hbm>>
        %dma_start3A_389 = tpu.memref_squeeze %dma_start3A_388 : memref<1x10000x128xf32, #tpu.memory_space<hbm>> -> memref<10000x128xf32, #tpu.memory_space<hbm>>
        %dma_start3A_390 = arith.constant 0 : i32
        %dma_start3A_391 = arith.constant 0 : i32
        %dma_start3A_392 = tpu.memref_slice %dma_start3A_389[%dma_start3A_390, %dma_start3A_391] : memref<10000x128xf32, #tpu.memory_space<hbm>> -> memref<10000x128xf32, #tpu.memory_space<hbm>>
        tpu.enqueue_indirect_dma source(%dma_start3A_392 : memref<10000x128xf32, #tpu.memory_space<hbm>>) target(%arg12 : memref<125x128xf32, #tpu.memory_space<vmem>>) offsets(%dma_start3A_385 : memref<125xi32, #tpu.memory_space<vmem>>) semaphore(%arg15 : memref<!tpu.dma_semaphore, #tpu.memory_space<semaphore_mem>>)
      } else {
      }
      %run_scoped3A_206 = arith.constant 7 : i32
      "tpu.region"() ({
        %run_scoped3A_382 = tpu.sem_alloc : memref<!tpu.dma_semaphore, #tpu.memory_space<semaphore_mem>>
        %dma_start3A_383 = arith.constant 0 : i32
        %dma_start3A_384 = tpu.memref_slice %arg9[%run_scoped3A_206, %dma_start3A_383] : memref<8x125xi32, #tpu.memory_space<vmem>> -> memref<1x125xi32, #tpu.memory_space<vmem>>
        %dma_start3A_385 = tpu.memref_squeeze %dma_start3A_384 : memref<1x125xi32, #tpu.memory_space<vmem>> -> memref<125xi32, #tpu.memory_space<vmem>>
        %dma_start3A_386 = arith.constant 0 : i32
        %dma_start3A_387 = arith.constant 0 : i32
        %dma_start3A_388 = tpu.memref_slice %arg13[%dma_start3A_386, %dma_start3A_387] : memref<10112x128xf32, #tpu.memory_space<vmem_shared>> -> memref<10112x128xf32, #tpu.memory_space<vmem_shared>>
        tpu.enqueue_indirect_dma source(%arg12 : memref<125x128xf32, #tpu.memory_space<vmem>>) target(%dma_start3A_388 : memref<10112x128xf32, #tpu.memory_space<vmem_shared>>) offsets(%dma_start3A_385 : memref<125xi32, #tpu.memory_space<vmem>>) semaphore(%run_scoped3A_382 : memref<!tpu.dma_semaphore, #tpu.memory_space<semaphore_mem>>) {add = true}
        %dma_wait3A_389 = arith.constant 0 : i32
        %dma_wait3A_390 = tpu.memref_slice %arg9[%run_scoped3A_206, %dma_wait3A_389] : memref<8x125xi32, #tpu.memory_space<vmem>> -> memref<1x125xi32, #tpu.memory_space<vmem>>
        %dma_wait3A_391 = tpu.memref_squeeze %dma_wait3A_390 : memref<1x125xi32, #tpu.memory_space<vmem>> -> memref<125xi32, #tpu.memory_space<vmem>>
        %dma_wait3A_392 = arith.constant 0 : i32
        %dma_wait3A_393 = arith.constant 0 : i32
        %dma_wait3A_394 = tpu.memref_slice %arg13[%dma_wait3A_392, %dma_wait3A_393] : memref<10112x128xf32, #tpu.memory_space<vmem_shared>> -> memref<10112x128xf32, #tpu.memory_space<vmem_shared>>
        tpu.wait_indirect_dma semaphore(%run_scoped3A_382 : memref<!tpu.dma_semaphore, #tpu.memory_space<semaphore_mem>>) src(%arg12 : memref<125x128xf32, #tpu.memory_space<vmem>>) dst(%dma_wait3A_394 : memref<10112x128xf32, #tpu.memory_space<vmem_shared>>)
        tpu.yield
      }) : () -> ()
      %mul3A_207 = arith.constant 2 : i32
      %mul3A_208 = arith.muli %mul3A_207, %scan3A_36 : i32
      %add3A = arith.constant 1 : i32
      %add3A_209 = arith.addi %mul3A_208, %add3A : i32
      %lt3A = arith.constant 4 : i32
      %lt3A_210 = arith.cmpi slt, %scan3A_36, %lt3A : i32
      %convert_element_type3A_211 = arith.extui %lt3A_210 : i1 to i32
      %cond3A_212 = arith.constant 0 : i32
      %cond3A_213 = arith.cmpi ne, %convert_element_type3A_211, %cond3A_212 : i32
      scf.if %cond3A_213 {
        %add3A_382 = arith.constant 1 : i32
        %add3A_383 = arith.addi %add3A_209, %add3A_382 : i32
        %mul3A_384 = arith.constant 8 : i32
        %mul3A_385 = arith.muli %add3A_383, %mul3A_384 : i32
        %mul3A_386 = arith.constant 80 : i32
        %mul3A_387 = arith.muli %arg1, %mul3A_386 : i32
        %add3A_388 = arith.addi %mul3A_385, %mul3A_387 : i32
        %dma_start3A_389 = arith.constant 0 : i32
        %dma_start3A_390 = tpu.memref_slice %arg2[%add3A_388, %dma_start3A_389] : memref<1280x125xi32, #tpu.memory_space<hbm>> -> memref<8x125xi32, #tpu.memory_space<hbm>>
        %dma_start3A_391 = arith.constant 0 : i32
        %dma_start3A_392 = tpu.memref_slice %arg2[%add3A_388, %dma_start3A_391] : memref<1280x125xi32, #tpu.memory_space<hbm>> -> memref<8x125xi32, #tpu.memory_space<hbm>>
        tpu.enqueue_dma source(%dma_start3A_392 : memref<8x125xi32, #tpu.memory_space<hbm>>) target(%arg7 : memref<8x125xi32, #tpu.memory_space<vmem>>) target_semaphore(%arg16 : memref<!tpu.dma_semaphore, #tpu.memory_space<semaphore_mem>>)
        %dma_start3A_393 = arith.constant 0 : i32
        %dma_start3A_394 = tpu.memref_slice %arg3[%add3A_388, %dma_start3A_393] : memref<1280x125xi32, #tpu.memory_space<hbm>> -> memref<8x125xi32, #tpu.memory_space<hbm>>
        %dma_start3A_395 = arith.constant 0 : i32
        %dma_start3A_396 = tpu.memref_slice %arg3[%add3A_388, %dma_start3A_395] : memref<1280x125xi32, #tpu.memory_space<hbm>> -> memref<8x125xi32, #tpu.memory_space<hbm>>
        tpu.enqueue_dma source(%dma_start3A_396 : memref<8x125xi32, #tpu.memory_space<hbm>>) target(%arg9 : memref<8x125xi32, #tpu.memory_space<vmem>>) target_semaphore(%arg16 : memref<!tpu.dma_semaphore, #tpu.memory_space<semaphore_mem>>)
      } else {
      }
      %dma_wait3A_214 = arith.constant 0 : i32
      %dma_wait3A_215 = arith.constant 0 : i32
      %dma_wait3A_216 = tpu.memref_slice %arg8[%dma_wait3A_214, %dma_wait3A_215] : memref<8x125xi32, #tpu.memory_space<vmem>> -> memref<1x125xi32, #tpu.memory_space<vmem>>
      %dma_wait3A_217 = tpu.memref_squeeze %dma_wait3A_216 : memref<1x125xi32, #tpu.memory_space<vmem>> -> memref<125xi32, #tpu.memory_space<vmem>>
      %dma_wait3A_218 = arith.constant 0 : i32
      %dma_wait3A_219 = arith.constant 0 : i32
      %dma_wait3A_220 = tpu.memref_slice %arg4[%arg0, %dma_wait3A_218, %dma_wait3A_219] : memref<2x10000x128xf32, #tpu.memory_space<hbm>> -> memref<1x10000x128xf32, #tpu.memory_space<hbm>>
      %dma_wait3A_221 = tpu.memref_squeeze %dma_wait3A_220 : memref<1x10000x128xf32, #tpu.memory_space<hbm>> -> memref<10000x128xf32, #tpu.memory_space<hbm>>
      %dma_wait3A_222 = arith.constant 0 : i32
      %dma_wait3A_223 = arith.constant 0 : i32
      %dma_wait3A_224 = tpu.memref_slice %dma_wait3A_221[%dma_wait3A_222, %dma_wait3A_223] : memref<10000x128xf32, #tpu.memory_space<hbm>> -> memref<10000x128xf32, #tpu.memory_space<hbm>>
      tpu.wait_indirect_dma semaphore(%arg14 : memref<!tpu.dma_semaphore, #tpu.memory_space<semaphore_mem>>) src(%dma_wait3A_224 : memref<10000x128xf32, #tpu.memory_space<hbm>>) dst(%arg11 : memref<125x128xf32, #tpu.memory_space<vmem>>)
      %dma_start3A_225 = arith.constant 2 : i32
      %dma_start3A_226 = arith.constant 0 : i32
      %dma_start3A_227 = tpu.memref_slice %arg8[%dma_start3A_225, %dma_start3A_226] : memref<8x125xi32, #tpu.memory_space<vmem>> -> memref<1x125xi32, #tpu.memory_space<vmem>>
      %dma_start3A_228 = tpu.memref_squeeze %dma_start3A_227 : memref<1x125xi32, #tpu.memory_space<vmem>> -> memref<125xi32, #tpu.memory_space<vmem>>
      %dma_start3A_229 = arith.constant 0 : i32
      %dma_start3A_230 = arith.constant 0 : i32
      %dma_start3A_231 = tpu.memref_slice %arg4[%arg0, %dma_start3A_229, %dma_start3A_230] : memref<2x10000x128xf32, #tpu.memory_space<hbm>> -> memref<1x10000x128xf32, #tpu.memory_space<hbm>>
      %dma_start3A_232 = tpu.memref_squeeze %dma_start3A_231 : memref<1x10000x128xf32, #tpu.memory_space<hbm>> -> memref<10000x128xf32, #tpu.memory_space<hbm>>
      %dma_start3A_233 = arith.constant 0 : i32
      %dma_start3A_234 = arith.constant 0 : i32
      %dma_start3A_235 = tpu.memref_slice %dma_start3A_232[%dma_start3A_233, %dma_start3A_234] : memref<10000x128xf32, #tpu.memory_space<hbm>> -> memref<10000x128xf32, #tpu.memory_space<hbm>>
      tpu.enqueue_indirect_dma source(%dma_start3A_235 : memref<10000x128xf32, #tpu.memory_space<hbm>>) target(%arg11 : memref<125x128xf32, #tpu.memory_space<vmem>>) offsets(%dma_start3A_228 : memref<125xi32, #tpu.memory_space<vmem>>) semaphore(%arg14 : memref<!tpu.dma_semaphore, #tpu.memory_space<semaphore_mem>>)
      %run_scoped3A_236 = arith.constant 0 : i32
      "tpu.region"() ({
        %run_scoped3A_382 = tpu.sem_alloc : memref<!tpu.dma_semaphore, #tpu.memory_space<semaphore_mem>>
        %dma_start3A_383 = arith.constant 0 : i32
        %dma_start3A_384 = tpu.memref_slice %arg10[%run_scoped3A_236, %dma_start3A_383] : memref<8x125xi32, #tpu.memory_space<vmem>> -> memref<1x125xi32, #tpu.memory_space<vmem>>
        %dma_start3A_385 = tpu.memref_squeeze %dma_start3A_384 : memref<1x125xi32, #tpu.memory_space<vmem>> -> memref<125xi32, #tpu.memory_space<vmem>>
        %dma_start3A_386 = arith.constant 0 : i32
        %dma_start3A_387 = arith.constant 0 : i32
        %dma_start3A_388 = tpu.memref_slice %arg13[%dma_start3A_386, %dma_start3A_387] : memref<10112x128xf32, #tpu.memory_space<vmem_shared>> -> memref<10112x128xf32, #tpu.memory_space<vmem_shared>>
        tpu.enqueue_indirect_dma source(%arg11 : memref<125x128xf32, #tpu.memory_space<vmem>>) target(%dma_start3A_388 : memref<10112x128xf32, #tpu.memory_space<vmem_shared>>) offsets(%dma_start3A_385 : memref<125xi32, #tpu.memory_space<vmem>>) semaphore(%run_scoped3A_382 : memref<!tpu.dma_semaphore, #tpu.memory_space<semaphore_mem>>) {add = true}
        %dma_wait3A_389 = arith.constant 0 : i32
        %dma_wait3A_390 = tpu.memref_slice %arg10[%run_scoped3A_236, %dma_wait3A_389] : memref<8x125xi32, #tpu.memory_space<vmem>> -> memref<1x125xi32, #tpu.memory_space<vmem>>
        %dma_wait3A_391 = tpu.memref_squeeze %dma_wait3A_390 : memref<1x125xi32, #tpu.memory_space<vmem>> -> memref<125xi32, #tpu.memory_space<vmem>>
        %dma_wait3A_392 = arith.constant 0 : i32
        %dma_wait3A_393 = arith.constant 0 : i32
        %dma_wait3A_394 = tpu.memref_slice %arg13[%dma_wait3A_392, %dma_wait3A_393] : memref<10112x128xf32, #tpu.memory_space<vmem_shared>> -> memref<10112x128xf32, #tpu.memory_space<vmem_shared>>
        tpu.wait_indirect_dma semaphore(%run_scoped3A_382 : memref<!tpu.dma_semaphore, #tpu.memory_space<semaphore_mem>>) src(%arg11 : memref<125x128xf32, #tpu.memory_space<vmem>>) dst(%dma_wait3A_394 : memref<10112x128xf32, #tpu.memory_space<vmem_shared>>)
        tpu.yield
      }) : () -> ()
      %dma_wait3A_237 = arith.constant 1 : i32
      %dma_wait3A_238 = arith.constant 0 : i32
      %dma_wait3A_239 = tpu.memref_slice %arg8[%dma_wait3A_237, %dma_wait3A_238] : memref<8x125xi32, #tpu.memory_space<vmem>> -> memref<1x125xi32, #tpu.memory_space<vmem>>
      %dma_wait3A_240 = tpu.memref_squeeze %dma_wait3A_239 : memref<1x125xi32, #tpu.memory_space<vmem>> -> memref<125xi32, #tpu.memory_space<vmem>>
      %dma_wait3A_241 = arith.constant 0 : i32
      %dma_wait3A_242 = arith.constant 0 : i32
      %dma_wait3A_243 = tpu.memref_slice %arg4[%arg0, %dma_wait3A_241, %dma_wait3A_242] : memref<2x10000x128xf32, #tpu.memory_space<hbm>> -> memref<1x10000x128xf32, #tpu.memory_space<hbm>>
      %dma_wait3A_244 = tpu.memref_squeeze %dma_wait3A_243 : memref<1x10000x128xf32, #tpu.memory_space<hbm>> -> memref<10000x128xf32, #tpu.memory_space<hbm>>
      %dma_wait3A_245 = arith.constant 0 : i32
      %dma_wait3A_246 = arith.constant 0 : i32
      %dma_wait3A_247 = tpu.memref_slice %dma_wait3A_244[%dma_wait3A_245, %dma_wait3A_246] : memref<10000x128xf32, #tpu.memory_space<hbm>> -> memref<10000x128xf32, #tpu.memory_space<hbm>>
      tpu.wait_indirect_dma semaphore(%arg15 : memref<!tpu.dma_semaphore, #tpu.memory_space<semaphore_mem>>) src(%dma_wait3A_247 : memref<10000x128xf32, #tpu.memory_space<hbm>>) dst(%arg12 : memref<125x128xf32, #tpu.memory_space<vmem>>)
      %dma_start3A_248 = arith.constant 3 : i32
      %dma_start3A_249 = arith.constant 0 : i32
      %dma_start3A_250 = tpu.memref_slice %arg8[%dma_start3A_248, %dma_start3A_249] : memref<8x125xi32, #tpu.memory_space<vmem>> -> memref<1x125xi32, #tpu.memory_space<vmem>>
      %dma_start3A_251 = tpu.memref_squeeze %dma_start3A_250 : memref<1x125xi32, #tpu.memory_space<vmem>> -> memref<125xi32, #tpu.memory_space<vmem>>
      %dma_start3A_252 = arith.constant 0 : i32
      %dma_start3A_253 = arith.constant 0 : i32
      %dma_start3A_254 = tpu.memref_slice %arg4[%arg0, %dma_start3A_252, %dma_start3A_253] : memref<2x10000x128xf32, #tpu.memory_space<hbm>> -> memref<1x10000x128xf32, #tpu.memory_space<hbm>>
      %dma_start3A_255 = tpu.memref_squeeze %dma_start3A_254 : memref<1x10000x128xf32, #tpu.memory_space<hbm>> -> memref<10000x128xf32, #tpu.memory_space<hbm>>
      %dma_start3A_256 = arith.constant 0 : i32
      %dma_start3A_257 = arith.constant 0 : i32
      %dma_start3A_258 = tpu.memref_slice %dma_start3A_255[%dma_start3A_256, %dma_start3A_257] : memref<10000x128xf32, #tpu.memory_space<hbm>> -> memref<10000x128xf32, #tpu.memory_space<hbm>>
      tpu.enqueue_indirect_dma source(%dma_start3A_258 : memref<10000x128xf32, #tpu.memory_space<hbm>>) target(%arg12 : memref<125x128xf32, #tpu.memory_space<vmem>>) offsets(%dma_start3A_251 : memref<125xi32, #tpu.memory_space<vmem>>) semaphore(%arg15 : memref<!tpu.dma_semaphore, #tpu.memory_space<semaphore_mem>>)
      %run_scoped3A_259 = arith.constant 1 : i32
      "tpu.region"() ({
        %run_scoped3A_382 = tpu.sem_alloc : memref<!tpu.dma_semaphore, #tpu.memory_space<semaphore_mem>>
        %dma_start3A_383 = arith.constant 0 : i32
        %dma_start3A_384 = tpu.memref_slice %arg10[%run_scoped3A_259, %dma_start3A_383] : memref<8x125xi32, #tpu.memory_space<vmem>> -> memref<1x125xi32, #tpu.memory_space<vmem>>
        %dma_start3A_385 = tpu.memref_squeeze %dma_start3A_384 : memref<1x125xi32, #tpu.memory_space<vmem>> -> memref<125xi32, #tpu.memory_space<vmem>>
        %dma_start3A_386 = arith.constant 0 : i32
        %dma_start3A_387 = arith.constant 0 : i32
        %dma_start3A_388 = tpu.memref_slice %arg13[%dma_start3A_386, %dma_start3A_387] : memref<10112x128xf32, #tpu.memory_space<vmem_shared>> -> memref<10112x128xf32, #tpu.memory_space<vmem_shared>>
        tpu.enqueue_indirect_dma source(%arg12 : memref<125x128xf32, #tpu.memory_space<vmem>>) target(%dma_start3A_388 : memref<10112x128xf32, #tpu.memory_space<vmem_shared>>) offsets(%dma_start3A_385 : memref<125xi32, #tpu.memory_space<vmem>>) semaphore(%run_scoped3A_382 : memref<!tpu.dma_semaphore, #tpu.memory_space<semaphore_mem>>) {add = true}
        %dma_wait3A_389 = arith.constant 0 : i32
        %dma_wait3A_390 = tpu.memref_slice %arg10[%run_scoped3A_259, %dma_wait3A_389] : memref<8x125xi32, #tpu.memory_space<vmem>> -> memref<1x125xi32, #tpu.memory_space<vmem>>
        %dma_wait3A_391 = tpu.memref_squeeze %dma_wait3A_390 : memref<1x125xi32, #tpu.memory_space<vmem>> -> memref<125xi32, #tpu.memory_space<vmem>>
        %dma_wait3A_392 = arith.constant 0 : i32
        %dma_wait3A_393 = arith.constant 0 : i32
        %dma_wait3A_394 = tpu.memref_slice %arg13[%dma_wait3A_392, %dma_wait3A_393] : memref<10112x128xf32, #tpu.memory_space<vmem_shared>> -> memref<10112x128xf32, #tpu.memory_space<vmem_shared>>
        tpu.wait_indirect_dma semaphore(%run_scoped3A_382 : memref<!tpu.dma_semaphore, #tpu.memory_space<semaphore_mem>>) src(%arg12 : memref<125x128xf32, #tpu.memory_space<vmem>>) dst(%dma_wait3A_394 : memref<10112x128xf32, #tpu.memory_space<vmem_shared>>)
        tpu.yield
      }) : () -> ()
      %dma_wait3A_260 = arith.constant 2 : i32
      %dma_wait3A_261 = arith.constant 0 : i32
      %dma_wait3A_262 = tpu.memref_slice %arg8[%dma_wait3A_260, %dma_wait3A_261] : memref<8x125xi32, #tpu.memory_space<vmem>> -> memref<1x125xi32, #tpu.memory_space<vmem>>
      %dma_wait3A_263 = tpu.memref_squeeze %dma_wait3A_262 : memref<1x125xi32, #tpu.memory_space<vmem>> -> memref<125xi32, #tpu.memory_space<vmem>>
      %dma_wait3A_264 = arith.constant 0 : i32
      %dma_wait3A_265 = arith.constant 0 : i32
      %dma_wait3A_266 = tpu.memref_slice %arg4[%arg0, %dma_wait3A_264, %dma_wait3A_265] : memref<2x10000x128xf32, #tpu.memory_space<hbm>> -> memref<1x10000x128xf32, #tpu.memory_space<hbm>>
      %dma_wait3A_267 = tpu.memref_squeeze %dma_wait3A_266 : memref<1x10000x128xf32, #tpu.memory_space<hbm>> -> memref<10000x128xf32, #tpu.memory_space<hbm>>
      %dma_wait3A_268 = arith.constant 0 : i32
      %dma_wait3A_269 = arith.constant 0 : i32
      %dma_wait3A_270 = tpu.memref_slice %dma_wait3A_267[%dma_wait3A_268, %dma_wait3A_269] : memref<10000x128xf32, #tpu.memory_space<hbm>> -> memref<10000x128xf32, #tpu.memory_space<hbm>>
      tpu.wait_indirect_dma semaphore(%arg14 : memref<!tpu.dma_semaphore, #tpu.memory_space<semaphore_mem>>) src(%dma_wait3A_270 : memref<10000x128xf32, #tpu.memory_space<hbm>>) dst(%arg11 : memref<125x128xf32, #tpu.memory_space<vmem>>)
      %dma_start3A_271 = arith.constant 4 : i32
      %dma_start3A_272 = arith.constant 0 : i32
      %dma_start3A_273 = tpu.memref_slice %arg8[%dma_start3A_271, %dma_start3A_272] : memref<8x125xi32, #tpu.memory_space<vmem>> -> memref<1x125xi32, #tpu.memory_space<vmem>>
      %dma_start3A_274 = tpu.memref_squeeze %dma_start3A_273 : memref<1x125xi32, #tpu.memory_space<vmem>> -> memref<125xi32, #tpu.memory_space<vmem>>
      %dma_start3A_275 = arith.constant 0 : i32
      %dma_start3A_276 = arith.constant 0 : i32
      %dma_start3A_277 = tpu.memref_slice %arg4[%arg0, %dma_start3A_275, %dma_start3A_276] : memref<2x10000x128xf32, #tpu.memory_space<hbm>> -> memref<1x10000x128xf32, #tpu.memory_space<hbm>>
      %dma_start3A_278 = tpu.memref_squeeze %dma_start3A_277 : memref<1x10000x128xf32, #tpu.memory_space<hbm>> -> memref<10000x128xf32, #tpu.memory_space<hbm>>
      %dma_start3A_279 = arith.constant 0 : i32
      %dma_start3A_280 = arith.constant 0 : i32
      %dma_start3A_281 = tpu.memref_slice %dma_start3A_278[%dma_start3A_279, %dma_start3A_280] : memref<10000x128xf32, #tpu.memory_space<hbm>> -> memref<10000x128xf32, #tpu.memory_space<hbm>>
      tpu.enqueue_indirect_dma source(%dma_start3A_281 : memref<10000x128xf32, #tpu.memory_space<hbm>>) target(%arg11 : memref<125x128xf32, #tpu.memory_space<vmem>>) offsets(%dma_start3A_274 : memref<125xi32, #tpu.memory_space<vmem>>) semaphore(%arg14 : memref<!tpu.dma_semaphore, #tpu.memory_space<semaphore_mem>>)
      %run_scoped3A_282 = arith.constant 2 : i32
      "tpu.region"() ({
        %run_scoped3A_382 = tpu.sem_alloc : memref<!tpu.dma_semaphore, #tpu.memory_space<semaphore_mem>>
        %dma_start3A_383 = arith.constant 0 : i32
        %dma_start3A_384 = tpu.memref_slice %arg10[%run_scoped3A_282, %dma_start3A_383] : memref<8x125xi32, #tpu.memory_space<vmem>> -> memref<1x125xi32, #tpu.memory_space<vmem>>
        %dma_start3A_385 = tpu.memref_squeeze %dma_start3A_384 : memref<1x125xi32, #tpu.memory_space<vmem>> -> memref<125xi32, #tpu.memory_space<vmem>>
        %dma_start3A_386 = arith.constant 0 : i32
        %dma_start3A_387 = arith.constant 0 : i32
        %dma_start3A_388 = tpu.memref_slice %arg13[%dma_start3A_386, %dma_start3A_387] : memref<10112x128xf32, #tpu.memory_space<vmem_shared>> -> memref<10112x128xf32, #tpu.memory_space<vmem_shared>>
        tpu.enqueue_indirect_dma source(%arg11 : memref<125x128xf32, #tpu.memory_space<vmem>>) target(%dma_start3A_388 : memref<10112x128xf32, #tpu.memory_space<vmem_shared>>) offsets(%dma_start3A_385 : memref<125xi32, #tpu.memory_space<vmem>>) semaphore(%run_scoped3A_382 : memref<!tpu.dma_semaphore, #tpu.memory_space<semaphore_mem>>) {add = true}
        %dma_wait3A_389 = arith.constant 0 : i32
        %dma_wait3A_390 = tpu.memref_slice %arg10[%run_scoped3A_282, %dma_wait3A_389] : memref<8x125xi32, #tpu.memory_space<vmem>> -> memref<1x125xi32, #tpu.memory_space<vmem>>
        %dma_wait3A_391 = tpu.memref_squeeze %dma_wait3A_390 : memref<1x125xi32, #tpu.memory_space<vmem>> -> memref<125xi32, #tpu.memory_space<vmem>>
        %dma_wait3A_392 = arith.constant 0 : i32
        %dma_wait3A_393 = arith.constant 0 : i32
        %dma_wait3A_394 = tpu.memref_slice %arg13[%dma_wait3A_392, %dma_wait3A_393] : memref<10112x128xf32, #tpu.memory_space<vmem_shared>> -> memref<10112x128xf32, #tpu.memory_space<vmem_shared>>
        tpu.wait_indirect_dma semaphore(%run_scoped3A_382 : memref<!tpu.dma_semaphore, #tpu.memory_space<semaphore_mem>>) src(%arg11 : memref<125x128xf32, #tpu.memory_space<vmem>>) dst(%dma_wait3A_394 : memref<10112x128xf32, #tpu.memory_space<vmem_shared>>)
        tpu.yield
      }) : () -> ()
      %dma_wait3A_283 = arith.constant 3 : i32
      %dma_wait3A_284 = arith.constant 0 : i32
      %dma_wait3A_285 = tpu.memref_slice %arg8[%dma_wait3A_283, %dma_wait3A_284] : memref<8x125xi32, #tpu.memory_space<vmem>> -> memref<1x125xi32, #tpu.memory_space<vmem>>
      %dma_wait3A_286 = tpu.memref_squeeze %dma_wait3A_285 : memref<1x125xi32, #tpu.memory_space<vmem>> -> memref<125xi32, #tpu.memory_space<vmem>>
      %dma_wait3A_287 = arith.constant 0 : i32
      %dma_wait3A_288 = arith.constant 0 : i32
      %dma_wait3A_289 = tpu.memref_slice %arg4[%arg0, %dma_wait3A_287, %dma_wait3A_288] : memref<2x10000x128xf32, #tpu.memory_space<hbm>> -> memref<1x10000x128xf32, #tpu.memory_space<hbm>>
      %dma_wait3A_290 = tpu.memref_squeeze %dma_wait3A_289 : memref<1x10000x128xf32, #tpu.memory_space<hbm>> -> memref<10000x128xf32, #tpu.memory_space<hbm>>
      %dma_wait3A_291 = arith.constant 0 : i32
      %dma_wait3A_292 = arith.constant 0 : i32
      %dma_wait3A_293 = tpu.memref_slice %dma_wait3A_290[%dma_wait3A_291, %dma_wait3A_292] : memref<10000x128xf32, #tpu.memory_space<hbm>> -> memref<10000x128xf32, #tpu.memory_space<hbm>>
      tpu.wait_indirect_dma semaphore(%arg15 : memref<!tpu.dma_semaphore, #tpu.memory_space<semaphore_mem>>) src(%dma_wait3A_293 : memref<10000x128xf32, #tpu.memory_space<hbm>>) dst(%arg12 : memref<125x128xf32, #tpu.memory_space<vmem>>)
      %dma_start3A_294 = arith.constant 5 : i32
      %dma_start3A_295 = arith.constant 0 : i32
      %dma_start3A_296 = tpu.memref_slice %arg8[%dma_start3A_294, %dma_start3A_295] : memref<8x125xi32, #tpu.memory_space<vmem>> -> memref<1x125xi32, #tpu.memory_space<vmem>>
      %dma_start3A_297 = tpu.memref_squeeze %dma_start3A_296 : memref<1x125xi32, #tpu.memory_space<vmem>> -> memref<125xi32, #tpu.memory_space<vmem>>
      %dma_start3A_298 = arith.constant 0 : i32
      %dma_start3A_299 = arith.constant 0 : i32
      %dma_start3A_300 = tpu.memref_slice %arg4[%arg0, %dma_start3A_298, %dma_start3A_299] : memref<2x10000x128xf32, #tpu.memory_space<hbm>> -> memref<1x10000x128xf32, #tpu.memory_space<hbm>>
      %dma_start3A_301 = tpu.memref_squeeze %dma_start3A_300 : memref<1x10000x128xf32, #tpu.memory_space<hbm>> -> memref<10000x128xf32, #tpu.memory_space<hbm>>
      %dma_start3A_302 = arith.constant 0 : i32
      %dma_start3A_303 = arith.constant 0 : i32
      %dma_start3A_304 = tpu.memref_slice %dma_start3A_301[%dma_start3A_302, %dma_start3A_303] : memref<10000x128xf32, #tpu.memory_space<hbm>> -> memref<10000x128xf32, #tpu.memory_space<hbm>>
      tpu.enqueue_indirect_dma source(%dma_start3A_304 : memref<10000x128xf32, #tpu.memory_space<hbm>>) target(%arg12 : memref<125x128xf32, #tpu.memory_space<vmem>>) offsets(%dma_start3A_297 : memref<125xi32, #tpu.memory_space<vmem>>) semaphore(%arg15 : memref<!tpu.dma_semaphore, #tpu.memory_space<semaphore_mem>>)
      %run_scoped3A_305 = arith.constant 3 : i32
      "tpu.region"() ({
        %run_scoped3A_382 = tpu.sem_alloc : memref<!tpu.dma_semaphore, #tpu.memory_space<semaphore_mem>>
        %dma_start3A_383 = arith.constant 0 : i32
        %dma_start3A_384 = tpu.memref_slice %arg10[%run_scoped3A_305, %dma_start3A_383] : memref<8x125xi32, #tpu.memory_space<vmem>> -> memref<1x125xi32, #tpu.memory_space<vmem>>
        %dma_start3A_385 = tpu.memref_squeeze %dma_start3A_384 : memref<1x125xi32, #tpu.memory_space<vmem>> -> memref<125xi32, #tpu.memory_space<vmem>>
        %dma_start3A_386 = arith.constant 0 : i32
        %dma_start3A_387 = arith.constant 0 : i32
        %dma_start3A_388 = tpu.memref_slice %arg13[%dma_start3A_386, %dma_start3A_387] : memref<10112x128xf32, #tpu.memory_space<vmem_shared>> -> memref<10112x128xf32, #tpu.memory_space<vmem_shared>>
        tpu.enqueue_indirect_dma source(%arg12 : memref<125x128xf32, #tpu.memory_space<vmem>>) target(%dma_start3A_388 : memref<10112x128xf32, #tpu.memory_space<vmem_shared>>) offsets(%dma_start3A_385 : memref<125xi32, #tpu.memory_space<vmem>>) semaphore(%run_scoped3A_382 : memref<!tpu.dma_semaphore, #tpu.memory_space<semaphore_mem>>) {add = true}
        %dma_wait3A_389 = arith.constant 0 : i32
        %dma_wait3A_390 = tpu.memref_slice %arg10[%run_scoped3A_305, %dma_wait3A_389] : memref<8x125xi32, #tpu.memory_space<vmem>> -> memref<1x125xi32, #tpu.memory_space<vmem>>
        %dma_wait3A_391 = tpu.memref_squeeze %dma_wait3A_390 : memref<1x125xi32, #tpu.memory_space<vmem>> -> memref<125xi32, #tpu.memory_space<vmem>>
        %dma_wait3A_392 = arith.constant 0 : i32
        %dma_wait3A_393 = arith.constant 0 : i32
        %dma_wait3A_394 = tpu.memref_slice %arg13[%dma_wait3A_392, %dma_wait3A_393] : memref<10112x128xf32, #tpu.memory_space<vmem_shared>> -> memref<10112x128xf32, #tpu.memory_space<vmem_shared>>
        tpu.wait_indirect_dma semaphore(%run_scoped3A_382 : memref<!tpu.dma_semaphore, #tpu.memory_space<semaphore_mem>>) src(%arg12 : memref<125x128xf32, #tpu.memory_space<vmem>>) dst(%dma_wait3A_394 : memref<10112x128xf32, #tpu.memory_space<vmem_shared>>)
        tpu.yield
      }) : () -> ()
      %dma_wait3A_306 = arith.constant 4 : i32
      %dma_wait3A_307 = arith.constant 0 : i32
      %dma_wait3A_308 = tpu.memref_slice %arg8[%dma_wait3A_306, %dma_wait3A_307] : memref<8x125xi32, #tpu.memory_space<vmem>> -> memref<1x125xi32, #tpu.memory_space<vmem>>
      %dma_wait3A_309 = tpu.memref_squeeze %dma_wait3A_308 : memref<1x125xi32, #tpu.memory_space<vmem>> -> memref<125xi32, #tpu.memory_space<vmem>>
      %dma_wait3A_310 = arith.constant 0 : i32
      %dma_wait3A_311 = arith.constant 0 : i32
      %dma_wait3A_312 = tpu.memref_slice %arg4[%arg0, %dma_wait3A_310, %dma_wait3A_311] : memref<2x10000x128xf32, #tpu.memory_space<hbm>> -> memref<1x10000x128xf32, #tpu.memory_space<hbm>>
      %dma_wait3A_313 = tpu.memref_squeeze %dma_wait3A_312 : memref<1x10000x128xf32, #tpu.memory_space<hbm>> -> memref<10000x128xf32, #tpu.memory_space<hbm>>
      %dma_wait3A_314 = arith.constant 0 : i32
      %dma_wait3A_315 = arith.constant 0 : i32
      %dma_wait3A_316 = tpu.memref_slice %dma_wait3A_313[%dma_wait3A_314, %dma_wait3A_315] : memref<10000x128xf32, #tpu.memory_space<hbm>> -> memref<10000x128xf32, #tpu.memory_space<hbm>>
      tpu.wait_indirect_dma semaphore(%arg14 : memref<!tpu.dma_semaphore, #tpu.memory_space<semaphore_mem>>) src(%dma_wait3A_316 : memref<10000x128xf32, #tpu.memory_space<hbm>>) dst(%arg11 : memref<125x128xf32, #tpu.memory_space<vmem>>)
      %dma_start3A_317 = arith.constant 6 : i32
      %dma_start3A_318 = arith.constant 0 : i32
      %dma_start3A_319 = tpu.memref_slice %arg8[%dma_start3A_317, %dma_start3A_318] : memref<8x125xi32, #tpu.memory_space<vmem>> -> memref<1x125xi32, #tpu.memory_space<vmem>>
      %dma_start3A_320 = tpu.memref_squeeze %dma_start3A_319 : memref<1x125xi32, #tpu.memory_space<vmem>> -> memref<125xi32, #tpu.memory_space<vmem>>
      %dma_start3A_321 = arith.constant 0 : i32
      %dma_start3A_322 = arith.constant 0 : i32
      %dma_start3A_323 = tpu.memref_slice %arg4[%arg0, %dma_start3A_321, %dma_start3A_322] : memref<2x10000x128xf32, #tpu.memory_space<hbm>> -> memref<1x10000x128xf32, #tpu.memory_space<hbm>>
      %dma_start3A_324 = tpu.memref_squeeze %dma_start3A_323 : memref<1x10000x128xf32, #tpu.memory_space<hbm>> -> memref<10000x128xf32, #tpu.memory_space<hbm>>
      %dma_start3A_325 = arith.constant 0 : i32
      %dma_start3A_326 = arith.constant 0 : i32
      %dma_start3A_327 = tpu.memref_slice %dma_start3A_324[%dma_start3A_325, %dma_start3A_326] : memref<10000x128xf32, #tpu.memory_space<hbm>> -> memref<10000x128xf32, #tpu.memory_space<hbm>>
      tpu.enqueue_indirect_dma source(%dma_start3A_327 : memref<10000x128xf32, #tpu.memory_space<hbm>>) target(%arg11 : memref<125x128xf32, #tpu.memory_space<vmem>>) offsets(%dma_start3A_320 : memref<125xi32, #tpu.memory_space<vmem>>) semaphore(%arg14 : memref<!tpu.dma_semaphore, #tpu.memory_space<semaphore_mem>>)
      %run_scoped3A_328 = arith.constant 4 : i32
      "tpu.region"() ({
        %run_scoped3A_382 = tpu.sem_alloc : memref<!tpu.dma_semaphore, #tpu.memory_space<semaphore_mem>>
        %dma_start3A_383 = arith.constant 0 : i32
        %dma_start3A_384 = tpu.memref_slice %arg10[%run_scoped3A_328, %dma_start3A_383] : memref<8x125xi32, #tpu.memory_space<vmem>> -> memref<1x125xi32, #tpu.memory_space<vmem>>
        %dma_start3A_385 = tpu.memref_squeeze %dma_start3A_384 : memref<1x125xi32, #tpu.memory_space<vmem>> -> memref<125xi32, #tpu.memory_space<vmem>>
        %dma_start3A_386 = arith.constant 0 : i32
        %dma_start3A_387 = arith.constant 0 : i32
        %dma_start3A_388 = tpu.memref_slice %arg13[%dma_start3A_386, %dma_start3A_387] : memref<10112x128xf32, #tpu.memory_space<vmem_shared>> -> memref<10112x128xf32, #tpu.memory_space<vmem_shared>>
        tpu.enqueue_indirect_dma source(%arg11 : memref<125x128xf32, #tpu.memory_space<vmem>>) target(%dma_start3A_388 : memref<10112x128xf32, #tpu.memory_space<vmem_shared>>) offsets(%dma_start3A_385 : memref<125xi32, #tpu.memory_space<vmem>>) semaphore(%run_scoped3A_382 : memref<!tpu.dma_semaphore, #tpu.memory_space<semaphore_mem>>) {add = true}
        %dma_wait3A_389 = arith.constant 0 : i32
        %dma_wait3A_390 = tpu.memref_slice %arg10[%run_scoped3A_328, %dma_wait3A_389] : memref<8x125xi32, #tpu.memory_space<vmem>> -> memref<1x125xi32, #tpu.memory_space<vmem>>
        %dma_wait3A_391 = tpu.memref_squeeze %dma_wait3A_390 : memref<1x125xi32, #tpu.memory_space<vmem>> -> memref<125xi32, #tpu.memory_space<vmem>>
        %dma_wait3A_392 = arith.constant 0 : i32
        %dma_wait3A_393 = arith.constant 0 : i32
        %dma_wait3A_394 = tpu.memref_slice %arg13[%dma_wait3A_392, %dma_wait3A_393] : memref<10112x128xf32, #tpu.memory_space<vmem_shared>> -> memref<10112x128xf32, #tpu.memory_space<vmem_shared>>
        tpu.wait_indirect_dma semaphore(%run_scoped3A_382 : memref<!tpu.dma_semaphore, #tpu.memory_space<semaphore_mem>>) src(%arg11 : memref<125x128xf32, #tpu.memory_space<vmem>>) dst(%dma_wait3A_394 : memref<10112x128xf32, #tpu.memory_space<vmem_shared>>)
        tpu.yield
      }) : () -> ()
      %dma_wait3A_329 = arith.constant 5 : i32
      %dma_wait3A_330 = arith.constant 0 : i32
      %dma_wait3A_331 = tpu.memref_slice %arg8[%dma_wait3A_329, %dma_wait3A_330] : memref<8x125xi32, #tpu.memory_space<vmem>> -> memref<1x125xi32, #tpu.memory_space<vmem>>
      %dma_wait3A_332 = tpu.memref_squeeze %dma_wait3A_331 : memref<1x125xi32, #tpu.memory_space<vmem>> -> memref<125xi32, #tpu.memory_space<vmem>>
      %dma_wait3A_333 = arith.constant 0 : i32
      %dma_wait3A_334 = arith.constant 0 : i32
      %dma_wait3A_335 = tpu.memref_slice %arg4[%arg0, %dma_wait3A_333, %dma_wait3A_334] : memref<2x10000x128xf32, #tpu.memory_space<hbm>> -> memref<1x10000x128xf32, #tpu.memory_space<hbm>>
      %dma_wait3A_336 = tpu.memref_squeeze %dma_wait3A_335 : memref<1x10000x128xf32, #tpu.memory_space<hbm>> -> memref<10000x128xf32, #tpu.memory_space<hbm>>
      %dma_wait3A_337 = arith.constant 0 : i32
      %dma_wait3A_338 = arith.constant 0 : i32
      %dma_wait3A_339 = tpu.memref_slice %dma_wait3A_336[%dma_wait3A_337, %dma_wait3A_338] : memref<10000x128xf32, #tpu.memory_space<hbm>> -> memref<10000x128xf32, #tpu.memory_space<hbm>>
      tpu.wait_indirect_dma semaphore(%arg15 : memref<!tpu.dma_semaphore, #tpu.memory_space<semaphore_mem>>) src(%dma_wait3A_339 : memref<10000x128xf32, #tpu.memory_space<hbm>>) dst(%arg12 : memref<125x128xf32, #tpu.memory_space<vmem>>)
      %dma_start3A_340 = arith.constant 7 : i32
      %dma_start3A_341 = arith.constant 0 : i32
      %dma_start3A_342 = tpu.memref_slice %arg8[%dma_start3A_340, %dma_start3A_341] : memref<8x125xi32, #tpu.memory_space<vmem>> -> memref<1x125xi32, #tpu.memory_space<vmem>>
      %dma_start3A_343 = tpu.memref_squeeze %dma_start3A_342 : memref<1x125xi32, #tpu.memory_space<vmem>> -> memref<125xi32, #tpu.memory_space<vmem>>
      %dma_start3A_344 = arith.constant 0 : i32
      %dma_start3A_345 = arith.constant 0 : i32
      %dma_start3A_346 = tpu.memref_slice %arg4[%arg0, %dma_start3A_344, %dma_start3A_345] : memref<2x10000x128xf32, #tpu.memory_space<hbm>> -> memref<1x10000x128xf32, #tpu.memory_space<hbm>>
      %dma_start3A_347 = tpu.memref_squeeze %dma_start3A_346 : memref<1x10000x128xf32, #tpu.memory_space<hbm>> -> memref<10000x128xf32, #tpu.memory_space<hbm>>
      %dma_start3A_348 = arith.constant 0 : i32
      %dma_start3A_349 = arith.constant 0 : i32
      %dma_start3A_350 = tpu.memref_slice %dma_start3A_347[%dma_start3A_348, %dma_start3A_349] : memref<10000x128xf32, #tpu.memory_space<hbm>> -> memref<10000x128xf32, #tpu.memory_space<hbm>>
      tpu.enqueue_indirect_dma source(%dma_start3A_350 : memref<10000x128xf32, #tpu.memory_space<hbm>>) target(%arg12 : memref<125x128xf32, #tpu.memory_space<vmem>>) offsets(%dma_start3A_343 : memref<125xi32, #tpu.memory_space<vmem>>) semaphore(%arg15 : memref<!tpu.dma_semaphore, #tpu.memory_space<semaphore_mem>>)
      %run_scoped3A_351 = arith.constant 5 : i32
      "tpu.region"() ({
        %run_scoped3A_382 = tpu.sem_alloc : memref<!tpu.dma_semaphore, #tpu.memory_space<semaphore_mem>>
        %dma_start3A_383 = arith.constant 0 : i32
        %dma_start3A_384 = tpu.memref_slice %arg10[%run_scoped3A_351, %dma_start3A_383] : memref<8x125xi32, #tpu.memory_space<vmem>> -> memref<1x125xi32, #tpu.memory_space<vmem>>
        %dma_start3A_385 = tpu.memref_squeeze %dma_start3A_384 : memref<1x125xi32, #tpu.memory_space<vmem>> -> memref<125xi32, #tpu.memory_space<vmem>>
        %dma_start3A_386 = arith.constant 0 : i32
        %dma_start3A_387 = arith.constant 0 : i32
        %dma_start3A_388 = tpu.memref_slice %arg13[%dma_start3A_386, %dma_start3A_387] : memref<10112x128xf32, #tpu.memory_space<vmem_shared>> -> memref<10112x128xf32, #tpu.memory_space<vmem_shared>>
        tpu.enqueue_indirect_dma source(%arg12 : memref<125x128xf32, #tpu.memory_space<vmem>>) target(%dma_start3A_388 : memref<10112x128xf32, #tpu.memory_space<vmem_shared>>) offsets(%dma_start3A_385 : memref<125xi32, #tpu.memory_space<vmem>>) semaphore(%run_scoped3A_382 : memref<!tpu.dma_semaphore, #tpu.memory_space<semaphore_mem>>) {add = true}
        %dma_wait3A_389 = arith.constant 0 : i32
        %dma_wait3A_390 = tpu.memref_slice %arg10[%run_scoped3A_351, %dma_wait3A_389] : memref<8x125xi32, #tpu.memory_space<vmem>> -> memref<1x125xi32, #tpu.memory_space<vmem>>
        %dma_wait3A_391 = tpu.memref_squeeze %dma_wait3A_390 : memref<1x125xi32, #tpu.memory_space<vmem>> -> memref<125xi32, #tpu.memory_space<vmem>>
        %dma_wait3A_392 = arith.constant 0 : i32
        %dma_wait3A_393 = arith.constant 0 : i32
        %dma_wait3A_394 = tpu.memref_slice %arg13[%dma_wait3A_392, %dma_wait3A_393] : memref<10112x128xf32, #tpu.memory_space<vmem_shared>> -> memref<10112x128xf32, #tpu.memory_space<vmem_shared>>
        tpu.wait_indirect_dma semaphore(%run_scoped3A_382 : memref<!tpu.dma_semaphore, #tpu.memory_space<semaphore_mem>>) src(%arg12 : memref<125x128xf32, #tpu.memory_space<vmem>>) dst(%dma_wait3A_394 : memref<10112x128xf32, #tpu.memory_space<vmem_shared>>)
        tpu.yield
      }) : () -> ()
      %dma_wait3A_352 = arith.constant 6 : i32
      %dma_wait3A_353 = arith.constant 0 : i32
      %dma_wait3A_354 = tpu.memref_slice %arg8[%dma_wait3A_352, %dma_wait3A_353] : memref<8x125xi32, #tpu.memory_space<vmem>> -> memref<1x125xi32, #tpu.memory_space<vmem>>
      %dma_wait3A_355 = tpu.memref_squeeze %dma_wait3A_354 : memref<1x125xi32, #tpu.memory_space<vmem>> -> memref<125xi32, #tpu.memory_space<vmem>>
      %dma_wait3A_356 = arith.constant 0 : i32
      %dma_wait3A_357 = arith.constant 0 : i32
      %dma_wait3A_358 = tpu.memref_slice %arg4[%arg0, %dma_wait3A_356, %dma_wait3A_357] : memref<2x10000x128xf32, #tpu.memory_space<hbm>> -> memref<1x10000x128xf32, #tpu.memory_space<hbm>>
      %dma_wait3A_359 = tpu.memref_squeeze %dma_wait3A_358 : memref<1x10000x128xf32, #tpu.memory_space<hbm>> -> memref<10000x128xf32, #tpu.memory_space<hbm>>
      %dma_wait3A_360 = arith.constant 0 : i32
      %dma_wait3A_361 = arith.constant 0 : i32
      %dma_wait3A_362 = tpu.memref_slice %dma_wait3A_359[%dma_wait3A_360, %dma_wait3A_361] : memref<10000x128xf32, #tpu.memory_space<hbm>> -> memref<10000x128xf32, #tpu.memory_space<hbm>>
      tpu.wait_indirect_dma semaphore(%arg14 : memref<!tpu.dma_semaphore, #tpu.memory_space<semaphore_mem>>) src(%dma_wait3A_362 : memref<10000x128xf32, #tpu.memory_space<hbm>>) dst(%arg11 : memref<125x128xf32, #tpu.memory_space<vmem>>)
      %convert_element_type3A_363 = arith.extui %lt3A_210 : i1 to i32
      %cond3A_364 = arith.constant 0 : i32
      %cond3A_365 = arith.cmpi ne, %convert_element_type3A_363, %cond3A_364 : i32
      scf.if %cond3A_365 {
        %mul3A_382 = arith.constant 80 : i32
        %mul3A_383 = arith.muli %arg1, %mul3A_382 : i32
        %dma_wait3A_384 = arith.constant 0 : i32
        %dma_wait3A_385 = tpu.memref_slice %arg2[%mul3A_383, %dma_wait3A_384] : memref<1280x125xi32, #tpu.memory_space<hbm>> -> memref<8x125xi32, #tpu.memory_space<hbm>>
        %dma_wait3A_386 = arith.constant 0 : i32
        %dma_wait3A_387 = tpu.memref_slice %arg2[%mul3A_383, %dma_wait3A_386] : memref<1280x125xi32, #tpu.memory_space<hbm>> -> memref<8x125xi32, #tpu.memory_space<hbm>>
        tpu.wait_dma2 semaphore(%arg16 : memref<!tpu.dma_semaphore, #tpu.memory_space<semaphore_mem>>) src(%dma_wait3A_387 : memref<8x125xi32, #tpu.memory_space<hbm>>) dst(%arg7 : memref<8x125xi32, #tpu.memory_space<vmem>>)
        %mul3A_388 = arith.constant 80 : i32
        %mul3A_389 = arith.muli %arg1, %mul3A_388 : i32
        %dma_wait3A_390 = arith.constant 0 : i32
        %dma_wait3A_391 = tpu.memref_slice %arg3[%mul3A_389, %dma_wait3A_390] : memref<1280x125xi32, #tpu.memory_space<hbm>> -> memref<8x125xi32, #tpu.memory_space<hbm>>
        %dma_wait3A_392 = arith.constant 0 : i32
        %dma_wait3A_393 = tpu.memref_slice %arg3[%mul3A_389, %dma_wait3A_392] : memref<1280x125xi32, #tpu.memory_space<hbm>> -> memref<8x125xi32, #tpu.memory_space<hbm>>
        tpu.wait_dma2 semaphore(%arg16 : memref<!tpu.dma_semaphore, #tpu.memory_space<semaphore_mem>>) src(%dma_wait3A_393 : memref<8x125xi32, #tpu.memory_space<hbm>>) dst(%arg9 : memref<8x125xi32, #tpu.memory_space<vmem>>)
        %dma_start3A_394 = arith.constant 0 : i32
        %dma_start3A_395 = arith.constant 0 : i32
        %dma_start3A_396 = tpu.memref_slice %arg7[%dma_start3A_394, %dma_start3A_395] : memref<8x125xi32, #tpu.memory_space<vmem>> -> memref<1x125xi32, #tpu.memory_space<vmem>>
        %dma_start3A_397 = tpu.memref_squeeze %dma_start3A_396 : memref<1x125xi32, #tpu.memory_space<vmem>> -> memref<125xi32, #tpu.memory_space<vmem>>
        %dma_start3A_398 = arith.constant 0 : i32
        %dma_start3A_399 = arith.constant 0 : i32
        %dma_start3A_400 = tpu.memref_slice %arg4[%arg0, %dma_start3A_398, %dma_start3A_399] : memref<2x10000x128xf32, #tpu.memory_space<hbm>> -> memref<1x10000x128xf32, #tpu.memory_space<hbm>>
        %dma_start3A_401 = tpu.memref_squeeze %dma_start3A_400 : memref<1x10000x128xf32, #tpu.memory_space<hbm>> -> memref<10000x128xf32, #tpu.memory_space<hbm>>
        %dma_start3A_402 = arith.constant 0 : i32
        %dma_start3A_403 = arith.constant 0 : i32
        %dma_start3A_404 = tpu.memref_slice %dma_start3A_401[%dma_start3A_402, %dma_start3A_403] : memref<10000x128xf32, #tpu.memory_space<hbm>> -> memref<10000x128xf32, #tpu.memory_space<hbm>>
        tpu.enqueue_indirect_dma source(%dma_start3A_404 : memref<10000x128xf32, #tpu.memory_space<hbm>>) target(%arg11 : memref<125x128xf32, #tpu.memory_space<vmem>>) offsets(%dma_start3A_397 : memref<125xi32, #tpu.memory_space<vmem>>) semaphore(%arg14 : memref<!tpu.dma_semaphore, #tpu.memory_space<semaphore_mem>>)
      } else {
      }
      %run_scoped3A_366 = arith.constant 6 : i32
      "tpu.region"() ({
        %run_scoped3A_382 = tpu.sem_alloc : memref<!tpu.dma_semaphore, #tpu.memory_space<semaphore_mem>>
        %dma_start3A_383 = arith.constant 0 : i32
        %dma_start3A_384 = tpu.memref_slice %arg10[%run_scoped3A_366, %dma_start3A_383] : memref<8x125xi32, #tpu.memory_space<vmem>> -> memref<1x125xi32, #tpu.memory_space<vmem>>
        %dma_start3A_385 = tpu.memref_squeeze %dma_start3A_384 : memref<1x125xi32, #tpu.memory_space<vmem>> -> memref<125xi32, #tpu.memory_space<vmem>>
        %dma_start3A_386 = arith.constant 0 : i32
        %dma_start3A_387 = arith.constant 0 : i32
        %dma_start3A_388 = tpu.memref_slice %arg13[%dma_start3A_386, %dma_start3A_387] : memref<10112x128xf32, #tpu.memory_space<vmem_shared>> -> memref<10112x128xf32, #tpu.memory_space<vmem_shared>>
        tpu.enqueue_indirect_dma source(%arg11 : memref<125x128xf32, #tpu.memory_space<vmem>>) target(%dma_start3A_388 : memref<10112x128xf32, #tpu.memory_space<vmem_shared>>) offsets(%dma_start3A_385 : memref<125xi32, #tpu.memory_space<vmem>>) semaphore(%run_scoped3A_382 : memref<!tpu.dma_semaphore, #tpu.memory_space<semaphore_mem>>) {add = true}
        %dma_wait3A_389 = arith.constant 0 : i32
        %dma_wait3A_390 = tpu.memref_slice %arg10[%run_scoped3A_366, %dma_wait3A_389] : memref<8x125xi32, #tpu.memory_space<vmem>> -> memref<1x125xi32, #tpu.memory_space<vmem>>
        %dma_wait3A_391 = tpu.memref_squeeze %dma_wait3A_390 : memref<1x125xi32, #tpu.memory_space<vmem>> -> memref<125xi32, #tpu.memory_space<vmem>>
        %dma_wait3A_392 = arith.constant 0 : i32
        %dma_wait3A_393 = arith.constant 0 : i32
        %dma_wait3A_394 = tpu.memref_slice %arg13[%dma_wait3A_392, %dma_wait3A_393] : memref<10112x128xf32, #tpu.memory_space<vmem_shared>> -> memref<10112x128xf32, #tpu.memory_space<vmem_shared>>
        tpu.wait_indirect_dma semaphore(%run_scoped3A_382 : memref<!tpu.dma_semaphore, #tpu.memory_space<semaphore_mem>>) src(%arg11 : memref<125x128xf32, #tpu.memory_space<vmem>>) dst(%dma_wait3A_394 : memref<10112x128xf32, #tpu.memory_space<vmem_shared>>)
        tpu.yield
      }) : () -> ()
      %dma_wait3A_367 = arith.constant 7 : i32
      %dma_wait3A_368 = arith.constant 0 : i32
      %dma_wait3A_369 = tpu.memref_slice %arg8[%dma_wait3A_367, %dma_wait3A_368] : memref<8x125xi32, #tpu.memory_space<vmem>> -> memref<1x125xi32, #tpu.memory_space<vmem>>
      %dma_wait3A_370 = tpu.memref_squeeze %dma_wait3A_369 : memref<1x125xi32, #tpu.memory_space<vmem>> -> memref<125xi32, #tpu.memory_space<vmem>>
      %dma_wait3A_371 = arith.constant 0 : i32
      %dma_wait3A_372 = arith.constant 0 : i32
      %dma_wait3A_373 = tpu.memref_slice %arg4[%arg0, %dma_wait3A_371, %dma_wait3A_372] : memref<2x10000x128xf32, #tpu.memory_space<hbm>> -> memref<1x10000x128xf32, #tpu.memory_space<hbm>>
      %dma_wait3A_374 = tpu.memref_squeeze %dma_wait3A_373 : memref<1x10000x128xf32, #tpu.memory_space<hbm>> -> memref<10000x128xf32, #tpu.memory_space<hbm>>
      %dma_wait3A_375 = arith.constant 0 : i32
      %dma_wait3A_376 = arith.constant 0 : i32
      %dma_wait3A_377 = tpu.memref_slice %dma_wait3A_374[%dma_wait3A_375, %dma_wait3A_376] : memref<10000x128xf32, #tpu.memory_space<hbm>> -> memref<10000x128xf32, #tpu.memory_space<hbm>>
      tpu.wait_indirect_dma semaphore(%arg15 : memref<!tpu.dma_semaphore, #tpu.memory_space<semaphore_mem>>) src(%dma_wait3A_377 : memref<10000x128xf32, #tpu.memory_space<hbm>>) dst(%arg12 : memref<125x128xf32, #tpu.memory_space<vmem>>)
      %convert_element_type3A_378 = arith.extui %lt3A_210 : i1 to i32
      %cond3A_379 = arith.constant 0 : i32
      %cond3A_380 = arith.cmpi ne, %convert_element_type3A_378, %cond3A_379 : i32
      scf.if %cond3A_380 {
        %dma_start3A_382 = arith.constant 1 : i32
        %dma_start3A_383 = arith.constant 0 : i32
        %dma_start3A_384 = tpu.memref_slice %arg7[%dma_start3A_382, %dma_start3A_383] : memref<8x125xi32, #tpu.memory_space<vmem>> -> memref<1x125xi32, #tpu.memory_space<vmem>>
        %dma_start3A_385 = tpu.memref_squeeze %dma_start3A_384 : memref<1x125xi32, #tpu.memory_space<vmem>> -> memref<125xi32, #tpu.memory_space<vmem>>
        %dma_start3A_386 = arith.constant 0 : i32
        %dma_start3A_387 = arith.constant 0 : i32
        %dma_start3A_388 = tpu.memref_slice %arg4[%arg0, %dma_start3A_386, %dma_start3A_387] : memref<2x10000x128xf32, #tpu.memory_space<hbm>> -> memref<1x10000x128xf32, #tpu.memory_space<hbm>>
        %dma_start3A_389 = tpu.memref_squeeze %dma_start3A_388 : memref<1x10000x128xf32, #tpu.memory_space<hbm>> -> memref<10000x128xf32, #tpu.memory_space<hbm>>
        %dma_start3A_390 = arith.constant 0 : i32
        %dma_start3A_391 = arith.constant 0 : i32
        %dma_start3A_392 = tpu.memref_slice %dma_start3A_389[%dma_start3A_390, %dma_start3A_391] : memref<10000x128xf32, #tpu.memory_space<hbm>> -> memref<10000x128xf32, #tpu.memory_space<hbm>>
        tpu.enqueue_indirect_dma source(%dma_start3A_392 : memref<10000x128xf32, #tpu.memory_space<hbm>>) target(%arg12 : memref<125x128xf32, #tpu.memory_space<vmem>>) offsets(%dma_start3A_385 : memref<125xi32, #tpu.memory_space<vmem>>) semaphore(%arg15 : memref<!tpu.dma_semaphore, #tpu.memory_space<semaphore_mem>>)
      } else {
      }
      %run_scoped3A_381 = arith.constant 7 : i32
      "tpu.region"() ({
        %run_scoped3A_382 = tpu.sem_alloc : memref<!tpu.dma_semaphore, #tpu.memory_space<semaphore_mem>>
        %dma_start3A_383 = arith.constant 0 : i32
        %dma_start3A_384 = tpu.memref_slice %arg10[%run_scoped3A_381, %dma_start3A_383] : memref<8x125xi32, #tpu.memory_space<vmem>> -> memref<1x125xi32, #tpu.memory_space<vmem>>
        %dma_start3A_385 = tpu.memref_squeeze %dma_start3A_384 : memref<1x125xi32, #tpu.memory_space<vmem>> -> memref<125xi32, #tpu.memory_space<vmem>>
        %dma_start3A_386 = arith.constant 0 : i32
        %dma_start3A_387 = arith.constant 0 : i32
        %dma_start3A_388 = tpu.memref_slice %arg13[%dma_start3A_386, %dma_start3A_387] : memref<10112x128xf32, #tpu.memory_space<vmem_shared>> -> memref<10112x128xf32, #tpu.memory_space<vmem_shared>>
        tpu.enqueue_indirect_dma source(%arg12 : memref<125x128xf32, #tpu.memory_space<vmem>>) target(%dma_start3A_388 : memref<10112x128xf32, #tpu.memory_space<vmem_shared>>) offsets(%dma_start3A_385 : memref<125xi32, #tpu.memory_space<vmem>>) semaphore(%run_scoped3A_382 : memref<!tpu.dma_semaphore, #tpu.memory_space<semaphore_mem>>) {add = true}
        %dma_wait3A_389 = arith.constant 0 : i32
        %dma_wait3A_390 = tpu.memref_slice %arg10[%run_scoped3A_381, %dma_wait3A_389] : memref<8x125xi32, #tpu.memory_space<vmem>> -> memref<1x125xi32, #tpu.memory_space<vmem>>
        %dma_wait3A_391 = tpu.memref_squeeze %dma_wait3A_390 : memref<1x125xi32, #tpu.memory_space<vmem>> -> memref<125xi32, #tpu.memory_space<vmem>>
        %dma_wait3A_392 = arith.constant 0 : i32
        %dma_wait3A_393 = arith.constant 0 : i32
        %dma_wait3A_394 = tpu.memref_slice %arg13[%dma_wait3A_392, %dma_wait3A_393] : memref<10112x128xf32, #tpu.memory_space<vmem_shared>> -> memref<10112x128xf32, #tpu.memory_space<vmem_shared>>
        tpu.wait_indirect_dma semaphore(%run_scoped3A_382 : memref<!tpu.dma_semaphore, #tpu.memory_space<semaphore_mem>>) src(%arg12 : memref<125x128xf32, #tpu.memory_space<vmem>>) dst(%dma_wait3A_394 : memref<10112x128xf32, #tpu.memory_space<vmem_shared>>)
        tpu.yield
      }) : () -> ()
    }
    %scan3A_30 = arith.constant 5 : i32
    %barrier3A_31 = arith.constant 0 : index
    tpu.barrier barrier_id(%barrier3A_31)
    %mul3A_32 = arith.constant 632 : i32
    %mul3A_33 = arith.muli %arg1, %mul3A_32 : i32
    %mul3A_34 = arith.constant 632 : i32
    %mul3A_35 = arith.muli %arg1, %mul3A_34 : i32
    "tpu.region"() ({
      %run_scoped3A = tpu.sem_alloc : memref<!tpu.dma_semaphore, #tpu.memory_space<semaphore_mem>>
      %dma_start3A_36 = arith.constant 0 : i32
      %dma_start3A_37 = arith.constant 0 : i32
      %dma_start3A_38 = tpu.memref_slice %arg6[%arg0, %dma_start3A_36, %dma_start3A_37] : memref<2x10112x128xf32, #tpu.memory_space<hbm>> -> memref<1x10112x128xf32, #tpu.memory_space<hbm>>
      %dma_start3A_39 = tpu.memref_squeeze %dma_start3A_38 : memref<1x10112x128xf32, #tpu.memory_space<hbm>> -> memref<10112x128xf32, #tpu.memory_space<hbm>>
      %dma_start3A_40 = arith.constant 0 : i32
      %dma_start3A_41 = tpu.memref_slice %dma_start3A_39[%mul3A_35, %dma_start3A_40] : memref<10112x128xf32, #tpu.memory_space<hbm>> -> memref<632x128xf32, #tpu.memory_space<hbm>>
      %dma_start3A_42 = arith.constant 0 : i32
      %dma_start3A_43 = tpu.memref_slice %arg13[%mul3A_33, %dma_start3A_42] : memref<10112x128xf32, #tpu.memory_space<vmem_shared>> -> memref<632x128xf32, #tpu.memory_space<vmem_shared>>
      tpu.enqueue_dma source(%dma_start3A_43 : memref<632x128xf32, #tpu.memory_space<vmem_shared>>) target(%dma_start3A_41 : memref<632x128xf32, #tpu.memory_space<hbm>>) target_semaphore(%run_scoped3A : memref<!tpu.dma_semaphore, #tpu.memory_space<semaphore_mem>>)
      %dma_wait3A = arith.constant 0 : i32
      %dma_wait3A_44 = arith.constant 0 : i32
      %dma_wait3A_45 = tpu.memref_slice %arg6[%arg0, %dma_wait3A, %dma_wait3A_44] : memref<2x10112x128xf32, #tpu.memory_space<hbm>> -> memref<1x10112x128xf32, #tpu.memory_space<hbm>>
      %dma_wait3A_46 = tpu.memref_squeeze %dma_wait3A_45 : memref<1x10112x128xf32, #tpu.memory_space<hbm>> -> memref<10112x128xf32, #tpu.memory_space<hbm>>
      %dma_wait3A_47 = arith.constant 0 : i32
      %dma_wait3A_48 = tpu.memref_slice %dma_wait3A_46[%mul3A_35, %dma_wait3A_47] : memref<10112x128xf32, #tpu.memory_space<hbm>> -> memref<632x128xf32, #tpu.memory_space<hbm>>
      %dma_wait3A_49 = arith.constant 0 : i32
      %dma_wait3A_50 = tpu.memref_slice %arg13[%mul3A_33, %dma_wait3A_49] : memref<10112x128xf32, #tpu.memory_space<vmem_shared>> -> memref<632x128xf32, #tpu.memory_space<vmem_shared>>
      tpu.wait_dma2 semaphore(%run_scoped3A : memref<!tpu.dma_semaphore, #tpu.memory_space<semaphore_mem>>) src(%dma_wait3A_50 : memref<632x128xf32, #tpu.memory_space<vmem_shared>>) dst(%dma_wait3A_48 : memref<632x128xf32, #tpu.memory_space<hbm>>)
      tpu.yield
    }) : () -> ()
    return
  }
}

module attributes {stable_mosaic.version = 14 : i64} {
  func.func @_dense0_body(%arg0: i32, %arg1: memref<2000x256xf32, #tpu.memory_space<vmem>>, %arg2: memref<256x256xf32, #tpu.memory_space<vmem>>, %arg3: memref<1x256xf32, #tpu.memory_space<vmem>>, %arg4: memref<2x2000x128xf32, #tpu.memory_space<vmem>>) attributes {dimension_semantics = [#tpu.dimension_semantics<arbitrary>], iteration_bounds = array<i64: 5>, scalar_prefetch = 0 : i64, scratch_operands = 0 : i64, tpu.core_type = #tpu.core_type<tc>, window_params = [{transform_indices = @transform_0, window_bounds = array<i64: 2000, 256>}, {pipeline_mode = #tpu.pipeline_mode<synchronous>, transform_indices = @transform_1, window_bounds = array<i64: 256, 256>}, {pipeline_mode = #tpu.pipeline_mode<synchronous>, transform_indices = @transform_2, window_bounds = array<i64: 1, 256>}, {transform_indices = @transform_3, window_bounds = array<i64: 2, 2000, 128>}]} {
    %get3A = arith.constant 0 : index
    %get3A_0 = arith.constant 0 : index
    %get3A_1 = vector.load %arg1[%get3A, %get3A_0] : memref<2000x256xf32, #tpu.memory_space<vmem>>, vector<2000x256xf32>
    %get3A_2 = arith.constant 0 : index
    %get3A_3 = arith.constant 0 : index
    %get3A_4 = vector.load %arg2[%get3A_2, %get3A_3] : memref<256x256xf32, #tpu.memory_space<vmem>>, vector<256x256xf32>
    %dot_general3A = arith.constant dense<0.000000e+00> : vector<2000x256xf32>
    %dot_general3A_5 = tpu.matmul %get3A_1, %get3A_4, %dot_general3A {dimension_numbers = #tpu.dot_dimension_numbers<[1], [0], [0], [1], [0, 0, 1, 1], [], []>, transpose_lhs_hint = false} : vector<2000x256xf32>, vector<256x256xf32>, vector<2000x256xf32> -> vector<2000x256xf32>
    %get3A_6 = arith.constant 0 : index
    %get3A_7 = arith.constant 0 : index
    %get3A_8 = vector.load %arg3[%get3A_6, %get3A_7] : memref<1x256xf32, #tpu.memory_space<vmem>>, vector<1x256xf32>
    %add3A = vector.broadcast %get3A_8 : vector<1x256xf32> to vector<2000x256xf32>
    %add3A_9 = arith.addf %dot_general3A_5, %add3A : vector<2000x256xf32>
    %max3A = arith.constant 0.000000e+00 : f32
    %max3A_10 = vector.broadcast %max3A : f32 to vector<2000x256xf32>
    %max3A_11 = arith.maximumf %add3A_9, %max3A_10 : vector<2000x256xf32>
    %slice3A = vector.extract_strided_slice %max3A_11 {offsets = [0, 0], sizes = [2000, 128], strides = [1, 1]} : vector<2000x256xf32> to vector<2000x128xf32>
    %swap3A = arith.constant 0 : index
    %swap3A_12 = arith.constant 0 : index
    %swap3A_13 = arith.constant 0 : index
    %swap3A_14 = vector.load %arg4[%swap3A, %swap3A_12, %swap3A_13] : memref<2x2000x128xf32, #tpu.memory_space<vmem>>, vector<1x2000x128xf32>
    %swap3A_15 = vector.shape_cast %swap3A_14 : vector<1x2000x128xf32> to vector<2000x128xf32>
    %swap3A_16 = vector.shape_cast %slice3A : vector<2000x128xf32> to vector<1x2000x128xf32>
    tpu.vector_store %arg4[%swap3A, %swap3A_12, %swap3A_13], %swap3A_16 {strides = array<i32>} : memref<2x2000x128xf32, #tpu.memory_space<vmem>>, vector<1x2000x128xf32>,
    %slice3A_17 = vector.extract_strided_slice %max3A_11 {offsets = [0, 128], sizes = [2000, 128], strides = [1, 1]} : vector<2000x256xf32> to vector<2000x128xf32>
    %swap3A_18 = arith.constant 1 : index
    %swap3A_19 = arith.constant 0 : index
    %swap3A_20 = arith.constant 0 : index
    %swap3A_21 = vector.load %arg4[%swap3A_18, %swap3A_19, %swap3A_20] : memref<2x2000x128xf32, #tpu.memory_space<vmem>>, vector<1x2000x128xf32>
    %swap3A_22 = vector.shape_cast %swap3A_21 : vector<1x2000x128xf32> to vector<2000x128xf32>
    %swap3A_23 = vector.shape_cast %slice3A_17 : vector<2000x128xf32> to vector<1x2000x128xf32>
    tpu.vector_store %arg4[%swap3A_18, %swap3A_19, %swap3A_20], %swap3A_23 {strides = array<i32>} : memref<2x2000x128xf32, #tpu.memory_space<vmem>>, vector<1x2000x128xf32>,
    return
  }
  func.func @transform_0(%arg0: i32) -> (i32, i32) {
    %c0_i32 = arith.constant 0 : i32
    %c0_i32_0 = arith.constant 0 : i32
    return %arg0, %c0_i32 : i32, i32
  }
  func.func @transform_1(%arg0: i32) -> (i32, i32) {
    %c0_i32 = arith.constant 0 : i32
    %c0_i32_0 = arith.constant 0 : i32
    %c0_i32_1 = arith.constant 0 : i32
    return %c0_i32, %c0_i32_0 : i32, i32
  }
  func.func @transform_2(%arg0: i32) -> (i32, i32) {
    %c0_i32 = arith.constant 0 : i32
    %c0_i32_0 = arith.constant 0 : i32
    %c0_i32_1 = arith.constant 0 : i32
    return %c0_i32, %c0_i32_0 : i32, i32
  }
  func.func @transform_3(%arg0: i32) -> (i32, i32, i32) {
    %c0_i32 = arith.constant 0 : i32
    %c0_i32_0 = arith.constant 0 : i32
    %c0_i32_1 = arith.constant 0 : i32
    return %c0_i32, %arg0, %c0_i32_0 : i32, i32, i32
  }
}

module attributes {stable_mosaic.version = 14 : i64} {
  func.func @_pre_body(%arg0: i32, %arg1: memref<2x2000x128xf32, #tpu.memory_space<vmem>>, %arg2: memref<256x256xf32, #tpu.memory_space<vmem>>, %arg3: memref<2x2000x128xf32, #tpu.memory_space<vmem>>) attributes {dimension_semantics = [#tpu.dimension_semantics<arbitrary>], iteration_bounds = array<i64: 5>, scalar_prefetch = 0 : i64, scratch_operands = 0 : i64, tpu.core_type = #tpu.core_type<tc>, window_params = [{transform_indices = @transform_0, window_bounds = array<i64: 2, 2000, 128>}, {pipeline_mode = #tpu.pipeline_mode<synchronous>, transform_indices = @transform_1, window_bounds = array<i64: 256, 256>}, {transform_indices = @transform_2, window_bounds = array<i64: 2, 2000, 128>}]} {
    %get3A = arith.constant 0 : index
    %get3A_0 = arith.constant 0 : index
    %get3A_1 = arith.constant 0 : index
    %get3A_2 = vector.load %arg1[%get3A, %get3A_0, %get3A_1] : memref<2x2000x128xf32, #tpu.memory_space<vmem>>, vector<1x2000x128xf32>
    %get3A_3 = vector.shape_cast %get3A_2 : vector<1x2000x128xf32> to vector<2000x128xf32>
    %get3A_4 = arith.constant 0 : index
    %get3A_5 = arith.constant 0 : index
    %get3A_6 = vector.load %arg2[%get3A_4, %get3A_5] : memref<256x256xf32, #tpu.memory_space<vmem>>, vector<128x256xf32>
    %dot_general3A = arith.constant dense<0.000000e+00> : vector<2000x256xf32>
    %dot_general3A_7 = tpu.matmul %get3A_3, %get3A_6, %dot_general3A {dimension_numbers = #tpu.dot_dimension_numbers<[1], [0], [0], [1], [0, 0, 1, 1], [], []>, transpose_lhs_hint = false} : vector<2000x128xf32>, vector<128x256xf32>, vector<2000x256xf32> -> vector<2000x256xf32>
    %get3A_8 = arith.constant 1 : index
    %get3A_9 = arith.constant 0 : index
    %get3A_10 = arith.constant 0 : index
    %get3A_11 = vector.load %arg1[%get3A_8, %get3A_9, %get3A_10] : memref<2x2000x128xf32, #tpu.memory_space<vmem>>, vector<1x2000x128xf32>
    %get3A_12 = vector.shape_cast %get3A_11 : vector<1x2000x128xf32> to vector<2000x128xf32>
    %get3A_13 = arith.constant 128 : index
    %get3A_14 = arith.constant 0 : index
    %get3A_15 = vector.load %arg2[%get3A_13, %get3A_14] : memref<256x256xf32, #tpu.memory_space<vmem>>, vector<128x256xf32>
    %dot_general3A_16 = arith.constant dense<0.000000e+00> : vector<2000x256xf32>
    %dot_general3A_17 = tpu.matmul %get3A_12, %get3A_15, %dot_general3A_16 {dimension_numbers = #tpu.dot_dimension_numbers<[1], [0], [0], [1], [0, 0, 1, 1], [], []>, transpose_lhs_hint = false} : vector<2000x128xf32>, vector<128x256xf32>, vector<2000x256xf32> -> vector<2000x256xf32>
    %add3A = arith.addf %dot_general3A_7, %dot_general3A_17 : vector<2000x256xf32>
    %slice3A = vector.extract_strided_slice %add3A {offsets = [0, 0], sizes = [2000, 128], strides = [1, 1]} : vector<2000x256xf32> to vector<2000x128xf32>
    %swap3A = arith.constant 0 : index
    %swap3A_18 = arith.constant 0 : index
    %swap3A_19 = arith.constant 0 : index
    %swap3A_20 = vector.load %arg3[%swap3A, %swap3A_18, %swap3A_19] : memref<2x2000x128xf32, #tpu.memory_space<vmem>>, vector<1x2000x128xf32>
    %swap3A_21 = vector.shape_cast %swap3A_20 : vector<1x2000x128xf32> to vector<2000x128xf32>
    %swap3A_22 = vector.shape_cast %slice3A : vector<2000x128xf32> to vector<1x2000x128xf32>
    tpu.vector_store %arg3[%swap3A, %swap3A_18, %swap3A_19], %swap3A_22 {strides = array<i32>} : memref<2x2000x128xf32, #tpu.memory_space<vmem>>, vector<1x2000x128xf32>,
    %slice3A_23 = vector.extract_strided_slice %add3A {offsets = [0, 128], sizes = [2000, 128], strides = [1, 1]} : vector<2000x256xf32> to vector<2000x128xf32>
    %swap3A_24 = arith.constant 1 : index
    %swap3A_25 = arith.constant 0 : index
    %swap3A_26 = arith.constant 0 : index
    %swap3A_27 = vector.load %arg3[%swap3A_24, %swap3A_25, %swap3A_26] : memref<2x2000x128xf32, #tpu.memory_space<vmem>>, vector<1x2000x128xf32>
    %swap3A_28 = vector.shape_cast %swap3A_27 : vector<1x2000x128xf32> to vector<2000x128xf32>
    %swap3A_29 = vector.shape_cast %slice3A_23 : vector<2000x128xf32> to vector<1x2000x128xf32>
    tpu.vector_store %arg3[%swap3A_24, %swap3A_25, %swap3A_26], %swap3A_29 {strides = array<i32>} : memref<2x2000x128xf32, #tpu.memory_space<vmem>>, vector<1x2000x128xf32>,
    return
  }
  func.func @transform_0(%arg0: i32) -> (i32, i32, i32) {
    %c0_i32 = arith.constant 0 : i32
    %c0_i32_0 = arith.constant 0 : i32
    %c0_i32_1 = arith.constant 0 : i32
    return %c0_i32, %arg0, %c0_i32_0 : i32, i32, i32
  }
  func.func @transform_1(%arg0: i32) -> (i32, i32) {
    %c0_i32 = arith.constant 0 : i32
    %c0_i32_0 = arith.constant 0 : i32
    %c0_i32_1 = arith.constant 0 : i32
    return %c0_i32, %c0_i32_0 : i32, i32
  }
  func.func @transform_2(%arg0: i32) -> (i32, i32, i32) {
    %c0_i32 = arith.constant 0 : i32
    %c0_i32_0 = arith.constant 0 : i32
    %c0_i32_1 = arith.constant 0 : i32
    return %c0_i32, %arg0, %c0_i32_0 : i32, i32, i32
  }
}

module attributes {stable_mosaic.version = 14 : i64} {
  func.func @_post_body(%arg0: i32, %arg1: memref<1x1xf32, #tpu.memory_space<vmem>>, %arg2: memref<2x2000x128xf32, #tpu.memory_space<vmem>>, %arg3: memref<2x2000x128xf32, #tpu.memory_space<vmem>>, %arg4: memref<256x256xf32, #tpu.memory_space<vmem>>, %arg5: memref<1x256xf32, #tpu.memory_space<vmem>>, %arg6: memref<2x2000x128xf32, #tpu.memory_space<vmem>>) attributes {dimension_semantics = [#tpu.dimension_semantics<arbitrary>], iteration_bounds = array<i64: 5>, scalar_prefetch = 0 : i64, scratch_operands = 0 : i64, tpu.core_type = #tpu.core_type<tc>, window_params = [{pipeline_mode = #tpu.pipeline_mode<synchronous>, transform_indices = @transform_0, window_bounds = array<i64: 1, 1>}, {transform_indices = @transform_1, window_bounds = array<i64: 2, 2000, 128>}, {transform_indices = @transform_2, window_bounds = array<i64: 2, 2000, 128>}, {pipeline_mode = #tpu.pipeline_mode<synchronous>, transform_indices = @transform_3, window_bounds = array<i64: 256, 256>}, {pipeline_mode = #tpu.pipeline_mode<synchronous>, transform_indices = @transform_4, window_bounds = array<i64: 1, 256>}, {transform_indices = @transform_5, window_bounds = array<i64: 2, 2000, 128>}]} {
    %get3A = arith.constant 0 : index
    %get3A_0 = arith.constant 0 : index
    %get3A_1 = vector.load %arg1[%get3A, %get3A_0] : memref<1x1xf32, #tpu.memory_space<vmem>>, vector<1x1xf32>
    %get3A_2 = vector.extract %get3A_1[0, 0] : f32 from vector<1x1xf32>
    %get3A_3 = arith.constant 0 : index
    %get3A_4 = arith.constant 0 : index
    %get3A_5 = arith.constant 0 : index
    %get3A_6 = vector.load %arg3[%get3A_3, %get3A_4, %get3A_5] : memref<2x2000x128xf32, #tpu.memory_space<vmem>>, vector<1x2000x128xf32>
    %get3A_7 = vector.shape_cast %get3A_6 : vector<1x2000x128xf32> to vector<2000x128xf32>
    %get3A_8 = arith.constant 0 : index
    %get3A_9 = arith.constant 0 : index
    %get3A_10 = vector.load %arg4[%get3A_8, %get3A_9] : memref<256x256xf32, #tpu.memory_space<vmem>>, vector<128x256xf32>
    %dot_general3A = arith.constant dense<0.000000e+00> : vector<2000x256xf32>
    %dot_general3A_11 = tpu.matmul %get3A_7, %get3A_10, %dot_general3A {dimension_numbers = #tpu.dot_dimension_numbers<[1], [0], [0], [1], [0, 0, 1, 1], [], []>, transpose_lhs_hint = false} : vector<2000x128xf32>, vector<128x256xf32>, vector<2000x256xf32> -> vector<2000x256xf32>
    %get3A_12 = arith.constant 1 : index
    %get3A_13 = arith.constant 0 : index
    %get3A_14 = arith.constant 0 : index
    %get3A_15 = vector.load %arg3[%get3A_12, %get3A_13, %get3A_14] : memref<2x2000x128xf32, #tpu.memory_space<vmem>>, vector<1x2000x128xf32>
    %get3A_16 = vector.shape_cast %get3A_15 : vector<1x2000x128xf32> to vector<2000x128xf32>
    %get3A_17 = arith.constant 128 : index
    %get3A_18 = arith.constant 0 : index
    %get3A_19 = vector.load %arg4[%get3A_17, %get3A_18] : memref<256x256xf32, #tpu.memory_space<vmem>>, vector<128x256xf32>
    %dot_general3A_20 = arith.constant dense<0.000000e+00> : vector<2000x256xf32>
    %dot_general3A_21 = tpu.matmul %get3A_16, %get3A_19, %dot_general3A_20 {dimension_numbers = #tpu.dot_dimension_numbers<[1], [0], [0], [1], [0, 0, 1, 1], [], []>, transpose_lhs_hint = false} : vector<2000x128xf32>, vector<128x256xf32>, vector<2000x256xf32> -> vector<2000x256xf32>
    %add3A = arith.addf %dot_general3A_11, %dot_general3A_21 : vector<2000x256xf32>
    %get3A_22 = arith.constant 0 : index
    %get3A_23 = arith.constant 0 : index
    %get3A_24 = vector.load %arg5[%get3A_22, %get3A_23] : memref<1x256xf32, #tpu.memory_space<vmem>>, vector<1x256xf32>
    %add3A_25 = vector.broadcast %get3A_24 : vector<1x256xf32> to vector<2000x256xf32>
    %add3A_26 = arith.addf %add3A, %add3A_25 : vector<2000x256xf32>
    %get3A_27 = arith.constant 0 : index
    %get3A_28 = arith.constant 0 : index
    %get3A_29 = arith.constant 0 : index
    %get3A_30 = vector.load %arg2[%get3A_27, %get3A_28, %get3A_29] : memref<2x2000x128xf32, #tpu.memory_space<vmem>>, vector<1x2000x128xf32>
    %get3A_31 = vector.shape_cast %get3A_30 : vector<1x2000x128xf32> to vector<2000x128xf32>
    %mul3A = vector.broadcast %get3A_2 : f32 to vector<2000x128xf32>
    %mul3A_32 = arith.mulf %mul3A, %get3A_31 : vector<2000x128xf32>
    %slice3A = vector.extract_strided_slice %add3A_26 {offsets = [0, 0], sizes = [2000, 128], strides = [1, 1]} : vector<2000x256xf32> to vector<2000x128xf32>
    %add3A_33 = arith.addf %mul3A_32, %slice3A : vector<2000x128xf32>
    %max3A = arith.constant 0.000000e+00 : f32
    %max3A_34 = vector.broadcast %max3A : f32 to vector<2000x128xf32>
    %max3A_35 = arith.maximumf %add3A_33, %max3A_34 : vector<2000x128xf32>
    %get3A_36 = arith.constant 1 : index
    %get3A_37 = arith.constant 0 : index
    %get3A_38 = arith.constant 0 : index
    %get3A_39 = vector.load %arg2[%get3A_36, %get3A_37, %get3A_38] : memref<2x2000x128xf32, #tpu.memory_space<vmem>>, vector<1x2000x128xf32>
    %get3A_40 = vector.shape_cast %get3A_39 : vector<1x2000x128xf32> to vector<2000x128xf32>
    %mul3A_41 = vector.broadcast %get3A_2 : f32 to vector<2000x128xf32>
    %mul3A_42 = arith.mulf %mul3A_41, %get3A_40 : vector<2000x128xf32>
    %slice3A_43 = vector.extract_strided_slice %add3A_26 {offsets = [0, 128], sizes = [2000, 128], strides = [1, 1]} : vector<2000x256xf32> to vector<2000x128xf32>
    %add3A_44 = arith.addf %mul3A_42, %slice3A_43 : vector<2000x128xf32>
    %max3A_45 = arith.constant 0.000000e+00 : f32
    %max3A_46 = vector.broadcast %max3A_45 : f32 to vector<2000x128xf32>
    %max3A_47 = arith.maximumf %add3A_44, %max3A_46 : vector<2000x128xf32>
    %swap3A = arith.constant 0 : index
    %swap3A_48 = arith.constant 0 : index
    %swap3A_49 = arith.constant 0 : index
    %swap3A_50 = vector.load %arg6[%swap3A, %swap3A_48, %swap3A_49] : memref<2x2000x128xf32, #tpu.memory_space<vmem>>, vector<1x2000x128xf32>
    %swap3A_51 = vector.shape_cast %swap3A_50 : vector<1x2000x128xf32> to vector<2000x128xf32>
    %swap3A_52 = vector.shape_cast %max3A_35 : vector<2000x128xf32> to vector<1x2000x128xf32>
    tpu.vector_store %arg6[%swap3A, %swap3A_48, %swap3A_49], %swap3A_52 {strides = array<i32>} : memref<2x2000x128xf32, #tpu.memory_space<vmem>>, vector<1x2000x128xf32>,
    %swap3A_53 = arith.constant 1 : index
    %swap3A_54 = arith.constant 0 : index
    %swap3A_55 = arith.constant 0 : index
    %swap3A_56 = vector.load %arg6[%swap3A_53, %swap3A_54, %swap3A_55] : memref<2x2000x128xf32, #tpu.memory_space<vmem>>, vector<1x2000x128xf32>
    %swap3A_57 = vector.shape_cast %swap3A_56 : vector<1x2000x128xf32> to vector<2000x128xf32>
    %swap3A_58 = vector.shape_cast %max3A_47 : vector<2000x128xf32> to vector<1x2000x128xf32>
    tpu.vector_store %arg6[%swap3A_53, %swap3A_54, %swap3A_55], %swap3A_58 {strides = array<i32>} : memref<2x2000x128xf32, #tpu.memory_space<vmem>>, vector<1x2000x128xf32>,
    return
  }
  func.func @transform_0(%arg0: i32) -> (i32, i32) {
    %c0_i32 = arith.constant 0 : i32
    %c0_i32_0 = arith.constant 0 : i32
    %c0_i32_1 = arith.constant 0 : i32
    return %c0_i32, %c0_i32_0 : i32, i32
  }
  func.func @transform_1(%arg0: i32) -> (i32, i32, i32) {
    %c0_i32 = arith.constant 0 : i32
    %c0_i32_0 = arith.constant 0 : i32
    %c0_i32_1 = arith.constant 0 : i32
    return %c0_i32, %arg0, %c0_i32_0 : i32, i32, i32
  }
  func.func @transform_2(%arg0: i32) -> (i32, i32, i32) {
    %c0_i32 = arith.constant 0 : i32
    %c0_i32_0 = arith.constant 0 : i32
    %c0_i32_1 = arith.constant 0 : i32
    return %c0_i32, %arg0, %c0_i32_0 : i32, i32, i32
  }
  func.func @transform_3(%arg0: i32) -> (i32, i32) {
    %c0_i32 = arith.constant 0 : i32
    %c0_i32_0 = arith.constant 0 : i32
    %c0_i32_1 = arith.constant 0 : i32
    return %c0_i32, %c0_i32_0 : i32, i32
  }
  func.func @transform_4(%arg0: i32) -> (i32, i32) {
    %c0_i32 = arith.constant 0 : i32
    %c0_i32_0 = arith.constant 0 : i32
    %c0_i32_1 = arith.constant 0 : i32
    return %c0_i32, %c0_i32_0 : i32, i32
  }
  func.func @transform_5(%arg0: i32) -> (i32, i32, i32) {
    %c0_i32 = arith.constant 0 : i32
    %c0_i32_0 = arith.constant 0 : i32
    %c0_i32_1 = arith.constant 0 : i32
    return %c0_i32, %arg0, %c0_i32_0 : i32, i32, i32
  }
}

module attributes {stable_mosaic.version = 14 : i64} {
  func.func @_post_body(%arg0: i32, %arg1: memref<1x1xf32, #tpu.memory_space<vmem>>, %arg2: memref<2x2000x128xf32, #tpu.memory_space<vmem>>, %arg3: memref<2x2000x128xf32, #tpu.memory_space<vmem>>, %arg4: memref<256x256xf32, #tpu.memory_space<vmem>>, %arg5: memref<1x256xf32, #tpu.memory_space<vmem>>, %arg6: memref<2000x256xf32, #tpu.memory_space<vmem>>) attributes {dimension_semantics = [#tpu.dimension_semantics<arbitrary>], iteration_bounds = array<i64: 5>, scalar_prefetch = 0 : i64, scratch_operands = 0 : i64, tpu.core_type = #tpu.core_type<tc>, window_params = [{pipeline_mode = #tpu.pipeline_mode<synchronous>, transform_indices = @transform_0, window_bounds = array<i64: 1, 1>}, {transform_indices = @transform_1, window_bounds = array<i64: 2, 2000, 128>}, {transform_indices = @transform_2, window_bounds = array<i64: 2, 2000, 128>}, {pipeline_mode = #tpu.pipeline_mode<synchronous>, transform_indices = @transform_3, window_bounds = array<i64: 256, 256>}, {pipeline_mode = #tpu.pipeline_mode<synchronous>, transform_indices = @transform_4, window_bounds = array<i64: 1, 256>}, {transform_indices = @transform_5, window_bounds = array<i64: 2000, 256>}]} {
    %get3A = arith.constant 0 : index
    %get3A_0 = arith.constant 0 : index
    %get3A_1 = vector.load %arg1[%get3A, %get3A_0] : memref<1x1xf32, #tpu.memory_space<vmem>>, vector<1x1xf32>
    %get3A_2 = vector.extract %get3A_1[0, 0] : f32 from vector<1x1xf32>
    %get3A_3 = arith.constant 0 : index
    %get3A_4 = arith.constant 0 : index
    %get3A_5 = arith.constant 0 : index
    %get3A_6 = vector.load %arg3[%get3A_3, %get3A_4, %get3A_5] : memref<2x2000x128xf32, #tpu.memory_space<vmem>>, vector<1x2000x128xf32>
    %get3A_7 = vector.shape_cast %get3A_6 : vector<1x2000x128xf32> to vector<2000x128xf32>
    %get3A_8 = arith.constant 0 : index
    %get3A_9 = arith.constant 0 : index
    %get3A_10 = vector.load %arg4[%get3A_8, %get3A_9] : memref<256x256xf32, #tpu.memory_space<vmem>>, vector<128x256xf32>
    %dot_general3A = arith.constant dense<0.000000e+00> : vector<2000x256xf32>
    %dot_general3A_11 = tpu.matmul %get3A_7, %get3A_10, %dot_general3A {dimension_numbers = #tpu.dot_dimension_numbers<[1], [0], [0], [1], [0, 0, 1, 1], [], []>, transpose_lhs_hint = false} : vector<2000x128xf32>, vector<128x256xf32>, vector<2000x256xf32> -> vector<2000x256xf32>
    %get3A_12 = arith.constant 1 : index
    %get3A_13 = arith.constant 0 : index
    %get3A_14 = arith.constant 0 : index
    %get3A_15 = vector.load %arg3[%get3A_12, %get3A_13, %get3A_14] : memref<2x2000x128xf32, #tpu.memory_space<vmem>>, vector<1x2000x128xf32>
    %get3A_16 = vector.shape_cast %get3A_15 : vector<1x2000x128xf32> to vector<2000x128xf32>
    %get3A_17 = arith.constant 128 : index
    %get3A_18 = arith.constant 0 : index
    %get3A_19 = vector.load %arg4[%get3A_17, %get3A_18] : memref<256x256xf32, #tpu.memory_space<vmem>>, vector<128x256xf32>
    %dot_general3A_20 = arith.constant dense<0.000000e+00> : vector<2000x256xf32>
    %dot_general3A_21 = tpu.matmul %get3A_16, %get3A_19, %dot_general3A_20 {dimension_numbers = #tpu.dot_dimension_numbers<[1], [0], [0], [1], [0, 0, 1, 1], [], []>, transpose_lhs_hint = false} : vector<2000x128xf32>, vector<128x256xf32>, vector<2000x256xf32> -> vector<2000x256xf32>
    %add3A = arith.addf %dot_general3A_11, %dot_general3A_21 : vector<2000x256xf32>
    %get3A_22 = arith.constant 0 : index
    %get3A_23 = arith.constant 0 : index
    %get3A_24 = vector.load %arg5[%get3A_22, %get3A_23] : memref<1x256xf32, #tpu.memory_space<vmem>>, vector<1x256xf32>
    %add3A_25 = vector.broadcast %get3A_24 : vector<1x256xf32> to vector<2000x256xf32>
    %add3A_26 = arith.addf %add3A, %add3A_25 : vector<2000x256xf32>
    %get3A_27 = arith.constant 0 : index
    %get3A_28 = arith.constant 0 : index
    %get3A_29 = arith.constant 0 : index
    %get3A_30 = vector.load %arg2[%get3A_27, %get3A_28, %get3A_29] : memref<2x2000x128xf32, #tpu.memory_space<vmem>>, vector<1x2000x128xf32>
    %get3A_31 = vector.shape_cast %get3A_30 : vector<1x2000x128xf32> to vector<2000x128xf32>
    %mul3A = vector.broadcast %get3A_2 : f32 to vector<2000x128xf32>
    %mul3A_32 = arith.mulf %mul3A, %get3A_31 : vector<2000x128xf32>
    %slice3A = vector.extract_strided_slice %add3A_26 {offsets = [0, 0], sizes = [2000, 128], strides = [1, 1]} : vector<2000x256xf32> to vector<2000x128xf32>
    %add3A_33 = arith.addf %mul3A_32, %slice3A : vector<2000x128xf32>
    %max3A = arith.constant 0.000000e+00 : f32
    %max3A_34 = vector.broadcast %max3A : f32 to vector<2000x128xf32>
    %max3A_35 = arith.maximumf %add3A_33, %max3A_34 : vector<2000x128xf32>
    %get3A_36 = arith.constant 1 : index
    %get3A_37 = arith.constant 0 : index
    %get3A_38 = arith.constant 0 : index
    %get3A_39 = vector.load %arg2[%get3A_36, %get3A_37, %get3A_38] : memref<2x2000x128xf32, #tpu.memory_space<vmem>>, vector<1x2000x128xf32>
    %get3A_40 = vector.shape_cast %get3A_39 : vector<1x2000x128xf32> to vector<2000x128xf32>
    %mul3A_41 = vector.broadcast %get3A_2 : f32 to vector<2000x128xf32>
    %mul3A_42 = arith.mulf %mul3A_41, %get3A_40 : vector<2000x128xf32>
    %slice3A_43 = vector.extract_strided_slice %add3A_26 {offsets = [0, 128], sizes = [2000, 128], strides = [1, 1]} : vector<2000x256xf32> to vector<2000x128xf32>
    %add3A_44 = arith.addf %mul3A_42, %slice3A_43 : vector<2000x128xf32>
    %max3A_45 = arith.constant 0.000000e+00 : f32
    %max3A_46 = vector.broadcast %max3A_45 : f32 to vector<2000x128xf32>
    %max3A_47 = arith.maximumf %add3A_44, %max3A_46 : vector<2000x128xf32>
    %swap3A = arith.constant 0 : index
    %swap3A_48 = arith.constant 0 : index
    %swap3A_49 = vector.load %arg6[%swap3A, %swap3A_48] : memref<2000x256xf32, #tpu.memory_space<vmem>>, vector<2000x128xf32>
    tpu.vector_store %arg6[%swap3A, %swap3A_48], %max3A_35 {strides = array<i32>} : memref<2000x256xf32, #tpu.memory_space<vmem>>, vector<2000x128xf32>,
    %swap3A_50 = arith.constant 0 : index
    %swap3A_51 = arith.constant 128 : index
    %swap3A_52 = vector.load %arg6[%swap3A_50, %swap3A_51] : memref<2000x256xf32, #tpu.memory_space<vmem>>, vector<2000x128xf32>
    tpu.vector_store %arg6[%swap3A_50, %swap3A_51], %max3A_47 {strides = array<i32>} : memref<2000x256xf32, #tpu.memory_space<vmem>>, vector<2000x128xf32>,
    return
  }
  func.func @transform_0(%arg0: i32) -> (i32, i32) {
    %c0_i32 = arith.constant 0 : i32
    %c0_i32_0 = arith.constant 0 : i32
    %c0_i32_1 = arith.constant 0 : i32
    return %c0_i32, %c0_i32_0 : i32, i32
  }
  func.func @transform_1(%arg0: i32) -> (i32, i32, i32) {
    %c0_i32 = arith.constant 0 : i32
    %c0_i32_0 = arith.constant 0 : i32
    %c0_i32_1 = arith.constant 0 : i32
    return %c0_i32, %arg0, %c0_i32_0 : i32, i32, i32
  }
  func.func @transform_2(%arg0: i32) -> (i32, i32, i32) {
    %c0_i32 = arith.constant 0 : i32
    %c0_i32_0 = arith.constant 0 : i32
    %c0_i32_1 = arith.constant 0 : i32
    return %c0_i32, %arg0, %c0_i32_0 : i32, i32, i32
  }
  func.func @transform_3(%arg0: i32) -> (i32, i32) {
    %c0_i32 = arith.constant 0 : i32
    %c0_i32_0 = arith.constant 0 : i32
    %c0_i32_1 = arith.constant 0 : i32
    return %c0_i32, %c0_i32_0 : i32, i32
  }
  func.func @transform_4(%arg0: i32) -> (i32, i32) {
    %c0_i32 = arith.constant 0 : i32
    %c0_i32_0 = arith.constant 0 : i32
    %c0_i32_1 = arith.constant 0 : i32
    return %c0_i32, %c0_i32_0 : i32, i32
  }
  func.func @transform_5(%arg0: i32) -> (i32, i32) {
    %c0_i32 = arith.constant 0 : i32
    %c0_i32_0 = arith.constant 0 : i32
    return %arg0, %c0_i32 : i32, i32
  }
}

</mosaic_0001>

<sc_bundles>
// kernel: kernel.12.cloned.1.call-start
scs
__scs_entry_jumppad:
0x0: {  	(pc) =	sbr.rel $0x88, $3  }
0x1: {  	(tag) =	ssettag $0x0;
	lr =	simm.s32 $0x1  }
0x2: {  	[smem:$0x3F89] =	sst lr;
	_ =	strace $0xD0000000  }
0x3: {  	_ = 	snop  }
0x4: {  	_ = 	snop  }
0x5: {  	_ = 	snop  }
0x6: {  	_ = 	snop  }
0x7: {  	_ = 	snop  }
__scs_overlays_trampoline_lowered:
0x8: {  	[smem:$0x3F98] =	sst s0  }
0x9: {  	[smem:$0x3F99] =	sst s1  }
0xa: {  	[smem:$0x3F9A] =	sst s2  }
0xb: {  	[smem:$0x3F9B] =	sst s3  }
0xc: {  	[smem:$0x3F9C] =	sst s4  }
0xd: {  	[smem:$0x3F9D] =	sst s5  }
0xe: {  	[smem:$0x3F9E] =	sst s6  }
0xf: {  	[smem:$0x3F9F] =	sst s7  }
0x10: {  	[smem:$0x3FA0] =	sst s8  }
0x11: {  	[smem:$0x3FA1] =	sst s9;
	s0 =	simm.s32 @!p0 $0x0  }
0x12: {  	s1 =	sld [smem:$0x3F87];
	s0 =	simm.s32 @p0 $0x1  }
0x13: {  	[smem:$0x3FA2] =	sst s0;
	s0 =	simm.s32 @!p1 $0x0  }
0x14: {  	s2 =	sld [smem:$0x3F86];
	s0 =	simm.s32 @p1 $0x1  }
0x15: {  	[smem:$0x3FA3] =	sst s0;
	s0 =	simm.s32 @!p2 $0x0  }
0x16: {  	s3 =	sld [smem:$0x3FDB];
	s0 =	simm.s32 @p2 $0x1  }
0x17: {  	s4 =	simm.s32 $0x1BF5;
	[smem:$0x3FA5] =	sst s0  }
0x18: {  	s0 =	sld [smem:$0x3F88];
	_ =	swait.ge [sflag:s4], $0x0  }
0x19: {  	s7 =	sld [smem:$0x3F89]  }
0x1a: {  	s8 =	sadd.s32 $0xFFFFE003, lr  }
0x1b: {  	s9 =	sadd.s32 $0xFFFFFEF7, lr;
	s5 =	simm.s32 $0xFFFFFFFF;
	p2 =	slt.u32 s8, $0xFFFFF086  }
0x1c: {  	p1 =	slt.u32 s9, $0xF7A;
	s5 =	simm.s32 @!p2 $0x0  }
0x1d: {  	s5 =	simm.s32 @p1 $0x1;
	p0 =	seq.s32 s7, s2  }
0x1e: {  	s7 =	smul.u32 @!p0 $0xF7A, s2;
	p2 =	seq.s32 @!p0 s5, $0x0  }
0x1f: {  	s9 =	smul.u32 $0xF7A, s1;
	s8 =	simm.s32 @!p0 $0x1BF5;
	p2 =	por !p2, p0  }
0x20: {  	[sflag:s8] =	ssyncset.s32 @!p0 $0xFFFFF086;
	s6 =	sadd.s32 @!p0 s3, s7;
	s7 =	simm.s32 @!p0 $0x108  }
0x21: {  	s3 =	sadd.s32 s3, s9;
	s6 =	sadd.s32 @!p0 $0x88, s6;
	s7 =	simm.s32 @p2 $0x1082  }
0x22: {  	[simem:s7], [sflag:s8] =	dma.local @!p0 [hbm:s6], $0xF7A  }
0x23: {  	s9 =	sor.u32 $0xD0000000, s2;
	s6 =	simm.s32 $0x108;
	_ =	swait.ge @!p0 [sflag:s8], $0x0  }
0x24: {  	s3 =	sadd.s32 $0x88, s3;
	s6 =	simm.s32 @!p1 $0x1082;
	[sflag:s4] =	ssyncset.s32 $0xFFFFF086  }
0x25: {  	[simem:s6], [sflag:s4] =	dma.local [hbm:s3], $0xF7A  }
0x26: {  	[smem:$0x3F89] =	sst s1;
	(tag) =	ssettag s2;
	_ =	strace s9  }
0x27: {  	s1 =	sld [smem:$0x3F99]  }
0x28: {  	s2 =	sld [smem:$0x3F9A]  }
0x29: {  	s4 =	sld [smem:$0x3F9C]  }
0x2a: {  	p0 =	seq.s32 s5, $0x0;
	s5 =	sld [smem:$0x3F9D]  }
0x2b: {  	s6 =	sld [smem:$0x3F9E]  }
0x2c: {  	s7 =	sld [smem:$0x3F9F]  }
0x2d: {  	s3 =	simm.s32 $0x108;
	s8 =	sld [smem:$0x3FA0]  }
0x2e: {  	s3 =	simm.s32 @!p0 $0x1082;
	s9 =	sld [smem:$0x3FA1]  }
0x2f: {  	lr =	sadd.s32 s0, s3;
	s0 =	sld [smem:$0x3F98]  }
0x30: {  	s3 =	sld [smem:$0x3F9B]  }
0x31: {  	[smem:$0x3FA4] =	sst s10  }
0x32: {  	s10 =	sld [smem:$0x3FA2];
	_ =	sdelay $0x3  }
0x33: {  	p0 =	seq.s32 s10, $0x1;
	s10 =	sld [smem:$0x3FA4];
	_ =	sdelay $0x3  }
0x34: {  	[smem:$0x3FA4] =	sst s10  }
0x35: {  	s10 =	sld [smem:$0x3FA3];
	_ =	sdelay $0x3  }
0x36: {  	p1 =	seq.s32 s10, $0x1;
	s10 =	sld [smem:$0x3FA4];
	_ =	sdelay $0x3  }
0x37: {  	[smem:$0x3FA4] =	sst s10  }
0x38: {  	s10 =	sld [smem:$0x3FA5]  }
0x39: {  	_ = 	snop;
	(pc) =	sbr.ind lr, $3  }
0x3a: {  	_ = 	snop  }
0x3b: {  	_ = 	snop  }
0x3c: {  	p2 =	seq.s32 s10, $0x1;
	s10 =	sld [smem:$0x3FA4]  }
0x3d: {  	_ =	shalt  }
0x3e: {  	_ =	shalt  }
0x3f: {  	_ =	shalt  }
0x40: {  	_ =	shalt  }
0x41: {  	_ =	shalt  }
0x42: {  	_ =	shalt  }
0x43: {  	_ =	shalt  }
0x44: {  	_ =	shalt  }
0x45: {  	_ =	shalt  }
0x46: {  	_ =	shalt  }
0x47: {  	_ =	shalt  }
0x48: {  	_ =	shalt  }
0x49: {  	_ =	shalt  }
0x4a: {  	_ =	shalt  }
0x4b: {  	_ =	shalt  }
0x4c: {  	_ =	shalt  }
0x4d: {  	_ =	shalt  }
0x4e: {  	_ =	shalt  }
0x4f: {  	_ =	shalt  }
0x50: {  	_ =	shalt  }
0x51: {  	_ =	shalt  }
0x52: {  	_ =	shalt  }
0x53: {  	_ =	shalt  }
0x54: {  	_ =	shalt  }
0x55: {  	_ =	shalt  }
0x56: {  	_ =	shalt  }
0x57: {  	_ =	shalt  }
0x58: {  	_ =	shalt  }
0x59: {  	_ =	shalt  }
0x5a: {  	_ =	shalt  }
0x5b: {  	_ =	shalt  }
0x5c: {  	_ =	shalt  }
0x5d: {  	_ =	shalt  }
0x5e: {  	_ =	shalt  }
0x5f: {  	_ =	shalt  }
0x60: {  	_ =	shalt  }
0x61: {  	_ =	shalt  }
0x62: {  	_ =	shalt  }
0x63: {  	_ =	shalt  }
0x64: {  	_ =	shalt  }
0x65: {  	_ =	shalt  }
0x66: {  	_ =	shalt  }
0x67: {  	_ =	shalt  }
0x68: {  	_ =	shalt  }
0x69: {  	_ =	shalt  }
0x6a: {  	_ =	shalt  }
0x6b: {  	_ =	shalt  }
0x6c: {  	_ =	shalt  }
0x6d: {  	_ =	shalt  }
0x6e: {  	_ =	shalt  }
0x6f: {  	_ =	shalt  }
0x70: {  	_ =	shalt  }
0x71: {  	_ =	shalt  }
0x72: {  	_ =	shalt  }
0x73: {  	_ =	shalt  }
0x74: {  	_ =	shalt  }
0x75: {  	_ =	shalt  }
0x76: {  	_ =	shalt  }
0x77: {  	_ =	shalt  }
0x78: {  	_ =	shalt  }
0x79: {  	_ =	shalt  }
0x7a: {  	_ =	shalt  }
0x7b: {  	_ =	shalt  }
0x7c: {  	_ =	shalt  }
0x7d: {  	_ =	shalt  }
0x7e: {  	_ =	shalt  }
0x7f: {  	_ =	shalt  }
0x80: {  	_ =	shalt  }
0x81: {  	_ =	shalt  }
0x82: {  	_ =	shalt  }
0x83: {  	_ =	shalt  }
0x84: {  	_ =	shalt  }
0x85: {  	_ =	shalt  }
0x86: {  	_ =	shalt  }
0x87: {  	_ =	shalt  }
.Lfunc_end0:
.L_simem_size_0:
called_computation.1_lowered:
.L_overlay_start_0:
0x88: {  	s2 =	sld [smem:$0x3FD9]  }
0x89: {  	s3 =	sld [smem:$0x3FFE];
	_ =	sdelay $0x1  }
0x8a: {  	s1 =	srdreg.scid  }
0x8b: {  	s0 =	sand.u32 $0x1, s1  }
0x8c: {  	s17 =	sshll.u32 s0, $0xA;
	s2 =	sadd.s32 s3, s2  }
0x8d: {  	s2 =	sadd.s32 s2, s17  }
0x8e: {  	[smem:$0x3FB0] =	sst s2  }
0x8f: {  	_ = 	snop  }
0x90: {  	s2 =	sld [smem:$0x3FD0];
	(tm) =	ssettm $0x1  }
0x91: {  	s18 =	sld [smem:$0x3FFB];
	_ =	sdelay $0x3  }
0x92: {  	_ =	strace s18  }
0x93: {  	s3 =	sld [smem:$0x3FFC];
	_ =	sdelay $0x3  }
0x94: {  	_ =	strace s3  }
0x95: {  	s3 =	sld [smem:$0x3FFD];
	_ =	sdelay $0x3  }
0x96: {  	_ =	strace s3  }
0x97: {  	_ =	strace $0x8FFFFFFF  }
0x98: {  	s19 =	sld [smem:$0x3FDB];
	_ =	sdelay $0x1  }
0x99: {  	s4 =	simm.s32 $_scs_section_size  }
0x9a: {  	s5 =	simm.s32 $_size__tile_overlayer_lowered;
	s6 =	simm.s32 $_tile_overlayer_lowered  }
0x9b: {  	s22 =	simm.s32 $0x1BFF;
	s21 =	sshll.u32 s6, $0x1;
	s3 =	sadd.s32 s4, s19  }
0x9c: {  	s7 =	simm.s32 $0x0;
	s20 =	sshll.u32 s5, $0x1;
	s5 =	sadd.s32 s21, s3  }
0x9d: {  	[timem:s7], [sflag:s22] =	dma.local [hbm:s5], s20  }
0x9e: {  	_ =	swait.ge [sflag:s22], s20  }
0x9f: {  	s4 =	ssub.s32 $0x0, s20;
	[sflag:s22] =	ssyncset.done $0x0  }
0xa0: {  	[sflag:s22] =	ssyncadd.s32 s4;
	_ =	sdelay $0x1  }
0xa1: {  	s23 =	simm.s32 $0x1B8B  }
0xa2: {  	_ =	swait.ge [sflag:s23], $0x1  }
0xa3: {  	[sflag:s23] =	ssyncset.done $0x0  }
0xa4: {  	s25 =	simm.s32 $0x1B8E;
	s24 =	sld [smem:$0x3FFE];
	[sflag:s23] =	ssyncadd.s32 $0xFFFFFFFF  }
0xa5: {  	s26 =	simm.s32 $execute0_lowered;
	[smem:$0x3FD2] =	sst s25  }
0xa6: {  	s5 =	sshll.u32 s26, $0x1;
	_ =	strace $0x80000049;
	[dreg:$0x1] =	wrdreg $0xFFFFFFFF  }
0xa7: {  	s28 =	simm.s32 $_size_execute0_lowered;
	s3 =	sadd.s32 s3, s5;
	[dreg:$0x0] =	wrdreg $0x0  }
0xa8: {  	s5 =	sshll.u32 s28, $0x1;
	[dreg:$0x2] =	wrdreg s3  }
0xa9: {  	[dreg:$0x3] =	wrdreg s5  }
0xaa: {  	[dreg:$0x4] =	wrdreg $0xC0  }
0xab: {  	_ =	task [dreg:s7], $0x5FFFF  }
0xac: {  	[dreg:$0x1] =	wrdreg $0xFFFFFFFF  }
0xad: {  	[dreg:$0x0] =	wrdreg $0x60  }
0xae: {  	[dreg:$0x2] =	wrdreg s24  }
0xaf: {  	[dreg:$0x3] =	wrdreg s2  }
0xb0: {  	[dreg:$0x4] =	wrdreg $0x90000  }
0xb1: {  	[dreg:$0x5] =	wrdreg $0x9  }
0xb2: {  	_ =	task.clear_ibuf [dreg:s7], $0x6FFFF;
	_ =	strace $0x90000049  }
0xb3: {  	s29 =	simm.s32 $0x9;
	_ =	strace $0x8000004B  }
0xb4: {  	_ =	swait.ge [sflag:s29], $0x1  }
0xb5: {  	[sflag:s29] =	ssyncadd.s32 $0xFFFFFFFF  }
0xb6: {  	_ =	strace $0x9000004B  }
0xb7: {  	_ =	sfence  }
0xb8: {  	s30 =	sld [smem:$0x0];
	_ =	sdelay $0x2  }
0xb9: {  	s31 =	sshll.u32 s1, $0xD;
	s1 =	sshrl.u32 s1, $0x2  }
0xba: {  	s3 =	sand.u32 $0x4000, s31;
	s1 =	sadd.s32 s1, s30  }
0xbb: {  	s0 =	sor.u32 s3, s0;
	s1 =	sshll.u32 s1, $0x11  }
0xbc: {  	s0 =	sor.u32 s1, s0  }
0xbd: {  	s0 =	sadd.s32 $0x8F2B, s0  }
0xbe: {  	[sflag:s0] =	ssyncadd.remote.s32 $0x1  }
0xbf: {  	_ =	sfence.sel $0xFFFF  }
0xc0: {  	[dreg:$0x0] =	wrdreg $0xFFFFFFFF;
	(pc) =	sbr.abs _section_cstart, $3  }
0xc1: {  	[dreg:$0x1] =	wrdreg $0xFFFFFFFF  }
0xc2: {  	_ =	task.clear_ibuf [dreg:s7], $0x2FFFF;
	_ =	strace $0x9FFFFFFF  }
0xc3: {  	(tm) =	ssettm $0x7FFFFFFF  }
tec
execute0_lowered:
.L_overlay_start_1:
0x0: {  	(tag) =	ssettag $0x1  }
0x1: {  	s5 =	rddreg [dreg:$0x0]  }
0x2: {  	s8 =	rddreg [dreg:$0x1]  }
0x3: {  	s2 =	rddreg [dreg:$0x2]  }
0x4: {  	s0 =	rddreg [dreg:$0x3];
	s3 =	simm.s32 $0x0  }
0x5: {  	s11 =	simm.s32 $0x100;
	[smem:$0x7FF] =	sst s3  }
0x6: {  	s31 =	simm.s32 $0x180;
	_ =	strace $0x8000004A;
	[dreg:$0x4] =	wrdreg s11  }
0x7: {  	s14 =	simm.s32 $0x200;
	[dreg:$0x5] =	wrdreg s31  }
0x8: {  	s1 =	stileid.u32;
	s16 =	simm.s32 $0x900;
	[dreg:$0x7] =	wrdreg s14  }
0x9: {  	s4 =	srdreg.scid;
	s18 =	simm.s32 $0x280;
	[dreg:$0x8] =	wrdreg s16  }
0xa: {  	s19 =	simm.s32 $0x980;
	s20 =	simm.s32 $0x300;
	[dreg:$0x9] =	wrdreg s18  }
0xb: {  	s21 =	simm.s32 $0xA00;
	s22 =	simm.s32 $0x380;
	[dreg:$0xa] =	wrdreg s19  }
0xc: {  	s23 =	simm.s32 $0xA80;
	s24 =	simm.s32 $0xB00;
	[dreg:$0xb] =	wrdreg s20  }
0xd: {  	s25 =	simm.s32 $0x480;
	s26 =	simm.s32 $0xB80;
	[dreg:$0xc] =	wrdreg s21  }
0xe: {  	s28 =	simm.s32 $0x500;
	s6 =	smul.u32 $0x500, s1;
	[dreg:$0xd] =	wrdreg s22  }
0xf: {  	s7 =	sand.u32 $0x1, s4;
	s4 =	sadd.s32 $0xD000, s5;
	[dreg:$0xe] =	wrdreg s23  }
0x10: {  	s12 =	smul.u32 $0x4F000, s1;
	s17 =	sshll.u32 s1, $0x6;
	[dreg:$0xf] =	wrdreg s24  }
0x11: {  	s9 =	smul.u32 $0x27800, s7;
	s29 =	ssub.s32 $0x2, s7;
	[dreg:$0x10] =	wrdreg s25  }
0x12: {  	s11 =	simm.s32 $0x880;
	s14 =	smul.u32 $0x27100, s7;
	[dreg:$0x11] =	wrdreg s26  }
0x13: {  	s23 =	smul.u32 $0x2780, s1;
	[dreg:$0x12] =	wrdreg s28;
	s16 =	simm.s32 $0xD00  }
0x14: {  	s18 =	simm.s32 $0xD80;
	s19 =	simm.s32 $0x700;
	[dreg:$0x6] =	wrdreg s11  }
0x15: {  	s20 =	simm.s32 $0xE00;
	s21 =	simm.s32 $0x780;
	[dreg:$0x16] =	wrdreg s16  }
0x16: {  	s24 =	simm.s32 $0xE80;
	s31 =	simm.s32 $0xF80;
	[dreg:$0x18] =	wrdreg s18  }
0x17: {  	s10 =	sadd.s32 s6, s5;
	s30 =	sshrl.u32 s29, $0x1;
	[dreg:$0x19] =	wrdreg s19  }
0x18: {  	s12 =	sshrl.u32 s12, $0x2;
	s11 =	simm.s32 $0x4;
	[dreg:$0x1a] =	wrdreg s20  }
0x19: {  	s16 =	simm.s32 $0x5000;
	s18 =	simm.s32 $0xC00;
	[dreg:$0x1b] =	wrdreg s21  }
0x1a: {  	s19 =	simm.s32 $0x1;
	s20 =	simm.s32 $0x2;
	[dreg:$0x1c] =	wrdreg s24  }
0x1b: {  	s21 =	simm.s32 $0x3;
	[dreg:$0x1d] =	wrdreg s31;
	s9 =	sadd.s32 s9, s5  }
0x1c: {  	s13 =	ssub.s32 s29, s30;
	s15 =	sadd.s32 s12, s2;
	s5 =	sor.u32 $0x1C04, s17  }
0x1d: {  	s6 =	sadd.s32 $0x3000, s10;
	s7 =	sadd.s32 $0x8000, s10;
	s8 =	sadd.s32 s8, s14  }
0x1e: {  	s29 =	simm.s32 $0x580;
	s12 =	simm.s32 $0x800;
	s30 =	simm.s32 $0xC80  }
0x1f: {  	s14 =	simm.s32 $0x1000;
	s17 =	simm.s32 $0x680;
	[dreg:$0x13] =	wrdreg s29  }
0x20: {  	s22 =	sadd.s32 $0xF800, s9;
	s9 =	smax.u32 s13, $0x1;
	[dreg:$0x14] =	wrdreg s30  }
0x21: {  	s10 =	sshrl.u32 s15, $0x3;
	s15 =	simm.s32 $0x600;
	[dreg:$0x17] =	wrdreg s17  }
0x22: {  	s13 =	simm.s32 $0x7D;
	s17 =	simm.s32 $0x400;
	[dreg:$0x15] =	wrdreg s15  }
0x23: {  	s15 =	simm.s32 $0x80;
	s22 =	sadd.s32 s23, s22;
	s23 =	simm.s32 $0x0  }
.LBB2_1:
0x24: {  	[spmem:s10], [sflag:s5] =	dma.local [hbm:s4], $0x2780  }
0x25: {  	_ =	swait.ge [sflag:s11], $0x2780  }
0x26: {  	[sflag:s11] =	ssyncset.done $0x0  }
0x27: {  	[sflag:s11] =	ssyncadd.s32 $0xFFFFD880  }
0x28: {  	[tilespmem:s3], [sflag:$0x4] =	stream.linear.gather [hbm4b:s6+s3], $0x400, $0x38;
	[tilespmem:$0x1CC00] =	vst v63  }
0x29: {  	_ =	swait.ge [sflag:s11], $0x400  }
0x2a: {  	[sflag:s11] =	ssyncset.done $0x0  }
0x2b: {  	[sflag:s11] =	ssyncadd.s32 $0xFFFFFC00  }
0x2c: {  	[tilespmem:s12], [sflag:$0x4] =	stream.linear.gather [hbm4b:s7+s3], $0x400, $0x38;
	[tilespmem:$0x1CC00] =	vst v63  }
0x2d: {  	_ =	swait.ge [sflag:s11], $0x400  }
0x2e: {  	[sflag:s11] =	ssyncset.done $0x0  }
0x2f: {  	[sflag:s11] =	ssyncadd.s32 $0xFFFFFC00  }
0x30: {  	[bflag:$0x0] =	sbarrier.arrive $0xFFFF  }
0x31: {  	[tilespmem:s14], [sflag:$0x1] =	stream.indirect.gather [hbm4b:s8+s13], $0x80, s3, s13, $0xb8;
	[tilespmem:$0x1CC00] =	vst v63  }
0x32: {  	s24 =	sadd.s32 $0x0, s6  }
0x33: {  	[tilespmem:s16], [sflag:$0x2] =	stream.indirect.gather [hbm4b:s8+s13], $0x80, s15, s13, $0xb8;
	[tilespmem:$0x1CC00] =	vst v63  }
0x34: {  	s25 =	sadd.s32 $0x0, s7;
	s24 =	sadd.s32 $0x80, s24  }
0x35: {  	[tilespmem:s17], [sflag:$0x3] =	stream.linear.gather [hbm4b:s24+s3], $0x400, $0x38;
	[tilespmem:$0x1CC00] =	vst v63  }
0x36: {  	s25 =	sadd.s32 $0x80, s25  }
0x37: {  	[tilespmem:s18], [sflag:$0x3] =	stream.linear.gather [hbm4b:s25+s3], $0x400, $0x38;
	[tilespmem:$0x1CC00] =	vst v63  }
0x38: {  	_ =	swait.ge [sflag:s19], $0x3E80  }
0x39: {  	[sflag:s19] =	ssyncset.done $0x0  }
0x3a: {  	s26 =	rddreg [dreg:$0x4];
	[sflag:s19] =	ssyncadd.s32 $0xFFFFC180  }
0x3b: {  	[tilespmem:s14], [sflag:$0x1] =	stream.indirect.gather [hbm4b:s8+s13], $0x80, s26, s13, $0xb8;
	[tilespmem:$0x1CC00] =	vst v63  }
0x3c: {  	_ = 	snop  }
0x3d: {  	[spmem:s2] =	stream.indirect.scatter.add.f32 [tilespmem:s14], [sflag:$0x4], $0x80, s12, s13, $0xb8;
	[tilespmem:$0x1CC00] =	vst v63  }
0x3e: {  	_ =	swait.ge [sflag:s11], $0x3E80  }
0x3f: {  	[sflag:s11] =	ssyncset.done $0x0  }
0x40: {  	[sflag:s11] =	ssyncadd.s32 $0xFFFFC180  }
0x41: {  	_ =	swait.ge [sflag:s20], $0x3E80  }
0x42: {  	[sflag:s20] =	ssyncset.done $0x0  }
0x43: {  	s28 =	rddreg [dreg:$0x5];
	[sflag:s20] =	ssyncadd.s32 $0xFFFFC180  }
0x44: {  	[tilespmem:s16], [sflag:$0x2] =	stream.indirect.gather [hbm4b:s8+s13], $0x80, s28, s13, $0xb8;
	[tilespmem:$0x1CC00] =	vst v63  }
0x45: {  	s29 =	rddreg [dreg:$0x6]  }
0x46: {  	[spmem:s2] =	stream.indirect.scatter.add.f32 [tilespmem:s16], [sflag:$0x4], $0x80, s29, s13, $0xb8;
	[tilespmem:$0x1CC00] =	vst v63  }
0x47: {  	_ =	swait.ge [sflag:s11], $0x3E80  }
0x48: {  	[sflag:s11] =	ssyncset.done $0x0  }
0x49: {  	[sflag:s11] =	ssyncadd.s32 $0xFFFFC180  }
0x4a: {  	_ =	swait.ge [sflag:s19], $0x3E80  }
0x4b: {  	[sflag:s19] =	ssyncset.done $0x0  }
0x4c: {  	s30 =	rddreg [dreg:$0x7];
	[sflag:s19] =	ssyncadd.s32 $0xFFFFC180  }
0x4d: {  	[tilespmem:s14], [sflag:$0x1] =	stream.indirect.gather [hbm4b:s8+s13], $0x80, s30, s13, $0xb8;
	[tilespmem:$0x1CC00] =	vst v63  }
0x4e: {  	s31 =	rddreg [dreg:$0x8]  }
0x4f: {  	[spmem:s2] =	stream.indirect.scatter.add.f32 [tilespmem:s14], [sflag:$0x4], $0x80, s31, s13, $0xb8;
	[tilespmem:$0x1CC00] =	vst v63  }
0x50: {  	_ =	swait.ge [sflag:s11], $0x3E80  }
0x51: {  	[sflag:s11] =	ssyncset.done $0x0  }
0x52: {  	[sflag:s11] =	ssyncadd.s32 $0xFFFFC180  }
0x53: {  	_ =	swait.ge [sflag:s20], $0x3E80  }
0x54: {  	[sflag:s20] =	ssyncset.done $0x0  }
0x55: {  	s25 =	rddreg [dreg:$0x9];
	[sflag:s20] =	ssyncadd.s32 $0xFFFFC180  }
0x56: {  	[tilespmem:s16], [sflag:$0x2] =	stream.indirect.gather [hbm4b:s8+s13], $0x80, s25, s13, $0xb8;
	[tilespmem:$0x1CC00] =	vst v63  }
0x57: {  	s26 =	rddreg [dreg:$0xa]  }
0x58: {  	[spmem:s2] =	stream.indirect.scatter.add.f32 [tilespmem:s16], [sflag:$0x4], $0x80, s26, s13, $0xb8;
	[tilespmem:$0x1CC00] =	vst v63  }
0x59: {  	_ =	swait.ge [sflag:s11], $0x3E80  }
0x5a: {  	[sflag:s11] =	ssyncset.done $0x0  }
0x5b: {  	[sflag:s11] =	ssyncadd.s32 $0xFFFFC180  }
0x5c: {  	_ =	swait.ge [sflag:s19], $0x3E80  }
0x5d: {  	[sflag:s19] =	ssyncset.done $0x0  }
0x5e: {  	s28 =	rddreg [dreg:$0xb];
	[sflag:s19] =	ssyncadd.s32 $0xFFFFC180  }
0x5f: {  	[tilespmem:s14], [sflag:$0x1] =	stream.indirect.gather [hbm4b:s8+s13], $0x80, s28, s13, $0xb8;
	[tilespmem:$0x1CC00] =	vst v63  }
0x60: {  	s29 =	rddreg [dreg:$0xc]  }
0x61: {  	[spmem:s2] =	stream.indirect.scatter.add.f32 [tilespmem:s14], [sflag:$0x4], $0x80, s29, s13, $0xb8;
	[tilespmem:$0x1CC00] =	vst v63  }
0x62: {  	_ =	swait.ge [sflag:s11], $0x3E80  }
0x63: {  	[sflag:s11] =	ssyncset.done $0x0  }
0x64: {  	[sflag:s11] =	ssyncadd.s32 $0xFFFFC180  }
0x65: {  	_ =	swait.ge [sflag:s20], $0x3E80  }
0x66: {  	[sflag:s20] =	ssyncset.done $0x0  }
0x67: {  	s30 =	rddreg [dreg:$0xd];
	[sflag:s20] =	ssyncadd.s32 $0xFFFFC180  }
0x68: {  	[tilespmem:s16], [sflag:$0x2] =	stream.indirect.gather [hbm4b:s8+s13], $0x80, s30, s13, $0xb8;
	[tilespmem:$0x1CC00] =	vst v63  }
0x69: {  	s31 =	rddreg [dreg:$0xe]  }
0x6a: {  	[spmem:s2] =	stream.indirect.scatter.add.f32 [tilespmem:s16], [sflag:$0x4], $0x80, s31, s13, $0xb8;
	[tilespmem:$0x1CC00] =	vst v63  }
0x6b: {  	_ =	swait.ge [sflag:s11], $0x3E80  }
0x6c: {  	[sflag:s11] =	ssyncset.done $0x0  }
0x6d: {  	[sflag:s11] =	ssyncadd.s32 $0xFFFFC180  }
0x6e: {  	_ =	swait.ge [sflag:s19], $0x3E80  }
0x6f: {  	[sflag:s19] =	ssyncset.done $0x0  }
0x70: {  	[sflag:s19] =	ssyncadd.s32 $0xFFFFC180  }
0x71: {  	_ =	swait.ge [sflag:s21], $0x400  }
0x72: {  	[sflag:s21] =	ssyncset.done $0x0  }
0x73: {  	[sflag:s21] =	ssyncadd.s32 $0xFFFFFC00  }
0x74: {  	_ =	swait.ge [sflag:s21], $0x400  }
0x75: {  	[sflag:s21] =	ssyncset.done $0x0  }
0x76: {  	[sflag:s21] =	ssyncadd.s32 $0xFFFFFC00  }
0x77: {  	[tilespmem:s14], [sflag:$0x1] =	stream.indirect.gather [hbm4b:s8+s13], $0x80, s17, s13, $0xb8;
	[tilespmem:$0x1CC00] =	vst v63  }
0x78: {  	s25 =	rddreg [dreg:$0xf]  }
0x79: {  	[spmem:s2] =	stream.indirect.scatter.add.f32 [tilespmem:s14], [sflag:$0x4], $0x80, s25, s13, $0xb8;
	[tilespmem:$0x1CC00] =	vst v63  }
0x7a: {  	_ =	swait.ge [sflag:s11], $0x3E80  }
0x7b: {  	[sflag:s11] =	ssyncset.done $0x0  }
0x7c: {  	[sflag:s11] =	ssyncadd.s32 $0xFFFFC180  }
0x7d: {  	_ =	swait.ge [sflag:s20], $0x3E80  }
0x7e: {  	[sflag:s20] =	ssyncset.done $0x0  }
0x7f: {  	s26 =	rddreg [dreg:$0x10];
	[sflag:s20] =	ssyncadd.s32 $0xFFFFC180  }
0x80: {  	[tilespmem:s16], [sflag:$0x2] =	stream.indirect.gather [hbm4b:s8+s13], $0x80, s26, s13, $0xb8;
	[tilespmem:$0x1CC00] =	vst v63  }
0x81: {  	s28 =	rddreg [dreg:$0x11]  }
0x82: {  	[spmem:s2] =	stream.indirect.scatter.add.f32 [tilespmem:s16], [sflag:$0x4], $0x80, s28, s13, $0xb8;
	[tilespmem:$0x1CC00] =	vst v63  }
0x83: {  	p0 =	por $0x0, $0x0;
	_ =	swait.ge [sflag:s11], $0x3E80  }
0x84: {  	s24 =	sadd.s32 @!p0 $0x0, s6;
	s25 =	sadd.s32 @!p0 $0x0, s7;
	[sflag:s11] =	ssyncset.done $0x0  }
0x85: {  	s26 =	sadd.s32 @!p0 $0x100, s24;
	s24 =	simm.s32 @!p0 $0x0;
	[sflag:s11] =	ssyncadd.s32 $0xFFFFC180  }
0x86: {  	[tilespmem:s24], [sflag:$0x3] =	stream.linear.gather @!p0 [hbm4b:s26+s24], $0x400, $0x38;
	[tilespmem:$0x1CC00] =	vst v63  }
0x87: {  	s25 =	sadd.s32 @!p0 $0x100, s25;
	s26 =	simm.s32 @!p0 $0x800  }
0x88: {  	[tilespmem:s26], [sflag:$0x3] =	stream.linear.gather @!p0 [hbm4b:s25+s24], $0x400, $0x38;
	[tilespmem:$0x1CC00] =	vst v63  }
0x89: {  	_ =	swait.ge [sflag:s19], $0x3E80  }
0x8a: {  	[sflag:s19] =	ssyncset.done $0x0  }
0x8b: {  	s29 =	rddreg [dreg:$0x12];
	[sflag:s19] =	ssyncadd.s32 $0xFFFFC180  }
0x8c: {  	[tilespmem:s14], [sflag:$0x1] =	stream.indirect.gather [hbm4b:s8+s13], $0x80, s29, s13, $0xb8;
	[tilespmem:$0x1CC00] =	vst v63  }
0x8d: {  	_ = 	snop  }
0x8e: {  	[spmem:s2] =	stream.indirect.scatter.add.f32 [tilespmem:s14], [sflag:$0x4], $0x80, s18, s13, $0xb8;
	[tilespmem:$0x1CC00] =	vst v63  }
0x8f: {  	_ =	swait.ge [sflag:s11], $0x3E80  }
0x90: {  	[sflag:s11] =	ssyncset.done $0x0  }
0x91: {  	[sflag:s11] =	ssyncadd.s32 $0xFFFFC180  }
0x92: {  	_ =	swait.ge [sflag:s20], $0x3E80  }
0x93: {  	[sflag:s20] =	ssyncset.done $0x0  }
0x94: {  	s30 =	rddreg [dreg:$0x13];
	[sflag:s20] =	ssyncadd.s32 $0xFFFFC180  }
0x95: {  	[tilespmem:s16], [sflag:$0x2] =	stream.indirect.gather [hbm4b:s8+s13], $0x80, s30, s13, $0xb8;
	[tilespmem:$0x1CC00] =	vst v63  }
0x96: {  	s31 =	rddreg [dreg:$0x14]  }
0x97: {  	[spmem:s2] =	stream.indirect.scatter.add.f32 [tilespmem:s16], [sflag:$0x4], $0x80, s31, s13, $0xb8;
	[tilespmem:$0x1CC00] =	vst v63  }
0x98: {  	_ =	swait.ge [sflag:s11], $0x3E80  }
0x99: {  	[sflag:s11] =	ssyncset.done $0x0  }
0x9a: {  	[sflag:s11] =	ssyncadd.s32 $0xFFFFC180  }
0x9b: {  	_ =	swait.ge [sflag:s19], $0x3E80  }
0x9c: {  	[sflag:s19] =	ssyncset.done $0x0  }
0x9d: {  	s28 =	rddreg [dreg:$0x15];
	[sflag:s19] =	ssyncadd.s32 $0xFFFFC180  }
0x9e: {  	[tilespmem:s14], [sflag:$0x1] =	stream.indirect.gather [hbm4b:s8+s13], $0x80, s28, s13, $0xb8;
	[tilespmem:$0x1CC00] =	vst v63  }
0x9f: {  	s29 =	rddreg [dreg:$0x16]  }
0xa0: {  	[spmem:s2] =	stream.indirect.scatter.add.f32 [tilespmem:s14], [sflag:$0x4], $0x80, s29, s13, $0xb8;
	[tilespmem:$0x1CC00] =	vst v63  }
0xa1: {  	_ =	swait.ge [sflag:s11], $0x3E80  }
0xa2: {  	[sflag:s11] =	ssyncset.done $0x0  }
0xa3: {  	[sflag:s11] =	ssyncadd.s32 $0xFFFFC180  }
0xa4: {  	_ =	swait.ge [sflag:s20], $0x3E80  }
0xa5: {  	[sflag:s20] =	ssyncset.done $0x0  }
0xa6: {  	s30 =	rddreg [dreg:$0x17];
	[sflag:s20] =	ssyncadd.s32 $0xFFFFC180  }
0xa7: {  	[tilespmem:s16], [sflag:$0x2] =	stream.indirect.gather [hbm4b:s8+s13], $0x80, s30, s13, $0xb8;
	[tilespmem:$0x1CC00] =	vst v63  }
0xa8: {  	s31 =	rddreg [dreg:$0x18]  }
0xa9: {  	[spmem:s2] =	stream.indirect.scatter.add.f32 [tilespmem:s16], [sflag:$0x4], $0x80, s31, s13, $0xb8;
	[tilespmem:$0x1CC00] =	vst v63  }
0xaa: {  	_ =	swait.ge [sflag:s11], $0x3E80  }
0xab: {  	[sflag:s11] =	ssyncset.done $0x0  }
0xac: {  	[sflag:s11] =	ssyncadd.s32 $0xFFFFC180  }
0xad: {  	_ =	swait.ge [sflag:s19], $0x3E80  }
0xae: {  	[sflag:s19] =	ssyncset.done $0x0  }
0xaf: {  	s26 =	rddreg [dreg:$0x19];
	[sflag:s19] =	ssyncadd.s32 $0xFFFFC180  }
0xb0: {  	[tilespmem:s14], [sflag:$0x1] =	stream.indirect.gather [hbm4b:s8+s13], $0x80, s26, s13, $0xb8;
	[tilespmem:$0x1CC00] =	vst v63  }
0xb1: {  	s28 =	rddreg [dreg:$0x1a]  }
0xb2: {  	[spmem:s2] =	stream.indirect.scatter.add.f32 [tilespmem:s14], [sflag:$0x4], $0x80, s28, s13, $0xb8;
	[tilespmem:$0x1CC00] =	vst v63  }
0xb3: {  	_ =	swait.ge [sflag:s11], $0x3E80  }
0xb4: {  	[sflag:s11] =	ssyncset.done $0x0  }
0xb5: {  	[sflag:s11] =	ssyncadd.s32 $0xFFFFC180  }
0xb6: {  	_ =	swait.ge [sflag:s20], $0x3E80  }
0xb7: {  	[sflag:s20] =	ssyncset.done $0x0  }
0xb8: {  	s29 =	rddreg [dreg:$0x1b];
	[sflag:s20] =	ssyncadd.s32 $0xFFFFC180  }
0xb9: {  	[tilespmem:s16], [sflag:$0x2] =	stream.indirect.gather [hbm4b:s8+s13], $0x80, s29, s13, $0xb8;
	[tilespmem:$0x1CC00] =	vst v63  }
0xba: {  	s30 =	rddreg [dreg:$0x1c]  }
0xbb: {  	[spmem:s2] =	stream.indirect.scatter.add.f32 [tilespmem:s16], [sflag:$0x4], $0x80, s30, s13, $0xb8;
	[tilespmem:$0x1CC00] =	vst v63  }
0xbc: {  	_ =	swait.ge [sflag:s11], $0x3E80  }
0xbd: {  	[sflag:s11] =	ssyncset.done $0x0  }
0xbe: {  	[sflag:s11] =	ssyncadd.s32 $0xFFFFC180  }
0xbf: {  	_ =	swait.ge [sflag:s19], $0x3E80  }
0xc0: {  	s25 =	simm.s32 @p0 $0x1000;
	s26 =	simm.s32 @p0 $0x4;
	[sflag:s19] =	ssyncset.done $0x0  }
0xc1: {  	s28 =	simm.s32 @p0 $0x7D;
	s29 =	simm.s32 @p0 $0xF00;
	[sflag:s19] =	ssyncadd.s32 $0xFFFFC180  }
0xc2: {  	[spmem:s2] =	stream.indirect.scatter.add.f32 @p0 [tilespmem:s25], [sflag:$0x4], $0x80, s29, s28, $0xb8;
	[tilespmem:$0x1CC00] =	vst v63  }
0xc3: {  	_ =	swait.ge @p0 [sflag:s26], $0x3E80  }
0xc4: {  	[sflag:s26] =	ssyncset.done @p0 $0x0  }
0xc5: {  	s25 =	simm.s32 @p0 $0x2;
	[sflag:s26] =	ssyncadd.s32 @p0 $0xFFFFC180  }
0xc6: {  	_ =	swait.ge @p0 [sflag:s25], $0x3E80  }
0xc7: {  	[sflag:s25] =	ssyncset.done @p0 $0x0  }
0xc8: {  	[sflag:s25] =	ssyncadd.s32 @p0 $0xFFFFC180;
	s25 =	simm.s32 @!p0 $0x3  }
0xc9: {  	_ =	swait.ge @!p0 [sflag:s25], $0x400  }
0xca: {  	[sflag:s25] =	ssyncset.done @!p0 $0x0  }
0xcb: {  	[sflag:s25] =	ssyncadd.s32 @!p0 $0xFFFFFC00  }
0xcc: {  	_ =	swait.ge @!p0 [sflag:s25], $0x400  }
0xcd: {  	[sflag:s25] =	ssyncset.done @!p0 $0x0  }
0xce: {  	s26 =	simm.s32 @!p0 $0x1000;
	[sflag:s25] =	ssyncadd.s32 @!p0 $0xFFFFFC00;
	s25 =	simm.s32 @!p0 $0x7D  }
0xcf: {  	[tilespmem:s26], [sflag:$0x1] =	stream.indirect.gather @!p0 [hbm4b:s8+s25], $0x80, s24, s25, $0xb8;
	[tilespmem:$0x1CC00] =	vst v63  }
0xd0: {  	s28 =	simm.s32 @!p0 $0x4;
	s24 =	simm.s32 @!p0 $0xF00  }
0xd1: {  	[spmem:s2] =	stream.indirect.scatter.add.f32 @!p0 [tilespmem:s26], [sflag:$0x4], $0x80, s24, s25, $0xb8;
	[tilespmem:$0x1CC00] =	vst v63  }
0xd2: {  	_ =	swait.ge @!p0 [sflag:s28], $0x3E80  }
0xd3: {  	[sflag:s28] =	ssyncset.done @!p0 $0x0  }
0xd4: {  	s24 =	simm.s32 @!p0 $0x2;
	[sflag:s28] =	ssyncadd.s32 @!p0 $0xFFFFC180  }
0xd5: {  	_ =	swait.ge @!p0 [sflag:s24], $0x3E80  }
0xd6: {  	[sflag:s24] =	ssyncset.done @!p0 $0x0  }
0xd7: {  	s26 =	simm.s32 @!p0 $0x5000;
	[sflag:s24] =	ssyncadd.s32 @!p0 $0xFFFFC180;
	s24 =	simm.s32 @!p0 $0x80  }
0xd8: {  	[tilespmem:s26], [sflag:$0x2] =	stream.indirect.gather @!p0 [hbm4b:s8+s25], $0x80, s24, s25, $0xb8;
	[tilespmem:$0x1CC00] =	vst v63  }
0xd9: {  	s31 =	rddreg [dreg:$0x1d]  }
0xda: {  	[spmem:s2] =	stream.indirect.scatter.add.f32 [tilespmem:s16], [sflag:$0x4], $0x80, s31, s13, $0xb8;
	[tilespmem:$0x1CC00] =	vst v63  }
0xdb: {  	_ =	swait.ge [sflag:s11], $0x3E80  }
0xdc: {  	s24 =	simm.s32 $0x100;
	s25 =	simm.s32 $0x200;
	[sflag:s11] =	ssyncset.done $0x0  }
.LBB2_2:
0xdd: {  	s28 =	sadd.s32 s24, s6  }
0xde: {  	[sflag:s11] =	ssyncadd.s32 $0xFFFFC180;
	s29 =	sadd.s32 s24, s7;
	s28 =	sadd.s32 $0x80, s28  }
0xdf: {  	[tilespmem:s17], [sflag:$0x3] =	stream.linear.gather [hbm4b:s28+s3], $0x400, $0x38;
	[tilespmem:$0x1CC00] =	vst v63  }
0xe0: {  	s31 =	sadd.s32 $0x80, s29  }
0xe1: {  	[tilespmem:s18], [sflag:$0x3] =	stream.linear.gather [hbm4b:s31+s3], $0x400, $0x38;
	[tilespmem:$0x1CC00] =	vst v63  }
0xe2: {  	_ =	swait.ge [sflag:s19], $0x3E80  }
0xe3: {  	[sflag:s19] =	ssyncset.done $0x0  }
0xe4: {  	s29 =	rddreg [dreg:$0x4];
	[sflag:s19] =	ssyncadd.s32 $0xFFFFC180  }
0xe5: {  	[tilespmem:s14], [sflag:$0x1] =	stream.indirect.gather [hbm4b:s8+s13], $0x80, s29, s13, $0xb8;
	[tilespmem:$0x1CC00] =	vst v63  }
0xe6: {  	_ = 	snop  }
0xe7: {  	[spmem:s2] =	stream.indirect.scatter.add.f32 [tilespmem:s14], [sflag:$0x4], $0x80, s12, s13, $0xb8;
	[tilespmem:$0x1CC00] =	vst v63  }
0xe8: {  	_ =	swait.ge [sflag:s11], $0x3E80  }
0xe9: {  	[sflag:s11] =	ssyncset.done $0x0  }
0xea: {  	[sflag:s11] =	ssyncadd.s32 $0xFFFFC180  }
0xeb: {  	_ =	swait.ge [sflag:s20], $0x3E80  }
0xec: {  	[sflag:s20] =	ssyncset.done $0x0  }
0xed: {  	s30 =	rddreg [dreg:$0x5];
	[sflag:s20] =	ssyncadd.s32 $0xFFFFC180  }
0xee: {  	[tilespmem:s16], [sflag:$0x2] =	stream.indirect.gather [hbm4b:s8+s13], $0x80, s30, s13, $0xb8;
	[tilespmem:$0x1CC00] =	vst v63  }
0xef: {  	s31 =	rddreg [dreg:$0x6]  }
0xf0: {  	[spmem:s2] =	stream.indirect.scatter.add.f32 [tilespmem:s16], [sflag:$0x4], $0x80, s31, s13, $0xb8;
	[tilespmem:$0x1CC00] =	vst v63  }
0xf1: {  	_ =	swait.ge [sflag:s11], $0x3E80  }
0xf2: {  	[sflag:s11] =	ssyncset.done $0x0  }
0xf3: {  	[sflag:s11] =	ssyncadd.s32 $0xFFFFC180  }
0xf4: {  	_ =	swait.ge [sflag:s19], $0x3E80  }
0xf5: {  	[sflag:s19] =	ssyncset.done $0x0  }
0xf6: {  	s30 =	rddreg [dreg:$0x7];
	[sflag:s19] =	ssyncadd.s32 $0xFFFFC180  }
0xf7: {  	[tilespmem:s14], [sflag:$0x1] =	stream.indirect.gather [hbm4b:s8+s13], $0x80, s30, s13, $0xb8;
	[tilespmem:$0x1CC00] =	vst v63  }
0xf8: {  	s31 =	rddreg [dreg:$0x8]  }
0xf9: {  	[spmem:s2] =	stream.indirect.scatter.add.f32 [tilespmem:s14], [sflag:$0x4], $0x80, s31, s13, $0xb8;
	[tilespmem:$0x1CC00] =	vst v63  }
0xfa: {  	_ =	swait.ge [sflag:s11], $0x3E80  }
0xfb: {  	[sflag:s11] =	ssyncset.done $0x0  }
0xfc: {  	[sflag:s11] =	ssyncadd.s32 $0xFFFFC180  }
0xfd: {  	_ =	swait.ge [sflag:s20], $0x3E80  }
0xfe: {  	[sflag:s20] =	ssyncset.done $0x0  }
0xff: {  	s30 =	rddreg [dreg:$0x9];
	[sflag:s20] =	ssyncadd.s32 $0xFFFFC180  }
0x100: {  	[tilespmem:s16], [sflag:$0x2] =	stream.indirect.gather [hbm4b:s8+s13], $0x80, s30, s13, $0xb8;
	[tilespmem:$0x1CC00] =	vst v63  }
0x101: {  	s31 =	rddreg [dreg:$0xa]  }
0x102: {  	[spmem:s2] =	stream.indirect.scatter.add.f32 [tilespmem:s16], [sflag:$0x4], $0x80, s31, s13, $0xb8;
	[tilespmem:$0x1CC00] =	vst v63  }
0x103: {  	_ =	swait.ge [sflag:s11], $0x3E80  }
0x104: {  	[sflag:s11] =	ssyncset.done $0x0  }
0x105: {  	[sflag:s11] =	ssyncadd.s32 $0xFFFFC180  }
0x106: {  	_ =	swait.ge [sflag:s19], $0x3E80  }
0x107: {  	[sflag:s19] =	ssyncset.done $0x0  }
0x108: {  	s30 =	rddreg [dreg:$0xb];
	[sflag:s19] =	ssyncadd.s32 $0xFFFFC180  }
0x109: {  	[tilespmem:s14], [sflag:$0x1] =	stream.indirect.gather [hbm4b:s8+s13], $0x80, s30, s13, $0xb8;
	[tilespmem:$0x1CC00] =	vst v63  }
0x10a: {  	s31 =	rddreg [dreg:$0xc]  }
0x10b: {  	[spmem:s2] =	stream.indirect.scatter.add.f32 [tilespmem:s14], [sflag:$0x4], $0x80, s31, s13, $0xb8;
	[tilespmem:$0x1CC00] =	vst v63  }
0x10c: {  	_ =	swait.ge [sflag:s11], $0x3E80  }
0x10d: {  	[sflag:s11] =	ssyncset.done $0x0  }
0x10e: {  	[sflag:s11] =	ssyncadd.s32 $0xFFFFC180  }
0x10f: {  	_ =	swait.ge [sflag:s20], $0x3E80  }
0x110: {  	[sflag:s20] =	ssyncset.done $0x0  }
0x111: {  	s30 =	rddreg [dreg:$0xd];
	[sflag:s20] =	ssyncadd.s32 $0xFFFFC180  }
0x112: {  	[tilespmem:s16], [sflag:$0x2] =	stream.indirect.gather [hbm4b:s8+s13], $0x80, s30, s13, $0xb8;
	[tilespmem:$0x1CC00] =	vst v63  }
0x113: {  	s31 =	rddreg [dreg:$0xe]  }
0x114: {  	[spmem:s2] =	stream.indirect.scatter.add.f32 [tilespmem:s16], [sflag:$0x4], $0x80, s31, s13, $0xb8;
	[tilespmem:$0x1CC00] =	vst v63  }
0x115: {  	_ =	swait.ge [sflag:s11], $0x3E80  }
0x116: {  	[sflag:s11] =	ssyncset.done $0x0  }
0x117: {  	[sflag:s11] =	ssyncadd.s32 $0xFFFFC180  }
0x118: {  	_ =	swait.ge [sflag:s19], $0x3E80  }
0x119: {  	[sflag:s19] =	ssyncset.done $0x0  }
0x11a: {  	[sflag:s19] =	ssyncadd.s32 $0xFFFFC180  }
0x11b: {  	_ =	swait.ge [sflag:s21], $0x400  }
0x11c: {  	[sflag:s21] =	ssyncset.done $0x0  }
0x11d: {  	[sflag:s21] =	ssyncadd.s32 $0xFFFFFC00  }
0x11e: {  	_ =	swait.ge [sflag:s21], $0x400  }
0x11f: {  	[sflag:s21] =	ssyncset.done $0x0  }
0x120: {  	[sflag:s21] =	ssyncadd.s32 $0xFFFFFC00  }
0x121: {  	[tilespmem:s14], [sflag:$0x1] =	stream.indirect.gather [hbm4b:s8+s13], $0x80, s17, s13, $0xb8;
	[tilespmem:$0x1CC00] =	vst v63  }
0x122: {  	s29 =	rddreg [dreg:$0xf]  }
0x123: {  	[spmem:s2] =	stream.indirect.scatter.add.f32 [tilespmem:s14], [sflag:$0x4], $0x80, s29, s13, $0xb8;
	[tilespmem:$0x1CC00] =	vst v63  }
0x124: {  	_ =	swait.ge [sflag:s11], $0x3E80  }
0x125: {  	[sflag:s11] =	ssyncset.done $0x0  }
0x126: {  	[sflag:s11] =	ssyncadd.s32 $0xFFFFC180  }
0x127: {  	_ =	swait.ge [sflag:s20], $0x3E80  }
0x128: {  	[sflag:s20] =	ssyncset.done $0x0  }
0x129: {  	s30 =	rddreg [dreg:$0x10];
	[sflag:s20] =	ssyncadd.s32 $0xFFFFC180  }
0x12a: {  	[tilespmem:s16], [sflag:$0x2] =	stream.indirect.gather [hbm4b:s8+s13], $0x80, s30, s13, $0xb8;
	[tilespmem:$0x1CC00] =	vst v63  }
0x12b: {  	s31 =	rddreg [dreg:$0x11]  }
0x12c: {  	[spmem:s2] =	stream.indirect.scatter.add.f32 [tilespmem:s16], [sflag:$0x4], $0x80, s31, s13, $0xb8;
	[tilespmem:$0x1CC00] =	vst v63  }
0x12d: {  	p1 =	seq.s32 s24, $0x400;
	_ =	swait.ge [sflag:s11], $0x3E80  }
0x12e: {  	s28 =	sadd.s32 @!p1 s24, s6;
	s24 =	sadd.s32 @!p1 s24, s7;
	[sflag:s11] =	ssyncset.done $0x0  }
0x12f: {  	s29 =	sadd.s32 @!p1 $0x100, s28;
	s28 =	simm.s32 @!p1 $0x0;
	[sflag:s11] =	ssyncadd.s32 $0xFFFFC180  }
0x130: {  	[tilespmem:s28], [sflag:$0x3] =	stream.linear.gather @!p1 [hbm4b:s29+s28], $0x400, $0x38;
	[tilespmem:$0x1CC00] =	vst v63  }
0x131: {  	s30 =	simm.s32 @!p1 $0x800;
	s29 =	sadd.s32 @!p1 $0x100, s24  }
0x132: {  	[tilespmem:s30], [sflag:$0x3] =	stream.linear.gather @!p1 [hbm4b:s29+s28], $0x400, $0x38;
	[tilespmem:$0x1CC00] =	vst v63  }
0x133: {  	_ =	swait.ge [sflag:s19], $0x3E80  }
0x134: {  	[sflag:s19] =	ssyncset.done $0x0  }
0x135: {  	s30 =	rddreg [dreg:$0x12];
	[sflag:s19] =	ssyncadd.s32 $0xFFFFC180  }
0x136: {  	[tilespmem:s14], [sflag:$0x1] =	stream.indirect.gather [hbm4b:s8+s13], $0x80, s30, s13, $0xb8;
	[tilespmem:$0x1CC00] =	vst v63  }
0x137: {  	_ = 	snop  }
0x138: {  	[spmem:s2] =	stream.indirect.scatter.add.f32 [tilespmem:s14], [sflag:$0x4], $0x80, s18, s13, $0xb8;
	[tilespmem:$0x1CC00] =	vst v63  }
0x139: {  	_ =	swait.ge [sflag:s11], $0x3E80  }
0x13a: {  	[sflag:s11] =	ssyncset.done $0x0  }
0x13b: {  	[sflag:s11] =	ssyncadd.s32 $0xFFFFC180  }
0x13c: {  	_ =	swait.ge [sflag:s20], $0x3E80  }
0x13d: {  	[sflag:s20] =	ssyncset.done $0x0  }
0x13e: {  	s31 =	rddreg [dreg:$0x13];
	[sflag:s20] =	ssyncadd.s32 $0xFFFFC180  }
0x13f: {  	[tilespmem:s16], [sflag:$0x2] =	stream.indirect.gather [hbm4b:s8+s13], $0x80, s31, s13, $0xb8;
	[tilespmem:$0x1CC00] =	vst v63  }
0x140: {  	s30 =	rddreg [dreg:$0x14]  }
0x141: {  	[spmem:s2] =	stream.indirect.scatter.add.f32 [tilespmem:s16], [sflag:$0x4], $0x80, s30, s13, $0xb8;
	[tilespmem:$0x1CC00] =	vst v63  }
0x142: {  	_ =	swait.ge [sflag:s11], $0x3E80  }
0x143: {  	[sflag:s11] =	ssyncset.done $0x0  }
0x144: {  	[sflag:s11] =	ssyncadd.s32 $0xFFFFC180  }
0x145: {  	_ =	swait.ge [sflag:s19], $0x3E80  }
0x146: {  	[sflag:s19] =	ssyncset.done $0x0  }
0x147: {  	s31 =	rddreg [dreg:$0x15];
	[sflag:s19] =	ssyncadd.s32 $0xFFFFC180  }
0x148: {  	[tilespmem:s14], [sflag:$0x1] =	stream.indirect.gather [hbm4b:s8+s13], $0x80, s31, s13, $0xb8;
	[tilespmem:$0x1CC00] =	vst v63  }
0x149: {  	s30 =	rddreg [dreg:$0x16]  }
0x14a: {  	[spmem:s2] =	stream.indirect.scatter.add.f32 [tilespmem:s14], [sflag:$0x4], $0x80, s30, s13, $0xb8;
	[tilespmem:$0x1CC00] =	vst v63  }
0x14b: {  	_ =	swait.ge [sflag:s11], $0x3E80  }
0x14c: {  	[sflag:s11] =	ssyncset.done $0x0  }
0x14d: {  	[sflag:s11] =	ssyncadd.s32 $0xFFFFC180  }
0x14e: {  	_ =	swait.ge [sflag:s20], $0x3E80  }
0x14f: {  	[sflag:s20] =	ssyncset.done $0x0  }
0x150: {  	s31 =	rddreg [dreg:$0x17];
	[sflag:s20] =	ssyncadd.s32 $0xFFFFC180  }
0x151: {  	[tilespmem:s16], [sflag:$0x2] =	stream.indirect.gather [hbm4b:s8+s13], $0x80, s31, s13, $0xb8;
	[tilespmem:$0x1CC00] =	vst v63  }
0x152: {  	s30 =	rddreg [dreg:$0x18]  }
0x153: {  	[spmem:s2] =	stream.indirect.scatter.add.f32 [tilespmem:s16], [sflag:$0x4], $0x80, s30, s13, $0xb8;
	[tilespmem:$0x1CC00] =	vst v63  }
0x154: {  	_ =	swait.ge [sflag:s11], $0x3E80  }
0x155: {  	[sflag:s11] =	ssyncset.done $0x0  }
0x156: {  	[sflag:s11] =	ssyncadd.s32 $0xFFFFC180  }
0x157: {  	_ =	swait.ge [sflag:s19], $0x3E80  }
0x158: {  	[sflag:s19] =	ssyncset.done $0x0  }
0x159: {  	s31 =	rddreg [dreg:$0x19];
	[sflag:s19] =	ssyncadd.s32 $0xFFFFC180  }
0x15a: {  	[tilespmem:s14], [sflag:$0x1] =	stream.indirect.gather [hbm4b:s8+s13], $0x80, s31, s13, $0xb8;
	[tilespmem:$0x1CC00] =	vst v63  }
0x15b: {  	s30 =	rddreg [dreg:$0x1a]  }
0x15c: {  	[spmem:s2] =	stream.indirect.scatter.add.f32 [tilespmem:s14], [sflag:$0x4], $0x80, s30, s13, $0xb8;
	[tilespmem:$0x1CC00] =	vst v63  }
0x15d: {  	_ =	swait.ge [sflag:s11], $0x3E80  }
0x15e: {  	[sflag:s11] =	ssyncset.done $0x0  }
0x15f: {  	[sflag:s11] =	ssyncadd.s32 $0xFFFFC180  }
0x160: {  	_ =	swait.ge [sflag:s20], $0x3E80  }
0x161: {  	[sflag:s20] =	ssyncset.done $0x0  }
0x162: {  	s31 =	rddreg [dreg:$0x1b];
	[sflag:s20] =	ssyncadd.s32 $0xFFFFC180  }
0x163: {  	[tilespmem:s16], [sflag:$0x2] =	stream.indirect.gather [hbm4b:s8+s13], $0x80, s31, s13, $0xb8;
	[tilespmem:$0x1CC00] =	vst v63  }
0x164: {  	s30 =	rddreg [dreg:$0x1c]  }
0x165: {  	[spmem:s2] =	stream.indirect.scatter.add.f32 [tilespmem:s16], [sflag:$0x4], $0x80, s30, s13, $0xb8;
	[tilespmem:$0x1CC00] =	vst v63  }
0x166: {  	_ =	swait.ge [sflag:s11], $0x3E80  }
0x167: {  	[sflag:s11] =	ssyncset.done $0x0  }
0x168: {  	s26 =	smov.u32 s25;
	[sflag:s11] =	ssyncadd.s32 $0xFFFFC180  }
0x169: {  	s24 =	smov.u32 s26;
	_ =	swait.ge [sflag:s19], $0x3E80  }
0x16a: {  	s26 =	simm.s32 @p1 $0x1000;
	s29 =	simm.s32 @p1 $0x4;
	[sflag:s19] =	ssyncset.done $0x0  }
0x16b: {  	s31 =	simm.s32 @p1 $0xF00;
	s30 =	simm.s32 @p1 $0x7D;
	[sflag:s19] =	ssyncadd.s32 $0xFFFFC180  }
0x16c: {  	[spmem:s2] =	stream.indirect.scatter.add.f32 @p1 [tilespmem:s26], [sflag:$0x4], $0x80, s31, s30, $0xb8;
	[tilespmem:$0x1CC00] =	vst v63  }
0x16d: {  	_ =	swait.ge @p1 [sflag:s29], $0x3E80  }
0x16e: {  	[sflag:s29] =	ssyncset.done @p1 $0x0  }
0x16f: {  	s26 =	simm.s32 @p1 $0x2;
	[sflag:s29] =	ssyncadd.s32 @p1 $0xFFFFC180  }
0x170: {  	_ =	swait.ge @p1 [sflag:s26], $0x3E80  }
0x171: {  	[sflag:s26] =	ssyncset.done @p1 $0x0  }
0x172: {  	[sflag:s26] =	ssyncadd.s32 @p1 $0xFFFFC180;
	s26 =	simm.s32 @!p1 $0x3  }
0x173: {  	_ =	swait.ge @!p1 [sflag:s26], $0x400  }
0x174: {  	[sflag:s26] =	ssyncset.done @!p1 $0x0  }
0x175: {  	[sflag:s26] =	ssyncadd.s32 @!p1 $0xFFFFFC00  }
0x176: {  	_ =	swait.ge @!p1 [sflag:s26], $0x400  }
0x177: {  	[sflag:s26] =	ssyncset.done @!p1 $0x0  }
0x178: {  	s29 =	simm.s32 @!p1 $0x1000;
	[sflag:s26] =	ssyncadd.s32 @!p1 $0xFFFFFC00;
	s26 =	simm.s32 @!p1 $0x7D  }
0x179: {  	[tilespmem:s29], [sflag:$0x1] =	stream.indirect.gather @!p1 [hbm4b:s8+s26], $0x80, s28, s26, $0xb8;
	[tilespmem:$0x1CC00] =	vst v63  }
0x17a: {  	s30 =	simm.s32 @!p1 $0x4;
	s28 =	simm.s32 @!p1 $0xF00  }
0x17b: {  	[spmem:s2] =	stream.indirect.scatter.add.f32 @!p1 [tilespmem:s29], [sflag:$0x4], $0x80, s28, s26, $0xb8;
	[tilespmem:$0x1CC00] =	vst v63  }
0x17c: {  	_ =	swait.ge @!p1 [sflag:s30], $0x3E80  }
0x17d: {  	[sflag:s30] =	ssyncset.done @!p1 $0x0  }
0x17e: {  	s28 =	simm.s32 @!p1 $0x2;
	[sflag:s30] =	ssyncadd.s32 @!p1 $0xFFFFC180  }
0x17f: {  	s25 =	sadd.s32 $0x100, s25;
	_ =	swait.ge @!p1 [sflag:s28], $0x3E80  }
0x180: {  	p0 =	sne.s32 s25, $0x500;
	[sflag:s28] =	ssyncset.done @!p1 $0x0  }
0x181: {  	s29 =	simm.s32 @!p1 $0x5000;
	[sflag:s28] =	ssyncadd.s32 @!p1 $0xFFFFC180;
	s28 =	simm.s32 @!p1 $0x80  }
0x182: {  	[tilespmem:s29], [sflag:$0x2] =	stream.indirect.gather @!p1 [hbm4b:s8+s26], $0x80, s28, s26, $0xb8;
	[tilespmem:$0x1CC00] =	vst v63  }
.Ltmp0:
0x183: {  	_ = 	snop;
	(pc) =	sbr.rel @p0 .LBB2_2-.Ltmp0, $4  }
0x184: {  	s31 =	rddreg [dreg:$0x1d]  }
0x185: {  	[spmem:s2] =	stream.indirect.scatter.add.f32 [tilespmem:s16], [sflag:$0x4], $0x80, s31, s13, $0xb8;
	[tilespmem:$0x1CC00] =	vst v63  }
0x186: {  	_ =	swait.ge [sflag:s11], $0x3E80  }
0x187: {  	[sflag:s11] =	ssyncset.done $0x0  }
0x188: {  	s25 =	sadd.s32 s24, s6  }
0x189: {  	[sflag:s11] =	ssyncadd.s32 $0xFFFFC180;
	s26 =	sadd.s32 s24, s7;
	s25 =	sadd.s32 $0x80, s25  }
0x18a: {  	[tilespmem:s17], [sflag:$0x3] =	stream.linear.gather [hbm4b:s25+s3], $0x400, $0x38;
	[tilespmem:$0x1CC00] =	vst v63  }
0x18b: {  	s28 =	sadd.s32 $0x80, s26  }
0x18c: {  	[tilespmem:s18], [sflag:$0x3] =	stream.linear.gather [hbm4b:s28+s3], $0x400, $0x38;
	[tilespmem:$0x1CC00] =	vst v63  }
0x18d: {  	_ =	swait.ge [sflag:s19], $0x3E80  }
0x18e: {  	[sflag:s19] =	ssyncset.done $0x0  }
0x18f: {  	s29 =	rddreg [dreg:$0x4];
	[sflag:s19] =	ssyncadd.s32 $0xFFFFC180  }
0x190: {  	[tilespmem:s14], [sflag:$0x1] =	stream.indirect.gather [hbm4b:s8+s13], $0x80, s29, s13, $0xb8;
	[tilespmem:$0x1CC00] =	vst v63  }
0x191: {  	_ = 	snop  }
0x192: {  	[spmem:s2] =	stream.indirect.scatter.add.f32 [tilespmem:s14], [sflag:$0x4], $0x80, s12, s13, $0xb8;
	[tilespmem:$0x1CC00] =	vst v63  }
0x193: {  	_ =	swait.ge [sflag:s11], $0x3E80  }
0x194: {  	[sflag:s11] =	ssyncset.done $0x0  }
0x195: {  	[sflag:s11] =	ssyncadd.s32 $0xFFFFC180  }
0x196: {  	_ =	swait.ge [sflag:s20], $0x3E80  }
0x197: {  	[sflag:s20] =	ssyncset.done $0x0  }
0x198: {  	s30 =	rddreg [dreg:$0x5];
	[sflag:s20] =	ssyncadd.s32 $0xFFFFC180  }
0x199: {  	[tilespmem:s16], [sflag:$0x2] =	stream.indirect.gather [hbm4b:s8+s13], $0x80, s30, s13, $0xb8;
	[tilespmem:$0x1CC00] =	vst v63  }
0x19a: {  	s31 =	rddreg [dreg:$0x6]  }
0x19b: {  	[spmem:s2] =	stream.indirect.scatter.add.f32 [tilespmem:s16], [sflag:$0x4], $0x80, s31, s13, $0xb8;
	[tilespmem:$0x1CC00] =	vst v63  }
0x19c: {  	_ =	swait.ge [sflag:s11], $0x3E80  }
0x19d: {  	[sflag:s11] =	ssyncset.done $0x0  }
0x19e: {  	[sflag:s11] =	ssyncadd.s32 $0xFFFFC180  }
0x19f: {  	_ =	swait.ge [sflag:s19], $0x3E80  }
0x1a0: {  	[sflag:s19] =	ssyncset.done $0x0  }
0x1a1: {  	s28 =	rddreg [dreg:$0x7];
	[sflag:s19] =	ssyncadd.s32 $0xFFFFC180  }
0x1a2: {  	[tilespmem:s14], [sflag:$0x1] =	stream.indirect.gather [hbm4b:s8+s13], $0x80, s28, s13, $0xb8;
	[tilespmem:$0x1CC00] =	vst v63  }
0x1a3: {  	s29 =	rddreg [dreg:$0x8]  }
0x1a4: {  	[spmem:s2] =	stream.indirect.scatter.add.f32 [tilespmem:s14], [sflag:$0x4], $0x80, s29, s13, $0xb8;
	[tilespmem:$0x1CC00] =	vst v63  }
0x1a5: {  	_ =	swait.ge [sflag:s11], $0x3E80  }
0x1a6: {  	[sflag:s11] =	ssyncset.done $0x0  }
0x1a7: {  	[sflag:s11] =	ssyncadd.s32 $0xFFFFC180  }
0x1a8: {  	_ =	swait.ge [sflag:s20], $0x3E80  }
0x1a9: {  	[sflag:s20] =	ssyncset.done $0x0  }
0x1aa: {  	s30 =	rddreg [dreg:$0x9];
	[sflag:s20] =	ssyncadd.s32 $0xFFFFC180  }
0x1ab: {  	[tilespmem:s16], [sflag:$0x2] =	stream.indirect.gather [hbm4b:s8+s13], $0x80, s30, s13, $0xb8;
	[tilespmem:$0x1CC00] =	vst v63  }
0x1ac: {  	s31 =	rddreg [dreg:$0xa]  }
0x1ad: {  	[spmem:s2] =	stream.indirect.scatter.add.f32 [tilespmem:s16], [sflag:$0x4], $0x80, s31, s13, $0xb8;
	[tilespmem:$0x1CC00] =	vst v63  }
0x1ae: {  	_ =	swait.ge [sflag:s11], $0x3E80  }
0x1af: {  	[sflag:s11] =	ssyncset.done $0x0  }
0x1b0: {  	[sflag:s11] =	ssyncadd.s32 $0xFFFFC180  }
0x1b1: {  	_ =	swait.ge [sflag:s19], $0x3E80  }
0x1b2: {  	[sflag:s19] =	ssyncset.done $0x0  }
0x1b3: {  	s26 =	rddreg [dreg:$0xb];
	[sflag:s19] =	ssyncadd.s32 $0xFFFFC180  }
0x1b4: {  	[tilespmem:s14], [sflag:$0x1] =	stream.indirect.gather [hbm4b:s8+s13], $0x80, s26, s13, $0xb8;
	[tilespmem:$0x1CC00] =	vst v63  }
0x1b5: {  	s28 =	rddreg [dreg:$0xc]  }
0x1b6: {  	[spmem:s2] =	stream.indirect.scatter.add.f32 [tilespmem:s14], [sflag:$0x4], $0x80, s28, s13, $0xb8;
	[tilespmem:$0x1CC00] =	vst v63  }
0x1b7: {  	_ =	swait.ge [sflag:s11], $0x3E80  }
0x1b8: {  	[sflag:s11] =	ssyncset.done $0x0  }
0x1b9: {  	[sflag:s11] =	ssyncadd.s32 $0xFFFFC180  }
0x1ba: {  	_ =	swait.ge [sflag:s20], $0x3E80  }
0x1bb: {  	[sflag:s20] =	ssyncset.done $0x0  }
0x1bc: {  	s29 =	rddreg [dreg:$0xd];
	[sflag:s20] =	ssyncadd.s32 $0xFFFFC180  }
0x1bd: {  	[tilespmem:s16], [sflag:$0x2] =	stream.indirect.gather [hbm4b:s8+s13], $0x80, s29, s13, $0xb8;
	[tilespmem:$0x1CC00] =	vst v63  }
0x1be: {  	s30 =	rddreg [dreg:$0xe]  }
0x1bf: {  	[spmem:s2] =	stream.indirect.scatter.add.f32 [tilespmem:s16], [sflag:$0x4], $0x80, s30, s13, $0xb8;
	[tilespmem:$0x1CC00] =	vst v63  }
0x1c0: {  	_ =	swait.ge [sflag:s11], $0x3E80  }
0x1c1: {  	[sflag:s11] =	ssyncset.done $0x0  }
0x1c2: {  	[sflag:s11] =	ssyncadd.s32 $0xFFFFC180  }
0x1c3: {  	_ =	swait.ge [sflag:s19], $0x3E80  }
0x1c4: {  	[sflag:s19] =	ssyncset.done $0x0  }
0x1c5: {  	[sflag:s19] =	ssyncadd.s32 $0xFFFFC180  }
0x1c6: {  	_ =	swait.ge [sflag:s21], $0x400  }
0x1c7: {  	[sflag:s21] =	ssyncset.done $0x0  }
0x1c8: {  	[sflag:s21] =	ssyncadd.s32 $0xFFFFFC00  }
0x1c9: {  	_ =	swait.ge [sflag:s21], $0x400  }
0x1ca: {  	[sflag:s21] =	ssyncset.done $0x0  }
0x1cb: {  	[sflag:s21] =	ssyncadd.s32 $0xFFFFFC00  }
0x1cc: {  	[tilespmem:s14], [sflag:$0x1] =	stream.indirect.gather [hbm4b:s8+s13], $0x80, s17, s13, $0xb8;
	[tilespmem:$0x1CC00] =	vst v63  }
0x1cd: {  	s31 =	rddreg [dreg:$0xf]  }
0x1ce: {  	[spmem:s2] =	stream.indirect.scatter.add.f32 [tilespmem:s14], [sflag:$0x4], $0x80, s31, s13, $0xb8;
	[tilespmem:$0x1CC00] =	vst v63  }
0x1cf: {  	_ =	swait.ge [sflag:s11], $0x3E80  }
0x1d0: {  	[sflag:s11] =	ssyncset.done $0x0  }
0x1d1: {  	[sflag:s11] =	ssyncadd.s32 $0xFFFFC180  }
0x1d2: {  	_ =	swait.ge [sflag:s20], $0x3E80  }
0x1d3: {  	[sflag:s20] =	ssyncset.done $0x0  }
0x1d4: {  	s26 =	rddreg [dreg:$0x10];
	[sflag:s20] =	ssyncadd.s32 $0xFFFFC180  }
0x1d5: {  	[tilespmem:s16], [sflag:$0x2] =	stream.indirect.gather [hbm4b:s8+s13], $0x80, s26, s13, $0xb8;
	[tilespmem:$0x1CC00] =	vst v63  }
0x1d6: {  	p0 =	seq.s32 s24, $0x400;
	s28 =	rddreg [dreg:$0x11]  }
0x1d7: {  	[spmem:s2] =	stream.indirect.scatter.add.f32 [tilespmem:s16], [sflag:$0x4], $0x80, s28, s13, $0xb8;
	[tilespmem:$0x1CC00] =	vst v63  }
0x1d8: {  	s25 =	sadd.s32 @!p0 s24, s6;
	_ =	swait.ge [sflag:s11], $0x3E80  }
0x1d9: {  	s25 =	sadd.s32 @!p0 $0x100, s25;
	[sflag:s11] =	ssyncset.done $0x0  }
0x1da: {  	s26 =	sadd.s32 @!p0 s24, s7;
	s24 =	simm.s32 @!p0 $0x0;
	[sflag:s11] =	ssyncadd.s32 $0xFFFFC180  }
0x1db: {  	[tilespmem:s24], [sflag:$0x3] =	stream.linear.gather @!p0 [hbm4b:s25+s24], $0x400, $0x38;
	[tilespmem:$0x1CC00] =	vst v63  }
0x1dc: {  	s25 =	sadd.s32 @!p0 $0x100, s26;
	s26 =	simm.s32 @!p0 $0x800  }
0x1dd: {  	[tilespmem:s26], [sflag:$0x3] =	stream.linear.gather @!p0 [hbm4b:s25+s24], $0x400, $0x38;
	[tilespmem:$0x1CC00] =	vst v63  }
0x1de: {  	_ =	swait.ge [sflag:s19], $0x3E80  }
0x1df: {  	[sflag:s19] =	ssyncset.done $0x0  }
0x1e0: {  	s29 =	rddreg [dreg:$0x12];
	[sflag:s19] =	ssyncadd.s32 $0xFFFFC180  }
0x1e1: {  	[tilespmem:s14], [sflag:$0x1] =	stream.indirect.gather [hbm4b:s8+s13], $0x80, s29, s13, $0xb8;
	[tilespmem:$0x1CC00] =	vst v63  }
0x1e2: {  	_ = 	snop  }
0x1e3: {  	[spmem:s2] =	stream.indirect.scatter.add.f32 [tilespmem:s14], [sflag:$0x4], $0x80, s18, s13, $0xb8;
	[tilespmem:$0x1CC00] =	vst v63  }
0x1e4: {  	_ =	swait.ge [sflag:s11], $0x3E80  }
0x1e5: {  	[sflag:s11] =	ssyncset.done $0x0  }
0x1e6: {  	[sflag:s11] =	ssyncadd.s32 $0xFFFFC180  }
0x1e7: {  	_ =	swait.ge [sflag:s20], $0x3E80  }
0x1e8: {  	[sflag:s20] =	ssyncset.done $0x0  }
0x1e9: {  	s30 =	rddreg [dreg:$0x13];
	[sflag:s20] =	ssyncadd.s32 $0xFFFFC180  }
0x1ea: {  	[tilespmem:s16], [sflag:$0x2] =	stream.indirect.gather [hbm4b:s8+s13], $0x80, s30, s13, $0xb8;
	[tilespmem:$0x1CC00] =	vst v63  }
0x1eb: {  	s31 =	rddreg [dreg:$0x14]  }
0x1ec: {  	[spmem:s2] =	stream.indirect.scatter.add.f32 [tilespmem:s16], [sflag:$0x4], $0x80, s31, s13, $0xb8;
	[tilespmem:$0x1CC00] =	vst v63  }
0x1ed: {  	_ =	swait.ge [sflag:s11], $0x3E80  }
0x1ee: {  	[sflag:s11] =	ssyncset.done $0x0  }
0x1ef: {  	[sflag:s11] =	ssyncadd.s32 $0xFFFFC180  }
0x1f0: {  	_ =	swait.ge [sflag:s19], $0x3E80  }
0x1f1: {  	[sflag:s19] =	ssyncset.done $0x0  }
0x1f2: {  	s28 =	rddreg [dreg:$0x15];
	[sflag:s19] =	ssyncadd.s32 $0xFFFFC180  }
0x1f3: {  	[tilespmem:s14], [sflag:$0x1] =	stream.indirect.gather [hbm4b:s8+s13], $0x80, s28, s13, $0xb8;
	[tilespmem:$0x1CC00] =	vst v63  }
0x1f4: {  	s29 =	rddreg [dreg:$0x16]  }
0x1f5: {  	[spmem:s2] =	stream.indirect.scatter.add.f32 [tilespmem:s14], [sflag:$0x4], $0x80, s29, s13, $0xb8;
	[tilespmem:$0x1CC00] =	vst v63  }
0x1f6: {  	_ =	swait.ge [sflag:s11], $0x3E80  }
0x1f7: {  	[sflag:s11] =	ssyncset.done $0x0  }
0x1f8: {  	[sflag:s11] =	ssyncadd.s32 $0xFFFFC180  }
0x1f9: {  	_ =	swait.ge [sflag:s20], $0x3E80  }
0x1fa: {  	[sflag:s20] =	ssyncset.done $0x0  }
0x1fb: {  	s30 =	rddreg [dreg:$0x17];
	[sflag:s20] =	ssyncadd.s32 $0xFFFFC180  }
0x1fc: {  	[tilespmem:s16], [sflag:$0x2] =	stream.indirect.gather [hbm4b:s8+s13], $0x80, s30, s13, $0xb8;
	[tilespmem:$0x1CC00] =	vst v63  }
0x1fd: {  	s31 =	rddreg [dreg:$0x18]  }
0x1fe: {  	[spmem:s2] =	stream.indirect.scatter.add.f32 [tilespmem:s16], [sflag:$0x4], $0x80, s31, s13, $0xb8;
	[tilespmem:$0x1CC00] =	vst v63  }
0x1ff: {  	_ =	swait.ge [sflag:s11], $0x3E80  }
0x200: {  	[sflag:s11] =	ssyncset.done $0x0  }
0x201: {  	[sflag:s11] =	ssyncadd.s32 $0xFFFFC180  }
0x202: {  	_ =	swait.ge [sflag:s19], $0x3E80  }
0x203: {  	[sflag:s19] =	ssyncset.done $0x0  }
0x204: {  	s26 =	rddreg [dreg:$0x19];
	[sflag:s19] =	ssyncadd.s32 $0xFFFFC180  }
0x205: {  	[tilespmem:s14], [sflag:$0x1] =	stream.indirect.gather [hbm4b:s8+s13], $0x80, s26, s13, $0xb8;
	[tilespmem:$0x1CC00] =	vst v63  }
0x206: {  	s28 =	rddreg [dreg:$0x1a]  }
0x207: {  	[spmem:s2] =	stream.indirect.scatter.add.f32 [tilespmem:s14], [sflag:$0x4], $0x80, s28, s13, $0xb8;
	[tilespmem:$0x1CC00] =	vst v63  }
0x208: {  	_ =	swait.ge [sflag:s11], $0x3E80  }
0x209: {  	[sflag:s11] =	ssyncset.done $0x0  }
0x20a: {  	[sflag:s11] =	ssyncadd.s32 $0xFFFFC180  }
0x20b: {  	_ =	swait.ge [sflag:s20], $0x3E80  }
0x20c: {  	[sflag:s20] =	ssyncset.done $0x0  }
0x20d: {  	s29 =	rddreg [dreg:$0x1b];
	[sflag:s20] =	ssyncadd.s32 $0xFFFFC180  }
0x20e: {  	[tilespmem:s16], [sflag:$0x2] =	stream.indirect.gather [hbm4b:s8+s13], $0x80, s29, s13, $0xb8;
	[tilespmem:$0x1CC00] =	vst v63  }
0x20f: {  	s30 =	rddreg [dreg:$0x1c]  }
0x210: {  	[spmem:s2] =	stream.indirect.scatter.add.f32 [tilespmem:s16], [sflag:$0x4], $0x80, s30, s13, $0xb8;
	[tilespmem:$0x1CC00] =	vst v63  }
0x211: {  	_ =	swait.ge [sflag:s11], $0x3E80  }
0x212: {  	[sflag:s11] =	ssyncset.done $0x0  }
0x213: {  	[sflag:s11] =	ssyncadd.s32 $0xFFFFC180  }
0x214: {  	_ =	swait.ge [sflag:s19], $0x3E80  }
0x215: {  	s25 =	simm.s32 @p0 $0x1000;
	s26 =	simm.s32 @p0 $0x4;
	[sflag:s19] =	ssyncset.done $0x0  }
0x216: {  	s28 =	simm.s32 @p0 $0x7D;
	s29 =	simm.s32 @p0 $0xF00;
	[sflag:s19] =	ssyncadd.s32 $0xFFFFC180  }
0x217: {  	[spmem:s2] =	stream.indirect.scatter.add.f32 @p0 [tilespmem:s25], [sflag:$0x4], $0x80, s29, s28, $0xb8;
	[tilespmem:$0x1CC00] =	vst v63  }
0x218: {  	_ =	swait.ge @p0 [sflag:s26], $0x3E80  }
0x219: {  	[sflag:s26] =	ssyncset.done @p0 $0x0  }
0x21a: {  	s25 =	simm.s32 @p0 $0x2;
	[sflag:s26] =	ssyncadd.s32 @p0 $0xFFFFC180  }
0x21b: {  	_ =	swait.ge @p0 [sflag:s25], $0x3E80  }
0x21c: {  	[sflag:s25] =	ssyncset.done @p0 $0x0  }
0x21d: {  	[sflag:s25] =	ssyncadd.s32 @p0 $0xFFFFC180;
	s25 =	simm.s32 @!p0 $0x3  }
0x21e: {  	_ =	swait.ge @!p0 [sflag:s25], $0x400  }
0x21f: {  	[sflag:s25] =	ssyncset.done @!p0 $0x0  }
0x220: {  	[sflag:s25] =	ssyncadd.s32 @!p0 $0xFFFFFC00  }
0x221: {  	_ =	swait.ge @!p0 [sflag:s25], $0x400  }
0x222: {  	[sflag:s25] =	ssyncset.done @!p0 $0x0  }
0x223: {  	s26 =	simm.s32 @!p0 $0x1000;
	[sflag:s25] =	ssyncadd.s32 @!p0 $0xFFFFFC00;
	s25 =	simm.s32 @!p0 $0x7D  }
0x224: {  	[tilespmem:s26], [sflag:$0x1] =	stream.indirect.gather @!p0 [hbm4b:s8+s25], $0x80, s24, s25, $0xb8;
	[tilespmem:$0x1CC00] =	vst v63  }
0x225: {  	s28 =	simm.s32 @!p0 $0x4;
	s24 =	simm.s32 @!p0 $0xF00  }
0x226: {  	[spmem:s2] =	stream.indirect.scatter.add.f32 @!p0 [tilespmem:s26], [sflag:$0x4], $0x80, s24, s25, $0xb8;
	[tilespmem:$0x1CC00] =	vst v63  }
0x227: {  	_ =	swait.ge @!p0 [sflag:s28], $0x3E80  }
0x228: {  	[sflag:s28] =	ssyncset.done @!p0 $0x0  }
0x229: {  	s24 =	simm.s32 @!p0 $0x2;
	[sflag:s28] =	ssyncadd.s32 @!p0 $0xFFFFC180  }
0x22a: {  	_ =	swait.ge @!p0 [sflag:s24], $0x3E80  }
0x22b: {  	[sflag:s24] =	ssyncset.done @!p0 $0x0  }
0x22c: {  	s26 =	simm.s32 @!p0 $0x5000;
	[sflag:s24] =	ssyncadd.s32 @!p0 $0xFFFFC180;
	s24 =	simm.s32 @!p0 $0x80  }
0x22d: {  	[tilespmem:s26], [sflag:$0x2] =	stream.indirect.gather @!p0 [hbm4b:s8+s25], $0x80, s24, s25, $0xb8;
	[tilespmem:$0x1CC00] =	vst v63  }
0x22e: {  	s31 =	rddreg [dreg:$0x1d]  }
0x22f: {  	[spmem:s2] =	stream.indirect.scatter.add.f32 [tilespmem:s16], [sflag:$0x4], $0x80, s31, s13, $0xb8;
	[tilespmem:$0x1CC00] =	vst v63  }
0x230: {  	_ =	swait.ge [sflag:s11], $0x3E80  }
0x231: {  	s23 =	sadd.s32 $0x1, s23;
	[sflag:s11] =	ssyncset.done $0x0  }
0x232: {  	p0 =	sne.s32 s23, s9;
	[sflag:s11] =	ssyncadd.s32 $0xFFFFC180  }
.Ltmp1:
0x233: {  	[bflag:$0x0] =	sbarrier.arrive $0xFFFF;
	(pc) =	sbr.rel @p0 .LBB2_1-.Ltmp1, $4  }
0x234: {  	[hbm:s22], [sflag:s5] =	dma.local [spmem:s10], $0x2780  }
0x235: {  	_ =	swait.ge [sflag:s11], $0x2780  }
0x236: {  	[sflag:s11] =	ssyncset.done $0x0  }
0x237: {  	[sflag:s11] =	ssyncadd.s32 $0xFFFFD880  }
0x238: {  	_ =	sfence.sel $0x180000  }
0x239: {  	[bflag:$0x0] =	sbarrier.arrive $0xFFFF  }
0x23a: {  	p0 =	sne.s32 s1, $0x0;
	_ =	strace $0x9000004A  }
0x23b: {  	s0 =	sadd.s32 @!p0 $0x100000, s0;
	[bflag:$0x2] =	sbarrier.arrive $0xFFFF  }
0x23c: {  	[sflag:s0] =	ssyncadd.tile.s32 @!p0 $0x1;
	_ =	shalt  }
.Lfunc_end2:
_tile_overlayer_lowered:
.L_overlay_start_2:
0x23d: {  	(tag) =	ssettag $0x2  }
0x23e: {  	s0 =	rddreg [dreg:$0x0];
	s2 =	stileid.u32  }
0x23f: {  	s1 =	rddreg [dreg:$0x1];
	p0 =	sne.s32 s2, $0x0  }
0x240: {  	s3 =	rddreg [dreg:$0x2];
	[bflag:$0x3] =	sbarrier.arrive $0xFFFF;
	s2 =	simm.s32 @!p0 $0x1C04  }
0x241: {  	[timem:s3], [sflag:s2] =	dma.local @!p0 [hbm:s0], s1  }
0x242: {  	s0 =	simm.s32 @!p0 $0x4  }
0x243: {  	_ =	swait.ge @!p0 [sflag:s0], s1  }
0x244: {  	s1 =	ssub.s32 @!p0 $0x0, s1;
	[sflag:s0] =	ssyncset.done @!p0 $0x0  }
0x245: {  	[sflag:s0] =	ssyncadd.s32 @!p0 s1  }
0x246: {  	[bflag:$0x3] =	sbarrier.arrive $0xFFFF  }
0x247: {  	_ =	shalt  }

// kernel: kernel.9.cloned.1.call-start
scs
__scs_entry_jumppad:
0x0: {  	(pc) =	sbr.rel $0x88, $3  }
0x1: {  	(tag) =	ssettag $0x0;
	lr =	simm.s32 $0x1  }
0x2: {  	[smem:$0x3F89] =	sst lr;
	_ =	strace $0xD0000000  }
0x3: {  	_ = 	snop  }
0x4: {  	_ = 	snop  }
0x5: {  	_ = 	snop  }
0x6: {  	_ = 	snop  }
0x7: {  	_ = 	snop  }
__scs_overlays_trampoline_lowered:
0x8: {  	[smem:$0x3F98] =	sst s0  }
0x9: {  	[smem:$0x3F99] =	sst s1  }
0xa: {  	[smem:$0x3F9A] =	sst s2  }
0xb: {  	[smem:$0x3F9B] =	sst s3  }
0xc: {  	[smem:$0x3F9C] =	sst s4  }
0xd: {  	[smem:$0x3F9D] =	sst s5  }
0xe: {  	[smem:$0x3F9E] =	sst s6  }
0xf: {  	[smem:$0x3F9F] =	sst s7  }
0x10: {  	[smem:$0x3FA0] =	sst s8  }
0x11: {  	[smem:$0x3FA1] =	sst s9;
	s0 =	simm.s32 @!p0 $0x0  }
0x12: {  	s1 =	sld [smem:$0x3F87];
	s0 =	simm.s32 @p0 $0x1  }
0x13: {  	[smem:$0x3FA2] =	sst s0;
	s0 =	simm.s32 @!p1 $0x0  }
0x14: {  	s2 =	sld [smem:$0x3F86];
	s0 =	simm.s32 @p1 $0x1  }
0x15: {  	[smem:$0x3FA3] =	sst s0;
	s0 =	simm.s32 @!p2 $0x0  }
0x16: {  	s3 =	sld [smem:$0x3FDB];
	s0 =	simm.s32 @p2 $0x1  }
0x17: {  	s4 =	simm.s32 $0x1BF5;
	[smem:$0x3FA5] =	sst s0  }
0x18: {  	s0 =	sld [smem:$0x3F88];
	_ =	swait.ge [sflag:s4], $0x0  }
0x19: {  	s7 =	sld [smem:$0x3F89]  }
0x1a: {  	s8 =	sadd.s32 $0xFFFFE003, lr  }
0x1b: {  	s9 =	sadd.s32 $0xFFFFFEF7, lr;
	s5 =	simm.s32 $0xFFFFFFFF;
	p2 =	slt.u32 s8, $0xFFFFF086  }
0x1c: {  	p1 =	slt.u32 s9, $0xF7A;
	s5 =	simm.s32 @!p2 $0x0  }
0x1d: {  	s5 =	simm.s32 @p1 $0x1;
	p0 =	seq.s32 s7, s2  }
0x1e: {  	s7 =	smul.u32 @!p0 $0xF7A, s2;
	p2 =	seq.s32 @!p0 s5, $0x0  }
0x1f: {  	s9 =	smul.u32 $0xF7A, s1;
	s8 =	simm.s32 @!p0 $0x1BF5;
	p2 =	por !p2, p0  }
0x20: {  	[sflag:s8] =	ssyncset.s32 @!p0 $0xFFFFF086;
	s6 =	sadd.s32 @!p0 s3, s7;
	s7 =	simm.s32 @!p0 $0x108  }
0x21: {  	s3 =	sadd.s32 s3, s9;
	s6 =	sadd.s32 @!p0 $0x88, s6;
	s7 =	simm.s32 @p2 $0x1082  }
0x22: {  	[simem:s7], [sflag:s8] =	dma.local @!p0 [hbm:s6], $0xF7A  }
0x23: {  	s9 =	sor.u32 $0xD0000000, s2;
	s6 =	simm.s32 $0x108;
	_ =	swait.ge @!p0 [sflag:s8], $0x0  }
0x24: {  	s3 =	sadd.s32 $0x88, s3;
	s6 =	simm.s32 @!p1 $0x1082;
	[sflag:s4] =	ssyncset.s32 $0xFFFFF086  }
0x25: {  	[simem:s6], [sflag:s4] =	dma.local [hbm:s3], $0xF7A  }
0x26: {  	[smem:$0x3F89] =	sst s1;
	(tag) =	ssettag s2;
	_ =	strace s9  }
0x27: {  	s1 =	sld [smem:$0x3F99]  }
0x28: {  	s2 =	sld [smem:$0x3F9A]  }
0x29: {  	s4 =	sld [smem:$0x3F9C]  }
0x2a: {  	p0 =	seq.s32 s5, $0x0;
	s5 =	sld [smem:$0x3F9D]  }
0x2b: {  	s6 =	sld [smem:$0x3F9E]  }
0x2c: {  	s7 =	sld [smem:$0x3F9F]  }
0x2d: {  	s3 =	simm.s32 $0x108;
	s8 =	sld [smem:$0x3FA0]  }
0x2e: {  	s3 =	simm.s32 @!p0 $0x1082;
	s9 =	sld [smem:$0x3FA1]  }
0x2f: {  	lr =	sadd.s32 s0, s3;
	s0 =	sld [smem:$0x3F98]  }
0x30: {  	s3 =	sld [smem:$0x3F9B]  }
0x31: {  	[smem:$0x3FA4] =	sst s10  }
0x32: {  	s10 =	sld [smem:$0x3FA2];
	_ =	sdelay $0x3  }
0x33: {  	p0 =	seq.s32 s10, $0x1;
	s10 =	sld [smem:$0x3FA4];
	_ =	sdelay $0x3  }
0x34: {  	[smem:$0x3FA4] =	sst s10  }
0x35: {  	s10 =	sld [smem:$0x3FA3];
	_ =	sdelay $0x3  }
0x36: {  	p1 =	seq.s32 s10, $0x1;
	s10 =	sld [smem:$0x3FA4];
	_ =	sdelay $0x3  }
0x37: {  	[smem:$0x3FA4] =	sst s10  }
0x38: {  	s10 =	sld [smem:$0x3FA5]  }
0x39: {  	_ = 	snop;
	(pc) =	sbr.ind lr, $3  }
0x3a: {  	_ = 	snop  }
0x3b: {  	_ = 	snop  }
0x3c: {  	p2 =	seq.s32 s10, $0x1;
	s10 =	sld [smem:$0x3FA4]  }
0x3d: {  	_ =	shalt  }
0x3e: {  	_ =	shalt  }
0x3f: {  	_ =	shalt  }
0x40: {  	_ =	shalt  }
0x41: {  	_ =	shalt  }
0x42: {  	_ =	shalt  }
0x43: {  	_ =	shalt  }
0x44: {  	_ =	shalt  }
0x45: {  	_ =	shalt  }
0x46: {  	_ =	shalt  }
0x47: {  	_ =	shalt  }
0x48: {  	_ =	shalt  }
0x49: {  	_ =	shalt  }
0x4a: {  	_ =	shalt  }
0x4b: {  	_ =	shalt  }
0x4c: {  	_ =	shalt  }
0x4d: {  	_ =	shalt  }
0x4e: {  	_ =	shalt  }
0x4f: {  	_ =	shalt  }
0x50: {  	_ =	shalt  }
0x51: {  	_ =	shalt  }
0x52: {  	_ =	shalt  }
0x53: {  	_ =	shalt  }
0x54: {  	_ =	shalt  }
0x55: {  	_ =	shalt  }
0x56: {  	_ =	shalt  }
0x57: {  	_ =	shalt  }
0x58: {  	_ =	shalt  }
0x59: {  	_ =	shalt  }
0x5a: {  	_ =	shalt  }
0x5b: {  	_ =	shalt  }
0x5c: {  	_ =	shalt  }
0x5d: {  	_ =	shalt  }
0x5e: {  	_ =	shalt  }
0x5f: {  	_ =	shalt  }
0x60: {  	_ =	shalt  }
0x61: {  	_ =	shalt  }
0x62: {  	_ =	shalt  }
0x63: {  	_ =	shalt  }
0x64: {  	_ =	shalt  }
0x65: {  	_ =	shalt  }
0x66: {  	_ =	shalt  }
0x67: {  	_ =	shalt  }
0x68: {  	_ =	shalt  }
0x69: {  	_ =	shalt  }
0x6a: {  	_ =	shalt  }
0x6b: {  	_ =	shalt  }
0x6c: {  	_ =	shalt  }
0x6d: {  	_ =	shalt  }
0x6e: {  	_ =	shalt  }
0x6f: {  	_ =	shalt  }
0x70: {  	_ =	shalt  }
0x71: {  	_ =	shalt  }
0x72: {  	_ =	shalt  }
0x73: {  	_ =	shalt  }
0x74: {  	_ =	shalt  }
0x75: {  	_ =	shalt  }
0x76: {  	_ =	shalt  }
0x77: {  	_ =	shalt  }
0x78: {  	_ =	shalt  }
0x79: {  	_ =	shalt  }
0x7a: {  	_ =	shalt  }
0x7b: {  	_ =	shalt  }
0x7c: {  	_ =	shalt  }
0x7d: {  	_ =	shalt  }
0x7e: {  	_ =	shalt  }
0x7f: {  	_ =	shalt  }
0x80: {  	_ =	shalt  }
0x81: {  	_ =	shalt  }
0x82: {  	_ =	shalt  }
0x83: {  	_ =	shalt  }
0x84: {  	_ =	shalt  }
0x85: {  	_ =	shalt  }
0x86: {  	_ =	shalt  }
0x87: {  	_ =	shalt  }
.Lfunc_end0:
.L_simem_size_0:
called_computation_lowered:
.L_overlay_start_0:
0x88: {  	s2 =	sld [smem:$0x3FD9]  }
0x89: {  	s3 =	sld [smem:$0x3FFE];
	_ =	sdelay $0x1  }
0x8a: {  	s1 =	srdreg.scid  }
0x8b: {  	s0 =	sand.u32 $0x1, s1  }
0x8c: {  	s17 =	sshll.u32 s0, $0xA;
	s2 =	sadd.s32 s3, s2  }
0x8d: {  	s2 =	sadd.s32 s2, s17  }
0x8e: {  	[smem:$0x3FB0] =	sst s2  }
0x8f: {  	_ = 	snop  }
0x90: {  	s2 =	sld [smem:$0x3FD0];
	(tm) =	ssettm $0x1  }
0x91: {  	s18 =	sld [smem:$0x3FFB];
	_ =	sdelay $0x3  }
0x92: {  	_ =	strace s18  }
0x93: {  	s3 =	sld [smem:$0x3FFC];
	_ =	sdelay $0x3  }
0x94: {  	_ =	strace s3  }
0x95: {  	s3 =	sld [smem:$0x3FFD];
	_ =	sdelay $0x3  }
0x96: {  	_ =	strace s3  }
0x97: {  	_ =	strace $0x8FFFFFFF  }
0x98: {  	s19 =	sld [smem:$0x3FDB];
	_ =	sdelay $0x1  }
0x99: {  	s4 =	simm.s32 $_scs_section_size  }
0x9a: {  	s5 =	simm.s32 $_size__tile_overlayer_lowered;
	s6 =	simm.s32 $_tile_overlayer_lowered  }
0x9b: {  	s22 =	simm.s32 $0x1BFF;
	s21 =	sshll.u32 s6, $0x1;
	s3 =	sadd.s32 s4, s19  }
0x9c: {  	s7 =	simm.s32 $0x0;
	s20 =	sshll.u32 s5, $0x1;
	s5 =	sadd.s32 s21, s3  }
0x9d: {  	[timem:s7], [sflag:s22] =	dma.local [hbm:s5], s20  }
0x9e: {  	_ =	swait.ge [sflag:s22], s20  }
0x9f: {  	s4 =	ssub.s32 $0x0, s20;
	[sflag:s22] =	ssyncset.done $0x0  }
0xa0: {  	[sflag:s22] =	ssyncadd.s32 s4;
	_ =	sdelay $0x1  }
0xa1: {  	s23 =	simm.s32 $0x1B8B  }
0xa2: {  	_ =	swait.ge [sflag:s23], $0x1  }
0xa3: {  	[sflag:s23] =	ssyncset.done $0x0  }
0xa4: {  	s25 =	simm.s32 $0x1B8E;
	s24 =	sld [smem:$0x3FFE];
	[sflag:s23] =	ssyncadd.s32 $0xFFFFFFFF  }
0xa5: {  	s26 =	simm.s32 $execute0_lowered;
	[smem:$0x3FD2] =	sst s25  }
0xa6: {  	s5 =	sshll.u32 s26, $0x1;
	_ =	strace $0x80000046;
	[dreg:$0x1] =	wrdreg $0xFFFFFFFF  }
0xa7: {  	s28 =	simm.s32 $_size_execute0_lowered;
	s3 =	sadd.s32 s3, s5;
	[dreg:$0x0] =	wrdreg $0x0  }
0xa8: {  	s5 =	sshll.u32 s28, $0x1;
	[dreg:$0x2] =	wrdreg s3  }
0xa9: {  	[dreg:$0x3] =	wrdreg s5  }
0xaa: {  	[dreg:$0x4] =	wrdreg $0xC0  }
0xab: {  	_ =	task [dreg:s7], $0x5FFFF  }
0xac: {  	[dreg:$0x1] =	wrdreg $0xFFFFFFFF  }
0xad: {  	[dreg:$0x0] =	wrdreg $0x60  }
0xae: {  	[dreg:$0x2] =	wrdreg s24  }
0xaf: {  	[dreg:$0x3] =	wrdreg s2  }
0xb0: {  	[dreg:$0x4] =	wrdreg $0x90000  }
0xb1: {  	[dreg:$0x5] =	wrdreg $0x9  }
0xb2: {  	_ =	task.clear_ibuf [dreg:s7], $0x6FFFF;
	_ =	strace $0x90000046  }
0xb3: {  	s29 =	simm.s32 $0x9;
	_ =	strace $0x80000048  }
0xb4: {  	_ =	swait.ge [sflag:s29], $0x1  }
0xb5: {  	[sflag:s29] =	ssyncadd.s32 $0xFFFFFFFF  }
0xb6: {  	_ =	strace $0x90000048  }
0xb7: {  	_ =	sfence  }
0xb8: {  	s30 =	sld [smem:$0x0];
	_ =	sdelay $0x2  }
0xb9: {  	s31 =	sshll.u32 s1, $0xD;
	s1 =	sshrl.u32 s1, $0x2  }
0xba: {  	s3 =	sand.u32 $0x4000, s31;
	s1 =	sadd.s32 s1, s30  }
0xbb: {  	s0 =	sor.u32 s3, s0;
	s1 =	sshll.u32 s1, $0x11  }
0xbc: {  	s0 =	sor.u32 s1, s0  }
0xbd: {  	s0 =	sadd.s32 $0x8F2B, s0  }
0xbe: {  	[sflag:s0] =	ssyncadd.remote.s32 $0x1  }
0xbf: {  	_ =	sfence.sel $0xFFFF  }
0xc0: {  	[dreg:$0x0] =	wrdreg $0xFFFFFFFF;
	(pc) =	sbr.abs _section_cstart, $3  }
0xc1: {  	[dreg:$0x1] =	wrdreg $0xFFFFFFFF  }
0xc2: {  	_ =	task.clear_ibuf [dreg:s7], $0x2FFFF;
	_ =	strace $0x9FFFFFFF  }
0xc3: {  	(tm) =	ssettm $0x7FFFFFFF  }
tec
execute0_lowered:
.L_overlay_start_1:
0x0: {  	(tag) =	ssettag $0x1  }
0x1: {  	s5 =	rddreg [dreg:$0x0]  }
0x2: {  	s8 =	rddreg [dreg:$0x1]  }
0x3: {  	s2 =	rddreg [dreg:$0x2]  }
0x4: {  	s0 =	rddreg [dreg:$0x3];
	s3 =	simm.s32 $0x0  }
0x5: {  	s11 =	simm.s32 $0x100;
	[smem:$0x7FF] =	sst s3  }
0x6: {  	s31 =	simm.s32 $0x180;
	_ =	strace $0x80000047;
	[dreg:$0x4] =	wrdreg s11  }
0x7: {  	s14 =	simm.s32 $0x200;
	[dreg:$0x5] =	wrdreg s31  }
0x8: {  	s1 =	stileid.u32;
	s16 =	simm.s32 $0x900;
	[dreg:$0x7] =	wrdreg s14  }
0x9: {  	s4 =	srdreg.scid;
	s18 =	simm.s32 $0x280;
	[dreg:$0x8] =	wrdreg s16  }
0xa: {  	s19 =	simm.s32 $0x980;
	s20 =	simm.s32 $0x300;
	[dreg:$0x9] =	wrdreg s18  }
0xb: {  	s21 =	simm.s32 $0xA00;
	s22 =	simm.s32 $0x380;
	[dreg:$0xa] =	wrdreg s19  }
0xc: {  	s23 =	simm.s32 $0xA80;
	s24 =	simm.s32 $0xB00;
	[dreg:$0xb] =	wrdreg s20  }
0xd: {  	s25 =	simm.s32 $0x480;
	s26 =	simm.s32 $0xB80;
	[dreg:$0xc] =	wrdreg s21  }
0xe: {  	s28 =	simm.s32 $0x500;
	s6 =	smul.u32 $0x500, s1;
	[dreg:$0xd] =	wrdreg s22  }
0xf: {  	s7 =	sand.u32 $0x1, s4;
	s4 =	sadd.s32 $0xD000, s5;
	[dreg:$0xe] =	wrdreg s23  }
0x10: {  	s12 =	smul.u32 $0x4F000, s1;
	s17 =	sshll.u32 s1, $0x6;
	[dreg:$0xf] =	wrdreg s24  }
0x11: {  	s9 =	smul.u32 $0x27800, s7;
	s29 =	ssub.s32 $0x2, s7;
	[dreg:$0x10] =	wrdreg s25  }
0x12: {  	s11 =	simm.s32 $0x880;
	s14 =	smul.u32 $0x27100, s7;
	[dreg:$0x11] =	wrdreg s26  }
0x13: {  	s23 =	smul.u32 $0x2780, s1;
	[dreg:$0x12] =	wrdreg s28;
	s16 =	simm.s32 $0xD00  }
0x14: {  	s18 =	simm.s32 $0xD80;
	s19 =	simm.s32 $0x700;
	[dreg:$0x6] =	wrdreg s11  }
0x15: {  	s20 =	simm.s32 $0xE00;
	s21 =	simm.s32 $0x780;
	[dreg:$0x16] =	wrdreg s16  }
0x16: {  	s24 =	simm.s32 $0xE80;
	s31 =	simm.s32 $0xF80;
	[dreg:$0x18] =	wrdreg s18  }
0x17: {  	s10 =	sadd.s32 s6, s5;
	s30 =	sshrl.u32 s29, $0x1;
	[dreg:$0x19] =	wrdreg s19  }
0x18: {  	s12 =	sshrl.u32 s12, $0x2;
	s11 =	simm.s32 $0x4;
	[dreg:$0x1a] =	wrdreg s20  }
0x19: {  	s16 =	simm.s32 $0x5000;
	s18 =	simm.s32 $0xC00;
	[dreg:$0x1b] =	wrdreg s21  }
0x1a: {  	s19 =	simm.s32 $0x1;
	s20 =	simm.s32 $0x2;
	[dreg:$0x1c] =	wrdreg s24  }
0x1b: {  	s21 =	simm.s32 $0x3;
	[dreg:$0x1d] =	wrdreg s31;
	s9 =	sadd.s32 s9, s5  }
0x1c: {  	s13 =	ssub.s32 s29, s30;
	s15 =	sadd.s32 s12, s2;
	s5 =	sor.u32 $0x1C04, s17  }
0x1d: {  	s6 =	sadd.s32 $0x3000, s10;
	s7 =	sadd.s32 $0x8000, s10;
	s8 =	sadd.s32 s8, s14  }
0x1e: {  	s29 =	simm.s32 $0x580;
	s12 =	simm.s32 $0x800;
	s30 =	simm.s32 $0xC80  }
0x1f: {  	s14 =	simm.s32 $0x1000;
	s17 =	simm.s32 $0x680;
	[dreg:$0x13] =	wrdreg s29  }
0x20: {  	s22 =	sadd.s32 $0xF800, s9;
	s9 =	smax.u32 s13, $0x1;
	[dreg:$0x14] =	wrdreg s30  }
0x21: {  	s10 =	sshrl.u32 s15, $0x3;
	s15 =	simm.s32 $0x600;
	[dreg:$0x17] =	wrdreg s17  }
0x22: {  	s13 =	simm.s32 $0x7D;
	s17 =	simm.s32 $0x400;
	[dreg:$0x15] =	wrdreg s15  }
0x23: {  	s15 =	simm.s32 $0x80;
	s22 =	sadd.s32 s23, s22;
	s23 =	simm.s32 $0x0  }
.LBB2_1:
0x24: {  	[spmem:s10], [sflag:s5] =	dma.local [hbm:s4], $0x2780  }
0x25: {  	_ =	swait.ge [sflag:s11], $0x2780  }
0x26: {  	[sflag:s11] =	ssyncset.done $0x0  }
0x27: {  	[sflag:s11] =	ssyncadd.s32 $0xFFFFD880  }
0x28: {  	[tilespmem:s3], [sflag:$0x4] =	stream.linear.gather [hbm4b:s6+s3], $0x400, $0x38;
	[tilespmem:$0x1CC00] =	vst v63  }
0x29: {  	_ =	swait.ge [sflag:s11], $0x400  }
0x2a: {  	[sflag:s11] =	ssyncset.done $0x0  }
0x2b: {  	[sflag:s11] =	ssyncadd.s32 $0xFFFFFC00  }
0x2c: {  	[tilespmem:s12], [sflag:$0x4] =	stream.linear.gather [hbm4b:s7+s3], $0x400, $0x38;
	[tilespmem:$0x1CC00] =	vst v63  }
0x2d: {  	_ =	swait.ge [sflag:s11], $0x400  }
0x2e: {  	[sflag:s11] =	ssyncset.done $0x0  }
0x2f: {  	[sflag:s11] =	ssyncadd.s32 $0xFFFFFC00  }
0x30: {  	[bflag:$0x0] =	sbarrier.arrive $0xFFFF  }
0x31: {  	[tilespmem:s14], [sflag:$0x1] =	stream.indirect.gather [hbm4b:s8+s13], $0x80, s3, s13, $0xb8;
	[tilespmem:$0x1CC00] =	vst v63  }
0x32: {  	s24 =	sadd.s32 $0x0, s6  }
0x33: {  	[tilespmem:s16], [sflag:$0x2] =	stream.indirect.gather [hbm4b:s8+s13], $0x80, s15, s13, $0xb8;
	[tilespmem:$0x1CC00] =	vst v63  }
0x34: {  	s25 =	sadd.s32 $0x0, s7;
	s24 =	sadd.s32 $0x80, s24  }
0x35: {  	[tilespmem:s17], [sflag:$0x3] =	stream.linear.gather [hbm4b:s24+s3], $0x400, $0x38;
	[tilespmem:$0x1CC00] =	vst v63  }
0x36: {  	s25 =	sadd.s32 $0x80, s25  }
0x37: {  	[tilespmem:s18], [sflag:$0x3] =	stream.linear.gather [hbm4b:s25+s3], $0x400, $0x38;
	[tilespmem:$0x1CC00] =	vst v63  }
0x38: {  	_ =	swait.ge [sflag:s19], $0x3E80  }
0x39: {  	[sflag:s19] =	ssyncset.done $0x0  }
0x3a: {  	s26 =	rddreg [dreg:$0x4];
	[sflag:s19] =	ssyncadd.s32 $0xFFFFC180  }
0x3b: {  	[tilespmem:s14], [sflag:$0x1] =	stream.indirect.gather [hbm4b:s8+s13], $0x80, s26, s13, $0xb8;
	[tilespmem:$0x1CC00] =	vst v63  }
0x3c: {  	_ = 	snop  }
0x3d: {  	[spmem:s2] =	stream.indirect.scatter.add.f32 [tilespmem:s14], [sflag:$0x4], $0x80, s12, s13, $0xb8;
	[tilespmem:$0x1CC00] =	vst v63  }
0x3e: {  	_ =	swait.ge [sflag:s11], $0x3E80  }
0x3f: {  	[sflag:s11] =	ssyncset.done $0x0  }
0x40: {  	[sflag:s11] =	ssyncadd.s32 $0xFFFFC180  }
0x41: {  	_ =	swait.ge [sflag:s20], $0x3E80  }
0x42: {  	[sflag:s20] =	ssyncset.done $0x0  }
0x43: {  	s28 =	rddreg [dreg:$0x5];
	[sflag:s20] =	ssyncadd.s32 $0xFFFFC180  }
0x44: {  	[tilespmem:s16], [sflag:$0x2] =	stream.indirect.gather [hbm4b:s8+s13], $0x80, s28, s13, $0xb8;
	[tilespmem:$0x1CC00] =	vst v63  }
0x45: {  	s29 =	rddreg [dreg:$0x6]  }
0x46: {  	[spmem:s2] =	stream.indirect.scatter.add.f32 [tilespmem:s16], [sflag:$0x4], $0x80, s29, s13, $0xb8;
	[tilespmem:$0x1CC00] =	vst v63  }
0x47: {  	_ =	swait.ge [sflag:s11], $0x3E80  }
0x48: {  	[sflag:s11] =	ssyncset.done $0x0  }
0x49: {  	[sflag:s11] =	ssyncadd.s32 $0xFFFFC180  }
0x4a: {  	_ =	swait.ge [sflag:s19], $0x3E80  }
0x4b: {  	[sflag:s19] =	ssyncset.done $0x0  }
0x4c: {  	s30 =	rddreg [dreg:$0x7];
	[sflag:s19] =	ssyncadd.s32 $0xFFFFC180  }
0x4d: {  	[tilespmem:s14], [sflag:$0x1] =	stream.indirect.gather [hbm4b:s8+s13], $0x80, s30, s13, $0xb8;
	[tilespmem:$0x1CC00] =	vst v63  }
0x4e: {  	s31 =	rddreg [dreg:$0x8]  }
0x4f: {  	[spmem:s2] =	stream.indirect.scatter.add.f32 [tilespmem:s14], [sflag:$0x4], $0x80, s31, s13, $0xb8;
	[tilespmem:$0x1CC00] =	vst v63  }
0x50: {  	_ =	swait.ge [sflag:s11], $0x3E80  }
0x51: {  	[sflag:s11] =	ssyncset.done $0x0  }
0x52: {  	[sflag:s11] =	ssyncadd.s32 $0xFFFFC180  }
0x53: {  	_ =	swait.ge [sflag:s20], $0x3E80  }
0x54: {  	[sflag:s20] =	ssyncset.done $0x0  }
0x55: {  	s25 =	rddreg [dreg:$0x9];
	[sflag:s20] =	ssyncadd.s32 $0xFFFFC180  }
0x56: {  	[tilespmem:s16], [sflag:$0x2] =	stream.indirect.gather [hbm4b:s8+s13], $0x80, s25, s13, $0xb8;
	[tilespmem:$0x1CC00] =	vst v63  }
0x57: {  	s26 =	rddreg [dreg:$0xa]  }
0x58: {  	[spmem:s2] =	stream.indirect.scatter.add.f32 [tilespmem:s16], [sflag:$0x4], $0x80, s26, s13, $0xb8;
	[tilespmem:$0x1CC00] =	vst v63  }
0x59: {  	_ =	swait.ge [sflag:s11], $0x3E80  }
0x5a: {  	[sflag:s11] =	ssyncset.done $0x0  }
0x5b: {  	[sflag:s11] =	ssyncadd.s32 $0xFFFFC180  }
0x5c: {  	_ =	swait.ge [sflag:s19], $0x3E80  }
0x5d: {  	[sflag:s19] =	ssyncset.done $0x0  }
0x5e: {  	s28 =	rddreg [dreg:$0xb];
	[sflag:s19] =	ssyncadd.s32 $0xFFFFC180  }
0x5f: {  	[tilespmem:s14], [sflag:$0x1] =	stream.indirect.gather [hbm4b:s8+s13], $0x80, s28, s13, $0xb8;
	[tilespmem:$0x1CC00] =	vst v63  }
0x60: {  	s29 =	rddreg [dreg:$0xc]  }
0x61: {  	[spmem:s2] =	stream.indirect.scatter.add.f32 [tilespmem:s14], [sflag:$0x4], $0x80, s29, s13, $0xb8;
	[tilespmem:$0x1CC00] =	vst v63  }
0x62: {  	_ =	swait.ge [sflag:s11], $0x3E80  }
0x63: {  	[sflag:s11] =	ssyncset.done $0x0  }
0x64: {  	[sflag:s11] =	ssyncadd.s32 $0xFFFFC180  }
0x65: {  	_ =	swait.ge [sflag:s20], $0x3E80  }
0x66: {  	[sflag:s20] =	ssyncset.done $0x0  }
0x67: {  	s30 =	rddreg [dreg:$0xd];
	[sflag:s20] =	ssyncadd.s32 $0xFFFFC180  }
0x68: {  	[tilespmem:s16], [sflag:$0x2] =	stream.indirect.gather [hbm4b:s8+s13], $0x80, s30, s13, $0xb8;
	[tilespmem:$0x1CC00] =	vst v63  }
0x69: {  	s31 =	rddreg [dreg:$0xe]  }
0x6a: {  	[spmem:s2] =	stream.indirect.scatter.add.f32 [tilespmem:s16], [sflag:$0x4], $0x80, s31, s13, $0xb8;
	[tilespmem:$0x1CC00] =	vst v63  }
0x6b: {  	_ =	swait.ge [sflag:s11], $0x3E80  }
0x6c: {  	[sflag:s11] =	ssyncset.done $0x0  }
0x6d: {  	[sflag:s11] =	ssyncadd.s32 $0xFFFFC180  }
0x6e: {  	_ =	swait.ge [sflag:s19], $0x3E80  }
0x6f: {  	[sflag:s19] =	ssyncset.done $0x0  }
0x70: {  	[sflag:s19] =	ssyncadd.s32 $0xFFFFC180  }
0x71: {  	_ =	swait.ge [sflag:s21], $0x400  }
0x72: {  	[sflag:s21] =	ssyncset.done $0x0  }
0x73: {  	[sflag:s21] =	ssyncadd.s32 $0xFFFFFC00  }
0x74: {  	_ =	swait.ge [sflag:s21], $0x400  }
0x75: {  	[sflag:s21] =	ssyncset.done $0x0  }
0x76: {  	[sflag:s21] =	ssyncadd.s32 $0xFFFFFC00  }
0x77: {  	[tilespmem:s14], [sflag:$0x1] =	stream.indirect.gather [hbm4b:s8+s13], $0x80, s17, s13, $0xb8;
	[tilespmem:$0x1CC00] =	vst v63  }
0x78: {  	s25 =	rddreg [dreg:$0xf]  }
0x79: {  	[spmem:s2] =	stream.indirect.scatter.add.f32 [tilespmem:s14], [sflag:$0x4], $0x80, s25, s13, $0xb8;
	[tilespmem:$0x1CC00] =	vst v63  }
0x7a: {  	_ =	swait.ge [sflag:s11], $0x3E80  }
0x7b: {  	[sflag:s11] =	ssyncset.done $0x0  }
0x7c: {  	[sflag:s11] =	ssyncadd.s32 $0xFFFFC180  }
0x7d: {  	_ =	swait.ge [sflag:s20], $0x3E80  }
0x7e: {  	[sflag:s20] =	ssyncset.done $0x0  }
0x7f: {  	s26 =	rddreg [dreg:$0x10];
	[sflag:s20] =	ssyncadd.s32 $0xFFFFC180  }
0x80: {  	[tilespmem:s16], [sflag:$0x2] =	stream.indirect.gather [hbm4b:s8+s13], $0x80, s26, s13, $0xb8;
	[tilespmem:$0x1CC00] =	vst v63  }
0x81: {  	s28 =	rddreg [dreg:$0x11]  }
0x82: {  	[spmem:s2] =	stream.indirect.scatter.add.f32 [tilespmem:s16], [sflag:$0x4], $0x80, s28, s13, $0xb8;
	[tilespmem:$0x1CC00] =	vst v63  }
0x83: {  	p0 =	por $0x0, $0x0;
	_ =	swait.ge [sflag:s11], $0x3E80  }
0x84: {  	s24 =	sadd.s32 @!p0 $0x0, s6;
	s25 =	sadd.s32 @!p0 $0x0, s7;
	[sflag:s11] =	ssyncset.done $0x0  }
0x85: {  	s26 =	sadd.s32 @!p0 $0x100, s24;
	s24 =	simm.s32 @!p0 $0x0;
	[sflag:s11] =	ssyncadd.s32 $0xFFFFC180  }
0x86: {  	[tilespmem:s24], [sflag:$0x3] =	stream.linear.gather @!p0 [hbm4b:s26+s24], $0x400, $0x38;
	[tilespmem:$0x1CC00] =	vst v63  }
0x87: {  	s25 =	sadd.s32 @!p0 $0x100, s25;
	s26 =	simm.s32 @!p0 $0x800  }
0x88: {  	[tilespmem:s26], [sflag:$0x3] =	stream.linear.gather @!p0 [hbm4b:s25+s24], $0x400, $0x38;
	[tilespmem:$0x1CC00] =	vst v63  }
0x89: {  	_ =	swait.ge [sflag:s19], $0x3E80  }
0x8a: {  	[sflag:s19] =	ssyncset.done $0x0  }
0x8b: {  	s29 =	rddreg [dreg:$0x12];
	[sflag:s19] =	ssyncadd.s32 $0xFFFFC180  }
0x8c: {  	[tilespmem:s14], [sflag:$0x1] =	stream.indirect.gather [hbm4b:s8+s13], $0x80, s29, s13, $0xb8;
	[tilespmem:$0x1CC00] =	vst v63  }
0x8d: {  	_ = 	snop  }
0x8e: {  	[spmem:s2] =	stream.indirect.scatter.add.f32 [tilespmem:s14], [sflag:$0x4], $0x80, s18, s13, $0xb8;
	[tilespmem:$0x1CC00] =	vst v63  }
0x8f: {  	_ =	swait.ge [sflag:s11], $0x3E80  }
0x90: {  	[sflag:s11] =	ssyncset.done $0x0  }
0x91: {  	[sflag:s11] =	ssyncadd.s32 $0xFFFFC180  }
0x92: {  	_ =	swait.ge [sflag:s20], $0x3E80  }
0x93: {  	[sflag:s20] =	ssyncset.done $0x0  }
0x94: {  	s30 =	rddreg [dreg:$0x13];
	[sflag:s20] =	ssyncadd.s32 $0xFFFFC180  }
0x95: {  	[tilespmem:s16], [sflag:$0x2] =	stream.indirect.gather [hbm4b:s8+s13], $0x80, s30, s13, $0xb8;
	[tilespmem:$0x1CC00] =	vst v63  }
0x96: {  	s31 =	rddreg [dreg:$0x14]  }
0x97: {  	[spmem:s2] =	stream.indirect.scatter.add.f32 [tilespmem:s16], [sflag:$0x4], $0x80, s31, s13, $0xb8;
	[tilespmem:$0x1CC00] =	vst v63  }
0x98: {  	_ =	swait.ge [sflag:s11], $0x3E80  }
0x99: {  	[sflag:s11] =	ssyncset.done $0x0  }
0x9a: {  	[sflag:s11] =	ssyncadd.s32 $0xFFFFC180  }
0x9b: {  	_ =	swait.ge [sflag:s19], $0x3E80  }
0x9c: {  	[sflag:s19] =	ssyncset.done $0x0  }
0x9d: {  	s28 =	rddreg [dreg:$0x15];
	[sflag:s19] =	ssyncadd.s32 $0xFFFFC180  }
0x9e: {  	[tilespmem:s14], [sflag:$0x1] =	stream.indirect.gather [hbm4b:s8+s13], $0x80, s28, s13, $0xb8;
	[tilespmem:$0x1CC00] =	vst v63  }
0x9f: {  	s29 =	rddreg [dreg:$0x16]  }
0xa0: {  	[spmem:s2] =	stream.indirect.scatter.add.f32 [tilespmem:s14], [sflag:$0x4], $0x80, s29, s13, $0xb8;
	[tilespmem:$0x1CC00] =	vst v63  }
0xa1: {  	_ =	swait.ge [sflag:s11], $0x3E80  }
0xa2: {  	[sflag:s11] =	ssyncset.done $0x0  }
0xa3: {  	[sflag:s11] =	ssyncadd.s32 $0xFFFFC180  }
0xa4: {  	_ =	swait.ge [sflag:s20], $0x3E80  }
0xa5: {  	[sflag:s20] =	ssyncset.done $0x0  }
0xa6: {  	s30 =	rddreg [dreg:$0x17];
	[sflag:s20] =	ssyncadd.s32 $0xFFFFC180  }
0xa7: {  	[tilespmem:s16], [sflag:$0x2] =	stream.indirect.gather [hbm4b:s8+s13], $0x80, s30, s13, $0xb8;
	[tilespmem:$0x1CC00] =	vst v63  }
0xa8: {  	s31 =	rddreg [dreg:$0x18]  }
0xa9: {  	[spmem:s2] =	stream.indirect.scatter.add.f32 [tilespmem:s16], [sflag:$0x4], $0x80, s31, s13, $0xb8;
	[tilespmem:$0x1CC00] =	vst v63  }
0xaa: {  	_ =	swait.ge [sflag:s11], $0x3E80  }
0xab: {  	[sflag:s11] =	ssyncset.done $0x0  }
0xac: {  	[sflag:s11] =	ssyncadd.s32 $0xFFFFC180  }
0xad: {  	_ =	swait.ge [sflag:s19], $0x3E80  }
0xae: {  	[sflag:s19] =	ssyncset.done $0x0  }
0xaf: {  	s26 =	rddreg [dreg:$0x19];
	[sflag:s19] =	ssyncadd.s32 $0xFFFFC180  }
0xb0: {  	[tilespmem:s14], [sflag:$0x1] =	stream.indirect.gather [hbm4b:s8+s13], $0x80, s26, s13, $0xb8;
	[tilespmem:$0x1CC00] =	vst v63  }
0xb1: {  	s28 =	rddreg [dreg:$0x1a]  }
0xb2: {  	[spmem:s2] =	stream.indirect.scatter.add.f32 [tilespmem:s14], [sflag:$0x4], $0x80, s28, s13, $0xb8;
	[tilespmem:$0x1CC00] =	vst v63  }
0xb3: {  	_ =	swait.ge [sflag:s11], $0x3E80  }
0xb4: {  	[sflag:s11] =	ssyncset.done $0x0  }
0xb5: {  	[sflag:s11] =	ssyncadd.s32 $0xFFFFC180  }
0xb6: {  	_ =	swait.ge [sflag:s20], $0x3E80  }
0xb7: {  	[sflag:s20] =	ssyncset.done $0x0  }
0xb8: {  	s29 =	rddreg [dreg:$0x1b];
	[sflag:s20] =	ssyncadd.s32 $0xFFFFC180  }
0xb9: {  	[tilespmem:s16], [sflag:$0x2] =	stream.indirect.gather [hbm4b:s8+s13], $0x80, s29, s13, $0xb8;
	[tilespmem:$0x1CC00] =	vst v63  }
0xba: {  	s30 =	rddreg [dreg:$0x1c]  }
0xbb: {  	[spmem:s2] =	stream.indirect.scatter.add.f32 [tilespmem:s16], [sflag:$0x4], $0x80, s30, s13, $0xb8;
	[tilespmem:$0x1CC00] =	vst v63  }
0xbc: {  	_ =	swait.ge [sflag:s11], $0x3E80  }
0xbd: {  	[sflag:s11] =	ssyncset.done $0x0  }
0xbe: {  	[sflag:s11] =	ssyncadd.s32 $0xFFFFC180  }
0xbf: {  	_ =	swait.ge [sflag:s19], $0x3E80  }
0xc0: {  	s25 =	simm.s32 @p0 $0x1000;
	s26 =	simm.s32 @p0 $0x4;
	[sflag:s19] =	ssyncset.done $0x0  }
0xc1: {  	s28 =	simm.s32 @p0 $0x7D;
	s29 =	simm.s32 @p0 $0xF00;
	[sflag:s19] =	ssyncadd.s32 $0xFFFFC180  }
0xc2: {  	[spmem:s2] =	stream.indirect.scatter.add.f32 @p0 [tilespmem:s25], [sflag:$0x4], $0x80, s29, s28, $0xb8;
	[tilespmem:$0x1CC00] =	vst v63  }
0xc3: {  	_ =	swait.ge @p0 [sflag:s26], $0x3E80  }
0xc4: {  	[sflag:s26] =	ssyncset.done @p0 $0x0  }
0xc5: {  	s25 =	simm.s32 @p0 $0x2;
	[sflag:s26] =	ssyncadd.s32 @p0 $0xFFFFC180  }
0xc6: {  	_ =	swait.ge @p0 [sflag:s25], $0x3E80  }
0xc7: {  	[sflag:s25] =	ssyncset.done @p0 $0x0  }
0xc8: {  	[sflag:s25] =	ssyncadd.s32 @p0 $0xFFFFC180;
	s25 =	simm.s32 @!p0 $0x3  }
0xc9: {  	_ =	swait.ge @!p0 [sflag:s25], $0x400  }
0xca: {  	[sflag:s25] =	ssyncset.done @!p0 $0x0  }
0xcb: {  	[sflag:s25] =	ssyncadd.s32 @!p0 $0xFFFFFC00  }
0xcc: {  	_ =	swait.ge @!p0 [sflag:s25], $0x400  }
0xcd: {  	[sflag:s25] =	ssyncset.done @!p0 $0x0  }
0xce: {  	s26 =	simm.s32 @!p0 $0x1000;
	[sflag:s25] =	ssyncadd.s32 @!p0 $0xFFFFFC00;
	s25 =	simm.s32 @!p0 $0x7D  }
0xcf: {  	[tilespmem:s26], [sflag:$0x1] =	stream.indirect.gather @!p0 [hbm4b:s8+s25], $0x80, s24, s25, $0xb8;
	[tilespmem:$0x1CC00] =	vst v63  }
0xd0: {  	s28 =	simm.s32 @!p0 $0x4;
	s24 =	simm.s32 @!p0 $0xF00  }
0xd1: {  	[spmem:s2] =	stream.indirect.scatter.add.f32 @!p0 [tilespmem:s26], [sflag:$0x4], $0x80, s24, s25, $0xb8;
	[tilespmem:$0x1CC00] =	vst v63  }
0xd2: {  	_ =	swait.ge @!p0 [sflag:s28], $0x3E80  }
0xd3: {  	[sflag:s28] =	ssyncset.done @!p0 $0x0  }
0xd4: {  	s24 =	simm.s32 @!p0 $0x2;
	[sflag:s28] =	ssyncadd.s32 @!p0 $0xFFFFC180  }
0xd5: {  	_ =	swait.ge @!p0 [sflag:s24], $0x3E80  }
0xd6: {  	[sflag:s24] =	ssyncset.done @!p0 $0x0  }
0xd7: {  	s26 =	simm.s32 @!p0 $0x5000;
	[sflag:s24] =	ssyncadd.s32 @!p0 $0xFFFFC180;
	s24 =	simm.s32 @!p0 $0x80  }
0xd8: {  	[tilespmem:s26], [sflag:$0x2] =	stream.indirect.gather @!p0 [hbm4b:s8+s25], $0x80, s24, s25, $0xb8;
	[tilespmem:$0x1CC00] =	vst v63  }
0xd9: {  	s31 =	rddreg [dreg:$0x1d]  }
0xda: {  	[spmem:s2] =	stream.indirect.scatter.add.f32 [tilespmem:s16], [sflag:$0x4], $0x80, s31, s13, $0xb8;
	[tilespmem:$0x1CC00] =	vst v63  }
0xdb: {  	_ =	swait.ge [sflag:s11], $0x3E80  }
0xdc: {  	s24 =	simm.s32 $0x100;
	s25 =	simm.s32 $0x200;
	[sflag:s11] =	ssyncset.done $0x0  }
.LBB2_2:
0xdd: {  	s28 =	sadd.s32 s24, s6  }
0xde: {  	[sflag:s11] =	ssyncadd.s32 $0xFFFFC180;
	s29 =	sadd.s32 s24, s7;
	s28 =	sadd.s32 $0x80, s28  }
0xdf: {  	[tilespmem:s17], [sflag:$0x3] =	stream.linear.gather [hbm4b:s28+s3], $0x400, $0x38;
	[tilespmem:$0x1CC00] =	vst v63  }
0xe0: {  	s31 =	sadd.s32 $0x80, s29  }
0xe1: {  	[tilespmem:s18], [sflag:$0x3] =	stream.linear.gather [hbm4b:s31+s3], $0x400, $0x38;
	[tilespmem:$0x1CC00] =	vst v63  }
0xe2: {  	_ =	swait.ge [sflag:s19], $0x3E80  }
0xe3: {  	[sflag:s19] =	ssyncset.done $0x0  }
0xe4: {  	s29 =	rddreg [dreg:$0x4];
	[sflag:s19] =	ssyncadd.s32 $0xFFFFC180  }
0xe5: {  	[tilespmem:s14], [sflag:$0x1] =	stream.indirect.gather [hbm4b:s8+s13], $0x80, s29, s13, $0xb8;
	[tilespmem:$0x1CC00] =	vst v63  }
0xe6: {  	_ = 	snop  }
0xe7: {  	[spmem:s2] =	stream.indirect.scatter.add.f32 [tilespmem:s14], [sflag:$0x4], $0x80, s12, s13, $0xb8;
	[tilespmem:$0x1CC00] =	vst v63  }
0xe8: {  	_ =	swait.ge [sflag:s11], $0x3E80  }
0xe9: {  	[sflag:s11] =	ssyncset.done $0x0  }
0xea: {  	[sflag:s11] =	ssyncadd.s32 $0xFFFFC180  }
0xeb: {  	_ =	swait.ge [sflag:s20], $0x3E80  }
0xec: {  	[sflag:s20] =	ssyncset.done $0x0  }
0xed: {  	s30 =	rddreg [dreg:$0x5];
	[sflag:s20] =	ssyncadd.s32 $0xFFFFC180  }
0xee: {  	[tilespmem:s16], [sflag:$0x2] =	stream.indirect.gather [hbm4b:s8+s13], $0x80, s30, s13, $0xb8;
	[tilespmem:$0x1CC00] =	vst v63  }
0xef: {  	s31 =	rddreg [dreg:$0x6]  }
0xf0: {  	[spmem:s2] =	stream.indirect.scatter.add.f32 [tilespmem:s16], [sflag:$0x4], $0x80, s31, s13, $0xb8;
	[tilespmem:$0x1CC00] =	vst v63  }
0xf1: {  	_ =	swait.ge [sflag:s11], $0x3E80  }
0xf2: {  	[sflag:s11] =	ssyncset.done $0x0  }
0xf3: {  	[sflag:s11] =	ssyncadd.s32 $0xFFFFC180  }
0xf4: {  	_ =	swait.ge [sflag:s19], $0x3E80  }
0xf5: {  	[sflag:s19] =	ssyncset.done $0x0  }
0xf6: {  	s30 =	rddreg [dreg:$0x7];
	[sflag:s19] =	ssyncadd.s32 $0xFFFFC180  }
0xf7: {  	[tilespmem:s14], [sflag:$0x1] =	stream.indirect.gather [hbm4b:s8+s13], $0x80, s30, s13, $0xb8;
	[tilespmem:$0x1CC00] =	vst v63  }
0xf8: {  	s31 =	rddreg [dreg:$0x8]  }
0xf9: {  	[spmem:s2] =	stream.indirect.scatter.add.f32 [tilespmem:s14], [sflag:$0x4], $0x80, s31, s13, $0xb8;
	[tilespmem:$0x1CC00] =	vst v63  }
0xfa: {  	_ =	swait.ge [sflag:s11], $0x3E80  }
0xfb: {  	[sflag:s11] =	ssyncset.done $0x0  }
0xfc: {  	[sflag:s11] =	ssyncadd.s32 $0xFFFFC180  }
0xfd: {  	_ =	swait.ge [sflag:s20], $0x3E80  }
0xfe: {  	[sflag:s20] =	ssyncset.done $0x0  }
0xff: {  	s30 =	rddreg [dreg:$0x9];
	[sflag:s20] =	ssyncadd.s32 $0xFFFFC180  }
0x100: {  	[tilespmem:s16], [sflag:$0x2] =	stream.indirect.gather [hbm4b:s8+s13], $0x80, s30, s13, $0xb8;
	[tilespmem:$0x1CC00] =	vst v63  }
0x101: {  	s31 =	rddreg [dreg:$0xa]  }
0x102: {  	[spmem:s2] =	stream.indirect.scatter.add.f32 [tilespmem:s16], [sflag:$0x4], $0x80, s31, s13, $0xb8;
	[tilespmem:$0x1CC00] =	vst v63  }
0x103: {  	_ =	swait.ge [sflag:s11], $0x3E80  }
0x104: {  	[sflag:s11] =	ssyncset.done $0x0  }
0x105: {  	[sflag:s11] =	ssyncadd.s32 $0xFFFFC180  }
0x106: {  	_ =	swait.ge [sflag:s19], $0x3E80  }
0x107: {  	[sflag:s19] =	ssyncset.done $0x0  }
0x108: {  	s30 =	rddreg [dreg:$0xb];
	[sflag:s19] =	ssyncadd.s32 $0xFFFFC180  }
0x109: {  	[tilespmem:s14], [sflag:$0x1] =	stream.indirect.gather [hbm4b:s8+s13], $0x80, s30, s13, $0xb8;
	[tilespmem:$0x1CC00] =	vst v63  }
0x10a: {  	s31 =	rddreg [dreg:$0xc]  }
0x10b: {  	[spmem:s2] =	stream.indirect.scatter.add.f32 [tilespmem:s14], [sflag:$0x4], $0x80, s31, s13, $0xb8;
	[tilespmem:$0x1CC00] =	vst v63  }
0x10c: {  	_ =	swait.ge [sflag:s11], $0x3E80  }
0x10d: {  	[sflag:s11] =	ssyncset.done $0x0  }
0x10e: {  	[sflag:s11] =	ssyncadd.s32 $0xFFFFC180  }
0x10f: {  	_ =	swait.ge [sflag:s20], $0x3E80  }
0x110: {  	[sflag:s20] =	ssyncset.done $0x0  }
0x111: {  	s30 =	rddreg [dreg:$0xd];
	[sflag:s20] =	ssyncadd.s32 $0xFFFFC180  }
0x112: {  	[tilespmem:s16], [sflag:$0x2] =	stream.indirect.gather [hbm4b:s8+s13], $0x80, s30, s13, $0xb8;
	[tilespmem:$0x1CC00] =	vst v63  }
0x113: {  	s31 =	rddreg [dreg:$0xe]  }
0x114: {  	[spmem:s2] =	stream.indirect.scatter.add.f32 [tilespmem:s16], [sflag:$0x4], $0x80, s31, s13, $0xb8;
	[tilespmem:$0x1CC00] =	vst v63  }
0x115: {  	_ =	swait.ge [sflag:s11], $0x3E80  }
0x116: {  	[sflag:s11] =	ssyncset.done $0x0  }
0x117: {  	[sflag:s11] =	ssyncadd.s32 $0xFFFFC180  }
0x118: {  	_ =	swait.ge [sflag:s19], $0x3E80  }
0x119: {  	[sflag:s19] =	ssyncset.done $0x0  }
0x11a: {  	[sflag:s19] =	ssyncadd.s32 $0xFFFFC180  }
0x11b: {  	_ =	swait.ge [sflag:s21], $0x400  }
0x11c: {  	[sflag:s21] =	ssyncset.done $0x0  }
0x11d: {  	[sflag:s21] =	ssyncadd.s32 $0xFFFFFC00  }
0x11e: {  	_ =	swait.ge [sflag:s21], $0x400  }
0x11f: {  	[sflag:s21] =	ssyncset.done $0x0  }
0x120: {  	[sflag:s21] =	ssyncadd.s32 $0xFFFFFC00  }
0x121: {  	[tilespmem:s14], [sflag:$0x1] =	stream.indirect.gather [hbm4b:s8+s13], $0x80, s17, s13, $0xb8;
	[tilespmem:$0x1CC00] =	vst v63  }
0x122: {  	s29 =	rddreg [dreg:$0xf]  }
0x123: {  	[spmem:s2] =	stream.indirect.scatter.add.f32 [tilespmem:s14], [sflag:$0x4], $0x80, s29, s13, $0xb8;
	[tilespmem:$0x1CC00] =	vst v63  }
0x124: {  	_ =	swait.ge [sflag:s11], $0x3E80  }
0x125: {  	[sflag:s11] =	ssyncset.done $0x0  }
0x126: {  	[sflag:s11] =	ssyncadd.s32 $0xFFFFC180  }
0x127: {  	_ =	swait.ge [sflag:s20], $0x3E80  }
0x128: {  	[sflag:s20] =	ssyncset.done $0x0  }
0x129: {  	s30 =	rddreg [dreg:$0x10];
	[sflag:s20] =	ssyncadd.s32 $0xFFFFC180  }
0x12a: {  	[tilespmem:s16], [sflag:$0x2] =	stream.indirect.gather [hbm4b:s8+s13], $0x80, s30, s13, $0xb8;
	[tilespmem:$0x1CC00] =	vst v63  }
0x12b: {  	s31 =	rddreg [dreg:$0x11]  }
0x12c: {  	[spmem:s2] =	stream.indirect.scatter.add.f32 [tilespmem:s16], [sflag:$0x4], $0x80, s31, s13, $0xb8;
	[tilespmem:$0x1CC00] =	vst v63  }
0x12d: {  	p1 =	seq.s32 s24, $0x400;
	_ =	swait.ge [sflag:s11], $0x3E80  }
0x12e: {  	s28 =	sadd.s32 @!p1 s24, s6;
	s24 =	sadd.s32 @!p1 s24, s7;
	[sflag:s11] =	ssyncset.done $0x0  }
0x12f: {  	s29 =	sadd.s32 @!p1 $0x100, s28;
	s28 =	simm.s32 @!p1 $0x0;
	[sflag:s11] =	ssyncadd.s32 $0xFFFFC180  }
0x130: {  	[tilespmem:s28], [sflag:$0x3] =	stream.linear.gather @!p1 [hbm4b:s29+s28], $0x400, $0x38;
	[tilespmem:$0x1CC00] =	vst v63  }
0x131: {  	s30 =	simm.s32 @!p1 $0x800;
	s29 =	sadd.s32 @!p1 $0x100, s24  }
0x132: {  	[tilespmem:s30], [sflag:$0x3] =	stream.linear.gather @!p1 [hbm4b:s29+s28], $0x400, $0x38;
	[tilespmem:$0x1CC00] =	vst v63  }
0x133: {  	_ =	swait.ge [sflag:s19], $0x3E80  }
0x134: {  	[sflag:s19] =	ssyncset.done $0x0  }
0x135: {  	s30 =	rddreg [dreg:$0x12];
	[sflag:s19] =	ssyncadd.s32 $0xFFFFC180  }
0x136: {  	[tilespmem:s14], [sflag:$0x1] =	stream.indirect.gather [hbm4b:s8+s13], $0x80, s30, s13, $0xb8;
	[tilespmem:$0x1CC00] =	vst v63  }
0x137: {  	_ = 	snop  }
0x138: {  	[spmem:s2] =	stream.indirect.scatter.add.f32 [tilespmem:s14], [sflag:$0x4], $0x80, s18, s13, $0xb8;
	[tilespmem:$0x1CC00] =	vst v63  }
0x139: {  	_ =	swait.ge [sflag:s11], $0x3E80  }
0x13a: {  	[sflag:s11] =	ssyncset.done $0x0  }
0x13b: {  	[sflag:s11] =	ssyncadd.s32 $0xFFFFC180  }
0x13c: {  	_ =	swait.ge [sflag:s20], $0x3E80  }
0x13d: {  	[sflag:s20] =	ssyncset.done $0x0  }
0x13e: {  	s31 =	rddreg [dreg:$0x13];
	[sflag:s20] =	ssyncadd.s32 $0xFFFFC180  }
0x13f: {  	[tilespmem:s16], [sflag:$0x2] =	stream.indirect.gather [hbm4b:s8+s13], $0x80, s31, s13, $0xb8;
	[tilespmem:$0x1CC00] =	vst v63  }
0x140: {  	s30 =	rddreg [dreg:$0x14]  }
0x141: {  	[spmem:s2] =	stream.indirect.scatter.add.f32 [tilespmem:s16], [sflag:$0x4], $0x80, s30, s13, $0xb8;
	[tilespmem:$0x1CC00] =	vst v63  }
0x142: {  	_ =	swait.ge [sflag:s11], $0x3E80  }
0x143: {  	[sflag:s11] =	ssyncset.done $0x0  }
0x144: {  	[sflag:s11] =	ssyncadd.s32 $0xFFFFC180  }
0x145: {  	_ =	swait.ge [sflag:s19], $0x3E80  }
0x146: {  	[sflag:s19] =	ssyncset.done $0x0  }
0x147: {  	s31 =	rddreg [dreg:$0x15];
	[sflag:s19] =	ssyncadd.s32 $0xFFFFC180  }
0x148: {  	[tilespmem:s14], [sflag:$0x1] =	stream.indirect.gather [hbm4b:s8+s13], $0x80, s31, s13, $0xb8;
	[tilespmem:$0x1CC00] =	vst v63  }
0x149: {  	s30 =	rddreg [dreg:$0x16]  }
0x14a: {  	[spmem:s2] =	stream.indirect.scatter.add.f32 [tilespmem:s14], [sflag:$0x4], $0x80, s30, s13, $0xb8;
	[tilespmem:$0x1CC00] =	vst v63  }
0x14b: {  	_ =	swait.ge [sflag:s11], $0x3E80  }
0x14c: {  	[sflag:s11] =	ssyncset.done $0x0  }
0x14d: {  	[sflag:s11] =	ssyncadd.s32 $0xFFFFC180  }
0x14e: {  	_ =	swait.ge [sflag:s20], $0x3E80  }
0x14f: {  	[sflag:s20] =	ssyncset.done $0x0  }
0x150: {  	s31 =	rddreg [dreg:$0x17];
	[sflag:s20] =	ssyncadd.s32 $0xFFFFC180  }
0x151: {  	[tilespmem:s16], [sflag:$0x2] =	stream.indirect.gather [hbm4b:s8+s13], $0x80, s31, s13, $0xb8;
	[tilespmem:$0x1CC00] =	vst v63  }
0x152: {  	s30 =	rddreg [dreg:$0x18]  }
0x153: {  	[spmem:s2] =	stream.indirect.scatter.add.f32 [tilespmem:s16], [sflag:$0x4], $0x80, s30, s13, $0xb8;
	[tilespmem:$0x1CC00] =	vst v63  }
0x154: {  	_ =	swait.ge [sflag:s11], $0x3E80  }
0x155: {  	[sflag:s11] =	ssyncset.done $0x0  }
0x156: {  	[sflag:s11] =	ssyncadd.s32 $0xFFFFC180  }
0x157: {  	_ =	swait.ge [sflag:s19], $0x3E80  }
0x158: {  	[sflag:s19] =	ssyncset.done $0x0  }
0x159: {  	s31 =	rddreg [dreg:$0x19];
	[sflag:s19] =	ssyncadd.s32 $0xFFFFC180  }
0x15a: {  	[tilespmem:s14], [sflag:$0x1] =	stream.indirect.gather [hbm4b:s8+s13], $0x80, s31, s13, $0xb8;
	[tilespmem:$0x1CC00] =	vst v63  }
0x15b: {  	s30 =	rddreg [dreg:$0x1a]  }
0x15c: {  	[spmem:s2] =	stream.indirect.scatter.add.f32 [tilespmem:s14], [sflag:$0x4], $0x80, s30, s13, $0xb8;
	[tilespmem:$0x1CC00] =	vst v63  }
0x15d: {  	_ =	swait.ge [sflag:s11], $0x3E80  }
0x15e: {  	[sflag:s11] =	ssyncset.done $0x0  }
0x15f: {  	[sflag:s11] =	ssyncadd.s32 $0xFFFFC180  }
0x160: {  	_ =	swait.ge [sflag:s20], $0x3E80  }
0x161: {  	[sflag:s20] =	ssyncset.done $0x0  }
0x162: {  	s31 =	rddreg [dreg:$0x1b];
	[sflag:s20] =	ssyncadd.s32 $0xFFFFC180  }
0x163: {  	[tilespmem:s16], [sflag:$0x2] =	stream.indirect.gather [hbm4b:s8+s13], $0x80, s31, s13, $0xb8;
	[tilespmem:$0x1CC00] =	vst v63  }
0x164: {  	s30 =	rddreg [dreg:$0x1c]  }
0x165: {  	[spmem:s2] =	stream.indirect.scatter.add.f32 [tilespmem:s16], [sflag:$0x4], $0x80, s30, s13, $0xb8;
	[tilespmem:$0x1CC00] =	vst v63  }
0x166: {  	_ =	swait.ge [sflag:s11], $0x3E80  }
0x167: {  	[sflag:s11] =	ssyncset.done $0x0  }
0x168: {  	s26 =	smov.u32 s25;
	[sflag:s11] =	ssyncadd.s32 $0xFFFFC180  }
0x169: {  	s24 =	smov.u32 s26;
	_ =	swait.ge [sflag:s19], $0x3E80  }
0x16a: {  	s26 =	simm.s32 @p1 $0x1000;
	s29 =	simm.s32 @p1 $0x4;
	[sflag:s19] =	ssyncset.done $0x0  }
0x16b: {  	s31 =	simm.s32 @p1 $0xF00;
	s30 =	simm.s32 @p1 $0x7D;
	[sflag:s19] =	ssyncadd.s32 $0xFFFFC180  }
0x16c: {  	[spmem:s2] =	stream.indirect.scatter.add.f32 @p1 [tilespmem:s26], [sflag:$0x4], $0x80, s31, s30, $0xb8;
	[tilespmem:$0x1CC00] =	vst v63  }
0x16d: {  	_ =	swait.ge @p1 [sflag:s29], $0x3E80  }
0x16e: {  	[sflag:s29] =	ssyncset.done @p1 $0x0  }
0x16f: {  	s26 =	simm.s32 @p1 $0x2;
	[sflag:s29] =	ssyncadd.s32 @p1 $0xFFFFC180  }
0x170: {  	_ =	swait.ge @p1 [sflag:s26], $0x3E80  }
0x171: {  	[sflag:s26] =	ssyncset.done @p1 $0x0  }
0x172: {  	[sflag:s26] =	ssyncadd.s32 @p1 $0xFFFFC180;
	s26 =	simm.s32 @!p1 $0x3  }
0x173: {  	_ =	swait.ge @!p1 [sflag:s26], $0x400  }
0x174: {  	[sflag:s26] =	ssyncset.done @!p1 $0x0  }
0x175: {  	[sflag:s26] =	ssyncadd.s32 @!p1 $0xFFFFFC00  }
0x176: {  	_ =	swait.ge @!p1 [sflag:s26], $0x400  }
0x177: {  	[sflag:s26] =	ssyncset.done @!p1 $0x0  }
0x178: {  	s29 =	simm.s32 @!p1 $0x1000;
	[sflag:s26] =	ssyncadd.s32 @!p1 $0xFFFFFC00;
	s26 =	simm.s32 @!p1 $0x7D  }
0x179: {  	[tilespmem:s29], [sflag:$0x1] =	stream.indirect.gather @!p1 [hbm4b:s8+s26], $0x80, s28, s26, $0xb8;
	[tilespmem:$0x1CC00] =	vst v63  }
0x17a: {  	s30 =	simm.s32 @!p1 $0x4;
	s28 =	simm.s32 @!p1 $0xF00  }
0x17b: {  	[spmem:s2] =	stream.indirect.scatter.add.f32 @!p1 [tilespmem:s29], [sflag:$0x4], $0x80, s28, s26, $0xb8;
	[tilespmem:$0x1CC00] =	vst v63  }
0x17c: {  	_ =	swait.ge @!p1 [sflag:s30], $0x3E80  }
0x17d: {  	[sflag:s30] =	ssyncset.done @!p1 $0x0  }
0x17e: {  	s28 =	simm.s32 @!p1 $0x2;
	[sflag:s30] =	ssyncadd.s32 @!p1 $0xFFFFC180  }
0x17f: {  	s25 =	sadd.s32 $0x100, s25;
	_ =	swait.ge @!p1 [sflag:s28], $0x3E80  }
0x180: {  	p0 =	sne.s32 s25, $0x500;
	[sflag:s28] =	ssyncset.done @!p1 $0x0  }
0x181: {  	s29 =	simm.s32 @!p1 $0x5000;
	[sflag:s28] =	ssyncadd.s32 @!p1 $0xFFFFC180;
	s28 =	simm.s32 @!p1 $0x80  }
0x182: {  	[tilespmem:s29], [sflag:$0x2] =	stream.indirect.gather @!p1 [hbm4b:s8+s26], $0x80, s28, s26, $0xb8;
	[tilespmem:$0x1CC00] =	vst v63  }
.Ltmp0:
0x183: {  	_ = 	snop;
	(pc) =	sbr.rel @p0 .LBB2_2-.Ltmp0, $4  }
0x184: {  	s31 =	rddreg [dreg:$0x1d]  }
0x185: {  	[spmem:s2] =	stream.indirect.scatter.add.f32 [tilespmem:s16], [sflag:$0x4], $0x80, s31, s13, $0xb8;
	[tilespmem:$0x1CC00] =	vst v63  }
0x186: {  	_ =	swait.ge [sflag:s11], $0x3E80  }
0x187: {  	[sflag:s11] =	ssyncset.done $0x0  }
0x188: {  	s25 =	sadd.s32 s24, s6  }
0x189: {  	[sflag:s11] =	ssyncadd.s32 $0xFFFFC180;
	s26 =	sadd.s32 s24, s7;
	s25 =	sadd.s32 $0x80, s25  }
0x18a: {  	[tilespmem:s17], [sflag:$0x3] =	stream.linear.gather [hbm4b:s25+s3], $0x400, $0x38;
	[tilespmem:$0x1CC00] =	vst v63  }
0x18b: {  	s28 =	sadd.s32 $0x80, s26  }
0x18c: {  	[tilespmem:s18], [sflag:$0x3] =	stream.linear.gather [hbm4b:s28+s3], $0x400, $0x38;
	[tilespmem:$0x1CC00] =	vst v63  }
0x18d: {  	_ =	swait.ge [sflag:s19], $0x3E80  }
0x18e: {  	[sflag:s19] =	ssyncset.done $0x0  }
0x18f: {  	s29 =	rddreg [dreg:$0x4];
	[sflag:s19] =	ssyncadd.s32 $0xFFFFC180  }
0x190: {  	[tilespmem:s14], [sflag:$0x1] =	stream.indirect.gather [hbm4b:s8+s13], $0x80, s29, s13, $0xb8;
	[tilespmem:$0x1CC00] =	vst v63  }
0x191: {  	_ = 	snop  }
0x192: {  	[spmem:s2] =	stream.indirect.scatter.add.f32 [tilespmem:s14], [sflag:$0x4], $0x80, s12, s13, $0xb8;
	[tilespmem:$0x1CC00] =	vst v63  }
0x193: {  	_ =	swait.ge [sflag:s11], $0x3E80  }
0x194: {  	[sflag:s11] =	ssyncset.done $0x0  }
0x195: {  	[sflag:s11] =	ssyncadd.s32 $0xFFFFC180  }
0x196: {  	_ =	swait.ge [sflag:s20], $0x3E80  }
0x197: {  	[sflag:s20] =	ssyncset.done $0x0  }
0x198: {  	s30 =	rddreg [dreg:$0x5];
	[sflag:s20] =	ssyncadd.s32 $0xFFFFC180  }
0x199: {  	[tilespmem:s16], [sflag:$0x2] =	stream.indirect.gather [hbm4b:s8+s13], $0x80, s30, s13, $0xb8;
	[tilespmem:$0x1CC00] =	vst v63  }
0x19a: {  	s31 =	rddreg [dreg:$0x6]  }
0x19b: {  	[spmem:s2] =	stream.indirect.scatter.add.f32 [tilespmem:s16], [sflag:$0x4], $0x80, s31, s13, $0xb8;
	[tilespmem:$0x1CC00] =	vst v63  }
0x19c: {  	_ =	swait.ge [sflag:s11], $0x3E80  }
0x19d: {  	[sflag:s11] =	ssyncset.done $0x0  }
0x19e: {  	[sflag:s11] =	ssyncadd.s32 $0xFFFFC180  }
0x19f: {  	_ =	swait.ge [sflag:s19], $0x3E80  }
0x1a0: {  	[sflag:s19] =	ssyncset.done $0x0  }
0x1a1: {  	s28 =	rddreg [dreg:$0x7];
	[sflag:s19] =	ssyncadd.s32 $0xFFFFC180  }
0x1a2: {  	[tilespmem:s14], [sflag:$0x1] =	stream.indirect.gather [hbm4b:s8+s13], $0x80, s28, s13, $0xb8;
	[tilespmem:$0x1CC00] =	vst v63  }
0x1a3: {  	s29 =	rddreg [dreg:$0x8]  }
0x1a4: {  	[spmem:s2] =	stream.indirect.scatter.add.f32 [tilespmem:s14], [sflag:$0x4], $0x80, s29, s13, $0xb8;
	[tilespmem:$0x1CC00] =	vst v63  }
0x1a5: {  	_ =	swait.ge [sflag:s11], $0x3E80  }
0x1a6: {  	[sflag:s11] =	ssyncset.done $0x0  }
0x1a7: {  	[sflag:s11] =	ssyncadd.s32 $0xFFFFC180  }
0x1a8: {  	_ =	swait.ge [sflag:s20], $0x3E80  }
0x1a9: {  	[sflag:s20] =	ssyncset.done $0x0  }
0x1aa: {  	s30 =	rddreg [dreg:$0x9];
	[sflag:s20] =	ssyncadd.s32 $0xFFFFC180  }
0x1ab: {  	[tilespmem:s16], [sflag:$0x2] =	stream.indirect.gather [hbm4b:s8+s13], $0x80, s30, s13, $0xb8;
	[tilespmem:$0x1CC00] =	vst v63  }
0x1ac: {  	s31 =	rddreg [dreg:$0xa]  }
0x1ad: {  	[spmem:s2] =	stream.indirect.scatter.add.f32 [tilespmem:s16], [sflag:$0x4], $0x80, s31, s13, $0xb8;
	[tilespmem:$0x1CC00] =	vst v63  }
0x1ae: {  	_ =	swait.ge [sflag:s11], $0x3E80  }
0x1af: {  	[sflag:s11] =	ssyncset.done $0x0  }
0x1b0: {  	[sflag:s11] =	ssyncadd.s32 $0xFFFFC180  }
0x1b1: {  	_ =	swait.ge [sflag:s19], $0x3E80  }
0x1b2: {  	[sflag:s19] =	ssyncset.done $0x0  }
0x1b3: {  	s26 =	rddreg [dreg:$0xb];
	[sflag:s19] =	ssyncadd.s32 $0xFFFFC180  }
0x1b4: {  	[tilespmem:s14], [sflag:$0x1] =	stream.indirect.gather [hbm4b:s8+s13], $0x80, s26, s13, $0xb8;
	[tilespmem:$0x1CC00] =	vst v63  }
0x1b5: {  	s28 =	rddreg [dreg:$0xc]  }
0x1b6: {  	[spmem:s2] =	stream.indirect.scatter.add.f32 [tilespmem:s14], [sflag:$0x4], $0x80, s28, s13, $0xb8;
	[tilespmem:$0x1CC00] =	vst v63  }
0x1b7: {  	_ =	swait.ge [sflag:s11], $0x3E80  }
0x1b8: {  	[sflag:s11] =	ssyncset.done $0x0  }
0x1b9: {  	[sflag:s11] =	ssyncadd.s32 $0xFFFFC180  }
0x1ba: {  	_ =	swait.ge [sflag:s20], $0x3E80  }
0x1bb: {  	[sflag:s20] =	ssyncset.done $0x0  }
0x1bc: {  	s29 =	rddreg [dreg:$0xd];
	[sflag:s20] =	ssyncadd.s32 $0xFFFFC180  }
0x1bd: {  	[tilespmem:s16], [sflag:$0x2] =	stream.indirect.gather [hbm4b:s8+s13], $0x80, s29, s13, $0xb8;
	[tilespmem:$0x1CC00] =	vst v63  }
0x1be: {  	s30 =	rddreg [dreg:$0xe]  }
0x1bf: {  	[spmem:s2] =	stream.indirect.scatter.add.f32 [tilespmem:s16], [sflag:$0x4], $0x80, s30, s13, $0xb8;
	[tilespmem:$0x1CC00] =	vst v63  }
0x1c0: {  	_ =	swait.ge [sflag:s11], $0x3E80  }
0x1c1: {  	[sflag:s11] =	ssyncset.done $0x0  }
0x1c2: {  	[sflag:s11] =	ssyncadd.s32 $0xFFFFC180  }
0x1c3: {  	_ =	swait.ge [sflag:s19], $0x3E80  }
0x1c4: {  	[sflag:s19] =	ssyncset.done $0x0  }
0x1c5: {  	[sflag:s19] =	ssyncadd.s32 $0xFFFFC180  }
0x1c6: {  	_ =	swait.ge [sflag:s21], $0x400  }
0x1c7: {  	[sflag:s21] =	ssyncset.done $0x0  }
0x1c8: {  	[sflag:s21] =	ssyncadd.s32 $0xFFFFFC00  }
0x1c9: {  	_ =	swait.ge [sflag:s21], $0x400  }
0x1ca: {  	[sflag:s21] =	ssyncset.done $0x0  }
0x1cb: {  	[sflag:s21] =	ssyncadd.s32 $0xFFFFFC00  }
0x1cc: {  	[tilespmem:s14], [sflag:$0x1] =	stream.indirect.gather [hbm4b:s8+s13], $0x80, s17, s13, $0xb8;
	[tilespmem:$0x1CC00] =	vst v63  }
0x1cd: {  	s31 =	rddreg [dreg:$0xf]  }
0x1ce: {  	[spmem:s2] =	stream.indirect.scatter.add.f32 [tilespmem:s14], [sflag:$0x4], $0x80, s31, s13, $0xb8;
	[tilespmem:$0x1CC00] =	vst v63  }
0x1cf: {  	_ =	swait.ge [sflag:s11], $0x3E80  }
0x1d0: {  	[sflag:s11] =	ssyncset.done $0x0  }
0x1d1: {  	[sflag:s11] =	ssyncadd.s32 $0xFFFFC180  }
0x1d2: {  	_ =	swait.ge [sflag:s20], $0x3E80  }
0x1d3: {  	[sflag:s20] =	ssyncset.done $0x0  }
0x1d4: {  	s26 =	rddreg [dreg:$0x10];
	[sflag:s20] =	ssyncadd.s32 $0xFFFFC180  }
0x1d5: {  	[tilespmem:s16], [sflag:$0x2] =	stream.indirect.gather [hbm4b:s8+s13], $0x80, s26, s13, $0xb8;
	[tilespmem:$0x1CC00] =	vst v63  }
0x1d6: {  	p0 =	seq.s32 s24, $0x400;
	s28 =	rddreg [dreg:$0x11]  }
0x1d7: {  	[spmem:s2] =	stream.indirect.scatter.add.f32 [tilespmem:s16], [sflag:$0x4], $0x80, s28, s13, $0xb8;
	[tilespmem:$0x1CC00] =	vst v63  }
0x1d8: {  	s25 =	sadd.s32 @!p0 s24, s6;
	_ =	swait.ge [sflag:s11], $0x3E80  }
0x1d9: {  	s25 =	sadd.s32 @!p0 $0x100, s25;
	[sflag:s11] =	ssyncset.done $0x0  }
0x1da: {  	s26 =	sadd.s32 @!p0 s24, s7;
	s24 =	simm.s32 @!p0 $0x0;
	[sflag:s11] =	ssyncadd.s32 $0xFFFFC180  }
0x1db: {  	[tilespmem:s24], [sflag:$0x3] =	stream.linear.gather @!p0 [hbm4b:s25+s24], $0x400, $0x38;
	[tilespmem:$0x1CC00] =	vst v63  }
0x1dc: {  	s25 =	sadd.s32 @!p0 $0x100, s26;
	s26 =	simm.s32 @!p0 $0x800  }
0x1dd: {  	[tilespmem:s26], [sflag:$0x3] =	stream.linear.gather @!p0 [hbm4b:s25+s24], $0x400, $0x38;
	[tilespmem:$0x1CC00] =	vst v63  }
0x1de: {  	_ =	swait.ge [sflag:s19], $0x3E80  }
0x1df: {  	[sflag:s19] =	ssyncset.done $0x0  }
0x1e0: {  	s29 =	rddreg [dreg:$0x12];
	[sflag:s19] =	ssyncadd.s32 $0xFFFFC180  }
0x1e1: {  	[tilespmem:s14], [sflag:$0x1] =	stream.indirect.gather [hbm4b:s8+s13], $0x80, s29, s13, $0xb8;
	[tilespmem:$0x1CC00] =	vst v63  }
0x1e2: {  	_ = 	snop  }
0x1e3: {  	[spmem:s2] =	stream.indirect.scatter.add.f32 [tilespmem:s14], [sflag:$0x4], $0x80, s18, s13, $0xb8;
	[tilespmem:$0x1CC00] =	vst v63  }
0x1e4: {  	_ =	swait.ge [sflag:s11], $0x3E80  }
0x1e5: {  	[sflag:s11] =	ssyncset.done $0x0  }
0x1e6: {  	[sflag:s11] =	ssyncadd.s32 $0xFFFFC180  }
0x1e7: {  	_ =	swait.ge [sflag:s20], $0x3E80  }
0x1e8: {  	[sflag:s20] =	ssyncset.done $0x0  }
0x1e9: {  	s30 =	rddreg [dreg:$0x13];
	[sflag:s20] =	ssyncadd.s32 $0xFFFFC180  }
0x1ea: {  	[tilespmem:s16], [sflag:$0x2] =	stream.indirect.gather [hbm4b:s8+s13], $0x80, s30, s13, $0xb8;
	[tilespmem:$0x1CC00] =	vst v63  }
0x1eb: {  	s31 =	rddreg [dreg:$0x14]  }
0x1ec: {  	[spmem:s2] =	stream.indirect.scatter.add.f32 [tilespmem:s16], [sflag:$0x4], $0x80, s31, s13, $0xb8;
	[tilespmem:$0x1CC00] =	vst v63  }
0x1ed: {  	_ =	swait.ge [sflag:s11], $0x3E80  }
0x1ee: {  	[sflag:s11] =	ssyncset.done $0x0  }
0x1ef: {  	[sflag:s11] =	ssyncadd.s32 $0xFFFFC180  }
0x1f0: {  	_ =	swait.ge [sflag:s19], $0x3E80  }
0x1f1: {  	[sflag:s19] =	ssyncset.done $0x0  }
0x1f2: {  	s28 =	rddreg [dreg:$0x15];
	[sflag:s19] =	ssyncadd.s32 $0xFFFFC180  }
0x1f3: {  	[tilespmem:s14], [sflag:$0x1] =	stream.indirect.gather [hbm4b:s8+s13], $0x80, s28, s13, $0xb8;
	[tilespmem:$0x1CC00] =	vst v63  }
0x1f4: {  	s29 =	rddreg [dreg:$0x16]  }
0x1f5: {  	[spmem:s2] =	stream.indirect.scatter.add.f32 [tilespmem:s14], [sflag:$0x4], $0x80, s29, s13, $0xb8;
	[tilespmem:$0x1CC00] =	vst v63  }
0x1f6: {  	_ =	swait.ge [sflag:s11], $0x3E80  }
0x1f7: {  	[sflag:s11] =	ssyncset.done $0x0  }
0x1f8: {  	[sflag:s11] =	ssyncadd.s32 $0xFFFFC180  }
0x1f9: {  	_ =	swait.ge [sflag:s20], $0x3E80  }
0x1fa: {  	[sflag:s20] =	ssyncset.done $0x0  }
0x1fb: {  	s30 =	rddreg [dreg:$0x17];
	[sflag:s20] =	ssyncadd.s32 $0xFFFFC180  }
0x1fc: {  	[tilespmem:s16], [sflag:$0x2] =	stream.indirect.gather [hbm4b:s8+s13], $0x80, s30, s13, $0xb8;
	[tilespmem:$0x1CC00] =	vst v63  }
0x1fd: {  	s31 =	rddreg [dreg:$0x18]  }
0x1fe: {  	[spmem:s2] =	stream.indirect.scatter.add.f32 [tilespmem:s16], [sflag:$0x4], $0x80, s31, s13, $0xb8;
	[tilespmem:$0x1CC00] =	vst v63  }
0x1ff: {  	_ =	swait.ge [sflag:s11], $0x3E80  }
0x200: {  	[sflag:s11] =	ssyncset.done $0x0  }
0x201: {  	[sflag:s11] =	ssyncadd.s32 $0xFFFFC180  }
0x202: {  	_ =	swait.ge [sflag:s19], $0x3E80  }
0x203: {  	[sflag:s19] =	ssyncset.done $0x0  }
0x204: {  	s26 =	rddreg [dreg:$0x19];
	[sflag:s19] =	ssyncadd.s32 $0xFFFFC180  }
0x205: {  	[tilespmem:s14], [sflag:$0x1] =	stream.indirect.gather [hbm4b:s8+s13], $0x80, s26, s13, $0xb8;
	[tilespmem:$0x1CC00] =	vst v63  }
0x206: {  	s28 =	rddreg [dreg:$0x1a]  }
0x207: {  	[spmem:s2] =	stream.indirect.scatter.add.f32 [tilespmem:s14], [sflag:$0x4], $0x80, s28, s13, $0xb8;
	[tilespmem:$0x1CC00] =	vst v63  }
0x208: {  	_ =	swait.ge [sflag:s11], $0x3E80  }
0x209: {  	[sflag:s11] =	ssyncset.done $0x0  }
0x20a: {  	[sflag:s11] =	ssyncadd.s32 $0xFFFFC180  }
0x20b: {  	_ =	swait.ge [sflag:s20], $0x3E80  }
0x20c: {  	[sflag:s20] =	ssyncset.done $0x0  }
0x20d: {  	s29 =	rddreg [dreg:$0x1b];
	[sflag:s20] =	ssyncadd.s32 $0xFFFFC180  }
0x20e: {  	[tilespmem:s16], [sflag:$0x2] =	stream.indirect.gather [hbm4b:s8+s13], $0x80, s29, s13, $0xb8;
	[tilespmem:$0x1CC00] =	vst v63  }
0x20f: {  	s30 =	rddreg [dreg:$0x1c]  }
0x210: {  	[spmem:s2] =	stream.indirect.scatter.add.f32 [tilespmem:s16], [sflag:$0x4], $0x80, s30, s13, $0xb8;
	[tilespmem:$0x1CC00] =	vst v63  }
0x211: {  	_ =	swait.ge [sflag:s11], $0x3E80  }
0x212: {  	[sflag:s11] =	ssyncset.done $0x0  }
0x213: {  	[sflag:s11] =	ssyncadd.s32 $0xFFFFC180  }
0x214: {  	_ =	swait.ge [sflag:s19], $0x3E80  }
0x215: {  	s25 =	simm.s32 @p0 $0x1000;
	s26 =	simm.s32 @p0 $0x4;
	[sflag:s19] =	ssyncset.done $0x0  }
0x216: {  	s28 =	simm.s32 @p0 $0x7D;
	s29 =	simm.s32 @p0 $0xF00;
	[sflag:s19] =	ssyncadd.s32 $0xFFFFC180  }
0x217: {  	[spmem:s2] =	stream.indirect.scatter.add.f32 @p0 [tilespmem:s25], [sflag:$0x4], $0x80, s29, s28, $0xb8;
	[tilespmem:$0x1CC00] =	vst v63  }
0x218: {  	_ =	swait.ge @p0 [sflag:s26], $0x3E80  }
0x219: {  	[sflag:s26] =	ssyncset.done @p0 $0x0  }
0x21a: {  	s25 =	simm.s32 @p0 $0x2;
	[sflag:s26] =	ssyncadd.s32 @p0 $0xFFFFC180  }
0x21b: {  	_ =	swait.ge @p0 [sflag:s25], $0x3E80  }
0x21c: {  	[sflag:s25] =	ssyncset.done @p0 $0x0  }
0x21d: {  	[sflag:s25] =	ssyncadd.s32 @p0 $0xFFFFC180;
	s25 =	simm.s32 @!p0 $0x3  }
0x21e: {  	_ =	swait.ge @!p0 [sflag:s25], $0x400  }
0x21f: {  	[sflag:s25] =	ssyncset.done @!p0 $0x0  }
0x220: {  	[sflag:s25] =	ssyncadd.s32 @!p0 $0xFFFFFC00  }
0x221: {  	_ =	swait.ge @!p0 [sflag:s25], $0x400  }
0x222: {  	[sflag:s25] =	ssyncset.done @!p0 $0x0  }
0x223: {  	s26 =	simm.s32 @!p0 $0x1000;
	[sflag:s25] =	ssyncadd.s32 @!p0 $0xFFFFFC00;
	s25 =	simm.s32 @!p0 $0x7D  }
0x224: {  	[tilespmem:s26], [sflag:$0x1] =	stream.indirect.gather @!p0 [hbm4b:s8+s25], $0x80, s24, s25, $0xb8;
	[tilespmem:$0x1CC00] =	vst v63  }
0x225: {  	s28 =	simm.s32 @!p0 $0x4;
	s24 =	simm.s32 @!p0 $0xF00  }
0x226: {  	[spmem:s2] =	stream.indirect.scatter.add.f32 @!p0 [tilespmem:s26], [sflag:$0x4], $0x80, s24, s25, $0xb8;
	[tilespmem:$0x1CC00] =	vst v63  }
0x227: {  	_ =	swait.ge @!p0 [sflag:s28], $0x3E80  }
0x228: {  	[sflag:s28] =	ssyncset.done @!p0 $0x0  }
0x229: {  	s24 =	simm.s32 @!p0 $0x2;
	[sflag:s28] =	ssyncadd.s32 @!p0 $0xFFFFC180  }
0x22a: {  	_ =	swait.ge @!p0 [sflag:s24], $0x3E80  }
0x22b: {  	[sflag:s24] =	ssyncset.done @!p0 $0x0  }
0x22c: {  	s26 =	simm.s32 @!p0 $0x5000;
	[sflag:s24] =	ssyncadd.s32 @!p0 $0xFFFFC180;
	s24 =	simm.s32 @!p0 $0x80  }
0x22d: {  	[tilespmem:s26], [sflag:$0x2] =	stream.indirect.gather @!p0 [hbm4b:s8+s25], $0x80, s24, s25, $0xb8;
	[tilespmem:$0x1CC00] =	vst v63  }
0x22e: {  	s31 =	rddreg [dreg:$0x1d]  }
0x22f: {  	[spmem:s2] =	stream.indirect.scatter.add.f32 [tilespmem:s16], [sflag:$0x4], $0x80, s31, s13, $0xb8;
	[tilespmem:$0x1CC00] =	vst v63  }
0x230: {  	_ =	swait.ge [sflag:s11], $0x3E80  }
0x231: {  	s23 =	sadd.s32 $0x1, s23;
	[sflag:s11] =	ssyncset.done $0x0  }
0x232: {  	p0 =	sne.s32 s23, s9;
	[sflag:s11] =	ssyncadd.s32 $0xFFFFC180  }
.Ltmp1:
0x233: {  	[bflag:$0x0] =	sbarrier.arrive $0xFFFF;
	(pc) =	sbr.rel @p0 .LBB2_1-.Ltmp1, $4  }
0x234: {  	[hbm:s22], [sflag:s5] =	dma.local [spmem:s10], $0x2780  }
0x235: {  	_ =	swait.ge [sflag:s11], $0x2780  }
0x236: {  	[sflag:s11] =	ssyncset.done $0x0  }
0x237: {  	[sflag:s11] =	ssyncadd.s32 $0xFFFFD880  }
0x238: {  	_ =	sfence.sel $0x180000  }
0x239: {  	[bflag:$0x0] =	sbarrier.arrive $0xFFFF  }
0x23a: {  	p0 =	sne.s32 s1, $0x0;
	_ =	strace $0x90000047  }
0x23b: {  	s0 =	sadd.s32 @!p0 $0x100000, s0;
	[bflag:$0x2] =	sbarrier.arrive $0xFFFF  }
0x23c: {  	[sflag:s0] =	ssyncadd.tile.s32 @!p0 $0x1;
	_ =	shalt  }
.Lfunc_end2:
_tile_overlayer_lowered:
.L_overlay_start_2:
0x23d: {  	(tag) =	ssettag $0x2  }
0x23e: {  	s0 =	rddreg [dreg:$0x0];
	s2 =	stileid.u32  }
0x23f: {  	s1 =	rddreg [dreg:$0x1];
	p0 =	sne.s32 s2, $0x0  }
0x240: {  	s3 =	rddreg [dreg:$0x2];
	[bflag:$0x3] =	sbarrier.arrive $0xFFFF;
	s2 =	simm.s32 @!p0 $0x1C04  }
0x241: {  	[timem:s3], [sflag:s2] =	dma.local @!p0 [hbm:s0], s1  }
0x242: {  	s0 =	simm.s32 @!p0 $0x4  }
0x243: {  	_ =	swait.ge @!p0 [sflag:s0], s1  }
0x244: {  	s1 =	ssub.s32 @!p0 $0x0, s1;
	[sflag:s0] =	ssyncset.done @!p0 $0x0  }
0x245: {  	[sflag:s0] =	ssyncadd.s32 @!p0 s1  }
0x246: {  	[bflag:$0x3] =	sbarrier.arrive $0xFFFF  }
0x247: {  	_ =	shalt  }

</sc_bundles>
